<compile_context>
chip_gen: v7x
topology: tpu7x:2x2x1
jax: 0.10.2.dev20260603
libtpu: 0.0.44.dev20260713+nightly
codegen_flags: <defaults>
</compile_context>

<pallas_src>
import functools

import jax
import jax.numpy as jnp
from jax import lax
from jax.experimental import pallas as pl
from jax.experimental.pallas import tpu as pltpu
from jax.experimental.pallas import tpu_sc as plsc

BN, NN, MM = 8, 512, 64
S6, S8, A1, A2 = 1.0, 0.7875, 0.4289, 4.4407
K1, K3 = -16.0, -4.0
BOHR_INV = 1.0 / 0.52917721092
HALF_HARTREE = 13.605693122994
NREF = 25
ROWW = 128
NZ = 95
APT = 128
PPT = APT * MM
CHUNK = 128
NCHUNK = PPT // CHUNK


def _rsqrt(x):
    i = lax.bitcast_convert_type(x, jnp.int32)
    i = jnp.int32(0x5F3759DF) - lax.shift_right_arithmetic(i, 1)
    y = lax.bitcast_convert_type(i, jnp.float32)
    for _ in range(3):
        y = y * (1.5 - 0.5 * x * y * y)
    return y


_mesh = plsc.VectorSubcoreMesh(core_axis_name="c", subcore_axis_name="s")
_params = pltpu.CompilerParams(needs_layout_passes=False)


@functools.partial(
    pl.kernel,
    mesh=_mesh,
    out_type=jax.ShapeDtypeStruct((BN, NN), jnp.float32),
    compiler_params=_params,
    scratch_types=[
        pltpu.VMEM((NN,), jnp.float32),
        pltpu.VMEM((NN,), jnp.float32),
        pltpu.VMEM((NN,), jnp.float32),
        pltpu.VMEM((NN,), jnp.int32),
        pltpu.VMEM((NN,), jnp.float32),
        pltpu.VMEM((PPT,), jnp.int32),
        pltpu.VMEM((96,), jnp.float32),
        pltpu.VMEM((96,), jnp.float32),
        pltpu.VMEM((APT,), jnp.float32),
    ],
)
def _cn_kernel(cx, cy, cz, num, nbr, rcov96, cnmax96, cn_out,
               xv, yv, zv, numv, rcovn, nbrv, rtab, ctab, cnout):
    c = lax.axis_index("c")
    s = lax.axis_index("s")
    wid = c * 16 + s
    b = wid // 4
    i0 = (wid % 4) * APT

    pltpu.sync_copy(cx.at[b], xv)
    pltpu.sync_copy(cy.at[b], yv)
    pltpu.sync_copy(cz.at[b], zv)
    pltpu.sync_copy(num.at[b], numv)
    pltpu.sync_copy(nbr.at[b, pl.ds(i0 * MM, PPT)], nbrv)
    pltpu.sync_copy(rcov96, rtab)
    pltpu.sync_copy(cnmax96, ctab)

    iota = lax.iota(jnp.int32, 16)
    iota64 = iota * MM

    def fill_rcovn(t, carry):
        z16 = numv[pl.ds(t * 16, 16)]
        rcovn[pl.ds(t * 16, 16)] = plsc.load_gather(rtab, [z16])
        return carry

    lax.fori_loop(0, NN // 16, fill_rcovn, 0)

    def atom_body(a, carry):
        base = a * 16
        gbase = i0 + base
        ivec = gbase + iota
        xi = xv[pl.ds(gbase, 16)]
        yi = yv[pl.ds(gbase, 16)]
        zi = zv[pl.ds(gbase, 16)]
        rci = rcovn[pl.ds(gbase, 16)]

        def m_body(m, acc):
            idx = iota64 + (base * MM + m)
            j = plsc.load_gather(nbrv, [idx])
            xj = plsc.load_gather(xv, [j])
            yj = plsc.load_gather(yv, [j])
            zj = plsc.load_gather(zv, [j])
            rcj = plsc.load_gather(rcovn, [j])
            dx = xi - xj
            dy = yi - yj
            dz = zi - zj
            d2 = jnp.maximum(dx * dx + dy * dy + dz * dz, 1e-12)
            inv_d = _rsqrt(d2)
            t = K1 * ((rci + rcj) * inv_d * (1.0 / BOHR_INV) - 1.0)
            cnm = 1.0 / (1.0 + jnp.exp(t))
            return acc + jnp.where(j != ivec, cnm, 0.0)

        acc = lax.fori_loop(0, MM, m_body, jnp.zeros((16,), jnp.float32))
        z16 = numv[pl.ds(gbase, 16)]
        cm = plsc.load_gather(ctab, [z16])
        cnout[pl.ds(base, 16)] = jnp.minimum(acc, cm)
        return carry

    lax.fori_loop(0, APT // 16, atom_body, 0)
    pltpu.sync_copy(cnout, cn_out.at[b, pl.ds(i0, APT)])


@functools.partial(
    pl.kernel,
    mesh=_mesh,
    out_type=jax.ShapeDtypeStruct((BN, 64), jnp.float32),
    compiler_params=_params,
    scratch_types=[
        pltpu.VMEM((NN,), jnp.float32),
        pltpu.VMEM((NN,), jnp.float32),
        pltpu.VMEM((NN,), jnp.float32),
        pltpu.VMEM((NN,), jnp.int32),
        pltpu.VMEM((NN,), jnp.float32),
        pltpu.VMEM((NN,), jnp.float32),
        pltpu.VMEM((PPT,), jnp.int32),
        pltpu.VMEM((96,), jnp.float32),
        pltpu.VMEM((CHUNK,), jnp.int32),
        pltpu.VMEM((CHUNK,), jnp.int32),
        pltpu.VMEM((CHUNK, ROWW), jnp.float32),
        pltpu.VMEM((CHUNK, ROWW), jnp.float32),
        pltpu.VMEM((16,), jnp.float32),
        pltpu.SemaphoreType.DMA,
        pltpu.SemaphoreType.DMA,
    ],
)
def _energy_kernel(cx, cy, cz, num, nbr, cnarr, rr96, table, out,
                   xv, yv, zv, numv, cnv, rrv, nbrv, rtab, idxb0, idxb1,
                   rows0, rows1, accv, sem0, sem1):
    c = lax.axis_index("c")
    s = lax.axis_index("s")
    wid = c * 16 + s
    b = wid // 4
    i0 = (wid % 4) * APT

    pltpu.sync_copy(cx.at[b], xv)
    pltpu.sync_copy(cy.at[b], yv)
    pltpu.sync_copy(cz.at[b], zv)
    pltpu.sync_copy(num.at[b], numv)
    pltpu.sync_copy(cnarr.at[b], cnv)
    pltpu.sync_copy(nbr.at[b, pl.ds(i0 * MM, PPT)], nbrv)
    pltpu.sync_copy(rr96, rtab)

    iota = lax.iota(jnp.int32, 16)

    def fill_rrv(t, carry):
        z16 = numv[pl.ds(t * 16, 16)]
        rrv[pl.ds(t * 16, 16)] = plsc.load_gather(rtab, [z16])
        return carry

    lax.fori_loop(0, NN // 16, fill_rrv, 0)

    def fill_idx(ch, idxb):
        p0 = ch * CHUNK
        zivec = None
        for v in range(8):
            jv = nbrv[pl.ds(p0 + 16 * v, 16)]
            zj = plsc.load_gather(numv, [jv])
            if v % 4 == 0:
                ig = i0 + ch * 2 + v // 4
                zivec = plsc.load_gather(numv, [jnp.full((16,), ig, jnp.int32)])
            idxb[pl.ds(16 * v, 16)] = zivec * NZ + zj

    def compute(ch, rows, acc):
        p0 = ch * CHUNK
        ig = None
        cni = xi = yi = zi = rri = None
        for v in range(8):
            jv = nbrv[pl.ds(p0 + 16 * v, 16)]
            if v % 4 == 0:
                ig = i0 + ch * 2 + v // 4
                igv = jnp.full((16,), ig, jnp.int32)
                cni = plsc.load_gather(cnv, [igv])
                xi = plsc.load_gather(xv, [igv])
                yi = plsc.load_gather(yv, [igv])
                zi = plsc.load_gather(zv, [igv])
                rri = plsc.load_gather(rrv, [igv])
            cnj = plsc.load_gather(cnv, [jv])
            xj = plsc.load_gather(xv, [jv])
            yj = plsc.load_gather(yv, [jv])
            zj = plsc.load_gather(zv, [jv])
            rrj = plsc.load_gather(rrv, [jv])
            rowid = (16 * v) + iota

            def ref_body(e, wz):
                w, zacc = wz
                bv = iota + e
                c0 = jnp.where(bv >= NREF, bv - NREF, bv)
                c6 = plsc.load_gather(rows, [rowid, c0])
                ca = plsc.load_gather(rows, [rowid, c0 + NREF])
                cb = plsc.load_gather(rows, [rowid, c0 + 2 * NREF])
                da = cni - ca
                db = cnj - cb
                lv = jnp.exp(K3 * (da * da + db * db))
                return (w + lv, zacc + c6 * lv)

            w, zacc = lax.fori_loop(
                0, NREF, ref_body,
                (jnp.zeros((16,), jnp.float32),
                 jnp.zeros((16,), jnp.float32)))
            mask = jnp.logical_and(jv != ig, w >= 1e-5)
            zacc = jnp.where(mask, zacc, 0.0)
            c6ij = zacc / jnp.maximum(w, 1e-5)
            dx = xi - xj
            dy = yi - yj
            dz = zi - zj
            d2 = jnp.maximum(dx * dx + dy * dy + dz * dz, 1e-12) * (BOHR_INV * BOHR_INV)
            d6 = d2 * d2 * d2
            d8 = d6 * d2
            rrij = 3.0 * rri * rrj
            r0 = A1 * (rrij * _rsqrt(rrij)) + A2
            r02 = r0 * r0
            r06 = r02 * r02 * r02
            r08 = r06 * r02
            acc = acc + c6ij * (S6 / (d6 + r06) + S8 * rrij / (d8 + r08))
        return acc

    NT = NCHUNK // 2
    fill_idx(0, idxb0)
    pltpu.async_copy(table.at[idxb0], rows0, sem0)

    def pair_body(t, acc):
        ch0 = 2 * t
        fill_idx(ch0 + 1, idxb1)
        pltpu.async_copy(table.at[idxb1], rows1, sem1)
        pltpu.make_async_copy(table.at[idxb0], rows0, sem0).wait()
        acc = compute(ch0, rows0, acc)

        @pl.when(t + 1 < NT)
        def _():
            fill_idx(ch0 + 2, idxb0)
            pltpu.async_copy(table.at[idxb0], rows0, sem0)

        pltpu.make_async_copy(table.at[idxb1], rows1, sem1).wait()
        return compute(ch0 + 1, rows1, acc)

    acc = lax.fori_loop(0, NT, pair_body, jnp.zeros((16,), jnp.float32))

    accv[...] = acc
    pltpu.sync_copy(accv, out.at[b, pl.ds((wid % 4) * 16, 16)])


def kernel(coord, c6ab, r4r2, rcov, cnmax, numbers, nbr_idx_lr):
    coord = coord.astype(jnp.float32)
    cx = coord[:, :, 0]
    cy = coord[:, :, 1]
    cz = coord[:, :, 2]
    num = numbers.astype(jnp.int32)
    nbr = nbr_idx_lr.astype(jnp.int32).reshape(BN, NN * MM)
    pad1 = jnp.zeros((1,), jnp.float32)
    rcov96 = jnp.concatenate([rcov.astype(jnp.float32), pad1])
    cnmax96 = jnp.concatenate([cnmax.astype(jnp.float32), pad1])
    rr96 = jnp.concatenate([r4r2.astype(jnp.float32), pad1])
    c6flat = c6ab.astype(jnp.float32).reshape(NZ * NZ, NREF, 3)
    table = jnp.concatenate(
        [c6flat[:, :, 0], c6flat[:, :, 1], c6flat[:, :, 2],
         jnp.zeros((NZ * NZ, ROWW - 3 * NREF), jnp.float32)], axis=1)

    cn = _cn_kernel(cx, cy, cz, num, nbr, rcov96, cnmax96)
    partials = _energy_kernel(cx, cy, cz, num, nbr, cn, rr96, table)
    return jnp.sum(partials, axis=1) * (-HALF_HARTREE)

# --- scband reference (transcript-rebuilt; emitter-appended) ---
"""Pipeline reference for scband-dftd3-17085379903617 (READ-ONLY COPY).

The authoritative reference and input builder live on the scoring server;
editing this copy changes nothing except your own understanding.
"""

import jax, jax.numpy as jnp
import numpy as np

B, N, M = 8, 512, 64
S6, S8, A1, A2 = 1.0, 0.7875, 0.4289, 4.4407
K1, K3 = -16.0, -4.0
BOHR_INV = 1.0 / 0.52917721092
HALF_HARTREE = 13.605693122994


def _gather_j(x, nbr_idx):
    # x: [B, N, ...], nbr_idx: [B, N, M] -> [B, N, M, ...]
    return jax.vmap(lambda xb, ib: xb[ib])(x, nbr_idx)


def setup_inputs(seed: int = 0) -> dict:
    key = jax.random.key(seed)
    ks = jax.random.split(key, 9)
    numbers = jax.random.randint(ks[0], (B, N), 0, 94)
    coord = jax.random.normal(ks[1], (B, N, 3), dtype=jnp.float32) * 2.0
    nbr_idx_lr = jax.random.randint(ks[2], (B, N, M), 0, N)
    # buffers normally loaded from d3bj_data.pt; randomized with realistic ranges
    c6ref_t = jax.random.uniform(ks[3], (95, 95, 5, 5), minval=1.0, maxval=60.0)
    cnref_i_t = jax.random.uniform(ks[4], (95, 95, 5, 5), minval=0.0, maxval=5.0)
    cnref_j_t = jax.random.uniform(ks[5], (95, 95, 5, 5), minval=0.0, maxval=5.0)
    c6ab = jnp.stack([c6ref_t, cnref_i_t, cnref_j_t], axis=-1).astype(jnp.float32)
    r4r2 = jax.random.uniform(ks[6], (95,), minval=2.0, maxval=10.0).astype(jnp.float32)
    rcov = jax.random.uniform(ks[7], (95,), minval=0.8, maxval=2.6).astype(jnp.float32)
    cnmax = jax.random.uniform(ks[8], (95,), minval=2.0, maxval=8.0).astype(jnp.float32)
    return {"coord": coord, "c6ab": c6ab, "r4r2": r4r2, "rcov": rcov,
            "cnmax": cnmax, "numbers": numbers, "nbr_idx_lr": nbr_idx_lr}


def reference(coord, c6ab, r4r2, rcov, cnmax, numbers, nbr_idx_lr):
    mask = nbr_idx_lr != jnp.arange(N)[None, :, None]  # pad/self-pair mask (mask_ij_)
    # ops.lazy_calc_dij_lr
    coord_j = _gather_j(coord, nbr_idx_lr)
    diff = coord[:, :, None, :] - coord_j
    d_ij = jnp.sqrt(jnp.clip(jnp.sum(diff * diff, -1), 1e-12)) * BOHR_INV
    # _calc_c6ij
    rcov_n = rcov[numbers]
    rcov_ij = rcov_n[:, :, None] + _gather_j(rcov_n, nbr_idx_lr)
    cn_ij = 1.0 / (1.0 + jnp.exp(K1 * (rcov_ij / d_ij - 1.0)))
    cn_ij = jnp.where(mask, cn_ij, 0.0)
    cn = jnp.minimum(jnp.sum(cn_ij, -1), cnmax[numbers])
    cn = cn[..., None, None]                      # [B, N, 1, 1]
    cn_i = cn[:, :, None]                         # [B, N, 1, 1, 1]
    cn_j = _gather_j(cn, nbr_idx_lr)              # [B, N, M, 1, 1]
    numbers_i = numbers[:, :, None]
    numbers_j = _gather_j(numbers, nbr_idx_lr)
    c6sel = c6ab[numbers_i, numbers_j]            # [B, N, M, 5, 5, 3]
    c6ref = c6sel[..., 0]
    cnref_i = c6sel[..., 1]
    cnref_j = c6sel[..., 2]
    c6ref = jnp.where(mask[..., None, None], c6ref, 0.0)
    l_ij = jnp.exp(K3 * ((cn_i - cnref_i) ** 2 + (cn_j - cnref_j) ** 2))
    w = jnp.sum(l_ij, axis=(-2, -1))
    z = jnp.einsum('...ij,...ij->...', c6ref, l_ij)
    z = jnp.where(w < 1e-5, 0.0, z)
    c6_ij = z / jnp.clip(w, 1e-5)
    # dispersion energy
    rr = r4r2[numbers]
    rrij = 3.0 * rr[:, :, None] * _gather_j(rr, nbr_idx_lr)
    rrij = jnp.where(mask, rrij, 1.0)
    r0ij = A1 * jnp.sqrt(rrij) + A2
    e_ij = c6_ij * (S6 / (d_ij ** 6 + r0ij ** 6) + S8 * rrij / (d_ij ** 8 + r0ij ** 8))
    e = -HALF_HARTREE * jnp.sum(jnp.sum(e_ij, -1), -1)  # mol_sum -> [B]
    return e

if __name__ == "__main__":
    import jax
    _d = setup_inputs()
    print(jax.jit(kernel)(*tuple(_d.values())))

</pallas_src>

<mosaic_0001>
#map = affine_map<(d0, d1) -> (0, 0)>
#map1 = affine_map<(d0, d1) -> (0)>
module attributes {stable_mosaic.version = 14 : i64} {
  func.func @_cn_kernel(%arg0: i32, %arg1: i32, %arg2: memref<8x512xf32, #tpu.memory_space<hbm>>, %arg3: memref<8x512xf32, #tpu.memory_space<hbm>>, %arg4: memref<8x512xf32, #tpu.memory_space<hbm>>, %arg5: memref<8x512xi32, #tpu.memory_space<hbm>>, %arg6: memref<8x32768xi32, #tpu.memory_space<hbm>>, %arg7: memref<96xf32, #tpu.memory_space<hbm>>, %arg8: memref<96xf32, #tpu.memory_space<hbm>>, %arg9: memref<8x512xf32, #tpu.memory_space<hbm>>, %arg10: memref<512xf32, #tpu.memory_space<vmem>>, %arg11: memref<512xf32, #tpu.memory_space<vmem>>, %arg12: memref<512xf32, #tpu.memory_space<vmem>>, %arg13: memref<512xi32, #tpu.memory_space<vmem>>, %arg14: memref<512xf32, #tpu.memory_space<vmem>>, %arg15: memref<8192xi32, #tpu.memory_space<vmem>>, %arg16: memref<96xf32, #tpu.memory_space<vmem>>, %arg17: memref<96xf32, #tpu.memory_space<vmem>>, %arg18: memref<128xf32, #tpu.memory_space<vmem>>) attributes {dimension_semantics = [#tpu.dimension_semantics<core_parallel>, #tpu.dimension_semantics<subcore_parallel>], iteration_bounds = array<i64: 2, 16>, scalar_prefetch = 0 : i64, scratch_operands = 9 : i64, tpu.core_type = #tpu.core_type<sc_vector_subcore>, window_params = [{transform_indices = #map}, {transform_indices = #map}, {transform_indices = #map}, {transform_indices = #map}, {transform_indices = #map}, {transform_indices = #map1}, {transform_indices = #map1}, {transform_indices = #map}]} {
    %mul3A = arith.constant 16 : i32
    %mul3A_0 = arith.muli %arg0, %mul3A : i32
    %add3A = arith.addi %mul3A_0, %arg1 : i32
    %jit3A = arith.constant 4 : i32
    %div3A = arith.divsi %add3A, %jit3A : i32
    %sign3A = arith.constant 0 : i32
    %sign3A_1 = arith.cmpi sgt, %add3A, %sign3A : i32
    %sign3A_2 = arith.extui %sign3A_1 : i1 to i32
    %sign3A_3 = arith.constant 0 : i32
    %sign3A_4 = arith.cmpi slt, %add3A, %sign3A_3 : i32
    %sign3A_5 = arith.extui %sign3A_4 : i1 to i32
    %sign3A_6 = arith.subi %sign3A_2, %sign3A_5 : i32
    %sign3A_7 = arith.constant 0 : i32
    %sign3A_8 = arith.cmpi sgt, %jit3A, %sign3A_7 : i32
    %sign3A_9 = arith.extui %sign3A_8 : i1 to i32
    %sign3A_10 = arith.constant 0 : i32
    %sign3A_11 = arith.cmpi slt, %jit3A, %sign3A_10 : i32
    %sign3A_12 = arith.extui %sign3A_11 : i1 to i32
    %sign3A_13 = arith.subi %sign3A_9, %sign3A_12 : i32
    %ne3A = arith.cmpi ne, %sign3A_6, %sign3A_13 : i32
    %rem3A = arith.remsi %add3A, %jit3A : i32
    %ne3A_14 = arith.constant 0 : i32
    %ne3A_15 = arith.cmpi ne, %rem3A, %ne3A_14 : i32
    %and3A = arith.andi %ne3A, %ne3A_15 : i1
    %sub3A = arith.constant 1 : i32
    %sub3A_16 = arith.subi %div3A, %sub3A : i32
    %select_n3A = arith.select %and3A, %sub3A_16, %div3A : i32
    %jit3A_17 = arith.constant 4 : i32
    %eq3A = arith.constant 0 : i32
    %eq3A_18 = arith.cmpi eq, %jit3A_17, %eq3A : i32
    %jit3A_19 = arith.constant 1 : i32
    %select_n3A_20 = arith.select %eq3A_18, %jit3A_19, %jit3A_17 : i32
    %rem3A_21 = arith.remsi %add3A, %select_n3A_20 : i32
    %ne3A_22 = arith.constant 0 : i32
    %ne3A_23 = arith.cmpi ne, %rem3A_21, %ne3A_22 : i32
    %lt3A = arith.constant 0 : i32
    %lt3A_24 = arith.cmpi slt, %rem3A_21, %lt3A : i32
    %lt3A_25 = arith.constant 0 : i32
    %lt3A_26 = arith.cmpi slt, %select_n3A_20, %lt3A_25 : i32
    %ne3A_27 = arith.xori %lt3A_24, %lt3A_26 : i1
    %and3A_28 = arith.andi %ne3A_27, %ne3A_23 : i1
    %add3A_29 = arith.addi %rem3A_21, %select_n3A_20 : i32
    %select_n3A_30 = arith.select %and3A_28, %add3A_29, %rem3A_21 : i32
    %mul3A_31 = arith.constant 128 : i32
    %mul3A_32 = arith.muli %select_n3A_30, %mul3A_31 : i32
    "tpu.region"() ({
      %run_scoped3A = tpu.sem_alloc : memref<!tpu.dma_semaphore, #tpu.memory_space<semaphore_mem>>
      %dma_start3A = arith.constant 0 : i32
      %dma_start3A_49 = tpu.memref_slice %arg2[%select_n3A, %dma_start3A] : memref<8x512xf32, #tpu.memory_space<hbm>> -> memref<1x512xf32, #tpu.memory_space<hbm>>
      %dma_start3A_50 = tpu.memref_squeeze %dma_start3A_49 : memref<1x512xf32, #tpu.memory_space<hbm>> -> memref<512xf32, #tpu.memory_space<hbm>>
      %dma_start3A_51 = arith.constant 0 : i32
      %dma_start3A_52 = tpu.memref_slice %arg2[%select_n3A, %dma_start3A_51] : memref<8x512xf32, #tpu.memory_space<hbm>> -> memref<1x512xf32, #tpu.memory_space<hbm>>
      %dma_start3A_53 = tpu.memref_squeeze %dma_start3A_52 : memref<1x512xf32, #tpu.memory_space<hbm>> -> memref<512xf32, #tpu.memory_space<hbm>>
      tpu.enqueue_dma source(%dma_start3A_53 : memref<512xf32, #tpu.memory_space<hbm>>) target(%arg10 : memref<512xf32, #tpu.memory_space<vmem>>) target_semaphore(%run_scoped3A : memref<!tpu.dma_semaphore, #tpu.memory_space<semaphore_mem>>)
      %dma_wait3A = arith.constant 0 : i32
      %dma_wait3A_54 = tpu.memref_slice %arg2[%select_n3A, %dma_wait3A] : memref<8x512xf32, #tpu.memory_space<hbm>> -> memref<1x512xf32, #tpu.memory_space<hbm>>
      %dma_wait3A_55 = tpu.memref_squeeze %dma_wait3A_54 : memref<1x512xf32, #tpu.memory_space<hbm>> -> memref<512xf32, #tpu.memory_space<hbm>>
      %dma_wait3A_56 = arith.constant 0 : i32
      %dma_wait3A_57 = tpu.memref_slice %arg2[%select_n3A, %dma_wait3A_56] : memref<8x512xf32, #tpu.memory_space<hbm>> -> memref<1x512xf32, #tpu.memory_space<hbm>>
      %dma_wait3A_58 = tpu.memref_squeeze %dma_wait3A_57 : memref<1x512xf32, #tpu.memory_space<hbm>> -> memref<512xf32, #tpu.memory_space<hbm>>
      tpu.wait_dma2 semaphore(%run_scoped3A : memref<!tpu.dma_semaphore, #tpu.memory_space<semaphore_mem>>) src(%dma_wait3A_58 : memref<512xf32, #tpu.memory_space<hbm>>) dst(%arg10 : memref<512xf32, #tpu.memory_space<vmem>>)
      tpu.yield
    }) : () -> ()
    "tpu.region"() ({
      %run_scoped3A = tpu.sem_alloc : memref<!tpu.dma_semaphore, #tpu.memory_space<semaphore_mem>>
      %dma_start3A = arith.constant 0 : i32
      %dma_start3A_49 = tpu.memref_slice %arg3[%select_n3A, %dma_start3A] : memref<8x512xf32, #tpu.memory_space<hbm>> -> memref<1x512xf32, #tpu.memory_space<hbm>>
      %dma_start3A_50 = tpu.memref_squeeze %dma_start3A_49 : memref<1x512xf32, #tpu.memory_space<hbm>> -> memref<512xf32, #tpu.memory_space<hbm>>
      %dma_start3A_51 = arith.constant 0 : i32
      %dma_start3A_52 = tpu.memref_slice %arg3[%select_n3A, %dma_start3A_51] : memref<8x512xf32, #tpu.memory_space<hbm>> -> memref<1x512xf32, #tpu.memory_space<hbm>>
      %dma_start3A_53 = tpu.memref_squeeze %dma_start3A_52 : memref<1x512xf32, #tpu.memory_space<hbm>> -> memref<512xf32, #tpu.memory_space<hbm>>
      tpu.enqueue_dma source(%dma_start3A_53 : memref<512xf32, #tpu.memory_space<hbm>>) target(%arg11 : memref<512xf32, #tpu.memory_space<vmem>>) target_semaphore(%run_scoped3A : memref<!tpu.dma_semaphore, #tpu.memory_space<semaphore_mem>>)
      %dma_wait3A = arith.constant 0 : i32
      %dma_wait3A_54 = tpu.memref_slice %arg3[%select_n3A, %dma_wait3A] : memref<8x512xf32, #tpu.memory_space<hbm>> -> memref<1x512xf32, #tpu.memory_space<hbm>>
      %dma_wait3A_55 = tpu.memref_squeeze %dma_wait3A_54 : memref<1x512xf32, #tpu.memory_space<hbm>> -> memref<512xf32, #tpu.memory_space<hbm>>
      %dma_wait3A_56 = arith.constant 0 : i32
      %dma_wait3A_57 = tpu.memref_slice %arg3[%select_n3A, %dma_wait3A_56] : memref<8x512xf32, #tpu.memory_space<hbm>> -> memref<1x512xf32, #tpu.memory_space<hbm>>
      %dma_wait3A_58 = tpu.memref_squeeze %dma_wait3A_57 : memref<1x512xf32, #tpu.memory_space<hbm>> -> memref<512xf32, #tpu.memory_space<hbm>>
      tpu.wait_dma2 semaphore(%run_scoped3A : memref<!tpu.dma_semaphore, #tpu.memory_space<semaphore_mem>>) src(%dma_wait3A_58 : memref<512xf32, #tpu.memory_space<hbm>>) dst(%arg11 : memref<512xf32, #tpu.memory_space<vmem>>)
      tpu.yield
    }) : () -> ()
    "tpu.region"() ({
      %run_scoped3A = tpu.sem_alloc : memref<!tpu.dma_semaphore, #tpu.memory_space<semaphore_mem>>
      %dma_start3A = arith.constant 0 : i32
      %dma_start3A_49 = tpu.memref_slice %arg4[%select_n3A, %dma_start3A] : memref<8x512xf32, #tpu.memory_space<hbm>> -> memref<1x512xf32, #tpu.memory_space<hbm>>
      %dma_start3A_50 = tpu.memref_squeeze %dma_start3A_49 : memref<1x512xf32, #tpu.memory_space<hbm>> -> memref<512xf32, #tpu.memory_space<hbm>>
      %dma_start3A_51 = arith.constant 0 : i32
      %dma_start3A_52 = tpu.memref_slice %arg4[%select_n3A, %dma_start3A_51] : memref<8x512xf32, #tpu.memory_space<hbm>> -> memref<1x512xf32, #tpu.memory_space<hbm>>
      %dma_start3A_53 = tpu.memref_squeeze %dma_start3A_52 : memref<1x512xf32, #tpu.memory_space<hbm>> -> memref<512xf32, #tpu.memory_space<hbm>>
      tpu.enqueue_dma source(%dma_start3A_53 : memref<512xf32, #tpu.memory_space<hbm>>) target(%arg12 : memref<512xf32, #tpu.memory_space<vmem>>) target_semaphore(%run_scoped3A : memref<!tpu.dma_semaphore, #tpu.memory_space<semaphore_mem>>)
      %dma_wait3A = arith.constant 0 : i32
      %dma_wait3A_54 = tpu.memref_slice %arg4[%select_n3A, %dma_wait3A] : memref<8x512xf32, #tpu.memory_space<hbm>> -> memref<1x512xf32, #tpu.memory_space<hbm>>
      %dma_wait3A_55 = tpu.memref_squeeze %dma_wait3A_54 : memref<1x512xf32, #tpu.memory_space<hbm>> -> memref<512xf32, #tpu.memory_space<hbm>>
      %dma_wait3A_56 = arith.constant 0 : i32
      %dma_wait3A_57 = tpu.memref_slice %arg4[%select_n3A, %dma_wait3A_56] : memref<8x512xf32, #tpu.memory_space<hbm>> -> memref<1x512xf32, #tpu.memory_space<hbm>>
      %dma_wait3A_58 = tpu.memref_squeeze %dma_wait3A_57 : memref<1x512xf32, #tpu.memory_space<hbm>> -> memref<512xf32, #tpu.memory_space<hbm>>
      tpu.wait_dma2 semaphore(%run_scoped3A : memref<!tpu.dma_semaphore, #tpu.memory_space<semaphore_mem>>) src(%dma_wait3A_58 : memref<512xf32, #tpu.memory_space<hbm>>) dst(%arg12 : memref<512xf32, #tpu.memory_space<vmem>>)
      tpu.yield
    }) : () -> ()
    "tpu.region"() ({
      %run_scoped3A = tpu.sem_alloc : memref<!tpu.dma_semaphore, #tpu.memory_space<semaphore_mem>>
      %dma_start3A = arith.constant 0 : i32
      %dma_start3A_49 = tpu.memref_slice %arg5[%select_n3A, %dma_start3A] : memref<8x512xi32, #tpu.memory_space<hbm>> -> memref<1x512xi32, #tpu.memory_space<hbm>>
      %dma_start3A_50 = tpu.memref_squeeze %dma_start3A_49 : memref<1x512xi32, #tpu.memory_space<hbm>> -> memref<512xi32, #tpu.memory_space<hbm>>
      %dma_start3A_51 = arith.constant 0 : i32
      %dma_start3A_52 = tpu.memref_slice %arg5[%select_n3A, %dma_start3A_51] : memref<8x512xi32, #tpu.memory_space<hbm>> -> memref<1x512xi32, #tpu.memory_space<hbm>>
      %dma_start3A_53 = tpu.memref_squeeze %dma_start3A_52 : memref<1x512xi32, #tpu.memory_space<hbm>> -> memref<512xi32, #tpu.memory_space<hbm>>
      tpu.enqueue_dma source(%dma_start3A_53 : memref<512xi32, #tpu.memory_space<hbm>>) target(%arg13 : memref<512xi32, #tpu.memory_space<vmem>>) target_semaphore(%run_scoped3A : memref<!tpu.dma_semaphore, #tpu.memory_space<semaphore_mem>>)
      %dma_wait3A = arith.constant 0 : i32
      %dma_wait3A_54 = tpu.memref_slice %arg5[%select_n3A, %dma_wait3A] : memref<8x512xi32, #tpu.memory_space<hbm>> -> memref<1x512xi32, #tpu.memory_space<hbm>>
      %dma_wait3A_55 = tpu.memref_squeeze %dma_wait3A_54 : memref<1x512xi32, #tpu.memory_space<hbm>> -> memref<512xi32, #tpu.memory_space<hbm>>
      %dma_wait3A_56 = arith.constant 0 : i32
      %dma_wait3A_57 = tpu.memref_slice %arg5[%select_n3A, %dma_wait3A_56] : memref<8x512xi32, #tpu.memory_space<hbm>> -> memref<1x512xi32, #tpu.memory_space<hbm>>
      %dma_wait3A_58 = tpu.memref_squeeze %dma_wait3A_57 : memref<1x512xi32, #tpu.memory_space<hbm>> -> memref<512xi32, #tpu.memory_space<hbm>>
      tpu.wait_dma2 semaphore(%run_scoped3A : memref<!tpu.dma_semaphore, #tpu.memory_space<semaphore_mem>>) src(%dma_wait3A_58 : memref<512xi32, #tpu.memory_space<hbm>>) dst(%arg13 : memref<512xi32, #tpu.memory_space<vmem>>)
      tpu.yield
    }) : () -> ()
    %mul3A_33 = arith.constant 64 : i32
    %mul3A_34 = arith.muli %mul3A_32, %mul3A_33 : i32
    "tpu.region"() ({
      %run_scoped3A = tpu.sem_alloc : memref<!tpu.dma_semaphore, #tpu.memory_space<semaphore_mem>>
      %dma_start3A = tpu.memref_slice %arg6[%select_n3A, %mul3A_34] : memref<8x32768xi32, #tpu.memory_space<hbm>> -> memref<1x8192xi32, #tpu.memory_space<hbm>>
      %dma_start3A_49 = tpu.memref_squeeze %dma_start3A : memref<1x8192xi32, #tpu.memory_space<hbm>> -> memref<8192xi32, #tpu.memory_space<hbm>>
      %dma_start3A_50 = tpu.memref_slice %arg6[%select_n3A, %mul3A_34] : memref<8x32768xi32, #tpu.memory_space<hbm>> -> memref<1x8192xi32, #tpu.memory_space<hbm>>
      %dma_start3A_51 = tpu.memref_squeeze %dma_start3A_50 : memref<1x8192xi32, #tpu.memory_space<hbm>> -> memref<8192xi32, #tpu.memory_space<hbm>>
      tpu.enqueue_dma source(%dma_start3A_51 : memref<8192xi32, #tpu.memory_space<hbm>>) target(%arg15 : memref<8192xi32, #tpu.memory_space<vmem>>) target_semaphore(%run_scoped3A : memref<!tpu.dma_semaphore, #tpu.memory_space<semaphore_mem>>)
      %dma_wait3A = tpu.memref_slice %arg6[%select_n3A, %mul3A_34] : memref<8x32768xi32, #tpu.memory_space<hbm>> -> memref<1x8192xi32, #tpu.memory_space<hbm>>
      %dma_wait3A_52 = tpu.memref_squeeze %dma_wait3A : memref<1x8192xi32, #tpu.memory_space<hbm>> -> memref<8192xi32, #tpu.memory_space<hbm>>
      %dma_wait3A_53 = tpu.memref_slice %arg6[%select_n3A, %mul3A_34] : memref<8x32768xi32, #tpu.memory_space<hbm>> -> memref<1x8192xi32, #tpu.memory_space<hbm>>
      %dma_wait3A_54 = tpu.memref_squeeze %dma_wait3A_53 : memref<1x8192xi32, #tpu.memory_space<hbm>> -> memref<8192xi32, #tpu.memory_space<hbm>>
      tpu.wait_dma2 semaphore(%run_scoped3A : memref<!tpu.dma_semaphore, #tpu.memory_space<semaphore_mem>>) src(%dma_wait3A_54 : memref<8192xi32, #tpu.memory_space<hbm>>) dst(%arg15 : memref<8192xi32, #tpu.memory_space<vmem>>)
      tpu.yield
    }) : () -> ()
    "tpu.region"() ({
      %run_scoped3A = tpu.sem_alloc : memref<!tpu.dma_semaphore, #tpu.memory_space<semaphore_mem>>
      tpu.enqueue_dma source(%arg7 : memref<96xf32, #tpu.memory_space<hbm>>) target(%arg16 : memref<96xf32, #tpu.memory_space<vmem>>) target_semaphore(%run_scoped3A : memref<!tpu.dma_semaphore, #tpu.memory_space<semaphore_mem>>)
      tpu.wait_dma2 semaphore(%run_scoped3A : memref<!tpu.dma_semaphore, #tpu.memory_space<semaphore_mem>>) src(%arg7 : memref<96xf32, #tpu.memory_space<hbm>>) dst(%arg16 : memref<96xf32, #tpu.memory_space<vmem>>)
      tpu.yield
    }) : () -> ()
    "tpu.region"() ({
      %run_scoped3A = tpu.sem_alloc : memref<!tpu.dma_semaphore, #tpu.memory_space<semaphore_mem>>
      tpu.enqueue_dma source(%arg8 : memref<96xf32, #tpu.memory_space<hbm>>) target(%arg17 : memref<96xf32, #tpu.memory_space<vmem>>) target_semaphore(%run_scoped3A : memref<!tpu.dma_semaphore, #tpu.memory_space<semaphore_mem>>)
      tpu.wait_dma2 semaphore(%run_scoped3A : memref<!tpu.dma_semaphore, #tpu.memory_space<semaphore_mem>>) src(%arg8 : memref<96xf32, #tpu.memory_space<hbm>>) dst(%arg17 : memref<96xf32, #tpu.memory_space<vmem>>)
      tpu.yield
    }) : () -> ()
    %iota3A = tpu.iota {dimensions = array<i32: 0>} : vector<16xi32>
    %mul3A_35 = arith.constant 64 : i32
    %mul3A_36 = vector.broadcast %mul3A_35 : i32 to vector<16xi32>
    %mul3A_37 = arith.muli %iota3A, %mul3A_36 : vector<16xi32>
    %scan3A = arith.constant 0 : i32
    %scan3A_38 = arith.constant 0 : i32
    %scan3A_39 = arith.constant 32 : i32
    %scan3A_40 = arith.addi %scan3A_38, %scan3A_39 : i32
    %scan3A_41 = arith.constant 1 : i32
    scf.for %scan3A_49 = %scan3A_38 to %scan3A_40 step %scan3A_41  : i32 {
      %mul3A_50 = arith.constant 16 : i32
      %mul3A_51 = arith.muli %scan3A_49, %mul3A_50 : i32
      %get3A = arith.index_cast %mul3A_51 : i32 to index
      %get3A_52 = tpu.vector_load %arg13[%get3A] {strides = array<i32>} : memref<512xi32, #tpu.memory_space<vmem>>, vector<16xi32>,
      %gather3A = tpu.vector_load_idx %arg16[%get3A_52] : memref<96xf32, #tpu.memory_space<vmem>>[vector<16xi32>], vector<16xf32>,
      %mul3A_53 = arith.constant 16 : i32
      %mul3A_54 = arith.muli %scan3A_49, %mul3A_53 : i32
      %swap3A = arith.index_cast %mul3A_54 : i32 to index
      %swap3A_55 = tpu.vector_load %arg14[%swap3A] {strides = array<i32>} : memref<512xf32, #tpu.memory_space<vmem>>, vector<16xf32>,
      tpu.vector_store %arg14[%swap3A], %gather3A {strides = array<i32>} : memref<512xf32, #tpu.memory_space<vmem>>, vector<16xf32>,
    }
    %scan3A_42 = arith.constant 32 : i32
    %scan3A_43 = arith.constant 0 : i32
    %scan3A_44 = arith.constant 0 : i32
    %scan3A_45 = arith.constant 8 : i32
    %scan3A_46 = arith.addi %scan3A_44, %scan3A_45 : i32
    %scan3A_47 = arith.constant 1 : i32
    scf.for %scan3A_49 = %scan3A_44 to %scan3A_46 step %scan3A_47  : i32 {
      %mul3A_50 = arith.constant 16 : i32
      %mul3A_51 = arith.muli %scan3A_49, %mul3A_50 : i32
      %add3A_52 = arith.addi %mul3A_32, %mul3A_51 : i32
      %add3A_53 = vector.broadcast %add3A_52 : i32 to vector<16xi32>
      %add3A_54 = arith.addi %add3A_53, %iota3A : vector<16xi32>
      %get3A = arith.index_cast %add3A_52 : i32 to index
      %get3A_55 = tpu.vector_load %arg10[%get3A] {strides = array<i32>} : memref<512xf32, #tpu.memory_space<vmem>>, vector<16xf32>,
      %get3A_56 = arith.index_cast %add3A_52 : i32 to index
      %get3A_57 = tpu.vector_load %arg11[%get3A_56] {strides = array<i32>} : memref<512xf32, #tpu.memory_space<vmem>>, vector<16xf32>,
      %get3A_58 = arith.index_cast %add3A_52 : i32 to index
      %get3A_59 = tpu.vector_load %arg12[%get3A_58] {strides = array<i32>} : memref<512xf32, #tpu.memory_space<vmem>>, vector<16xf32>,
      %get3A_60 = arith.index_cast %add3A_52 : i32 to index
      %get3A_61 = tpu.vector_load %arg14[%get3A_60] {strides = array<i32>} : memref<512xf32, #tpu.memory_space<vmem>>, vector<16xf32>,
      %broadcast_in_dim3A = arith.constant 0.000000e+00 : f32
      %broadcast_in_dim3A_62 = vector.broadcast %broadcast_in_dim3A : f32 to vector<16xf32>
      %scan3A_63 = arith.constant 0 : i32
      %scan3A_64 = arith.constant 64 : i32
      %scan3A_65 = arith.addi %scan3A_63, %scan3A_64 : i32
      %scan3A_66 = arith.constant 1 : i32
      %scan3A_67 = scf.for %scan3A_72 = %scan3A_63 to %scan3A_65 step %scan3A_66 iter_args(%scan3A_73 = %broadcast_in_dim3A_62) -> (vector<16xf32>)  : i32 {
        %mul3A_74 = arith.constant 64 : i32
        %mul3A_75 = arith.muli %mul3A_51, %mul3A_74 : i32
        %add3A_76 = arith.addi %mul3A_75, %scan3A_72 : i32
        %add3A_77 = vector.broadcast %add3A_76 : i32 to vector<16xi32>
        %add3A_78 = arith.addi %mul3A_37, %add3A_77 : vector<16xi32>
        %gather3A_79 = tpu.vector_load_idx %arg15[%add3A_78] : memref<8192xi32, #tpu.memory_space<vmem>>[vector<16xi32>], vector<16xi32>,
        %gather3A_80 = tpu.vector_load_idx %arg10[%gather3A_79] : memref<512xf32, #tpu.memory_space<vmem>>[vector<16xi32>], vector<16xf32>,
        %gather3A_81 = tpu.vector_load_idx %arg11[%gather3A_79] : memref<512xf32, #tpu.memory_space<vmem>>[vector<16xi32>], vector<16xf32>,
        %gather3A_82 = tpu.vector_load_idx %arg12[%gather3A_79] : memref<512xf32, #tpu.memory_space<vmem>>[vector<16xi32>], vector<16xf32>,
        %gather3A_83 = tpu.vector_load_idx %arg14[%gather3A_79] : memref<512xf32, #tpu.memory_space<vmem>>[vector<16xi32>], vector<16xf32>,
        %sub3A_84 = arith.subf %get3A_55, %gather3A_80 : vector<16xf32>
        %sub3A_85 = arith.subf %get3A_57, %gather3A_81 : vector<16xf32>
        %sub3A_86 = arith.subf %get3A_59, %gather3A_82 : vector<16xf32>
        %mul3A_87 = arith.mulf %sub3A_84, %sub3A_84 : vector<16xf32>
        %mul3A_88 = arith.mulf %sub3A_85, %sub3A_85 : vector<16xf32>
        %add3A_89 = arith.addf %mul3A_87, %mul3A_88 : vector<16xf32>
        %mul3A_90 = arith.mulf %sub3A_86, %sub3A_86 : vector<16xf32>
        %add3A_91 = arith.addf %add3A_89, %mul3A_90 : vector<16xf32>
        %max3A = arith.constant 9.99999996E-13 : f32
        %max3A_92 = vector.broadcast %max3A : f32 to vector<16xf32>
        %max3A_93 = arith.maximumf %add3A_91, %max3A_92 : vector<16xf32>
        %bitcast_convert_type3A = tpu.bitcast %max3A_93 : vector<16xf32> -> vector<16xi32>
        %shift_right_arithmetic3A = arith.constant 1 : i32
        %shift_right_arithmetic3A_94 = vector.broadcast %shift_right_arithmetic3A : i32 to vector<16xi32>
        %shift_right_arithmetic3A_95 = arith.shrsi %bitcast_convert_type3A, %shift_right_arithmetic3A_94 : vector<16xi32>
        %sub3A_96 = arith.constant 1597463007 : i32
        %sub3A_97 = vector.broadcast %sub3A_96 : i32 to vector<16xi32>
        %sub3A_98 = arith.subi %sub3A_97, %shift_right_arithmetic3A_95 : vector<16xi32>
        %bitcast_convert_type3A_99 = tpu.bitcast %sub3A_98 : vector<16xi32> -> vector<16xf32>
        %mul3A_100 = arith.constant 5.000000e-01 : f32
        %mul3A_101 = vector.broadcast %mul3A_100 : f32 to vector<16xf32>
        %mul3A_102 = arith.mulf %mul3A_101, %max3A_93 : vector<16xf32>
        %mul3A_103 = arith.mulf %mul3A_102, %bitcast_convert_type3A_99 : vector<16xf32>
        %mul3A_104 = arith.mulf %mul3A_103, %bitcast_convert_type3A_99 : vector<16xf32>
        %sub3A_105 = arith.constant 1.500000e+00 : f32
        %sub3A_106 = vector.broadcast %sub3A_105 : f32 to vector<16xf32>
        %sub3A_107 = arith.subf %sub3A_106, %mul3A_104 : vector<16xf32>
        %mul3A_108 = arith.mulf %bitcast_convert_type3A_99, %sub3A_107 : vector<16xf32>
        %mul3A_109 = arith.constant 5.000000e-01 : f32
        %mul3A_110 = vector.broadcast %mul3A_109 : f32 to vector<16xf32>
        %mul3A_111 = arith.mulf %mul3A_110, %max3A_93 : vector<16xf32>
        %mul3A_112 = arith.mulf %mul3A_111, %mul3A_108 : vector<16xf32>
        %mul3A_113 = arith.mulf %mul3A_112, %mul3A_108 : vector<16xf32>
        %sub3A_114 = arith.constant 1.500000e+00 : f32
        %sub3A_115 = vector.broadcast %sub3A_114 : f32 to vector<16xf32>
        %sub3A_116 = arith.subf %sub3A_115, %mul3A_113 : vector<16xf32>
        %mul3A_117 = arith.mulf %mul3A_108, %sub3A_116 : vector<16xf32>
        %mul3A_118 = arith.constant 5.000000e-01 : f32
        %mul3A_119 = vector.broadcast %mul3A_118 : f32 to vector<16xf32>
        %mul3A_120 = arith.mulf %mul3A_119, %max3A_93 : vector<16xf32>
        %mul3A_121 = arith.mulf %mul3A_120, %mul3A_117 : vector<16xf32>
        %mul3A_122 = arith.mulf %mul3A_121, %mul3A_117 : vector<16xf32>
        %sub3A_123 = arith.constant 1.500000e+00 : f32
        %sub3A_124 = vector.broadcast %sub3A_123 : f32 to vector<16xf32>
        %sub3A_125 = arith.subf %sub3A_124, %mul3A_122 : vector<16xf32>
        %mul3A_126 = arith.mulf %mul3A_117, %sub3A_125 : vector<16xf32>
        %add3A_127 = arith.addf %get3A_61, %gather3A_83 : vector<16xf32>
        %mul3A_128 = arith.mulf %add3A_127, %mul3A_126 : vector<16xf32>
        %mul3A_129 = arith.constant 0.529177189 : f32
        %mul3A_130 = vector.broadcast %mul3A_129 : f32 to vector<16xf32>
        %mul3A_131 = arith.mulf %mul3A_128, %mul3A_130 : vector<16xf32>
        %sub3A_132 = arith.constant 1.000000e+00 : f32
        %sub3A_133 = vector.broadcast %sub3A_132 : f32 to vector<16xf32>
        %sub3A_134 = arith.subf %mul3A_131, %sub3A_133 : vector<16xf32>
        %mul3A_135 = arith.constant -1.600000e+01 : f32
        %mul3A_136 = vector.broadcast %mul3A_135 : f32 to vector<16xf32>
        %mul3A_137 = arith.mulf %mul3A_136, %sub3A_134 : vector<16xf32>
        %exp3A = math.exp %mul3A_137 : vector<16xf32>
        %add3A_138 = arith.constant 1.000000e+00 : f32
        %add3A_139 = vector.broadcast %add3A_138 : f32 to vector<16xf32>
        %add3A_140 = arith.addf %add3A_139, %exp3A : vector<16xf32>
        %div3A_141 = arith.constant 1.000000e+00 : f32
        %div3A_142 = vector.broadcast %div3A_141 : f32 to vector<16xf32>
        %div3A_143 = arith.divf %div3A_142, %add3A_140 : vector<16xf32>
        %ne3A_144 = arith.cmpi ne, %gather3A_79, %add3A_54 : vector<16xi32>
        %jit3A_145 = arith.constant 0.000000e+00 : f32
        %broadcast_in_dim3A_146 = vector.broadcast %jit3A_145 : f32 to vector<16xf32>
        %select_n3A_147 = arith.select %ne3A_144, %div3A_143, %broadcast_in_dim3A_146 : vector<16xi1>, vector<16xf32>
        %add3A_148 = arith.addf %scan3A_73, %select_n3A_147 : vector<16xf32>
        scf.yield %add3A_148 : vector<16xf32>
      }
      %scan3A_68 = arith.constant 64 : i32
      %get3A_69 = arith.index_cast %add3A_52 : i32 to index
      %get3A_70 = tpu.vector_load %arg13[%get3A_69] {strides = array<i32>} : memref<512xi32, #tpu.memory_space<vmem>>, vector<16xi32>,
      %gather3A = tpu.vector_load_idx %arg17[%get3A_70] : memref<96xf32, #tpu.memory_space<vmem>>[vector<16xi32>], vector<16xf32>,
      %min3A = arith.minimumf %scan3A_67, %gather3A : vector<16xf32>
      %swap3A = arith.index_cast %mul3A_51 : i32 to index
      %swap3A_71 = tpu.vector_load %arg18[%swap3A] {strides = array<i32>} : memref<128xf32, #tpu.memory_space<vmem>>, vector<16xf32>,
      tpu.vector_store %arg18[%swap3A], %min3A {strides = array<i32>} : memref<128xf32, #tpu.memory_space<vmem>>, vector<16xf32>,
    }
    %scan3A_48 = arith.constant 8 : i32
    "tpu.region"() ({
      %run_scoped3A = tpu.sem_alloc : memref<!tpu.dma_semaphore, #tpu.memory_space<semaphore_mem>>
      %dma_start3A = tpu.memref_slice %arg9[%select_n3A, %mul3A_32] : memref<8x512xf32, #tpu.memory_space<hbm>> -> memref<1x128xf32, #tpu.memory_space<hbm>>
      %dma_start3A_49 = tpu.memref_squeeze %dma_start3A : memref<1x128xf32, #tpu.memory_space<hbm>> -> memref<128xf32, #tpu.memory_space<hbm>>
      %dma_start3A_50 = tpu.memref_slice %arg9[%select_n3A, %mul3A_32] : memref<8x512xf32, #tpu.memory_space<hbm>> -> memref<1x128xf32, #tpu.memory_space<hbm>>
      %dma_start3A_51 = tpu.memref_squeeze %dma_start3A_50 : memref<1x128xf32, #tpu.memory_space<hbm>> -> memref<128xf32, #tpu.memory_space<hbm>>
      tpu.enqueue_dma source(%arg18 : memref<128xf32, #tpu.memory_space<vmem>>) target(%dma_start3A_51 : memref<128xf32, #tpu.memory_space<hbm>>) target_semaphore(%run_scoped3A : memref<!tpu.dma_semaphore, #tpu.memory_space<semaphore_mem>>)
      %dma_wait3A = tpu.memref_slice %arg9[%select_n3A, %mul3A_32] : memref<8x512xf32, #tpu.memory_space<hbm>> -> memref<1x128xf32, #tpu.memory_space<hbm>>
      %dma_wait3A_52 = tpu.memref_squeeze %dma_wait3A : memref<1x128xf32, #tpu.memory_space<hbm>> -> memref<128xf32, #tpu.memory_space<hbm>>
      %dma_wait3A_53 = tpu.memref_slice %arg9[%select_n3A, %mul3A_32] : memref<8x512xf32, #tpu.memory_space<hbm>> -> memref<1x128xf32, #tpu.memory_space<hbm>>
      %dma_wait3A_54 = tpu.memref_squeeze %dma_wait3A_53 : memref<1x128xf32, #tpu.memory_space<hbm>> -> memref<128xf32, #tpu.memory_space<hbm>>
      tpu.wait_dma2 semaphore(%run_scoped3A : memref<!tpu.dma_semaphore, #tpu.memory_space<semaphore_mem>>) src(%arg18 : memref<128xf32, #tpu.memory_space<vmem>>) dst(%dma_wait3A_54 : memref<128xf32, #tpu.memory_space<hbm>>)
      tpu.yield
    }) : () -> ()
    return
  }
}

#map = affine_map<(d0, d1) -> (0, 0)>
#map1 = affine_map<(d0, d1) -> (0)>
module attributes {stable_mosaic.version = 14 : i64} {
  func.func @_energy_kernel(%arg0: i32, %arg1: i32, %arg2: memref<8x512xf32, #tpu.memory_space<hbm>>, %arg3: memref<8x512xf32, #tpu.memory_space<hbm>>, %arg4: memref<8x512xf32, #tpu.memory_space<hbm>>, %arg5: memref<8x512xi32, #tpu.memory_space<hbm>>, %arg6: memref<8x32768xi32, #tpu.memory_space<hbm>>, %arg7: memref<8x512xf32, #tpu.memory_space<hbm>>, %arg8: memref<96xf32, #tpu.memory_space<hbm>>, %arg9: memref<9025x128xf32, #tpu.memory_space<hbm>>, %arg10: memref<8x64xf32, #tpu.memory_space<hbm>>, %arg11: memref<512xf32, #tpu.memory_space<vmem>>, %arg12: memref<512xf32, #tpu.memory_space<vmem>>, %arg13: memref<512xf32, #tpu.memory_space<vmem>>, %arg14: memref<512xi32, #tpu.memory_space<vmem>>, %arg15: memref<512xf32, #tpu.memory_space<vmem>>, %arg16: memref<512xf32, #tpu.memory_space<vmem>>, %arg17: memref<8192xi32, #tpu.memory_space<vmem>>, %arg18: memref<96xf32, #tpu.memory_space<vmem>>, %arg19: memref<128xi32, #tpu.memory_space<vmem>>, %arg20: memref<128xi32, #tpu.memory_space<vmem>>, %arg21: memref<128x128xf32, #tpu.memory_space<vmem>>, %arg22: memref<128x128xf32, #tpu.memory_space<vmem>>, %arg23: memref<16xf32, #tpu.memory_space<vmem>>, %arg24: memref<!tpu.dma_semaphore, #tpu.memory_space<semaphore_mem>>, %arg25: memref<!tpu.dma_semaphore, #tpu.memory_space<semaphore_mem>>) attributes {dimension_semantics = [#tpu.dimension_semantics<core_parallel>, #tpu.dimension_semantics<subcore_parallel>], iteration_bounds = array<i64: 2, 16>, scalar_prefetch = 0 : i64, scratch_operands = 15 : i64, tpu.core_type = #tpu.core_type<sc_vector_subcore>, window_params = [{transform_indices = #map}, {transform_indices = #map}, {transform_indices = #map}, {transform_indices = #map}, {transform_indices = #map}, {transform_indices = #map}, {transform_indices = #map1}, {transform_indices = #map}, {transform_indices = #map}]} {
    %mul3A = arith.constant 16 : i32
    %mul3A_0 = arith.muli %arg0, %mul3A : i32
    %add3A = arith.addi %mul3A_0, %arg1 : i32
    %jit3A = arith.constant 4 : i32
    %div3A = arith.divsi %add3A, %jit3A : i32
    %sign3A = arith.constant 0 : i32
    %sign3A_1 = arith.cmpi sgt, %add3A, %sign3A : i32
    %sign3A_2 = arith.extui %sign3A_1 : i1 to i32
    %sign3A_3 = arith.constant 0 : i32
    %sign3A_4 = arith.cmpi slt, %add3A, %sign3A_3 : i32
    %sign3A_5 = arith.extui %sign3A_4 : i1 to i32
    %sign3A_6 = arith.subi %sign3A_2, %sign3A_5 : i32
    %sign3A_7 = arith.constant 0 : i32
    %sign3A_8 = arith.cmpi sgt, %jit3A, %sign3A_7 : i32
    %sign3A_9 = arith.extui %sign3A_8 : i1 to i32
    %sign3A_10 = arith.constant 0 : i32
    %sign3A_11 = arith.cmpi slt, %jit3A, %sign3A_10 : i32
    %sign3A_12 = arith.extui %sign3A_11 : i1 to i32
    %sign3A_13 = arith.subi %sign3A_9, %sign3A_12 : i32
    %ne3A = arith.cmpi ne, %sign3A_6, %sign3A_13 : i32
    %rem3A = arith.remsi %add3A, %jit3A : i32
    %ne3A_14 = arith.constant 0 : i32
    %ne3A_15 = arith.cmpi ne, %rem3A, %ne3A_14 : i32
    %and3A = arith.andi %ne3A, %ne3A_15 : i1
    %sub3A = arith.constant 1 : i32
    %sub3A_16 = arith.subi %div3A, %sub3A : i32
    %select_n3A = arith.select %and3A, %sub3A_16, %div3A : i32
    %jit3A_17 = arith.constant 4 : i32
    %eq3A = arith.constant 0 : i32
    %eq3A_18 = arith.cmpi eq, %jit3A_17, %eq3A : i32
    %jit3A_19 = arith.constant 1 : i32
    %select_n3A_20 = arith.select %eq3A_18, %jit3A_19, %jit3A_17 : i32
    %rem3A_21 = arith.remsi %add3A, %select_n3A_20 : i32
    %ne3A_22 = arith.constant 0 : i32
    %ne3A_23 = arith.cmpi ne, %rem3A_21, %ne3A_22 : i32
    %lt3A = arith.constant 0 : i32
    %lt3A_24 = arith.cmpi slt, %rem3A_21, %lt3A : i32
    %lt3A_25 = arith.constant 0 : i32
    %lt3A_26 = arith.cmpi slt, %select_n3A_20, %lt3A_25 : i32
    %ne3A_27 = arith.xori %lt3A_24, %lt3A_26 : i1
    %and3A_28 = arith.andi %ne3A_27, %ne3A_23 : i1
    %add3A_29 = arith.addi %rem3A_21, %select_n3A_20 : i32
    %select_n3A_30 = arith.select %and3A_28, %add3A_29, %rem3A_21 : i32
    %mul3A_31 = arith.constant 128 : i32
    %mul3A_32 = arith.muli %select_n3A_30, %mul3A_31 : i32
    "tpu.region"() ({
      %run_scoped3A = tpu.sem_alloc : memref<!tpu.dma_semaphore, #tpu.memory_space<semaphore_mem>>
      %dma_start3A_150 = arith.constant 0 : i32
      %dma_start3A_151 = tpu.memref_slice %arg2[%select_n3A, %dma_start3A_150] : memref<8x512xf32, #tpu.memory_space<hbm>> -> memref<1x512xf32, #tpu.memory_space<hbm>>
      %dma_start3A_152 = tpu.memref_squeeze %dma_start3A_151 : memref<1x512xf32, #tpu.memory_space<hbm>> -> memref<512xf32, #tpu.memory_space<hbm>>
      %dma_start3A_153 = arith.constant 0 : i32
      %dma_start3A_154 = tpu.memref_slice %arg2[%select_n3A, %dma_start3A_153] : memref<8x512xf32, #tpu.memory_space<hbm>> -> memref<1x512xf32, #tpu.memory_space<hbm>>
      %dma_start3A_155 = tpu.memref_squeeze %dma_start3A_154 : memref<1x512xf32, #tpu.memory_space<hbm>> -> memref<512xf32, #tpu.memory_space<hbm>>
      tpu.enqueue_dma source(%dma_start3A_155 : memref<512xf32, #tpu.memory_space<hbm>>) target(%arg11 : memref<512xf32, #tpu.memory_space<vmem>>) target_semaphore(%run_scoped3A : memref<!tpu.dma_semaphore, #tpu.memory_space<semaphore_mem>>)
      %dma_wait3A = arith.constant 0 : i32
      %dma_wait3A_156 = tpu.memref_slice %arg2[%select_n3A, %dma_wait3A] : memref<8x512xf32, #tpu.memory_space<hbm>> -> memref<1x512xf32, #tpu.memory_space<hbm>>
      %dma_wait3A_157 = tpu.memref_squeeze %dma_wait3A_156 : memref<1x512xf32, #tpu.memory_space<hbm>> -> memref<512xf32, #tpu.memory_space<hbm>>
      %dma_wait3A_158 = arith.constant 0 : i32
      %dma_wait3A_159 = tpu.memref_slice %arg2[%select_n3A, %dma_wait3A_158] : memref<8x512xf32, #tpu.memory_space<hbm>> -> memref<1x512xf32, #tpu.memory_space<hbm>>
      %dma_wait3A_160 = tpu.memref_squeeze %dma_wait3A_159 : memref<1x512xf32, #tpu.memory_space<hbm>> -> memref<512xf32, #tpu.memory_space<hbm>>
      tpu.wait_dma2 semaphore(%run_scoped3A : memref<!tpu.dma_semaphore, #tpu.memory_space<semaphore_mem>>) src(%dma_wait3A_160 : memref<512xf32, #tpu.memory_space<hbm>>) dst(%arg11 : memref<512xf32, #tpu.memory_space<vmem>>)
      tpu.yield
    }) : () -> ()
    "tpu.region"() ({
      %run_scoped3A = tpu.sem_alloc : memref<!tpu.dma_semaphore, #tpu.memory_space<semaphore_mem>>
      %dma_start3A_150 = arith.constant 0 : i32
      %dma_start3A_151 = tpu.memref_slice %arg3[%select_n3A, %dma_start3A_150] : memref<8x512xf32, #tpu.memory_space<hbm>> -> memref<1x512xf32, #tpu.memory_space<hbm>>
      %dma_start3A_152 = tpu.memref_squeeze %dma_start3A_151 : memref<1x512xf32, #tpu.memory_space<hbm>> -> memref<512xf32, #tpu.memory_space<hbm>>
      %dma_start3A_153 = arith.constant 0 : i32
      %dma_start3A_154 = tpu.memref_slice %arg3[%select_n3A, %dma_start3A_153] : memref<8x512xf32, #tpu.memory_space<hbm>> -> memref<1x512xf32, #tpu.memory_space<hbm>>
      %dma_start3A_155 = tpu.memref_squeeze %dma_start3A_154 : memref<1x512xf32, #tpu.memory_space<hbm>> -> memref<512xf32, #tpu.memory_space<hbm>>
      tpu.enqueue_dma source(%dma_start3A_155 : memref<512xf32, #tpu.memory_space<hbm>>) target(%arg12 : memref<512xf32, #tpu.memory_space<vmem>>) target_semaphore(%run_scoped3A : memref<!tpu.dma_semaphore, #tpu.memory_space<semaphore_mem>>)
      %dma_wait3A = arith.constant 0 : i32
      %dma_wait3A_156 = tpu.memref_slice %arg3[%select_n3A, %dma_wait3A] : memref<8x512xf32, #tpu.memory_space<hbm>> -> memref<1x512xf32, #tpu.memory_space<hbm>>
      %dma_wait3A_157 = tpu.memref_squeeze %dma_wait3A_156 : memref<1x512xf32, #tpu.memory_space<hbm>> -> memref<512xf32, #tpu.memory_space<hbm>>
      %dma_wait3A_158 = arith.constant 0 : i32
      %dma_wait3A_159 = tpu.memref_slice %arg3[%select_n3A, %dma_wait3A_158] : memref<8x512xf32, #tpu.memory_space<hbm>> -> memref<1x512xf32, #tpu.memory_space<hbm>>
      %dma_wait3A_160 = tpu.memref_squeeze %dma_wait3A_159 : memref<1x512xf32, #tpu.memory_space<hbm>> -> memref<512xf32, #tpu.memory_space<hbm>>
      tpu.wait_dma2 semaphore(%run_scoped3A : memref<!tpu.dma_semaphore, #tpu.memory_space<semaphore_mem>>) src(%dma_wait3A_160 : memref<512xf32, #tpu.memory_space<hbm>>) dst(%arg12 : memref<512xf32, #tpu.memory_space<vmem>>)
      tpu.yield
    }) : () -> ()
    "tpu.region"() ({
      %run_scoped3A = tpu.sem_alloc : memref<!tpu.dma_semaphore, #tpu.memory_space<semaphore_mem>>
      %dma_start3A_150 = arith.constant 0 : i32
      %dma_start3A_151 = tpu.memref_slice %arg4[%select_n3A, %dma_start3A_150] : memref<8x512xf32, #tpu.memory_space<hbm>> -> memref<1x512xf32, #tpu.memory_space<hbm>>
      %dma_start3A_152 = tpu.memref_squeeze %dma_start3A_151 : memref<1x512xf32, #tpu.memory_space<hbm>> -> memref<512xf32, #tpu.memory_space<hbm>>
      %dma_start3A_153 = arith.constant 0 : i32
      %dma_start3A_154 = tpu.memref_slice %arg4[%select_n3A, %dma_start3A_153] : memref<8x512xf32, #tpu.memory_space<hbm>> -> memref<1x512xf32, #tpu.memory_space<hbm>>
      %dma_start3A_155 = tpu.memref_squeeze %dma_start3A_154 : memref<1x512xf32, #tpu.memory_space<hbm>> -> memref<512xf32, #tpu.memory_space<hbm>>
      tpu.enqueue_dma source(%dma_start3A_155 : memref<512xf32, #tpu.memory_space<hbm>>) target(%arg13 : memref<512xf32, #tpu.memory_space<vmem>>) target_semaphore(%run_scoped3A : memref<!tpu.dma_semaphore, #tpu.memory_space<semaphore_mem>>)
      %dma_wait3A = arith.constant 0 : i32
      %dma_wait3A_156 = tpu.memref_slice %arg4[%select_n3A, %dma_wait3A] : memref<8x512xf32, #tpu.memory_space<hbm>> -> memref<1x512xf32, #tpu.memory_space<hbm>>
      %dma_wait3A_157 = tpu.memref_squeeze %dma_wait3A_156 : memref<1x512xf32, #tpu.memory_space<hbm>> -> memref<512xf32, #tpu.memory_space<hbm>>
      %dma_wait3A_158 = arith.constant 0 : i32
      %dma_wait3A_159 = tpu.memref_slice %arg4[%select_n3A, %dma_wait3A_158] : memref<8x512xf32, #tpu.memory_space<hbm>> -> memref<1x512xf32, #tpu.memory_space<hbm>>
      %dma_wait3A_160 = tpu.memref_squeeze %dma_wait3A_159 : memref<1x512xf32, #tpu.memory_space<hbm>> -> memref<512xf32, #tpu.memory_space<hbm>>
      tpu.wait_dma2 semaphore(%run_scoped3A : memref<!tpu.dma_semaphore, #tpu.memory_space<semaphore_mem>>) src(%dma_wait3A_160 : memref<512xf32, #tpu.memory_space<hbm>>) dst(%arg13 : memref<512xf32, #tpu.memory_space<vmem>>)
      tpu.yield
    }) : () -> ()
    "tpu.region"() ({
      %run_scoped3A = tpu.sem_alloc : memref<!tpu.dma_semaphore, #tpu.memory_space<semaphore_mem>>
      %dma_start3A_150 = arith.constant 0 : i32
      %dma_start3A_151 = tpu.memref_slice %arg5[%select_n3A, %dma_start3A_150] : memref<8x512xi32, #tpu.memory_space<hbm>> -> memref<1x512xi32, #tpu.memory_space<hbm>>
      %dma_start3A_152 = tpu.memref_squeeze %dma_start3A_151 : memref<1x512xi32, #tpu.memory_space<hbm>> -> memref<512xi32, #tpu.memory_space<hbm>>
      %dma_start3A_153 = arith.constant 0 : i32
      %dma_start3A_154 = tpu.memref_slice %arg5[%select_n3A, %dma_start3A_153] : memref<8x512xi32, #tpu.memory_space<hbm>> -> memref<1x512xi32, #tpu.memory_space<hbm>>
      %dma_start3A_155 = tpu.memref_squeeze %dma_start3A_154 : memref<1x512xi32, #tpu.memory_space<hbm>> -> memref<512xi32, #tpu.memory_space<hbm>>
      tpu.enqueue_dma source(%dma_start3A_155 : memref<512xi32, #tpu.memory_space<hbm>>) target(%arg14 : memref<512xi32, #tpu.memory_space<vmem>>) target_semaphore(%run_scoped3A : memref<!tpu.dma_semaphore, #tpu.memory_space<semaphore_mem>>)
      %dma_wait3A = arith.constant 0 : i32
      %dma_wait3A_156 = tpu.memref_slice %arg5[%select_n3A, %dma_wait3A] : memref<8x512xi32, #tpu.memory_space<hbm>> -> memref<1x512xi32, #tpu.memory_space<hbm>>
      %dma_wait3A_157 = tpu.memref_squeeze %dma_wait3A_156 : memref<1x512xi32, #tpu.memory_space<hbm>> -> memref<512xi32, #tpu.memory_space<hbm>>
      %dma_wait3A_158 = arith.constant 0 : i32
      %dma_wait3A_159 = tpu.memref_slice %arg5[%select_n3A, %dma_wait3A_158] : memref<8x512xi32, #tpu.memory_space<hbm>> -> memref<1x512xi32, #tpu.memory_space<hbm>>
      %dma_wait3A_160 = tpu.memref_squeeze %dma_wait3A_159 : memref<1x512xi32, #tpu.memory_space<hbm>> -> memref<512xi32, #tpu.memory_space<hbm>>
      tpu.wait_dma2 semaphore(%run_scoped3A : memref<!tpu.dma_semaphore, #tpu.memory_space<semaphore_mem>>) src(%dma_wait3A_160 : memref<512xi32, #tpu.memory_space<hbm>>) dst(%arg14 : memref<512xi32, #tpu.memory_space<vmem>>)
      tpu.yield
    }) : () -> ()
    "tpu.region"() ({
      %run_scoped3A = tpu.sem_alloc : memref<!tpu.dma_semaphore, #tpu.memory_space<semaphore_mem>>
      %dma_start3A_150 = arith.constant 0 : i32
      %dma_start3A_151 = tpu.memref_slice %arg7[%select_n3A, %dma_start3A_150] : memref<8x512xf32, #tpu.memory_space<hbm>> -> memref<1x512xf32, #tpu.memory_space<hbm>>
      %dma_start3A_152 = tpu.memref_squeeze %dma_start3A_151 : memref<1x512xf32, #tpu.memory_space<hbm>> -> memref<512xf32, #tpu.memory_space<hbm>>
      %dma_start3A_153 = arith.constant 0 : i32
      %dma_start3A_154 = tpu.memref_slice %arg7[%select_n3A, %dma_start3A_153] : memref<8x512xf32, #tpu.memory_space<hbm>> -> memref<1x512xf32, #tpu.memory_space<hbm>>
      %dma_start3A_155 = tpu.memref_squeeze %dma_start3A_154 : memref<1x512xf32, #tpu.memory_space<hbm>> -> memref<512xf32, #tpu.memory_space<hbm>>
      tpu.enqueue_dma source(%dma_start3A_155 : memref<512xf32, #tpu.memory_space<hbm>>) target(%arg15 : memref<512xf32, #tpu.memory_space<vmem>>) target_semaphore(%run_scoped3A : memref<!tpu.dma_semaphore, #tpu.memory_space<semaphore_mem>>)
      %dma_wait3A = arith.constant 0 : i32
      %dma_wait3A_156 = tpu.memref_slice %arg7[%select_n3A, %dma_wait3A] : memref<8x512xf32, #tpu.memory_space<hbm>> -> memref<1x512xf32, #tpu.memory_space<hbm>>
      %dma_wait3A_157 = tpu.memref_squeeze %dma_wait3A_156 : memref<1x512xf32, #tpu.memory_space<hbm>> -> memref<512xf32, #tpu.memory_space<hbm>>
      %dma_wait3A_158 = arith.constant 0 : i32
      %dma_wait3A_159 = tpu.memref_slice %arg7[%select_n3A, %dma_wait3A_158] : memref<8x512xf32, #tpu.memory_space<hbm>> -> memref<1x512xf32, #tpu.memory_space<hbm>>
      %dma_wait3A_160 = tpu.memref_squeeze %dma_wait3A_159 : memref<1x512xf32, #tpu.memory_space<hbm>> -> memref<512xf32, #tpu.memory_space<hbm>>
      tpu.wait_dma2 semaphore(%run_scoped3A : memref<!tpu.dma_semaphore, #tpu.memory_space<semaphore_mem>>) src(%dma_wait3A_160 : memref<512xf32, #tpu.memory_space<hbm>>) dst(%arg15 : memref<512xf32, #tpu.memory_space<vmem>>)
      tpu.yield
    }) : () -> ()
    %mul3A_33 = arith.constant 64 : i32
    %mul3A_34 = arith.muli %mul3A_32, %mul3A_33 : i32
    "tpu.region"() ({
      %run_scoped3A = tpu.sem_alloc : memref<!tpu.dma_semaphore, #tpu.memory_space<semaphore_mem>>
      %dma_start3A_150 = tpu.memref_slice %arg6[%select_n3A, %mul3A_34] : memref<8x32768xi32, #tpu.memory_space<hbm>> -> memref<1x8192xi32, #tpu.memory_space<hbm>>
      %dma_start3A_151 = tpu.memref_squeeze %dma_start3A_150 : memref<1x8192xi32, #tpu.memory_space<hbm>> -> memref<8192xi32, #tpu.memory_space<hbm>>
      %dma_start3A_152 = tpu.memref_slice %arg6[%select_n3A, %mul3A_34] : memref<8x32768xi32, #tpu.memory_space<hbm>> -> memref<1x8192xi32, #tpu.memory_space<hbm>>
      %dma_start3A_153 = tpu.memref_squeeze %dma_start3A_152 : memref<1x8192xi32, #tpu.memory_space<hbm>> -> memref<8192xi32, #tpu.memory_space<hbm>>
      tpu.enqueue_dma source(%dma_start3A_153 : memref<8192xi32, #tpu.memory_space<hbm>>) target(%arg17 : memref<8192xi32, #tpu.memory_space<vmem>>) target_semaphore(%run_scoped3A : memref<!tpu.dma_semaphore, #tpu.memory_space<semaphore_mem>>)
      %dma_wait3A = tpu.memref_slice %arg6[%select_n3A, %mul3A_34] : memref<8x32768xi32, #tpu.memory_space<hbm>> -> memref<1x8192xi32, #tpu.memory_space<hbm>>
      %dma_wait3A_154 = tpu.memref_squeeze %dma_wait3A : memref<1x8192xi32, #tpu.memory_space<hbm>> -> memref<8192xi32, #tpu.memory_space<hbm>>
      %dma_wait3A_155 = tpu.memref_slice %arg6[%select_n3A, %mul3A_34] : memref<8x32768xi32, #tpu.memory_space<hbm>> -> memref<1x8192xi32, #tpu.memory_space<hbm>>
      %dma_wait3A_156 = tpu.memref_squeeze %dma_wait3A_155 : memref<1x8192xi32, #tpu.memory_space<hbm>> -> memref<8192xi32, #tpu.memory_space<hbm>>
      tpu.wait_dma2 semaphore(%run_scoped3A : memref<!tpu.dma_semaphore, #tpu.memory_space<semaphore_mem>>) src(%dma_wait3A_156 : memref<8192xi32, #tpu.memory_space<hbm>>) dst(%arg17 : memref<8192xi32, #tpu.memory_space<vmem>>)
      tpu.yield
    }) : () -> ()
    "tpu.region"() ({
      %run_scoped3A = tpu.sem_alloc : memref<!tpu.dma_semaphore, #tpu.memory_space<semaphore_mem>>
      tpu.enqueue_dma source(%arg8 : memref<96xf32, #tpu.memory_space<hbm>>) target(%arg18 : memref<96xf32, #tpu.memory_space<vmem>>) target_semaphore(%run_scoped3A : memref<!tpu.dma_semaphore, #tpu.memory_space<semaphore_mem>>)
      tpu.wait_dma2 semaphore(%run_scoped3A : memref<!tpu.dma_semaphore, #tpu.memory_space<semaphore_mem>>) src(%arg8 : memref<96xf32, #tpu.memory_space<hbm>>) dst(%arg18 : memref<96xf32, #tpu.memory_space<vmem>>)
      tpu.yield
    }) : () -> ()
    %iota3A = tpu.iota {dimensions = array<i32: 0>} : vector<16xi32>
    %scan3A = arith.constant 0 : i32
    %scan3A_35 = arith.constant 0 : i32
    %scan3A_36 = arith.constant 32 : i32
    %scan3A_37 = arith.addi %scan3A_35, %scan3A_36 : i32
    %scan3A_38 = arith.constant 1 : i32
    scf.for %scan3A_150 = %scan3A_35 to %scan3A_37 step %scan3A_38  : i32 {
      %mul3A_151 = arith.constant 16 : i32
      %mul3A_152 = arith.muli %scan3A_150, %mul3A_151 : i32
      %get3A_153 = arith.index_cast %mul3A_152 : i32 to index
      %get3A_154 = tpu.vector_load %arg14[%get3A_153] {strides = array<i32>} : memref<512xi32, #tpu.memory_space<vmem>>, vector<16xi32>,
      %gather3A_155 = tpu.vector_load_idx %arg18[%get3A_154] : memref<96xf32, #tpu.memory_space<vmem>>[vector<16xi32>], vector<16xf32>,
      %mul3A_156 = arith.constant 16 : i32
      %mul3A_157 = arith.muli %scan3A_150, %mul3A_156 : i32
      %swap3A_158 = arith.index_cast %mul3A_157 : i32 to index
      %swap3A_159 = tpu.vector_load %arg16[%swap3A_158] {strides = array<i32>} : memref<512xf32, #tpu.memory_space<vmem>>, vector<16xf32>,
      tpu.vector_store %arg16[%swap3A_158], %gather3A_155 {strides = array<i32>} : memref<512xf32, #tpu.memory_space<vmem>>, vector<16xf32>,
    }
    %scan3A_39 = arith.constant 32 : i32
    %get3A = arith.constant 0 : index
    %get3A_40 = tpu.vector_load %arg17[%get3A] {strides = array<i32>} : memref<8192xi32, #tpu.memory_space<vmem>>, vector<16xi32>,
    %gather3A = tpu.vector_load_idx %arg14[%get3A_40] : memref<512xi32, #tpu.memory_space<vmem>>[vector<16xi32>], vector<16xi32>,
    %add3A_41 = arith.constant 0 : i32
    %add3A_42 = arith.addi %mul3A_32, %add3A_41 : i32
    %add3A_43 = arith.constant 0 : i32
    %add3A_44 = arith.addi %add3A_42, %add3A_43 : i32
    %broadcast_in_dim3A = vector.broadcast %add3A_44 : i32 to vector<16xi32>
    %gather3A_45 = tpu.vector_load_idx %arg14[%broadcast_in_dim3A] : memref<512xi32, #tpu.memory_space<vmem>>[vector<16xi32>], vector<16xi32>,
    %mul3A_46 = arith.constant 95 : i32
    %mul3A_47 = vector.broadcast %mul3A_46 : i32 to vector<16xi32>
    %mul3A_48 = arith.muli %gather3A_45, %mul3A_47 : vector<16xi32>
    %add3A_49 = arith.addi %mul3A_48, %gather3A : vector<16xi32>
    %swap3A = arith.constant 0 : index
    %swap3A_50 = tpu.vector_load %arg19[%swap3A] {strides = array<i32>} : memref<128xi32, #tpu.memory_space<vmem>>, vector<16xi32>,
    tpu.vector_store %arg19[%swap3A], %add3A_49 {strides = array<i32>} : memref<128xi32, #tpu.memory_space<vmem>>, vector<16xi32>,
    %get3A_51 = arith.constant 16 : index
    %get3A_52 = tpu.vector_load %arg17[%get3A_51] {strides = array<i32>} : memref<8192xi32, #tpu.memory_space<vmem>>, vector<16xi32>,
    %gather3A_53 = tpu.vector_load_idx %arg14[%get3A_52] : memref<512xi32, #tpu.memory_space<vmem>>[vector<16xi32>], vector<16xi32>,
    %mul3A_54 = arith.constant 95 : i32
    %mul3A_55 = vector.broadcast %mul3A_54 : i32 to vector<16xi32>
    %mul3A_56 = arith.muli %gather3A_45, %mul3A_55 : vector<16xi32>
    %add3A_57 = arith.addi %mul3A_56, %gather3A_53 : vector<16xi32>
    %swap3A_58 = arith.constant 16 : index
    %swap3A_59 = tpu.vector_load %arg19[%swap3A_58] {strides = array<i32>} : memref<128xi32, #tpu.memory_space<vmem>>, vector<16xi32>,
    tpu.vector_store %arg19[%swap3A_58], %add3A_57 {strides = array<i32>} : memref<128xi32, #tpu.memory_space<vmem>>, vector<16xi32>,
    %get3A_60 = arith.constant 32 : index
    %get3A_61 = tpu.vector_load %arg17[%get3A_60] {strides = array<i32>} : memref<8192xi32, #tpu.memory_space<vmem>>, vector<16xi32>,
    %gather3A_62 = tpu.vector_load_idx %arg14[%get3A_61] : memref<512xi32, #tpu.memory_space<vmem>>[vector<16xi32>], vector<16xi32>,
    %mul3A_63 = arith.constant 95 : i32
    %mul3A_64 = vector.broadcast %mul3A_63 : i32 to vector<16xi32>
    %mul3A_65 = arith.muli %gather3A_45, %mul3A_64 : vector<16xi32>
    %add3A_66 = arith.addi %mul3A_65, %gather3A_62 : vector<16xi32>
    %swap3A_67 = arith.constant 32 : index
    %swap3A_68 = tpu.vector_load %arg19[%swap3A_67] {strides = array<i32>} : memref<128xi32, #tpu.memory_space<vmem>>, vector<16xi32>,
    tpu.vector_store %arg19[%swap3A_67], %add3A_66 {strides = array<i32>} : memref<128xi32, #tpu.memory_space<vmem>>, vector<16xi32>,
    %get3A_69 = arith.constant 48 : index
    %get3A_70 = tpu.vector_load %arg17[%get3A_69] {strides = array<i32>} : memref<8192xi32, #tpu.memory_space<vmem>>, vector<16xi32>,
    %gather3A_71 = tpu.vector_load_idx %arg14[%get3A_70] : memref<512xi32, #tpu.memory_space<vmem>>[vector<16xi32>], vector<16xi32>,
    %mul3A_72 = arith.constant 95 : i32
    %mul3A_73 = vector.broadcast %mul3A_72 : i32 to vector<16xi32>
    %mul3A_74 = arith.muli %gather3A_45, %mul3A_73 : vector<16xi32>
    %add3A_75 = arith.addi %mul3A_74, %gather3A_71 : vector<16xi32>
    %swap3A_76 = arith.constant 48 : index
    %swap3A_77 = tpu.vector_load %arg19[%swap3A_76] {strides = array<i32>} : memref<128xi32, #tpu.memory_space<vmem>>, vector<16xi32>,
    tpu.vector_store %arg19[%swap3A_76], %add3A_75 {strides = array<i32>} : memref<128xi32, #tpu.memory_space<vmem>>, vector<16xi32>,
    %get3A_78 = arith.constant 64 : index
    %get3A_79 = tpu.vector_load %arg17[%get3A_78] {strides = array<i32>} : memref<8192xi32, #tpu.memory_space<vmem>>, vector<16xi32>,
    %gather3A_80 = tpu.vector_load_idx %arg14[%get3A_79] : memref<512xi32, #tpu.memory_space<vmem>>[vector<16xi32>], vector<16xi32>,
    %add3A_81 = arith.constant 0 : i32
    %add3A_82 = arith.addi %mul3A_32, %add3A_81 : i32
    %add3A_83 = arith.constant 1 : i32
    %add3A_84 = arith.addi %add3A_82, %add3A_83 : i32
    %broadcast_in_dim3A_85 = vector.broadcast %add3A_84 : i32 to vector<16xi32>
    %gather3A_86 = tpu.vector_load_idx %arg14[%broadcast_in_dim3A_85] : memref<512xi32, #tpu.memory_space<vmem>>[vector<16xi32>], vector<16xi32>,
    %mul3A_87 = arith.constant 95 : i32
    %mul3A_88 = vector.broadcast %mul3A_87 : i32 to vector<16xi32>
    %mul3A_89 = arith.muli %gather3A_86, %mul3A_88 : vector<16xi32>
    %add3A_90 = arith.addi %mul3A_89, %gather3A_80 : vector<16xi32>
    %swap3A_91 = arith.constant 64 : index
    %swap3A_92 = tpu.vector_load %arg19[%swap3A_91] {strides = array<i32>} : memref<128xi32, #tpu.memory_space<vmem>>, vector<16xi32>,
    tpu.vector_store %arg19[%swap3A_91], %add3A_90 {strides = array<i32>} : memref<128xi32, #tpu.memory_space<vmem>>, vector<16xi32>,
    %get3A_93 = arith.constant 80 : index
    %get3A_94 = tpu.vector_load %arg17[%get3A_93] {strides = array<i32>} : memref<8192xi32, #tpu.memory_space<vmem>>, vector<16xi32>,
    %gather3A_95 = tpu.vector_load_idx %arg14[%get3A_94] : memref<512xi32, #tpu.memory_space<vmem>>[vector<16xi32>], vector<16xi32>,
    %mul3A_96 = arith.constant 95 : i32
    %mul3A_97 = vector.broadcast %mul3A_96 : i32 to vector<16xi32>
    %mul3A_98 = arith.muli %gather3A_86, %mul3A_97 : vector<16xi32>
    %add3A_99 = arith.addi %mul3A_98, %gather3A_95 : vector<16xi32>
    %swap3A_100 = arith.constant 80 : index
    %swap3A_101 = tpu.vector_load %arg19[%swap3A_100] {strides = array<i32>} : memref<128xi32, #tpu.memory_space<vmem>>, vector<16xi32>,
    tpu.vector_store %arg19[%swap3A_100], %add3A_99 {strides = array<i32>} : memref<128xi32, #tpu.memory_space<vmem>>, vector<16xi32>,
    %get3A_102 = arith.constant 96 : index
    %get3A_103 = tpu.vector_load %arg17[%get3A_102] {strides = array<i32>} : memref<8192xi32, #tpu.memory_space<vmem>>, vector<16xi32>,
    %gather3A_104 = tpu.vector_load_idx %arg14[%get3A_103] : memref<512xi32, #tpu.memory_space<vmem>>[vector<16xi32>], vector<16xi32>,
    %mul3A_105 = arith.constant 95 : i32
    %mul3A_106 = vector.broadcast %mul3A_105 : i32 to vector<16xi32>
    %mul3A_107 = arith.muli %gather3A_86, %mul3A_106 : vector<16xi32>
    %add3A_108 = arith.addi %mul3A_107, %gather3A_104 : vector<16xi32>
    %swap3A_109 = arith.constant 96 : index
    %swap3A_110 = tpu.vector_load %arg19[%swap3A_109] {strides = array<i32>} : memref<128xi32, #tpu.memory_space<vmem>>, vector<16xi32>,
    tpu.vector_store %arg19[%swap3A_109], %add3A_108 {strides = array<i32>} : memref<128xi32, #tpu.memory_space<vmem>>, vector<16xi32>,
    %get3A_111 = arith.constant 112 : index
    %get3A_112 = tpu.vector_load %arg17[%get3A_111] {strides = array<i32>} : memref<8192xi32, #tpu.memory_space<vmem>>, vector<16xi32>,
    %gather3A_113 = tpu.vector_load_idx %arg14[%get3A_112] : memref<512xi32, #tpu.memory_space<vmem>>[vector<16xi32>], vector<16xi32>,
    %mul3A_114 = arith.constant 95 : i32
    %mul3A_115 = vector.broadcast %mul3A_114 : i32 to vector<16xi32>
    %mul3A_116 = arith.muli %gather3A_86, %mul3A_115 : vector<16xi32>
    %add3A_117 = arith.addi %mul3A_116, %gather3A_113 : vector<16xi32>
    %swap3A_118 = arith.constant 112 : index
    %swap3A_119 = tpu.vector_load %arg19[%swap3A_118] {strides = array<i32>} : memref<128xi32, #tpu.memory_space<vmem>>, vector<16xi32>,
    tpu.vector_store %arg19[%swap3A_118], %add3A_117 {strides = array<i32>} : memref<128xi32, #tpu.memory_space<vmem>>, vector<16xi32>,
    %dma_start3A = arith.constant 0 : i32
    %dma_start3A_120 = arith.constant 0 : i32
    %dma_start3A_121 = tpu.memref_slice %arg9[%dma_start3A, %dma_start3A_120] : memref<9025x128xf32, #tpu.memory_space<hbm>> -> memref<9025x128xf32, #tpu.memory_space<hbm>>
    tpu.enqueue_indirect_dma source(%dma_start3A_121 : memref<9025x128xf32, #tpu.memory_space<hbm>>) target(%arg21 : memref<128x128xf32, #tpu.memory_space<vmem>>) offsets(%arg19 : memref<128xi32, #tpu.memory_space<vmem>>) semaphore(%arg24 : memref<!tpu.dma_semaphore, #tpu.memory_space<semaphore_mem>>)
    %broadcast_in_dim3A_122 = arith.constant 0.000000e+00 : f32
    %broadcast_in_dim3A_123 = vector.broadcast %broadcast_in_dim3A_122 : f32 to vector<16xf32>
    %scan3A_124 = arith.constant 0 : i32
    %scan3A_125 = arith.constant 32 : i32
    %scan3A_126 = arith.addi %scan3A_124, %scan3A_125 : i32
    %scan3A_127 = arith.constant 1 : i32
    %scan3A_128 = scf.for %scan3A_150 = %scan3A_124 to %scan3A_126 step %scan3A_127 iter_args(%scan3A_151 = %broadcast_in_dim3A_123) -> (vector<16xf32>)  : i32 {
      %mul3A_152 = arith.constant 2 : i32
      %mul3A_153 = arith.muli %mul3A_152, %scan3A_150 : i32
      %add3A_154 = arith.constant 1 : i32
      %add3A_155 = arith.addi %mul3A_153, %add3A_154 : i32
      %mul3A_156 = arith.constant 128 : i32
      %mul3A_157 = arith.muli %add3A_155, %mul3A_156 : i32
      %add3A_158 = arith.constant 0 : i32
      %add3A_159 = arith.addi %mul3A_157, %add3A_158 : i32
      %get3A_160 = arith.index_cast %add3A_159 : i32 to index
      %get3A_161 = tpu.vector_load %arg17[%get3A_160] {strides = array<i32>} : memref<8192xi32, #tpu.memory_space<vmem>>, vector<16xi32>,
      %gather3A_162 = tpu.vector_load_idx %arg14[%get3A_161] : memref<512xi32, #tpu.memory_space<vmem>>[vector<16xi32>], vector<16xi32>,
      %mul3A_163 = arith.constant 2 : i32
      %mul3A_164 = arith.muli %add3A_155, %mul3A_163 : i32
      %add3A_165 = arith.addi %mul3A_32, %mul3A_164 : i32
      %add3A_166 = arith.constant 0 : i32
      %add3A_167 = arith.addi %add3A_165, %add3A_166 : i32
      %broadcast_in_dim3A_168 = vector.broadcast %add3A_167 : i32 to vector<16xi32>
      %gather3A_169 = tpu.vector_load_idx %arg14[%broadcast_in_dim3A_168] : memref<512xi32, #tpu.memory_space<vmem>>[vector<16xi32>], vector<16xi32>,
      %mul3A_170 = arith.constant 95 : i32
      %mul3A_171 = vector.broadcast %mul3A_170 : i32 to vector<16xi32>
      %mul3A_172 = arith.muli %gather3A_169, %mul3A_171 : vector<16xi32>
      %add3A_173 = arith.addi %mul3A_172, %gather3A_162 : vector<16xi32>
      %swap3A_174 = arith.constant 0 : index
      %swap3A_175 = tpu.vector_load %arg20[%swap3A_174] {strides = array<i32>} : memref<128xi32, #tpu.memory_space<vmem>>, vector<16xi32>,
      tpu.vector_store %arg20[%swap3A_174], %add3A_173 {strides = array<i32>} : memref<128xi32, #tpu.memory_space<vmem>>, vector<16xi32>,
      %add3A_176 = arith.constant 16 : i32
      %add3A_177 = arith.addi %mul3A_157, %add3A_176 : i32
      %get3A_178 = arith.index_cast %add3A_177 : i32 to index
      %get3A_179 = tpu.vector_load %arg17[%get3A_178] {strides = array<i32>} : memref<8192xi32, #tpu.memory_space<vmem>>, vector<16xi32>,
      %gather3A_180 = tpu.vector_load_idx %arg14[%get3A_179] : memref<512xi32, #tpu.memory_space<vmem>>[vector<16xi32>], vector<16xi32>,
      %mul3A_181 = arith.constant 95 : i32
      %mul3A_182 = vector.broadcast %mul3A_181 : i32 to vector<16xi32>
      %mul3A_183 = arith.muli %gather3A_169, %mul3A_182 : vector<16xi32>
      %add3A_184 = arith.addi %mul3A_183, %gather3A_180 : vector<16xi32>
      %swap3A_185 = arith.constant 16 : index
      %swap3A_186 = tpu.vector_load %arg20[%swap3A_185] {strides = array<i32>} : memref<128xi32, #tpu.memory_space<vmem>>, vector<16xi32>,
      tpu.vector_store %arg20[%swap3A_185], %add3A_184 {strides = array<i32>} : memref<128xi32, #tpu.memory_space<vmem>>, vector<16xi32>,
      %add3A_187 = arith.constant 32 : i32
      %add3A_188 = arith.addi %mul3A_157, %add3A_187 : i32
      %get3A_189 = arith.index_cast %add3A_188 : i32 to index
      %get3A_190 = tpu.vector_load %arg17[%get3A_189] {strides = array<i32>} : memref<8192xi32, #tpu.memory_space<vmem>>, vector<16xi32>,
      %gather3A_191 = tpu.vector_load_idx %arg14[%get3A_190] : memref<512xi32, #tpu.memory_space<vmem>>[vector<16xi32>], vector<16xi32>,
      %mul3A_192 = arith.constant 95 : i32
      %mul3A_193 = vector.broadcast %mul3A_192 : i32 to vector<16xi32>
      %mul3A_194 = arith.muli %gather3A_169, %mul3A_193 : vector<16xi32>
      %add3A_195 = arith.addi %mul3A_194, %gather3A_191 : vector<16xi32>
      %swap3A_196 = arith.constant 32 : index
      %swap3A_197 = tpu.vector_load %arg20[%swap3A_196] {strides = array<i32>} : memref<128xi32, #tpu.memory_space<vmem>>, vector<16xi32>,
      tpu.vector_store %arg20[%swap3A_196], %add3A_195 {strides = array<i32>} : memref<128xi32, #tpu.memory_space<vmem>>, vector<16xi32>,
      %add3A_198 = arith.constant 48 : i32
      %add3A_199 = arith.addi %mul3A_157, %add3A_198 : i32
      %get3A_200 = arith.index_cast %add3A_199 : i32 to index
      %get3A_201 = tpu.vector_load %arg17[%get3A_200] {strides = array<i32>} : memref<8192xi32, #tpu.memory_space<vmem>>, vector<16xi32>,
      %gather3A_202 = tpu.vector_load_idx %arg14[%get3A_201] : memref<512xi32, #tpu.memory_space<vmem>>[vector<16xi32>], vector<16xi32>,
      %mul3A_203 = arith.constant 95 : i32
      %mul3A_204 = vector.broadcast %mul3A_203 : i32 to vector<16xi32>
      %mul3A_205 = arith.muli %gather3A_169, %mul3A_204 : vector<16xi32>
      %add3A_206 = arith.addi %mul3A_205, %gather3A_202 : vector<16xi32>
      %swap3A_207 = arith.constant 48 : index
      %swap3A_208 = tpu.vector_load %arg20[%swap3A_207] {strides = array<i32>} : memref<128xi32, #tpu.memory_space<vmem>>, vector<16xi32>,
      tpu.vector_store %arg20[%swap3A_207], %add3A_206 {strides = array<i32>} : memref<128xi32, #tpu.memory_space<vmem>>, vector<16xi32>,
      %add3A_209 = arith.constant 64 : i32
      %add3A_210 = arith.addi %mul3A_157, %add3A_209 : i32
      %get3A_211 = arith.index_cast %add3A_210 : i32 to index
      %get3A_212 = tpu.vector_load %arg17[%get3A_211] {strides = array<i32>} : memref<8192xi32, #tpu.memory_space<vmem>>, vector<16xi32>,
      %gather3A_213 = tpu.vector_load_idx %arg14[%get3A_212] : memref<512xi32, #tpu.memory_space<vmem>>[vector<16xi32>], vector<16xi32>,
      %mul3A_214 = arith.constant 2 : i32
      %mul3A_215 = arith.muli %add3A_155, %mul3A_214 : i32
      %add3A_216 = arith.addi %mul3A_32, %mul3A_215 : i32
      %add3A_217 = arith.constant 1 : i32
      %add3A_218 = arith.addi %add3A_216, %add3A_217 : i32
      %broadcast_in_dim3A_219 = vector.broadcast %add3A_218 : i32 to vector<16xi32>
      %gather3A_220 = tpu.vector_load_idx %arg14[%broadcast_in_dim3A_219] : memref<512xi32, #tpu.memory_space<vmem>>[vector<16xi32>], vector<16xi32>,
      %mul3A_221 = arith.constant 95 : i32
      %mul3A_222 = vector.broadcast %mul3A_221 : i32 to vector<16xi32>
      %mul3A_223 = arith.muli %gather3A_220, %mul3A_222 : vector<16xi32>
      %add3A_224 = arith.addi %mul3A_223, %gather3A_213 : vector<16xi32>
      %swap3A_225 = arith.constant 64 : index
      %swap3A_226 = tpu.vector_load %arg20[%swap3A_225] {strides = array<i32>} : memref<128xi32, #tpu.memory_space<vmem>>, vector<16xi32>,
      tpu.vector_store %arg20[%swap3A_225], %add3A_224 {strides = array<i32>} : memref<128xi32, #tpu.memory_space<vmem>>, vector<16xi32>,
      %add3A_227 = arith.constant 80 : i32
      %add3A_228 = arith.addi %mul3A_157, %add3A_227 : i32
      %get3A_229 = arith.index_cast %add3A_228 : i32 to index
      %get3A_230 = tpu.vector_load %arg17[%get3A_229] {strides = array<i32>} : memref<8192xi32, #tpu.memory_space<vmem>>, vector<16xi32>,
      %gather3A_231 = tpu.vector_load_idx %arg14[%get3A_230] : memref<512xi32, #tpu.memory_space<vmem>>[vector<16xi32>], vector<16xi32>,
      %mul3A_232 = arith.constant 95 : i32
      %mul3A_233 = vector.broadcast %mul3A_232 : i32 to vector<16xi32>
      %mul3A_234 = arith.muli %gather3A_220, %mul3A_233 : vector<16xi32>
      %add3A_235 = arith.addi %mul3A_234, %gather3A_231 : vector<16xi32>
      %swap3A_236 = arith.constant 80 : index
      %swap3A_237 = tpu.vector_load %arg20[%swap3A_236] {strides = array<i32>} : memref<128xi32, #tpu.memory_space<vmem>>, vector<16xi32>,
      tpu.vector_store %arg20[%swap3A_236], %add3A_235 {strides = array<i32>} : memref<128xi32, #tpu.memory_space<vmem>>, vector<16xi32>,
      %add3A_238 = arith.constant 96 : i32
      %add3A_239 = arith.addi %mul3A_157, %add3A_238 : i32
      %get3A_240 = arith.index_cast %add3A_239 : i32 to index
      %get3A_241 = tpu.vector_load %arg17[%get3A_240] {strides = array<i32>} : memref<8192xi32, #tpu.memory_space<vmem>>, vector<16xi32>,
      %gather3A_242 = tpu.vector_load_idx %arg14[%get3A_241] : memref<512xi32, #tpu.memory_space<vmem>>[vector<16xi32>], vector<16xi32>,
      %mul3A_243 = arith.constant 95 : i32
      %mul3A_244 = vector.broadcast %mul3A_243 : i32 to vector<16xi32>
      %mul3A_245 = arith.muli %gather3A_220, %mul3A_244 : vector<16xi32>
      %add3A_246 = arith.addi %mul3A_245, %gather3A_242 : vector<16xi32>
      %swap3A_247 = arith.constant 96 : index
      %swap3A_248 = tpu.vector_load %arg20[%swap3A_247] {strides = array<i32>} : memref<128xi32, #tpu.memory_space<vmem>>, vector<16xi32>,
      tpu.vector_store %arg20[%swap3A_247], %add3A_246 {strides = array<i32>} : memref<128xi32, #tpu.memory_space<vmem>>, vector<16xi32>,
      %add3A_249 = arith.constant 112 : i32
      %add3A_250 = arith.addi %mul3A_157, %add3A_249 : i32
      %get3A_251 = arith.index_cast %add3A_250 : i32 to index
      %get3A_252 = tpu.vector_load %arg17[%get3A_251] {strides = array<i32>} : memref<8192xi32, #tpu.memory_space<vmem>>, vector<16xi32>,
      %gather3A_253 = tpu.vector_load_idx %arg14[%get3A_252] : memref<512xi32, #tpu.memory_space<vmem>>[vector<16xi32>], vector<16xi32>,
      %mul3A_254 = arith.constant 95 : i32
      %mul3A_255 = vector.broadcast %mul3A_254 : i32 to vector<16xi32>
      %mul3A_256 = arith.muli %gather3A_220, %mul3A_255 : vector<16xi32>
      %add3A_257 = arith.addi %mul3A_256, %gather3A_253 : vector<16xi32>
      %swap3A_258 = arith.constant 112 : index
      %swap3A_259 = tpu.vector_load %arg20[%swap3A_258] {strides = array<i32>} : memref<128xi32, #tpu.memory_space<vmem>>, vector<16xi32>,
      tpu.vector_store %arg20[%swap3A_258], %add3A_257 {strides = array<i32>} : memref<128xi32, #tpu.memory_space<vmem>>, vector<16xi32>,
      %dma_start3A_260 = arith.constant 0 : i32
      %dma_start3A_261 = arith.constant 0 : i32
      %dma_start3A_262 = tpu.memref_slice %arg9[%dma_start3A_260, %dma_start3A_261] : memref<9025x128xf32, #tpu.memory_space<hbm>> -> memref<9025x128xf32, #tpu.memory_space<hbm>>
      tpu.enqueue_indirect_dma source(%dma_start3A_262 : memref<9025x128xf32, #tpu.memory_space<hbm>>) target(%arg22 : memref<128x128xf32, #tpu.memory_space<vmem>>) offsets(%arg20 : memref<128xi32, #tpu.memory_space<vmem>>) semaphore(%arg25 : memref<!tpu.dma_semaphore, #tpu.memory_space<semaphore_mem>>)
      %dma_wait3A = arith.constant 0 : i32
      %dma_wait3A_263 = arith.constant 0 : i32
      %dma_wait3A_264 = tpu.memref_slice %arg9[%dma_wait3A, %dma_wait3A_263] : memref<9025x128xf32, #tpu.memory_space<hbm>> -> memref<9025x128xf32, #tpu.memory_space<hbm>>
      tpu.wait_indirect_dma semaphore(%arg24 : memref<!tpu.dma_semaphore, #tpu.memory_space<semaphore_mem>>) src(%dma_wait3A_264 : memref<9025x128xf32, #tpu.memory_space<hbm>>) dst(%arg21 : memref<128x128xf32, #tpu.memory_space<vmem>>)
      %mul3A_265 = arith.constant 128 : i32
      %mul3A_266 = arith.muli %mul3A_153, %mul3A_265 : i32
      %add3A_267 = arith.constant 0 : i32
      %add3A_268 = arith.addi %mul3A_266, %add3A_267 : i32
      %get3A_269 = arith.index_cast %add3A_268 : i32 to index
      %get3A_270 = tpu.vector_load %arg17[%get3A_269] {strides = array<i32>} : memref<8192xi32, #tpu.memory_space<vmem>>, vector<16xi32>,
      %mul3A_271 = arith.constant 2 : i32
      %mul3A_272 = arith.muli %mul3A_153, %mul3A_271 : i32
      %add3A_273 = arith.addi %mul3A_32, %mul3A_272 : i32
      %add3A_274 = arith.constant 0 : i32
      %add3A_275 = arith.addi %add3A_273, %add3A_274 : i32
      %broadcast_in_dim3A_276 = vector.broadcast %add3A_275 : i32 to vector<16xi32>
      %gather3A_277 = tpu.vector_load_idx %arg15[%broadcast_in_dim3A_276] : memref<512xf32, #tpu.memory_space<vmem>>[vector<16xi32>], vector<16xf32>,
      %gather3A_278 = tpu.vector_load_idx %arg11[%broadcast_in_dim3A_276] : memref<512xf32, #tpu.memory_space<vmem>>[vector<16xi32>], vector<16xf32>,
      %gather3A_279 = tpu.vector_load_idx %arg12[%broadcast_in_dim3A_276] : memref<512xf32, #tpu.memory_space<vmem>>[vector<16xi32>], vector<16xf32>,
      %gather3A_280 = tpu.vector_load_idx %arg13[%broadcast_in_dim3A_276] : memref<512xf32, #tpu.memory_space<vmem>>[vector<16xi32>], vector<16xf32>,
      %gather3A_281 = tpu.vector_load_idx %arg16[%broadcast_in_dim3A_276] : memref<512xf32, #tpu.memory_space<vmem>>[vector<16xi32>], vector<16xf32>,
      %gather3A_282 = tpu.vector_load_idx %arg15[%get3A_270] : memref<512xf32, #tpu.memory_space<vmem>>[vector<16xi32>], vector<16xf32>,
      %gather3A_283 = tpu.vector_load_idx %arg11[%get3A_270] : memref<512xf32, #tpu.memory_space<vmem>>[vector<16xi32>], vector<16xf32>,
      %gather3A_284 = tpu.vector_load_idx %arg12[%get3A_270] : memref<512xf32, #tpu.memory_space<vmem>>[vector<16xi32>], vector<16xf32>,
      %gather3A_285 = tpu.vector_load_idx %arg13[%get3A_270] : memref<512xf32, #tpu.memory_space<vmem>>[vector<16xi32>], vector<16xf32>,
      %gather3A_286 = tpu.vector_load_idx %arg16[%get3A_270] : memref<512xf32, #tpu.memory_space<vmem>>[vector<16xi32>], vector<16xf32>,
      %add3A_287 = arith.constant 0 : i32
      %add3A_288 = vector.broadcast %add3A_287 : i32 to vector<16xi32>
      %add3A_289 = arith.addi %add3A_288, %iota3A : vector<16xi32>
      %broadcast_in_dim3A_290 = arith.constant 0.000000e+00 : f32
      %broadcast_in_dim3A_291 = vector.broadcast %broadcast_in_dim3A_290 : f32 to vector<16xf32>
      %broadcast_in_dim3A_292 = arith.constant 0.000000e+00 : f32
      %broadcast_in_dim3A_293 = vector.broadcast %broadcast_in_dim3A_292 : f32 to vector<16xf32>
      %scan3A_294 = arith.constant 0 : i32
      %scan3A_295 = arith.constant 25 : i32
      %scan3A_296 = arith.addi %scan3A_294, %scan3A_295 : i32
      %scan3A_297 = arith.constant 1 : i32
      %scan3A_298:2 = scf.for %scan3A_2143 = %scan3A_294 to %scan3A_296 step %scan3A_297 iter_args(%scan3A_2144 = %broadcast_in_dim3A_291, %scan3A_2145 = %broadcast_in_dim3A_293) -> (vector<16xf32>, vector<16xf32>)  : i32 {
        %add3A_2146 = vector.broadcast %scan3A_2143 : i32 to vector<16xi32>
        %add3A_2147 = arith.addi %iota3A, %add3A_2146 : vector<16xi32>
        %ge3A_2148 = arith.constant 25 : i32
        %ge3A_2149 = vector.broadcast %ge3A_2148 : i32 to vector<16xi32>
        %ge3A_2150 = arith.cmpi sge, %add3A_2147, %ge3A_2149 : vector<16xi32>
        %sub3A_2151 = arith.constant 25 : i32
        %sub3A_2152 = vector.broadcast %sub3A_2151 : i32 to vector<16xi32>
        %sub3A_2153 = arith.subi %add3A_2147, %sub3A_2152 : vector<16xi32>
        %select_n3A_2154 = arith.select %ge3A_2150, %sub3A_2153, %add3A_2147 : vector<16xi1>, vector<16xi32>
        %gather3A_2155 = tpu.vector_load_idx %arg21[%add3A_289, %select_n3A_2154] : memref<128x128xf32, #tpu.memory_space<vmem>>[vector<16xi32>, vector<16xi32>], vector<16xf32>,
        %add3A_2156 = arith.constant 25 : i32
        %add3A_2157 = vector.broadcast %add3A_2156 : i32 to vector<16xi32>
        %add3A_2158 = arith.addi %select_n3A_2154, %add3A_2157 : vector<16xi32>
        %gather3A_2159 = tpu.vector_load_idx %arg21[%add3A_289, %add3A_2158] : memref<128x128xf32, #tpu.memory_space<vmem>>[vector<16xi32>, vector<16xi32>], vector<16xf32>,
        %add3A_2160 = arith.constant 50 : i32
        %add3A_2161 = vector.broadcast %add3A_2160 : i32 to vector<16xi32>
        %add3A_2162 = arith.addi %select_n3A_2154, %add3A_2161 : vector<16xi32>
        %gather3A_2163 = tpu.vector_load_idx %arg21[%add3A_289, %add3A_2162] : memref<128x128xf32, #tpu.memory_space<vmem>>[vector<16xi32>, vector<16xi32>], vector<16xf32>,
        %sub3A_2164 = arith.subf %gather3A_277, %gather3A_2159 : vector<16xf32>
        %sub3A_2165 = arith.subf %gather3A_282, %gather3A_2163 : vector<16xf32>
        %mul3A_2166 = arith.mulf %sub3A_2164, %sub3A_2164 : vector<16xf32>
        %mul3A_2167 = arith.mulf %sub3A_2165, %sub3A_2165 : vector<16xf32>
        %add3A_2168 = arith.addf %mul3A_2166, %mul3A_2167 : vector<16xf32>
        %mul3A_2169 = arith.constant -4.000000e+00 : f32
        %mul3A_2170 = vector.broadcast %mul3A_2169 : f32 to vector<16xf32>
        %mul3A_2171 = arith.mulf %mul3A_2170, %add3A_2168 : vector<16xf32>
        %exp3A = math.exp %mul3A_2171 : vector<16xf32>
        %add3A_2172 = arith.addf %scan3A_2144, %exp3A : vector<16xf32>
        %mul3A_2173 = arith.mulf %gather3A_2155, %exp3A : vector<16xf32>
        %add3A_2174 = arith.addf %scan3A_2145, %mul3A_2173 : vector<16xf32>
        scf.yield %add3A_2172, %add3A_2174 : vector<16xf32>, vector<16xf32>
      }
      %scan3A_299 = arith.constant 25 : i32
      %ne3A_300 = vector.broadcast %add3A_275 : i32 to vector<16xi32>
      %ne3A_301 = arith.cmpi ne, %get3A_270, %ne3A_300 : vector<16xi32>
      %ge3A = arith.constant 9.99999974E-6 : f32
      %ge3A_302 = vector.broadcast %ge3A : f32 to vector<16xf32>
      %ge3A_303 = arith.cmpf oge, %scan3A_298#0, %ge3A_302 : vector<16xf32>
      %and3A_304 = arith.andi %ne3A_301, %ge3A_303 : vector<16xi1>
      %jit3A_305 = arith.constant 0.000000e+00 : f32
      %broadcast_in_dim3A_306 = vector.broadcast %jit3A_305 : f32 to vector<16xf32>
      %select_n3A_307 = arith.select %and3A_304, %scan3A_298#1, %broadcast_in_dim3A_306 : vector<16xi1>, vector<16xf32>
      %max3A = arith.constant 9.99999974E-6 : f32
      %max3A_308 = vector.broadcast %max3A : f32 to vector<16xf32>
      %max3A_309 = arith.maximumf %scan3A_298#0, %max3A_308 : vector<16xf32>
      %div3A_310 = arith.divf %select_n3A_307, %max3A_309 : vector<16xf32>
      %sub3A_311 = arith.subf %gather3A_278, %gather3A_283 : vector<16xf32>
      %sub3A_312 = arith.subf %gather3A_279, %gather3A_284 : vector<16xf32>
      %sub3A_313 = arith.subf %gather3A_280, %gather3A_285 : vector<16xf32>
      %mul3A_314 = arith.mulf %sub3A_311, %sub3A_311 : vector<16xf32>
      %mul3A_315 = arith.mulf %sub3A_312, %sub3A_312 : vector<16xf32>
      %add3A_316 = arith.addf %mul3A_314, %mul3A_315 : vector<16xf32>
      %mul3A_317 = arith.mulf %sub3A_313, %sub3A_313 : vector<16xf32>
      %add3A_318 = arith.addf %add3A_316, %mul3A_317 : vector<16xf32>
      %max3A_319 = arith.constant 9.99999996E-13 : f32
      %max3A_320 = vector.broadcast %max3A_319 : f32 to vector<16xf32>
      %max3A_321 = arith.maximumf %add3A_318, %max3A_320 : vector<16xf32>
      %mul3A_322 = arith.constant 3.57106471 : f32
      %mul3A_323 = vector.broadcast %mul3A_322 : f32 to vector<16xf32>
      %mul3A_324 = arith.mulf %max3A_321, %mul3A_323 : vector<16xf32>
      %mul3A_325 = arith.mulf %mul3A_324, %mul3A_324 : vector<16xf32>
      %mul3A_326 = arith.mulf %mul3A_325, %mul3A_324 : vector<16xf32>
      %mul3A_327 = arith.mulf %mul3A_326, %mul3A_324 : vector<16xf32>
      %mul3A_328 = arith.constant 3.000000e+00 : f32
      %mul3A_329 = vector.broadcast %mul3A_328 : f32 to vector<16xf32>
      %mul3A_330 = arith.mulf %mul3A_329, %gather3A_281 : vector<16xf32>
      %mul3A_331 = arith.mulf %mul3A_330, %gather3A_286 : vector<16xf32>
      %bitcast_convert_type3A = tpu.bitcast %mul3A_331 : vector<16xf32> -> vector<16xi32>
      %shift_right_arithmetic3A = arith.constant 1 : i32
      %shift_right_arithmetic3A_332 = vector.broadcast %shift_right_arithmetic3A : i32 to vector<16xi32>
      %shift_right_arithmetic3A_333 = arith.shrsi %bitcast_convert_type3A, %shift_right_arithmetic3A_332 : vector<16xi32>
      %sub3A_334 = arith.constant 1597463007 : i32
      %sub3A_335 = vector.broadcast %sub3A_334 : i32 to vector<16xi32>
      %sub3A_336 = arith.subi %sub3A_335, %shift_right_arithmetic3A_333 : vector<16xi32>
      %bitcast_convert_type3A_337 = tpu.bitcast %sub3A_336 : vector<16xi32> -> vector<16xf32>
      %mul3A_338 = arith.constant 5.000000e-01 : f32
      %mul3A_339 = vector.broadcast %mul3A_338 : f32 to vector<16xf32>
      %mul3A_340 = arith.mulf %mul3A_339, %mul3A_331 : vector<16xf32>
      %mul3A_341 = arith.mulf %mul3A_340, %bitcast_convert_type3A_337 : vector<16xf32>
      %mul3A_342 = arith.mulf %mul3A_341, %bitcast_convert_type3A_337 : vector<16xf32>
      %sub3A_343 = arith.constant 1.500000e+00 : f32
      %sub3A_344 = vector.broadcast %sub3A_343 : f32 to vector<16xf32>
      %sub3A_345 = arith.subf %sub3A_344, %mul3A_342 : vector<16xf32>
      %mul3A_346 = arith.mulf %bitcast_convert_type3A_337, %sub3A_345 : vector<16xf32>
      %mul3A_347 = arith.constant 5.000000e-01 : f32
      %mul3A_348 = vector.broadcast %mul3A_347 : f32 to vector<16xf32>
      %mul3A_349 = arith.mulf %mul3A_348, %mul3A_331 : vector<16xf32>
      %mul3A_350 = arith.mulf %mul3A_349, %mul3A_346 : vector<16xf32>
      %mul3A_351 = arith.mulf %mul3A_350, %mul3A_346 : vector<16xf32>
      %sub3A_352 = arith.constant 1.500000e+00 : f32
      %sub3A_353 = vector.broadcast %sub3A_352 : f32 to vector<16xf32>
      %sub3A_354 = arith.subf %sub3A_353, %mul3A_351 : vector<16xf32>
      %mul3A_355 = arith.mulf %mul3A_346, %sub3A_354 : vector<16xf32>
      %mul3A_356 = arith.constant 5.000000e-01 : f32
      %mul3A_357 = vector.broadcast %mul3A_356 : f32 to vector<16xf32>
      %mul3A_358 = arith.mulf %mul3A_357, %mul3A_331 : vector<16xf32>
      %mul3A_359 = arith.mulf %mul3A_358, %mul3A_355 : vector<16xf32>
      %mul3A_360 = arith.mulf %mul3A_359, %mul3A_355 : vector<16xf32>
      %sub3A_361 = arith.constant 1.500000e+00 : f32
      %sub3A_362 = vector.broadcast %sub3A_361 : f32 to vector<16xf32>
      %sub3A_363 = arith.subf %sub3A_362, %mul3A_360 : vector<16xf32>
      %mul3A_364 = arith.mulf %mul3A_355, %sub3A_363 : vector<16xf32>
      %mul3A_365 = arith.mulf %mul3A_331, %mul3A_364 : vector<16xf32>
      %mul3A_366 = arith.constant 4.289000e-01 : f32
      %mul3A_367 = vector.broadcast %mul3A_366 : f32 to vector<16xf32>
      %mul3A_368 = arith.mulf %mul3A_367, %mul3A_365 : vector<16xf32>
      %add3A_369 = arith.constant 4.440700e+00 : f32
      %add3A_370 = vector.broadcast %add3A_369 : f32 to vector<16xf32>
      %add3A_371 = arith.addf %mul3A_368, %add3A_370 : vector<16xf32>
      %mul3A_372 = arith.mulf %add3A_371, %add3A_371 : vector<16xf32>
      %mul3A_373 = arith.mulf %mul3A_372, %mul3A_372 : vector<16xf32>
      %mul3A_374 = arith.mulf %mul3A_373, %mul3A_372 : vector<16xf32>
      %mul3A_375 = arith.mulf %mul3A_374, %mul3A_372 : vector<16xf32>
      %add3A_376 = arith.addf %mul3A_326, %mul3A_374 : vector<16xf32>
      %div3A_377 = arith.constant 1.000000e+00 : f32
      %div3A_378 = vector.broadcast %div3A_377 : f32 to vector<16xf32>
      %div3A_379 = arith.divf %div3A_378, %add3A_376 : vector<16xf32>
      %mul3A_380 = arith.constant 7.875000e-01 : f32
      %mul3A_381 = vector.broadcast %mul3A_380 : f32 to vector<16xf32>
      %mul3A_382 = arith.mulf %mul3A_381, %mul3A_331 : vector<16xf32>
      %add3A_383 = arith.addf %mul3A_327, %mul3A_375 : vector<16xf32>
      %div3A_384 = arith.divf %mul3A_382, %add3A_383 : vector<16xf32>
      %add3A_385 = arith.addf %div3A_379, %div3A_384 : vector<16xf32>
      %mul3A_386 = arith.mulf %div3A_310, %add3A_385 : vector<16xf32>
      %add3A_387 = arith.addf %scan3A_151, %mul3A_386 : vector<16xf32>
      %add3A_388 = arith.constant 16 : i32
      %add3A_389 = arith.addi %mul3A_266, %add3A_388 : i32
      %get3A_390 = arith.index_cast %add3A_389 : i32 to index
      %get3A_391 = tpu.vector_load %arg17[%get3A_390] {strides = array<i32>} : memref<8192xi32, #tpu.memory_space<vmem>>, vector<16xi32>,
      %gather3A_392 = tpu.vector_load_idx %arg15[%get3A_391] : memref<512xf32, #tpu.memory_space<vmem>>[vector<16xi32>], vector<16xf32>,
      %gather3A_393 = tpu.vector_load_idx %arg11[%get3A_391] : memref<512xf32, #tpu.memory_space<vmem>>[vector<16xi32>], vector<16xf32>,
      %gather3A_394 = tpu.vector_load_idx %arg12[%get3A_391] : memref<512xf32, #tpu.memory_space<vmem>>[vector<16xi32>], vector<16xf32>,
      %gather3A_395 = tpu.vector_load_idx %arg13[%get3A_391] : memref<512xf32, #tpu.memory_space<vmem>>[vector<16xi32>], vector<16xf32>,
      %gather3A_396 = tpu.vector_load_idx %arg16[%get3A_391] : memref<512xf32, #tpu.memory_space<vmem>>[vector<16xi32>], vector<16xf32>,
      %add3A_397 = arith.constant 16 : i32
      %add3A_398 = vector.broadcast %add3A_397 : i32 to vector<16xi32>
      %add3A_399 = arith.addi %add3A_398, %iota3A : vector<16xi32>
      %broadcast_in_dim3A_400 = arith.constant 0.000000e+00 : f32
      %broadcast_in_dim3A_401 = vector.broadcast %broadcast_in_dim3A_400 : f32 to vector<16xf32>
      %broadcast_in_dim3A_402 = arith.constant 0.000000e+00 : f32
      %broadcast_in_dim3A_403 = vector.broadcast %broadcast_in_dim3A_402 : f32 to vector<16xf32>
      %scan3A_404 = arith.constant 0 : i32
      %scan3A_405 = arith.constant 25 : i32
      %scan3A_406 = arith.addi %scan3A_404, %scan3A_405 : i32
      %scan3A_407 = arith.constant 1 : i32
      %scan3A_408:2 = scf.for %scan3A_2143 = %scan3A_404 to %scan3A_406 step %scan3A_407 iter_args(%scan3A_2144 = %broadcast_in_dim3A_401, %scan3A_2145 = %broadcast_in_dim3A_403) -> (vector<16xf32>, vector<16xf32>)  : i32 {
        %add3A_2146 = vector.broadcast %scan3A_2143 : i32 to vector<16xi32>
        %add3A_2147 = arith.addi %iota3A, %add3A_2146 : vector<16xi32>
        %ge3A_2148 = arith.constant 25 : i32
        %ge3A_2149 = vector.broadcast %ge3A_2148 : i32 to vector<16xi32>
        %ge3A_2150 = arith.cmpi sge, %add3A_2147, %ge3A_2149 : vector<16xi32>
        %sub3A_2151 = arith.constant 25 : i32
        %sub3A_2152 = vector.broadcast %sub3A_2151 : i32 to vector<16xi32>
        %sub3A_2153 = arith.subi %add3A_2147, %sub3A_2152 : vector<16xi32>
        %select_n3A_2154 = arith.select %ge3A_2150, %sub3A_2153, %add3A_2147 : vector<16xi1>, vector<16xi32>
        %gather3A_2155 = tpu.vector_load_idx %arg21[%add3A_399, %select_n3A_2154] : memref<128x128xf32, #tpu.memory_space<vmem>>[vector<16xi32>, vector<16xi32>], vector<16xf32>,
        %add3A_2156 = arith.constant 25 : i32
        %add3A_2157 = vector.broadcast %add3A_2156 : i32 to vector<16xi32>
        %add3A_2158 = arith.addi %select_n3A_2154, %add3A_2157 : vector<16xi32>
        %gather3A_2159 = tpu.vector_load_idx %arg21[%add3A_399, %add3A_2158] : memref<128x128xf32, #tpu.memory_space<vmem>>[vector<16xi32>, vector<16xi32>], vector<16xf32>,
        %add3A_2160 = arith.constant 50 : i32
        %add3A_2161 = vector.broadcast %add3A_2160 : i32 to vector<16xi32>
        %add3A_2162 = arith.addi %select_n3A_2154, %add3A_2161 : vector<16xi32>
        %gather3A_2163 = tpu.vector_load_idx %arg21[%add3A_399, %add3A_2162] : memref<128x128xf32, #tpu.memory_space<vmem>>[vector<16xi32>, vector<16xi32>], vector<16xf32>,
        %sub3A_2164 = arith.subf %gather3A_277, %gather3A_2159 : vector<16xf32>
        %sub3A_2165 = arith.subf %gather3A_392, %gather3A_2163 : vector<16xf32>
        %mul3A_2166 = arith.mulf %sub3A_2164, %sub3A_2164 : vector<16xf32>
        %mul3A_2167 = arith.mulf %sub3A_2165, %sub3A_2165 : vector<16xf32>
        %add3A_2168 = arith.addf %mul3A_2166, %mul3A_2167 : vector<16xf32>
        %mul3A_2169 = arith.constant -4.000000e+00 : f32
        %mul3A_2170 = vector.broadcast %mul3A_2169 : f32 to vector<16xf32>
        %mul3A_2171 = arith.mulf %mul3A_2170, %add3A_2168 : vector<16xf32>
        %exp3A = math.exp %mul3A_2171 : vector<16xf32>
        %add3A_2172 = arith.addf %scan3A_2144, %exp3A : vector<16xf32>
        %mul3A_2173 = arith.mulf %gather3A_2155, %exp3A : vector<16xf32>
        %add3A_2174 = arith.addf %scan3A_2145, %mul3A_2173 : vector<16xf32>
        scf.yield %add3A_2172, %add3A_2174 : vector<16xf32>, vector<16xf32>
      }
      %scan3A_409 = arith.constant 25 : i32
      %ne3A_410 = vector.broadcast %add3A_275 : i32 to vector<16xi32>
      %ne3A_411 = arith.cmpi ne, %get3A_391, %ne3A_410 : vector<16xi32>
      %ge3A_412 = arith.constant 9.99999974E-6 : f32
      %ge3A_413 = vector.broadcast %ge3A_412 : f32 to vector<16xf32>
      %ge3A_414 = arith.cmpf oge, %scan3A_408#0, %ge3A_413 : vector<16xf32>
      %and3A_415 = arith.andi %ne3A_411, %ge3A_414 : vector<16xi1>
      %jit3A_416 = arith.constant 0.000000e+00 : f32
      %broadcast_in_dim3A_417 = vector.broadcast %jit3A_416 : f32 to vector<16xf32>
      %select_n3A_418 = arith.select %and3A_415, %scan3A_408#1, %broadcast_in_dim3A_417 : vector<16xi1>, vector<16xf32>
      %max3A_419 = arith.constant 9.99999974E-6 : f32
      %max3A_420 = vector.broadcast %max3A_419 : f32 to vector<16xf32>
      %max3A_421 = arith.maximumf %scan3A_408#0, %max3A_420 : vector<16xf32>
      %div3A_422 = arith.divf %select_n3A_418, %max3A_421 : vector<16xf32>
      %sub3A_423 = arith.subf %gather3A_278, %gather3A_393 : vector<16xf32>
      %sub3A_424 = arith.subf %gather3A_279, %gather3A_394 : vector<16xf32>
      %sub3A_425 = arith.subf %gather3A_280, %gather3A_395 : vector<16xf32>
      %mul3A_426 = arith.mulf %sub3A_423, %sub3A_423 : vector<16xf32>
      %mul3A_427 = arith.mulf %sub3A_424, %sub3A_424 : vector<16xf32>
      %add3A_428 = arith.addf %mul3A_426, %mul3A_427 : vector<16xf32>
      %mul3A_429 = arith.mulf %sub3A_425, %sub3A_425 : vector<16xf32>
      %add3A_430 = arith.addf %add3A_428, %mul3A_429 : vector<16xf32>
      %max3A_431 = arith.constant 9.99999996E-13 : f32
      %max3A_432 = vector.broadcast %max3A_431 : f32 to vector<16xf32>
      %max3A_433 = arith.maximumf %add3A_430, %max3A_432 : vector<16xf32>
      %mul3A_434 = arith.constant 3.57106471 : f32
      %mul3A_435 = vector.broadcast %mul3A_434 : f32 to vector<16xf32>
      %mul3A_436 = arith.mulf %max3A_433, %mul3A_435 : vector<16xf32>
      %mul3A_437 = arith.mulf %mul3A_436, %mul3A_436 : vector<16xf32>
      %mul3A_438 = arith.mulf %mul3A_437, %mul3A_436 : vector<16xf32>
      %mul3A_439 = arith.mulf %mul3A_438, %mul3A_436 : vector<16xf32>
      %mul3A_440 = arith.constant 3.000000e+00 : f32
      %mul3A_441 = vector.broadcast %mul3A_440 : f32 to vector<16xf32>
      %mul3A_442 = arith.mulf %mul3A_441, %gather3A_281 : vector<16xf32>
      %mul3A_443 = arith.mulf %mul3A_442, %gather3A_396 : vector<16xf32>
      %bitcast_convert_type3A_444 = tpu.bitcast %mul3A_443 : vector<16xf32> -> vector<16xi32>
      %shift_right_arithmetic3A_445 = arith.constant 1 : i32
      %shift_right_arithmetic3A_446 = vector.broadcast %shift_right_arithmetic3A_445 : i32 to vector<16xi32>
      %shift_right_arithmetic3A_447 = arith.shrsi %bitcast_convert_type3A_444, %shift_right_arithmetic3A_446 : vector<16xi32>
      %sub3A_448 = arith.constant 1597463007 : i32
      %sub3A_449 = vector.broadcast %sub3A_448 : i32 to vector<16xi32>
      %sub3A_450 = arith.subi %sub3A_449, %shift_right_arithmetic3A_447 : vector<16xi32>
      %bitcast_convert_type3A_451 = tpu.bitcast %sub3A_450 : vector<16xi32> -> vector<16xf32>
      %mul3A_452 = arith.constant 5.000000e-01 : f32
      %mul3A_453 = vector.broadcast %mul3A_452 : f32 to vector<16xf32>
      %mul3A_454 = arith.mulf %mul3A_453, %mul3A_443 : vector<16xf32>
      %mul3A_455 = arith.mulf %mul3A_454, %bitcast_convert_type3A_451 : vector<16xf32>
      %mul3A_456 = arith.mulf %mul3A_455, %bitcast_convert_type3A_451 : vector<16xf32>
      %sub3A_457 = arith.constant 1.500000e+00 : f32
      %sub3A_458 = vector.broadcast %sub3A_457 : f32 to vector<16xf32>
      %sub3A_459 = arith.subf %sub3A_458, %mul3A_456 : vector<16xf32>
      %mul3A_460 = arith.mulf %bitcast_convert_type3A_451, %sub3A_459 : vector<16xf32>
      %mul3A_461 = arith.constant 5.000000e-01 : f32
      %mul3A_462 = vector.broadcast %mul3A_461 : f32 to vector<16xf32>
      %mul3A_463 = arith.mulf %mul3A_462, %mul3A_443 : vector<16xf32>
      %mul3A_464 = arith.mulf %mul3A_463, %mul3A_460 : vector<16xf32>
      %mul3A_465 = arith.mulf %mul3A_464, %mul3A_460 : vector<16xf32>
      %sub3A_466 = arith.constant 1.500000e+00 : f32
      %sub3A_467 = vector.broadcast %sub3A_466 : f32 to vector<16xf32>
      %sub3A_468 = arith.subf %sub3A_467, %mul3A_465 : vector<16xf32>
      %mul3A_469 = arith.mulf %mul3A_460, %sub3A_468 : vector<16xf32>
      %mul3A_470 = arith.constant 5.000000e-01 : f32
      %mul3A_471 = vector.broadcast %mul3A_470 : f32 to vector<16xf32>
      %mul3A_472 = arith.mulf %mul3A_471, %mul3A_443 : vector<16xf32>
      %mul3A_473 = arith.mulf %mul3A_472, %mul3A_469 : vector<16xf32>
      %mul3A_474 = arith.mulf %mul3A_473, %mul3A_469 : vector<16xf32>
      %sub3A_475 = arith.constant 1.500000e+00 : f32
      %sub3A_476 = vector.broadcast %sub3A_475 : f32 to vector<16xf32>
      %sub3A_477 = arith.subf %sub3A_476, %mul3A_474 : vector<16xf32>
      %mul3A_478 = arith.mulf %mul3A_469, %sub3A_477 : vector<16xf32>
      %mul3A_479 = arith.mulf %mul3A_443, %mul3A_478 : vector<16xf32>
      %mul3A_480 = arith.constant 4.289000e-01 : f32
      %mul3A_481 = vector.broadcast %mul3A_480 : f32 to vector<16xf32>
      %mul3A_482 = arith.mulf %mul3A_481, %mul3A_479 : vector<16xf32>
      %add3A_483 = arith.constant 4.440700e+00 : f32
      %add3A_484 = vector.broadcast %add3A_483 : f32 to vector<16xf32>
      %add3A_485 = arith.addf %mul3A_482, %add3A_484 : vector<16xf32>
      %mul3A_486 = arith.mulf %add3A_485, %add3A_485 : vector<16xf32>
      %mul3A_487 = arith.mulf %mul3A_486, %mul3A_486 : vector<16xf32>
      %mul3A_488 = arith.mulf %mul3A_487, %mul3A_486 : vector<16xf32>
      %mul3A_489 = arith.mulf %mul3A_488, %mul3A_486 : vector<16xf32>
      %add3A_490 = arith.addf %mul3A_438, %mul3A_488 : vector<16xf32>
      %div3A_491 = arith.constant 1.000000e+00 : f32
      %div3A_492 = vector.broadcast %div3A_491 : f32 to vector<16xf32>
      %div3A_493 = arith.divf %div3A_492, %add3A_490 : vector<16xf32>
      %mul3A_494 = arith.constant 7.875000e-01 : f32
      %mul3A_495 = vector.broadcast %mul3A_494 : f32 to vector<16xf32>
      %mul3A_496 = arith.mulf %mul3A_495, %mul3A_443 : vector<16xf32>
      %add3A_497 = arith.addf %mul3A_439, %mul3A_489 : vector<16xf32>
      %div3A_498 = arith.divf %mul3A_496, %add3A_497 : vector<16xf32>
      %add3A_499 = arith.addf %div3A_493, %div3A_498 : vector<16xf32>
      %mul3A_500 = arith.mulf %div3A_422, %add3A_499 : vector<16xf32>
      %add3A_501 = arith.addf %add3A_387, %mul3A_500 : vector<16xf32>
      %add3A_502 = arith.constant 32 : i32
      %add3A_503 = arith.addi %mul3A_266, %add3A_502 : i32
      %get3A_504 = arith.index_cast %add3A_503 : i32 to index
      %get3A_505 = tpu.vector_load %arg17[%get3A_504] {strides = array<i32>} : memref<8192xi32, #tpu.memory_space<vmem>>, vector<16xi32>,
      %gather3A_506 = tpu.vector_load_idx %arg15[%get3A_505] : memref<512xf32, #tpu.memory_space<vmem>>[vector<16xi32>], vector<16xf32>,
      %gather3A_507 = tpu.vector_load_idx %arg11[%get3A_505] : memref<512xf32, #tpu.memory_space<vmem>>[vector<16xi32>], vector<16xf32>,
      %gather3A_508 = tpu.vector_load_idx %arg12[%get3A_505] : memref<512xf32, #tpu.memory_space<vmem>>[vector<16xi32>], vector<16xf32>,
      %gather3A_509 = tpu.vector_load_idx %arg13[%get3A_505] : memref<512xf32, #tpu.memory_space<vmem>>[vector<16xi32>], vector<16xf32>,
      %gather3A_510 = tpu.vector_load_idx %arg16[%get3A_505] : memref<512xf32, #tpu.memory_space<vmem>>[vector<16xi32>], vector<16xf32>,
      %add3A_511 = arith.constant 32 : i32
      %add3A_512 = vector.broadcast %add3A_511 : i32 to vector<16xi32>
      %add3A_513 = arith.addi %add3A_512, %iota3A : vector<16xi32>
      %broadcast_in_dim3A_514 = arith.constant 0.000000e+00 : f32
      %broadcast_in_dim3A_515 = vector.broadcast %broadcast_in_dim3A_514 : f32 to vector<16xf32>
      %broadcast_in_dim3A_516 = arith.constant 0.000000e+00 : f32
      %broadcast_in_dim3A_517 = vector.broadcast %broadcast_in_dim3A_516 : f32 to vector<16xf32>
      %scan3A_518 = arith.constant 0 : i32
      %scan3A_519 = arith.constant 25 : i32
      %scan3A_520 = arith.addi %scan3A_518, %scan3A_519 : i32
      %scan3A_521 = arith.constant 1 : i32
      %scan3A_522:2 = scf.for %scan3A_2143 = %scan3A_518 to %scan3A_520 step %scan3A_521 iter_args(%scan3A_2144 = %broadcast_in_dim3A_515, %scan3A_2145 = %broadcast_in_dim3A_517) -> (vector<16xf32>, vector<16xf32>)  : i32 {
        %add3A_2146 = vector.broadcast %scan3A_2143 : i32 to vector<16xi32>
        %add3A_2147 = arith.addi %iota3A, %add3A_2146 : vector<16xi32>
        %ge3A_2148 = arith.constant 25 : i32
        %ge3A_2149 = vector.broadcast %ge3A_2148 : i32 to vector<16xi32>
        %ge3A_2150 = arith.cmpi sge, %add3A_2147, %ge3A_2149 : vector<16xi32>
        %sub3A_2151 = arith.constant 25 : i32
        %sub3A_2152 = vector.broadcast %sub3A_2151 : i32 to vector<16xi32>
        %sub3A_2153 = arith.subi %add3A_2147, %sub3A_2152 : vector<16xi32>
        %select_n3A_2154 = arith.select %ge3A_2150, %sub3A_2153, %add3A_2147 : vector<16xi1>, vector<16xi32>
        %gather3A_2155 = tpu.vector_load_idx %arg21[%add3A_513, %select_n3A_2154] : memref<128x128xf32, #tpu.memory_space<vmem>>[vector<16xi32>, vector<16xi32>], vector<16xf32>,
        %add3A_2156 = arith.constant 25 : i32
        %add3A_2157 = vector.broadcast %add3A_2156 : i32 to vector<16xi32>
        %add3A_2158 = arith.addi %select_n3A_2154, %add3A_2157 : vector<16xi32>
        %gather3A_2159 = tpu.vector_load_idx %arg21[%add3A_513, %add3A_2158] : memref<128x128xf32, #tpu.memory_space<vmem>>[vector<16xi32>, vector<16xi32>], vector<16xf32>,
        %add3A_2160 = arith.constant 50 : i32
        %add3A_2161 = vector.broadcast %add3A_2160 : i32 to vector<16xi32>
        %add3A_2162 = arith.addi %select_n3A_2154, %add3A_2161 : vector<16xi32>
        %gather3A_2163 = tpu.vector_load_idx %arg21[%add3A_513, %add3A_2162] : memref<128x128xf32, #tpu.memory_space<vmem>>[vector<16xi32>, vector<16xi32>], vector<16xf32>,
        %sub3A_2164 = arith.subf %gather3A_277, %gather3A_2159 : vector<16xf32>
        %sub3A_2165 = arith.subf %gather3A_506, %gather3A_2163 : vector<16xf32>
        %mul3A_2166 = arith.mulf %sub3A_2164, %sub3A_2164 : vector<16xf32>
        %mul3A_2167 = arith.mulf %sub3A_2165, %sub3A_2165 : vector<16xf32>
        %add3A_2168 = arith.addf %mul3A_2166, %mul3A_2167 : vector<16xf32>
        %mul3A_2169 = arith.constant -4.000000e+00 : f32
        %mul3A_2170 = vector.broadcast %mul3A_2169 : f32 to vector<16xf32>
        %mul3A_2171 = arith.mulf %mul3A_2170, %add3A_2168 : vector<16xf32>
        %exp3A = math.exp %mul3A_2171 : vector<16xf32>
        %add3A_2172 = arith.addf %scan3A_2144, %exp3A : vector<16xf32>
        %mul3A_2173 = arith.mulf %gather3A_2155, %exp3A : vector<16xf32>
        %add3A_2174 = arith.addf %scan3A_2145, %mul3A_2173 : vector<16xf32>
        scf.yield %add3A_2172, %add3A_2174 : vector<16xf32>, vector<16xf32>
      }
      %scan3A_523 = arith.constant 25 : i32
      %ne3A_524 = vector.broadcast %add3A_275 : i32 to vector<16xi32>
      %ne3A_525 = arith.cmpi ne, %get3A_505, %ne3A_524 : vector<16xi32>
      %ge3A_526 = arith.constant 9.99999974E-6 : f32
      %ge3A_527 = vector.broadcast %ge3A_526 : f32 to vector<16xf32>
      %ge3A_528 = arith.cmpf oge, %scan3A_522#0, %ge3A_527 : vector<16xf32>
      %and3A_529 = arith.andi %ne3A_525, %ge3A_528 : vector<16xi1>
      %jit3A_530 = arith.constant 0.000000e+00 : f32
      %broadcast_in_dim3A_531 = vector.broadcast %jit3A_530 : f32 to vector<16xf32>
      %select_n3A_532 = arith.select %and3A_529, %scan3A_522#1, %broadcast_in_dim3A_531 : vector<16xi1>, vector<16xf32>
      %max3A_533 = arith.constant 9.99999974E-6 : f32
      %max3A_534 = vector.broadcast %max3A_533 : f32 to vector<16xf32>
      %max3A_535 = arith.maximumf %scan3A_522#0, %max3A_534 : vector<16xf32>
      %div3A_536 = arith.divf %select_n3A_532, %max3A_535 : vector<16xf32>
      %sub3A_537 = arith.subf %gather3A_278, %gather3A_507 : vector<16xf32>
      %sub3A_538 = arith.subf %gather3A_279, %gather3A_508 : vector<16xf32>
      %sub3A_539 = arith.subf %gather3A_280, %gather3A_509 : vector<16xf32>
      %mul3A_540 = arith.mulf %sub3A_537, %sub3A_537 : vector<16xf32>
      %mul3A_541 = arith.mulf %sub3A_538, %sub3A_538 : vector<16xf32>
      %add3A_542 = arith.addf %mul3A_540, %mul3A_541 : vector<16xf32>
      %mul3A_543 = arith.mulf %sub3A_539, %sub3A_539 : vector<16xf32>
      %add3A_544 = arith.addf %add3A_542, %mul3A_543 : vector<16xf32>
      %max3A_545 = arith.constant 9.99999996E-13 : f32
      %max3A_546 = vector.broadcast %max3A_545 : f32 to vector<16xf32>
      %max3A_547 = arith.maximumf %add3A_544, %max3A_546 : vector<16xf32>
      %mul3A_548 = arith.constant 3.57106471 : f32
      %mul3A_549 = vector.broadcast %mul3A_548 : f32 to vector<16xf32>
      %mul3A_550 = arith.mulf %max3A_547, %mul3A_549 : vector<16xf32>
      %mul3A_551 = arith.mulf %mul3A_550, %mul3A_550 : vector<16xf32>
      %mul3A_552 = arith.mulf %mul3A_551, %mul3A_550 : vector<16xf32>
      %mul3A_553 = arith.mulf %mul3A_552, %mul3A_550 : vector<16xf32>
      %mul3A_554 = arith.constant 3.000000e+00 : f32
      %mul3A_555 = vector.broadcast %mul3A_554 : f32 to vector<16xf32>
      %mul3A_556 = arith.mulf %mul3A_555, %gather3A_281 : vector<16xf32>
      %mul3A_557 = arith.mulf %mul3A_556, %gather3A_510 : vector<16xf32>
      %bitcast_convert_type3A_558 = tpu.bitcast %mul3A_557 : vector<16xf32> -> vector<16xi32>
      %shift_right_arithmetic3A_559 = arith.constant 1 : i32
      %shift_right_arithmetic3A_560 = vector.broadcast %shift_right_arithmetic3A_559 : i32 to vector<16xi32>
      %shift_right_arithmetic3A_561 = arith.shrsi %bitcast_convert_type3A_558, %shift_right_arithmetic3A_560 : vector<16xi32>
      %sub3A_562 = arith.constant 1597463007 : i32
      %sub3A_563 = vector.broadcast %sub3A_562 : i32 to vector<16xi32>
      %sub3A_564 = arith.subi %sub3A_563, %shift_right_arithmetic3A_561 : vector<16xi32>
      %bitcast_convert_type3A_565 = tpu.bitcast %sub3A_564 : vector<16xi32> -> vector<16xf32>
      %mul3A_566 = arith.constant 5.000000e-01 : f32
      %mul3A_567 = vector.broadcast %mul3A_566 : f32 to vector<16xf32>
      %mul3A_568 = arith.mulf %mul3A_567, %mul3A_557 : vector<16xf32>
      %mul3A_569 = arith.mulf %mul3A_568, %bitcast_convert_type3A_565 : vector<16xf32>
      %mul3A_570 = arith.mulf %mul3A_569, %bitcast_convert_type3A_565 : vector<16xf32>
      %sub3A_571 = arith.constant 1.500000e+00 : f32
      %sub3A_572 = vector.broadcast %sub3A_571 : f32 to vector<16xf32>
      %sub3A_573 = arith.subf %sub3A_572, %mul3A_570 : vector<16xf32>
      %mul3A_574 = arith.mulf %bitcast_convert_type3A_565, %sub3A_573 : vector<16xf32>
      %mul3A_575 = arith.constant 5.000000e-01 : f32
      %mul3A_576 = vector.broadcast %mul3A_575 : f32 to vector<16xf32>
      %mul3A_577 = arith.mulf %mul3A_576, %mul3A_557 : vector<16xf32>
      %mul3A_578 = arith.mulf %mul3A_577, %mul3A_574 : vector<16xf32>
      %mul3A_579 = arith.mulf %mul3A_578, %mul3A_574 : vector<16xf32>
      %sub3A_580 = arith.constant 1.500000e+00 : f32
      %sub3A_581 = vector.broadcast %sub3A_580 : f32 to vector<16xf32>
      %sub3A_582 = arith.subf %sub3A_581, %mul3A_579 : vector<16xf32>
      %mul3A_583 = arith.mulf %mul3A_574, %sub3A_582 : vector<16xf32>
      %mul3A_584 = arith.constant 5.000000e-01 : f32
      %mul3A_585 = vector.broadcast %mul3A_584 : f32 to vector<16xf32>
      %mul3A_586 = arith.mulf %mul3A_585, %mul3A_557 : vector<16xf32>
      %mul3A_587 = arith.mulf %mul3A_586, %mul3A_583 : vector<16xf32>
      %mul3A_588 = arith.mulf %mul3A_587, %mul3A_583 : vector<16xf32>
      %sub3A_589 = arith.constant 1.500000e+00 : f32
      %sub3A_590 = vector.broadcast %sub3A_589 : f32 to vector<16xf32>
      %sub3A_591 = arith.subf %sub3A_590, %mul3A_588 : vector<16xf32>
      %mul3A_592 = arith.mulf %mul3A_583, %sub3A_591 : vector<16xf32>
      %mul3A_593 = arith.mulf %mul3A_557, %mul3A_592 : vector<16xf32>
      %mul3A_594 = arith.constant 4.289000e-01 : f32
      %mul3A_595 = vector.broadcast %mul3A_594 : f32 to vector<16xf32>
      %mul3A_596 = arith.mulf %mul3A_595, %mul3A_593 : vector<16xf32>
      %add3A_597 = arith.constant 4.440700e+00 : f32
      %add3A_598 = vector.broadcast %add3A_597 : f32 to vector<16xf32>
      %add3A_599 = arith.addf %mul3A_596, %add3A_598 : vector<16xf32>
      %mul3A_600 = arith.mulf %add3A_599, %add3A_599 : vector<16xf32>
      %mul3A_601 = arith.mulf %mul3A_600, %mul3A_600 : vector<16xf32>
      %mul3A_602 = arith.mulf %mul3A_601, %mul3A_600 : vector<16xf32>
      %mul3A_603 = arith.mulf %mul3A_602, %mul3A_600 : vector<16xf32>
      %add3A_604 = arith.addf %mul3A_552, %mul3A_602 : vector<16xf32>
      %div3A_605 = arith.constant 1.000000e+00 : f32
      %div3A_606 = vector.broadcast %div3A_605 : f32 to vector<16xf32>
      %div3A_607 = arith.divf %div3A_606, %add3A_604 : vector<16xf32>
      %mul3A_608 = arith.constant 7.875000e-01 : f32
      %mul3A_609 = vector.broadcast %mul3A_608 : f32 to vector<16xf32>
      %mul3A_610 = arith.mulf %mul3A_609, %mul3A_557 : vector<16xf32>
      %add3A_611 = arith.addf %mul3A_553, %mul3A_603 : vector<16xf32>
      %div3A_612 = arith.divf %mul3A_610, %add3A_611 : vector<16xf32>
      %add3A_613 = arith.addf %div3A_607, %div3A_612 : vector<16xf32>
      %mul3A_614 = arith.mulf %div3A_536, %add3A_613 : vector<16xf32>
      %add3A_615 = arith.addf %add3A_501, %mul3A_614 : vector<16xf32>
      %add3A_616 = arith.constant 48 : i32
      %add3A_617 = arith.addi %mul3A_266, %add3A_616 : i32
      %get3A_618 = arith.index_cast %add3A_617 : i32 to index
      %get3A_619 = tpu.vector_load %arg17[%get3A_618] {strides = array<i32>} : memref<8192xi32, #tpu.memory_space<vmem>>, vector<16xi32>,
      %gather3A_620 = tpu.vector_load_idx %arg15[%get3A_619] : memref<512xf32, #tpu.memory_space<vmem>>[vector<16xi32>], vector<16xf32>,
      %gather3A_621 = tpu.vector_load_idx %arg11[%get3A_619] : memref<512xf32, #tpu.memory_space<vmem>>[vector<16xi32>], vector<16xf32>,
      %gather3A_622 = tpu.vector_load_idx %arg12[%get3A_619] : memref<512xf32, #tpu.memory_space<vmem>>[vector<16xi32>], vector<16xf32>,
      %gather3A_623 = tpu.vector_load_idx %arg13[%get3A_619] : memref<512xf32, #tpu.memory_space<vmem>>[vector<16xi32>], vector<16xf32>,
      %gather3A_624 = tpu.vector_load_idx %arg16[%get3A_619] : memref<512xf32, #tpu.memory_space<vmem>>[vector<16xi32>], vector<16xf32>,
      %add3A_625 = arith.constant 48 : i32
      %add3A_626 = vector.broadcast %add3A_625 : i32 to vector<16xi32>
      %add3A_627 = arith.addi %add3A_626, %iota3A : vector<16xi32>
      %broadcast_in_dim3A_628 = arith.constant 0.000000e+00 : f32
      %broadcast_in_dim3A_629 = vector.broadcast %broadcast_in_dim3A_628 : f32 to vector<16xf32>
      %broadcast_in_dim3A_630 = arith.constant 0.000000e+00 : f32
      %broadcast_in_dim3A_631 = vector.broadcast %broadcast_in_dim3A_630 : f32 to vector<16xf32>
      %scan3A_632 = arith.constant 0 : i32
      %scan3A_633 = arith.constant 25 : i32
      %scan3A_634 = arith.addi %scan3A_632, %scan3A_633 : i32
      %scan3A_635 = arith.constant 1 : i32
      %scan3A_636:2 = scf.for %scan3A_2143 = %scan3A_632 to %scan3A_634 step %scan3A_635 iter_args(%scan3A_2144 = %broadcast_in_dim3A_629, %scan3A_2145 = %broadcast_in_dim3A_631) -> (vector<16xf32>, vector<16xf32>)  : i32 {
        %add3A_2146 = vector.broadcast %scan3A_2143 : i32 to vector<16xi32>
        %add3A_2147 = arith.addi %iota3A, %add3A_2146 : vector<16xi32>
        %ge3A_2148 = arith.constant 25 : i32
        %ge3A_2149 = vector.broadcast %ge3A_2148 : i32 to vector<16xi32>
        %ge3A_2150 = arith.cmpi sge, %add3A_2147, %ge3A_2149 : vector<16xi32>
        %sub3A_2151 = arith.constant 25 : i32
        %sub3A_2152 = vector.broadcast %sub3A_2151 : i32 to vector<16xi32>
        %sub3A_2153 = arith.subi %add3A_2147, %sub3A_2152 : vector<16xi32>
        %select_n3A_2154 = arith.select %ge3A_2150, %sub3A_2153, %add3A_2147 : vector<16xi1>, vector<16xi32>
        %gather3A_2155 = tpu.vector_load_idx %arg21[%add3A_627, %select_n3A_2154] : memref<128x128xf32, #tpu.memory_space<vmem>>[vector<16xi32>, vector<16xi32>], vector<16xf32>,
        %add3A_2156 = arith.constant 25 : i32
        %add3A_2157 = vector.broadcast %add3A_2156 : i32 to vector<16xi32>
        %add3A_2158 = arith.addi %select_n3A_2154, %add3A_2157 : vector<16xi32>
        %gather3A_2159 = tpu.vector_load_idx %arg21[%add3A_627, %add3A_2158] : memref<128x128xf32, #tpu.memory_space<vmem>>[vector<16xi32>, vector<16xi32>], vector<16xf32>,
        %add3A_2160 = arith.constant 50 : i32
        %add3A_2161 = vector.broadcast %add3A_2160 : i32 to vector<16xi32>
        %add3A_2162 = arith.addi %select_n3A_2154, %add3A_2161 : vector<16xi32>
        %gather3A_2163 = tpu.vector_load_idx %arg21[%add3A_627, %add3A_2162] : memref<128x128xf32, #tpu.memory_space<vmem>>[vector<16xi32>, vector<16xi32>], vector<16xf32>,
        %sub3A_2164 = arith.subf %gather3A_277, %gather3A_2159 : vector<16xf32>
        %sub3A_2165 = arith.subf %gather3A_620, %gather3A_2163 : vector<16xf32>
        %mul3A_2166 = arith.mulf %sub3A_2164, %sub3A_2164 : vector<16xf32>
        %mul3A_2167 = arith.mulf %sub3A_2165, %sub3A_2165 : vector<16xf32>
        %add3A_2168 = arith.addf %mul3A_2166, %mul3A_2167 : vector<16xf32>
        %mul3A_2169 = arith.constant -4.000000e+00 : f32
        %mul3A_2170 = vector.broadcast %mul3A_2169 : f32 to vector<16xf32>
        %mul3A_2171 = arith.mulf %mul3A_2170, %add3A_2168 : vector<16xf32>
        %exp3A = math.exp %mul3A_2171 : vector<16xf32>
        %add3A_2172 = arith.addf %scan3A_2144, %exp3A : vector<16xf32>
        %mul3A_2173 = arith.mulf %gather3A_2155, %exp3A : vector<16xf32>
        %add3A_2174 = arith.addf %scan3A_2145, %mul3A_2173 : vector<16xf32>
        scf.yield %add3A_2172, %add3A_2174 : vector<16xf32>, vector<16xf32>
      }
      %scan3A_637 = arith.constant 25 : i32
      %ne3A_638 = vector.broadcast %add3A_275 : i32 to vector<16xi32>
      %ne3A_639 = arith.cmpi ne, %get3A_619, %ne3A_638 : vector<16xi32>
      %ge3A_640 = arith.constant 9.99999974E-6 : f32
      %ge3A_641 = vector.broadcast %ge3A_640 : f32 to vector<16xf32>
      %ge3A_642 = arith.cmpf oge, %scan3A_636#0, %ge3A_641 : vector<16xf32>
      %and3A_643 = arith.andi %ne3A_639, %ge3A_642 : vector<16xi1>
      %jit3A_644 = arith.constant 0.000000e+00 : f32
      %broadcast_in_dim3A_645 = vector.broadcast %jit3A_644 : f32 to vector<16xf32>
      %select_n3A_646 = arith.select %and3A_643, %scan3A_636#1, %broadcast_in_dim3A_645 : vector<16xi1>, vector<16xf32>
      %max3A_647 = arith.constant 9.99999974E-6 : f32
      %max3A_648 = vector.broadcast %max3A_647 : f32 to vector<16xf32>
      %max3A_649 = arith.maximumf %scan3A_636#0, %max3A_648 : vector<16xf32>
      %div3A_650 = arith.divf %select_n3A_646, %max3A_649 : vector<16xf32>
      %sub3A_651 = arith.subf %gather3A_278, %gather3A_621 : vector<16xf32>
      %sub3A_652 = arith.subf %gather3A_279, %gather3A_622 : vector<16xf32>
      %sub3A_653 = arith.subf %gather3A_280, %gather3A_623 : vector<16xf32>
      %mul3A_654 = arith.mulf %sub3A_651, %sub3A_651 : vector<16xf32>
      %mul3A_655 = arith.mulf %sub3A_652, %sub3A_652 : vector<16xf32>
      %add3A_656 = arith.addf %mul3A_654, %mul3A_655 : vector<16xf32>
      %mul3A_657 = arith.mulf %sub3A_653, %sub3A_653 : vector<16xf32>
      %add3A_658 = arith.addf %add3A_656, %mul3A_657 : vector<16xf32>
      %max3A_659 = arith.constant 9.99999996E-13 : f32
      %max3A_660 = vector.broadcast %max3A_659 : f32 to vector<16xf32>
      %max3A_661 = arith.maximumf %add3A_658, %max3A_660 : vector<16xf32>
      %mul3A_662 = arith.constant 3.57106471 : f32
      %mul3A_663 = vector.broadcast %mul3A_662 : f32 to vector<16xf32>
      %mul3A_664 = arith.mulf %max3A_661, %mul3A_663 : vector<16xf32>
      %mul3A_665 = arith.mulf %mul3A_664, %mul3A_664 : vector<16xf32>
      %mul3A_666 = arith.mulf %mul3A_665, %mul3A_664 : vector<16xf32>
      %mul3A_667 = arith.mulf %mul3A_666, %mul3A_664 : vector<16xf32>
      %mul3A_668 = arith.constant 3.000000e+00 : f32
      %mul3A_669 = vector.broadcast %mul3A_668 : f32 to vector<16xf32>
      %mul3A_670 = arith.mulf %mul3A_669, %gather3A_281 : vector<16xf32>
      %mul3A_671 = arith.mulf %mul3A_670, %gather3A_624 : vector<16xf32>
      %bitcast_convert_type3A_672 = tpu.bitcast %mul3A_671 : vector<16xf32> -> vector<16xi32>
      %shift_right_arithmetic3A_673 = arith.constant 1 : i32
      %shift_right_arithmetic3A_674 = vector.broadcast %shift_right_arithmetic3A_673 : i32 to vector<16xi32>
      %shift_right_arithmetic3A_675 = arith.shrsi %bitcast_convert_type3A_672, %shift_right_arithmetic3A_674 : vector<16xi32>
      %sub3A_676 = arith.constant 1597463007 : i32
      %sub3A_677 = vector.broadcast %sub3A_676 : i32 to vector<16xi32>
      %sub3A_678 = arith.subi %sub3A_677, %shift_right_arithmetic3A_675 : vector<16xi32>
      %bitcast_convert_type3A_679 = tpu.bitcast %sub3A_678 : vector<16xi32> -> vector<16xf32>
      %mul3A_680 = arith.constant 5.000000e-01 : f32
      %mul3A_681 = vector.broadcast %mul3A_680 : f32 to vector<16xf32>
      %mul3A_682 = arith.mulf %mul3A_681, %mul3A_671 : vector<16xf32>
      %mul3A_683 = arith.mulf %mul3A_682, %bitcast_convert_type3A_679 : vector<16xf32>
      %mul3A_684 = arith.mulf %mul3A_683, %bitcast_convert_type3A_679 : vector<16xf32>
      %sub3A_685 = arith.constant 1.500000e+00 : f32
      %sub3A_686 = vector.broadcast %sub3A_685 : f32 to vector<16xf32>
      %sub3A_687 = arith.subf %sub3A_686, %mul3A_684 : vector<16xf32>
      %mul3A_688 = arith.mulf %bitcast_convert_type3A_679, %sub3A_687 : vector<16xf32>
      %mul3A_689 = arith.constant 5.000000e-01 : f32
      %mul3A_690 = vector.broadcast %mul3A_689 : f32 to vector<16xf32>
      %mul3A_691 = arith.mulf %mul3A_690, %mul3A_671 : vector<16xf32>
      %mul3A_692 = arith.mulf %mul3A_691, %mul3A_688 : vector<16xf32>
      %mul3A_693 = arith.mulf %mul3A_692, %mul3A_688 : vector<16xf32>
      %sub3A_694 = arith.constant 1.500000e+00 : f32
      %sub3A_695 = vector.broadcast %sub3A_694 : f32 to vector<16xf32>
      %sub3A_696 = arith.subf %sub3A_695, %mul3A_693 : vector<16xf32>
      %mul3A_697 = arith.mulf %mul3A_688, %sub3A_696 : vector<16xf32>
      %mul3A_698 = arith.constant 5.000000e-01 : f32
      %mul3A_699 = vector.broadcast %mul3A_698 : f32 to vector<16xf32>
      %mul3A_700 = arith.mulf %mul3A_699, %mul3A_671 : vector<16xf32>
      %mul3A_701 = arith.mulf %mul3A_700, %mul3A_697 : vector<16xf32>
      %mul3A_702 = arith.mulf %mul3A_701, %mul3A_697 : vector<16xf32>
      %sub3A_703 = arith.constant 1.500000e+00 : f32
      %sub3A_704 = vector.broadcast %sub3A_703 : f32 to vector<16xf32>
      %sub3A_705 = arith.subf %sub3A_704, %mul3A_702 : vector<16xf32>
      %mul3A_706 = arith.mulf %mul3A_697, %sub3A_705 : vector<16xf32>
      %mul3A_707 = arith.mulf %mul3A_671, %mul3A_706 : vector<16xf32>
      %mul3A_708 = arith.constant 4.289000e-01 : f32
      %mul3A_709 = vector.broadcast %mul3A_708 : f32 to vector<16xf32>
      %mul3A_710 = arith.mulf %mul3A_709, %mul3A_707 : vector<16xf32>
      %add3A_711 = arith.constant 4.440700e+00 : f32
      %add3A_712 = vector.broadcast %add3A_711 : f32 to vector<16xf32>
      %add3A_713 = arith.addf %mul3A_710, %add3A_712 : vector<16xf32>
      %mul3A_714 = arith.mulf %add3A_713, %add3A_713 : vector<16xf32>
      %mul3A_715 = arith.mulf %mul3A_714, %mul3A_714 : vector<16xf32>
      %mul3A_716 = arith.mulf %mul3A_715, %mul3A_714 : vector<16xf32>
      %mul3A_717 = arith.mulf %mul3A_716, %mul3A_714 : vector<16xf32>
      %add3A_718 = arith.addf %mul3A_666, %mul3A_716 : vector<16xf32>
      %div3A_719 = arith.constant 1.000000e+00 : f32
      %div3A_720 = vector.broadcast %div3A_719 : f32 to vector<16xf32>
      %div3A_721 = arith.divf %div3A_720, %add3A_718 : vector<16xf32>
      %mul3A_722 = arith.constant 7.875000e-01 : f32
      %mul3A_723 = vector.broadcast %mul3A_722 : f32 to vector<16xf32>
      %mul3A_724 = arith.mulf %mul3A_723, %mul3A_671 : vector<16xf32>
      %add3A_725 = arith.addf %mul3A_667, %mul3A_717 : vector<16xf32>
      %div3A_726 = arith.divf %mul3A_724, %add3A_725 : vector<16xf32>
      %add3A_727 = arith.addf %div3A_721, %div3A_726 : vector<16xf32>
      %mul3A_728 = arith.mulf %div3A_650, %add3A_727 : vector<16xf32>
      %add3A_729 = arith.addf %add3A_615, %mul3A_728 : vector<16xf32>
      %add3A_730 = arith.constant 64 : i32
      %add3A_731 = arith.addi %mul3A_266, %add3A_730 : i32
      %get3A_732 = arith.index_cast %add3A_731 : i32 to index
      %get3A_733 = tpu.vector_load %arg17[%get3A_732] {strides = array<i32>} : memref<8192xi32, #tpu.memory_space<vmem>>, vector<16xi32>,
      %mul3A_734 = arith.constant 2 : i32
      %mul3A_735 = arith.muli %mul3A_153, %mul3A_734 : i32
      %add3A_736 = arith.addi %mul3A_32, %mul3A_735 : i32
      %add3A_737 = arith.constant 1 : i32
      %add3A_738 = arith.addi %add3A_736, %add3A_737 : i32
      %broadcast_in_dim3A_739 = vector.broadcast %add3A_738 : i32 to vector<16xi32>
      %gather3A_740 = tpu.vector_load_idx %arg15[%broadcast_in_dim3A_739] : memref<512xf32, #tpu.memory_space<vmem>>[vector<16xi32>], vector<16xf32>,
      %gather3A_741 = tpu.vector_load_idx %arg11[%broadcast_in_dim3A_739] : memref<512xf32, #tpu.memory_space<vmem>>[vector<16xi32>], vector<16xf32>,
      %gather3A_742 = tpu.vector_load_idx %arg12[%broadcast_in_dim3A_739] : memref<512xf32, #tpu.memory_space<vmem>>[vector<16xi32>], vector<16xf32>,
      %gather3A_743 = tpu.vector_load_idx %arg13[%broadcast_in_dim3A_739] : memref<512xf32, #tpu.memory_space<vmem>>[vector<16xi32>], vector<16xf32>,
      %gather3A_744 = tpu.vector_load_idx %arg16[%broadcast_in_dim3A_739] : memref<512xf32, #tpu.memory_space<vmem>>[vector<16xi32>], vector<16xf32>,
      %gather3A_745 = tpu.vector_load_idx %arg15[%get3A_733] : memref<512xf32, #tpu.memory_space<vmem>>[vector<16xi32>], vector<16xf32>,
      %gather3A_746 = tpu.vector_load_idx %arg11[%get3A_733] : memref<512xf32, #tpu.memory_space<vmem>>[vector<16xi32>], vector<16xf32>,
      %gather3A_747 = tpu.vector_load_idx %arg12[%get3A_733] : memref<512xf32, #tpu.memory_space<vmem>>[vector<16xi32>], vector<16xf32>,
      %gather3A_748 = tpu.vector_load_idx %arg13[%get3A_733] : memref<512xf32, #tpu.memory_space<vmem>>[vector<16xi32>], vector<16xf32>,
      %gather3A_749 = tpu.vector_load_idx %arg16[%get3A_733] : memref<512xf32, #tpu.memory_space<vmem>>[vector<16xi32>], vector<16xf32>,
      %add3A_750 = arith.constant 64 : i32
      %add3A_751 = vector.broadcast %add3A_750 : i32 to vector<16xi32>
      %add3A_752 = arith.addi %add3A_751, %iota3A : vector<16xi32>
      %broadcast_in_dim3A_753 = arith.constant 0.000000e+00 : f32
      %broadcast_in_dim3A_754 = vector.broadcast %broadcast_in_dim3A_753 : f32 to vector<16xf32>
      %broadcast_in_dim3A_755 = arith.constant 0.000000e+00 : f32
      %broadcast_in_dim3A_756 = vector.broadcast %broadcast_in_dim3A_755 : f32 to vector<16xf32>
      %scan3A_757 = arith.constant 0 : i32
      %scan3A_758 = arith.constant 25 : i32
      %scan3A_759 = arith.addi %scan3A_757, %scan3A_758 : i32
      %scan3A_760 = arith.constant 1 : i32
      %scan3A_761:2 = scf.for %scan3A_2143 = %scan3A_757 to %scan3A_759 step %scan3A_760 iter_args(%scan3A_2144 = %broadcast_in_dim3A_754, %scan3A_2145 = %broadcast_in_dim3A_756) -> (vector<16xf32>, vector<16xf32>)  : i32 {
        %add3A_2146 = vector.broadcast %scan3A_2143 : i32 to vector<16xi32>
        %add3A_2147 = arith.addi %iota3A, %add3A_2146 : vector<16xi32>
        %ge3A_2148 = arith.constant 25 : i32
        %ge3A_2149 = vector.broadcast %ge3A_2148 : i32 to vector<16xi32>
        %ge3A_2150 = arith.cmpi sge, %add3A_2147, %ge3A_2149 : vector<16xi32>
        %sub3A_2151 = arith.constant 25 : i32
        %sub3A_2152 = vector.broadcast %sub3A_2151 : i32 to vector<16xi32>
        %sub3A_2153 = arith.subi %add3A_2147, %sub3A_2152 : vector<16xi32>
        %select_n3A_2154 = arith.select %ge3A_2150, %sub3A_2153, %add3A_2147 : vector<16xi1>, vector<16xi32>
        %gather3A_2155 = tpu.vector_load_idx %arg21[%add3A_752, %select_n3A_2154] : memref<128x128xf32, #tpu.memory_space<vmem>>[vector<16xi32>, vector<16xi32>], vector<16xf32>,
        %add3A_2156 = arith.constant 25 : i32
        %add3A_2157 = vector.broadcast %add3A_2156 : i32 to vector<16xi32>
        %add3A_2158 = arith.addi %select_n3A_2154, %add3A_2157 : vector<16xi32>
        %gather3A_2159 = tpu.vector_load_idx %arg21[%add3A_752, %add3A_2158] : memref<128x128xf32, #tpu.memory_space<vmem>>[vector<16xi32>, vector<16xi32>], vector<16xf32>,
        %add3A_2160 = arith.constant 50 : i32
        %add3A_2161 = vector.broadcast %add3A_2160 : i32 to vector<16xi32>
        %add3A_2162 = arith.addi %select_n3A_2154, %add3A_2161 : vector<16xi32>
        %gather3A_2163 = tpu.vector_load_idx %arg21[%add3A_752, %add3A_2162] : memref<128x128xf32, #tpu.memory_space<vmem>>[vector<16xi32>, vector<16xi32>], vector<16xf32>,
        %sub3A_2164 = arith.subf %gather3A_740, %gather3A_2159 : vector<16xf32>
        %sub3A_2165 = arith.subf %gather3A_745, %gather3A_2163 : vector<16xf32>
        %mul3A_2166 = arith.mulf %sub3A_2164, %sub3A_2164 : vector<16xf32>
        %mul3A_2167 = arith.mulf %sub3A_2165, %sub3A_2165 : vector<16xf32>
        %add3A_2168 = arith.addf %mul3A_2166, %mul3A_2167 : vector<16xf32>
        %mul3A_2169 = arith.constant -4.000000e+00 : f32
        %mul3A_2170 = vector.broadcast %mul3A_2169 : f32 to vector<16xf32>
        %mul3A_2171 = arith.mulf %mul3A_2170, %add3A_2168 : vector<16xf32>
        %exp3A = math.exp %mul3A_2171 : vector<16xf32>
        %add3A_2172 = arith.addf %scan3A_2144, %exp3A : vector<16xf32>
        %mul3A_2173 = arith.mulf %gather3A_2155, %exp3A : vector<16xf32>
        %add3A_2174 = arith.addf %scan3A_2145, %mul3A_2173 : vector<16xf32>
        scf.yield %add3A_2172, %add3A_2174 : vector<16xf32>, vector<16xf32>
      }
      %scan3A_762 = arith.constant 25 : i32
      %ne3A_763 = vector.broadcast %add3A_738 : i32 to vector<16xi32>
      %ne3A_764 = arith.cmpi ne, %get3A_733, %ne3A_763 : vector<16xi32>
      %ge3A_765 = arith.constant 9.99999974E-6 : f32
      %ge3A_766 = vector.broadcast %ge3A_765 : f32 to vector<16xf32>
      %ge3A_767 = arith.cmpf oge, %scan3A_761#0, %ge3A_766 : vector<16xf32>
      %and3A_768 = arith.andi %ne3A_764, %ge3A_767 : vector<16xi1>
      %jit3A_769 = arith.constant 0.000000e+00 : f32
      %broadcast_in_dim3A_770 = vector.broadcast %jit3A_769 : f32 to vector<16xf32>
      %select_n3A_771 = arith.select %and3A_768, %scan3A_761#1, %broadcast_in_dim3A_770 : vector<16xi1>, vector<16xf32>
      %max3A_772 = arith.constant 9.99999974E-6 : f32
      %max3A_773 = vector.broadcast %max3A_772 : f32 to vector<16xf32>
      %max3A_774 = arith.maximumf %scan3A_761#0, %max3A_773 : vector<16xf32>
      %div3A_775 = arith.divf %select_n3A_771, %max3A_774 : vector<16xf32>
      %sub3A_776 = arith.subf %gather3A_741, %gather3A_746 : vector<16xf32>
      %sub3A_777 = arith.subf %gather3A_742, %gather3A_747 : vector<16xf32>
      %sub3A_778 = arith.subf %gather3A_743, %gather3A_748 : vector<16xf32>
      %mul3A_779 = arith.mulf %sub3A_776, %sub3A_776 : vector<16xf32>
      %mul3A_780 = arith.mulf %sub3A_777, %sub3A_777 : vector<16xf32>
      %add3A_781 = arith.addf %mul3A_779, %mul3A_780 : vector<16xf32>
      %mul3A_782 = arith.mulf %sub3A_778, %sub3A_778 : vector<16xf32>
      %add3A_783 = arith.addf %add3A_781, %mul3A_782 : vector<16xf32>
      %max3A_784 = arith.constant 9.99999996E-13 : f32
      %max3A_785 = vector.broadcast %max3A_784 : f32 to vector<16xf32>
      %max3A_786 = arith.maximumf %add3A_783, %max3A_785 : vector<16xf32>
      %mul3A_787 = arith.constant 3.57106471 : f32
      %mul3A_788 = vector.broadcast %mul3A_787 : f32 to vector<16xf32>
      %mul3A_789 = arith.mulf %max3A_786, %mul3A_788 : vector<16xf32>
      %mul3A_790 = arith.mulf %mul3A_789, %mul3A_789 : vector<16xf32>
      %mul3A_791 = arith.mulf %mul3A_790, %mul3A_789 : vector<16xf32>
      %mul3A_792 = arith.mulf %mul3A_791, %mul3A_789 : vector<16xf32>
      %mul3A_793 = arith.constant 3.000000e+00 : f32
      %mul3A_794 = vector.broadcast %mul3A_793 : f32 to vector<16xf32>
      %mul3A_795 = arith.mulf %mul3A_794, %gather3A_744 : vector<16xf32>
      %mul3A_796 = arith.mulf %mul3A_795, %gather3A_749 : vector<16xf32>
      %bitcast_convert_type3A_797 = tpu.bitcast %mul3A_796 : vector<16xf32> -> vector<16xi32>
      %shift_right_arithmetic3A_798 = arith.constant 1 : i32
      %shift_right_arithmetic3A_799 = vector.broadcast %shift_right_arithmetic3A_798 : i32 to vector<16xi32>
      %shift_right_arithmetic3A_800 = arith.shrsi %bitcast_convert_type3A_797, %shift_right_arithmetic3A_799 : vector<16xi32>
      %sub3A_801 = arith.constant 1597463007 : i32
      %sub3A_802 = vector.broadcast %sub3A_801 : i32 to vector<16xi32>
      %sub3A_803 = arith.subi %sub3A_802, %shift_right_arithmetic3A_800 : vector<16xi32>
      %bitcast_convert_type3A_804 = tpu.bitcast %sub3A_803 : vector<16xi32> -> vector<16xf32>
      %mul3A_805 = arith.constant 5.000000e-01 : f32
      %mul3A_806 = vector.broadcast %mul3A_805 : f32 to vector<16xf32>
      %mul3A_807 = arith.mulf %mul3A_806, %mul3A_796 : vector<16xf32>
      %mul3A_808 = arith.mulf %mul3A_807, %bitcast_convert_type3A_804 : vector<16xf32>
      %mul3A_809 = arith.mulf %mul3A_808, %bitcast_convert_type3A_804 : vector<16xf32>
      %sub3A_810 = arith.constant 1.500000e+00 : f32
      %sub3A_811 = vector.broadcast %sub3A_810 : f32 to vector<16xf32>
      %sub3A_812 = arith.subf %sub3A_811, %mul3A_809 : vector<16xf32>
      %mul3A_813 = arith.mulf %bitcast_convert_type3A_804, %sub3A_812 : vector<16xf32>
      %mul3A_814 = arith.constant 5.000000e-01 : f32
      %mul3A_815 = vector.broadcast %mul3A_814 : f32 to vector<16xf32>
      %mul3A_816 = arith.mulf %mul3A_815, %mul3A_796 : vector<16xf32>
      %mul3A_817 = arith.mulf %mul3A_816, %mul3A_813 : vector<16xf32>
      %mul3A_818 = arith.mulf %mul3A_817, %mul3A_813 : vector<16xf32>
      %sub3A_819 = arith.constant 1.500000e+00 : f32
      %sub3A_820 = vector.broadcast %sub3A_819 : f32 to vector<16xf32>
      %sub3A_821 = arith.subf %sub3A_820, %mul3A_818 : vector<16xf32>
      %mul3A_822 = arith.mulf %mul3A_813, %sub3A_821 : vector<16xf32>
      %mul3A_823 = arith.constant 5.000000e-01 : f32
      %mul3A_824 = vector.broadcast %mul3A_823 : f32 to vector<16xf32>
      %mul3A_825 = arith.mulf %mul3A_824, %mul3A_796 : vector<16xf32>
      %mul3A_826 = arith.mulf %mul3A_825, %mul3A_822 : vector<16xf32>
      %mul3A_827 = arith.mulf %mul3A_826, %mul3A_822 : vector<16xf32>
      %sub3A_828 = arith.constant 1.500000e+00 : f32
      %sub3A_829 = vector.broadcast %sub3A_828 : f32 to vector<16xf32>
      %sub3A_830 = arith.subf %sub3A_829, %mul3A_827 : vector<16xf32>
      %mul3A_831 = arith.mulf %mul3A_822, %sub3A_830 : vector<16xf32>
      %mul3A_832 = arith.mulf %mul3A_796, %mul3A_831 : vector<16xf32>
      %mul3A_833 = arith.constant 4.289000e-01 : f32
      %mul3A_834 = vector.broadcast %mul3A_833 : f32 to vector<16xf32>
      %mul3A_835 = arith.mulf %mul3A_834, %mul3A_832 : vector<16xf32>
      %add3A_836 = arith.constant 4.440700e+00 : f32
      %add3A_837 = vector.broadcast %add3A_836 : f32 to vector<16xf32>
      %add3A_838 = arith.addf %mul3A_835, %add3A_837 : vector<16xf32>
      %mul3A_839 = arith.mulf %add3A_838, %add3A_838 : vector<16xf32>
      %mul3A_840 = arith.mulf %mul3A_839, %mul3A_839 : vector<16xf32>
      %mul3A_841 = arith.mulf %mul3A_840, %mul3A_839 : vector<16xf32>
      %mul3A_842 = arith.mulf %mul3A_841, %mul3A_839 : vector<16xf32>
      %add3A_843 = arith.addf %mul3A_791, %mul3A_841 : vector<16xf32>
      %div3A_844 = arith.constant 1.000000e+00 : f32
      %div3A_845 = vector.broadcast %div3A_844 : f32 to vector<16xf32>
      %div3A_846 = arith.divf %div3A_845, %add3A_843 : vector<16xf32>
      %mul3A_847 = arith.constant 7.875000e-01 : f32
      %mul3A_848 = vector.broadcast %mul3A_847 : f32 to vector<16xf32>
      %mul3A_849 = arith.mulf %mul3A_848, %mul3A_796 : vector<16xf32>
      %add3A_850 = arith.addf %mul3A_792, %mul3A_842 : vector<16xf32>
      %div3A_851 = arith.divf %mul3A_849, %add3A_850 : vector<16xf32>
      %add3A_852 = arith.addf %div3A_846, %div3A_851 : vector<16xf32>
      %mul3A_853 = arith.mulf %div3A_775, %add3A_852 : vector<16xf32>
      %add3A_854 = arith.addf %add3A_729, %mul3A_853 : vector<16xf32>
      %add3A_855 = arith.constant 80 : i32
      %add3A_856 = arith.addi %mul3A_266, %add3A_855 : i32
      %get3A_857 = arith.index_cast %add3A_856 : i32 to index
      %get3A_858 = tpu.vector_load %arg17[%get3A_857] {strides = array<i32>} : memref<8192xi32, #tpu.memory_space<vmem>>, vector<16xi32>,
      %gather3A_859 = tpu.vector_load_idx %arg15[%get3A_858] : memref<512xf32, #tpu.memory_space<vmem>>[vector<16xi32>], vector<16xf32>,
      %gather3A_860 = tpu.vector_load_idx %arg11[%get3A_858] : memref<512xf32, #tpu.memory_space<vmem>>[vector<16xi32>], vector<16xf32>,
      %gather3A_861 = tpu.vector_load_idx %arg12[%get3A_858] : memref<512xf32, #tpu.memory_space<vmem>>[vector<16xi32>], vector<16xf32>,
      %gather3A_862 = tpu.vector_load_idx %arg13[%get3A_858] : memref<512xf32, #tpu.memory_space<vmem>>[vector<16xi32>], vector<16xf32>,
      %gather3A_863 = tpu.vector_load_idx %arg16[%get3A_858] : memref<512xf32, #tpu.memory_space<vmem>>[vector<16xi32>], vector<16xf32>,
      %add3A_864 = arith.constant 80 : i32
      %add3A_865 = vector.broadcast %add3A_864 : i32 to vector<16xi32>
      %add3A_866 = arith.addi %add3A_865, %iota3A : vector<16xi32>
      %broadcast_in_dim3A_867 = arith.constant 0.000000e+00 : f32
      %broadcast_in_dim3A_868 = vector.broadcast %broadcast_in_dim3A_867 : f32 to vector<16xf32>
      %broadcast_in_dim3A_869 = arith.constant 0.000000e+00 : f32
      %broadcast_in_dim3A_870 = vector.broadcast %broadcast_in_dim3A_869 : f32 to vector<16xf32>
      %scan3A_871 = arith.constant 0 : i32
      %scan3A_872 = arith.constant 25 : i32
      %scan3A_873 = arith.addi %scan3A_871, %scan3A_872 : i32
      %scan3A_874 = arith.constant 1 : i32
      %scan3A_875:2 = scf.for %scan3A_2143 = %scan3A_871 to %scan3A_873 step %scan3A_874 iter_args(%scan3A_2144 = %broadcast_in_dim3A_868, %scan3A_2145 = %broadcast_in_dim3A_870) -> (vector<16xf32>, vector<16xf32>)  : i32 {
        %add3A_2146 = vector.broadcast %scan3A_2143 : i32 to vector<16xi32>
        %add3A_2147 = arith.addi %iota3A, %add3A_2146 : vector<16xi32>
        %ge3A_2148 = arith.constant 25 : i32
        %ge3A_2149 = vector.broadcast %ge3A_2148 : i32 to vector<16xi32>
        %ge3A_2150 = arith.cmpi sge, %add3A_2147, %ge3A_2149 : vector<16xi32>
        %sub3A_2151 = arith.constant 25 : i32
        %sub3A_2152 = vector.broadcast %sub3A_2151 : i32 to vector<16xi32>
        %sub3A_2153 = arith.subi %add3A_2147, %sub3A_2152 : vector<16xi32>
        %select_n3A_2154 = arith.select %ge3A_2150, %sub3A_2153, %add3A_2147 : vector<16xi1>, vector<16xi32>
        %gather3A_2155 = tpu.vector_load_idx %arg21[%add3A_866, %select_n3A_2154] : memref<128x128xf32, #tpu.memory_space<vmem>>[vector<16xi32>, vector<16xi32>], vector<16xf32>,
        %add3A_2156 = arith.constant 25 : i32
        %add3A_2157 = vector.broadcast %add3A_2156 : i32 to vector<16xi32>
        %add3A_2158 = arith.addi %select_n3A_2154, %add3A_2157 : vector<16xi32>
        %gather3A_2159 = tpu.vector_load_idx %arg21[%add3A_866, %add3A_2158] : memref<128x128xf32, #tpu.memory_space<vmem>>[vector<16xi32>, vector<16xi32>], vector<16xf32>,
        %add3A_2160 = arith.constant 50 : i32
        %add3A_2161 = vector.broadcast %add3A_2160 : i32 to vector<16xi32>
        %add3A_2162 = arith.addi %select_n3A_2154, %add3A_2161 : vector<16xi32>
        %gather3A_2163 = tpu.vector_load_idx %arg21[%add3A_866, %add3A_2162] : memref<128x128xf32, #tpu.memory_space<vmem>>[vector<16xi32>, vector<16xi32>], vector<16xf32>,
        %sub3A_2164 = arith.subf %gather3A_740, %gather3A_2159 : vector<16xf32>
        %sub3A_2165 = arith.subf %gather3A_859, %gather3A_2163 : vector<16xf32>
        %mul3A_2166 = arith.mulf %sub3A_2164, %sub3A_2164 : vector<16xf32>
        %mul3A_2167 = arith.mulf %sub3A_2165, %sub3A_2165 : vector<16xf32>
        %add3A_2168 = arith.addf %mul3A_2166, %mul3A_2167 : vector<16xf32>
        %mul3A_2169 = arith.constant -4.000000e+00 : f32
        %mul3A_2170 = vector.broadcast %mul3A_2169 : f32 to vector<16xf32>
        %mul3A_2171 = arith.mulf %mul3A_2170, %add3A_2168 : vector<16xf32>
        %exp3A = math.exp %mul3A_2171 : vector<16xf32>
        %add3A_2172 = arith.addf %scan3A_2144, %exp3A : vector<16xf32>
        %mul3A_2173 = arith.mulf %gather3A_2155, %exp3A : vector<16xf32>
        %add3A_2174 = arith.addf %scan3A_2145, %mul3A_2173 : vector<16xf32>
        scf.yield %add3A_2172, %add3A_2174 : vector<16xf32>, vector<16xf32>
      }
      %scan3A_876 = arith.constant 25 : i32
      %ne3A_877 = vector.broadcast %add3A_738 : i32 to vector<16xi32>
      %ne3A_878 = arith.cmpi ne, %get3A_858, %ne3A_877 : vector<16xi32>
      %ge3A_879 = arith.constant 9.99999974E-6 : f32
      %ge3A_880 = vector.broadcast %ge3A_879 : f32 to vector<16xf32>
      %ge3A_881 = arith.cmpf oge, %scan3A_875#0, %ge3A_880 : vector<16xf32>
      %and3A_882 = arith.andi %ne3A_878, %ge3A_881 : vector<16xi1>
      %jit3A_883 = arith.constant 0.000000e+00 : f32
      %broadcast_in_dim3A_884 = vector.broadcast %jit3A_883 : f32 to vector<16xf32>
      %select_n3A_885 = arith.select %and3A_882, %scan3A_875#1, %broadcast_in_dim3A_884 : vector<16xi1>, vector<16xf32>
      %max3A_886 = arith.constant 9.99999974E-6 : f32
      %max3A_887 = vector.broadcast %max3A_886 : f32 to vector<16xf32>
      %max3A_888 = arith.maximumf %scan3A_875#0, %max3A_887 : vector<16xf32>
      %div3A_889 = arith.divf %select_n3A_885, %max3A_888 : vector<16xf32>
      %sub3A_890 = arith.subf %gather3A_741, %gather3A_860 : vector<16xf32>
      %sub3A_891 = arith.subf %gather3A_742, %gather3A_861 : vector<16xf32>
      %sub3A_892 = arith.subf %gather3A_743, %gather3A_862 : vector<16xf32>
      %mul3A_893 = arith.mulf %sub3A_890, %sub3A_890 : vector<16xf32>
      %mul3A_894 = arith.mulf %sub3A_891, %sub3A_891 : vector<16xf32>
      %add3A_895 = arith.addf %mul3A_893, %mul3A_894 : vector<16xf32>
      %mul3A_896 = arith.mulf %sub3A_892, %sub3A_892 : vector<16xf32>
      %add3A_897 = arith.addf %add3A_895, %mul3A_896 : vector<16xf32>
      %max3A_898 = arith.constant 9.99999996E-13 : f32
      %max3A_899 = vector.broadcast %max3A_898 : f32 to vector<16xf32>
      %max3A_900 = arith.maximumf %add3A_897, %max3A_899 : vector<16xf32>
      %mul3A_901 = arith.constant 3.57106471 : f32
      %mul3A_902 = vector.broadcast %mul3A_901 : f32 to vector<16xf32>
      %mul3A_903 = arith.mulf %max3A_900, %mul3A_902 : vector<16xf32>
      %mul3A_904 = arith.mulf %mul3A_903, %mul3A_903 : vector<16xf32>
      %mul3A_905 = arith.mulf %mul3A_904, %mul3A_903 : vector<16xf32>
      %mul3A_906 = arith.mulf %mul3A_905, %mul3A_903 : vector<16xf32>
      %mul3A_907 = arith.constant 3.000000e+00 : f32
      %mul3A_908 = vector.broadcast %mul3A_907 : f32 to vector<16xf32>
      %mul3A_909 = arith.mulf %mul3A_908, %gather3A_744 : vector<16xf32>
      %mul3A_910 = arith.mulf %mul3A_909, %gather3A_863 : vector<16xf32>
      %bitcast_convert_type3A_911 = tpu.bitcast %mul3A_910 : vector<16xf32> -> vector<16xi32>
      %shift_right_arithmetic3A_912 = arith.constant 1 : i32
      %shift_right_arithmetic3A_913 = vector.broadcast %shift_right_arithmetic3A_912 : i32 to vector<16xi32>
      %shift_right_arithmetic3A_914 = arith.shrsi %bitcast_convert_type3A_911, %shift_right_arithmetic3A_913 : vector<16xi32>
      %sub3A_915 = arith.constant 1597463007 : i32
      %sub3A_916 = vector.broadcast %sub3A_915 : i32 to vector<16xi32>
      %sub3A_917 = arith.subi %sub3A_916, %shift_right_arithmetic3A_914 : vector<16xi32>
      %bitcast_convert_type3A_918 = tpu.bitcast %sub3A_917 : vector<16xi32> -> vector<16xf32>
      %mul3A_919 = arith.constant 5.000000e-01 : f32
      %mul3A_920 = vector.broadcast %mul3A_919 : f32 to vector<16xf32>
      %mul3A_921 = arith.mulf %mul3A_920, %mul3A_910 : vector<16xf32>
      %mul3A_922 = arith.mulf %mul3A_921, %bitcast_convert_type3A_918 : vector<16xf32>
      %mul3A_923 = arith.mulf %mul3A_922, %bitcast_convert_type3A_918 : vector<16xf32>
      %sub3A_924 = arith.constant 1.500000e+00 : f32
      %sub3A_925 = vector.broadcast %sub3A_924 : f32 to vector<16xf32>
      %sub3A_926 = arith.subf %sub3A_925, %mul3A_923 : vector<16xf32>
      %mul3A_927 = arith.mulf %bitcast_convert_type3A_918, %sub3A_926 : vector<16xf32>
      %mul3A_928 = arith.constant 5.000000e-01 : f32
      %mul3A_929 = vector.broadcast %mul3A_928 : f32 to vector<16xf32>
      %mul3A_930 = arith.mulf %mul3A_929, %mul3A_910 : vector<16xf32>
      %mul3A_931 = arith.mulf %mul3A_930, %mul3A_927 : vector<16xf32>
      %mul3A_932 = arith.mulf %mul3A_931, %mul3A_927 : vector<16xf32>
      %sub3A_933 = arith.constant 1.500000e+00 : f32
      %sub3A_934 = vector.broadcast %sub3A_933 : f32 to vector<16xf32>
      %sub3A_935 = arith.subf %sub3A_934, %mul3A_932 : vector<16xf32>
      %mul3A_936 = arith.mulf %mul3A_927, %sub3A_935 : vector<16xf32>
      %mul3A_937 = arith.constant 5.000000e-01 : f32
      %mul3A_938 = vector.broadcast %mul3A_937 : f32 to vector<16xf32>
      %mul3A_939 = arith.mulf %mul3A_938, %mul3A_910 : vector<16xf32>
      %mul3A_940 = arith.mulf %mul3A_939, %mul3A_936 : vector<16xf32>
      %mul3A_941 = arith.mulf %mul3A_940, %mul3A_936 : vector<16xf32>
      %sub3A_942 = arith.constant 1.500000e+00 : f32
      %sub3A_943 = vector.broadcast %sub3A_942 : f32 to vector<16xf32>
      %sub3A_944 = arith.subf %sub3A_943, %mul3A_941 : vector<16xf32>
      %mul3A_945 = arith.mulf %mul3A_936, %sub3A_944 : vector<16xf32>
      %mul3A_946 = arith.mulf %mul3A_910, %mul3A_945 : vector<16xf32>
      %mul3A_947 = arith.constant 4.289000e-01 : f32
      %mul3A_948 = vector.broadcast %mul3A_947 : f32 to vector<16xf32>
      %mul3A_949 = arith.mulf %mul3A_948, %mul3A_946 : vector<16xf32>
      %add3A_950 = arith.constant 4.440700e+00 : f32
      %add3A_951 = vector.broadcast %add3A_950 : f32 to vector<16xf32>
      %add3A_952 = arith.addf %mul3A_949, %add3A_951 : vector<16xf32>
      %mul3A_953 = arith.mulf %add3A_952, %add3A_952 : vector<16xf32>
      %mul3A_954 = arith.mulf %mul3A_953, %mul3A_953 : vector<16xf32>
      %mul3A_955 = arith.mulf %mul3A_954, %mul3A_953 : vector<16xf32>
      %mul3A_956 = arith.mulf %mul3A_955, %mul3A_953 : vector<16xf32>
      %add3A_957 = arith.addf %mul3A_905, %mul3A_955 : vector<16xf32>
      %div3A_958 = arith.constant 1.000000e+00 : f32
      %div3A_959 = vector.broadcast %div3A_958 : f32 to vector<16xf32>
      %div3A_960 = arith.divf %div3A_959, %add3A_957 : vector<16xf32>
      %mul3A_961 = arith.constant 7.875000e-01 : f32
      %mul3A_962 = vector.broadcast %mul3A_961 : f32 to vector<16xf32>
      %mul3A_963 = arith.mulf %mul3A_962, %mul3A_910 : vector<16xf32>
      %add3A_964 = arith.addf %mul3A_906, %mul3A_956 : vector<16xf32>
      %div3A_965 = arith.divf %mul3A_963, %add3A_964 : vector<16xf32>
      %add3A_966 = arith.addf %div3A_960, %div3A_965 : vector<16xf32>
      %mul3A_967 = arith.mulf %div3A_889, %add3A_966 : vector<16xf32>
      %add3A_968 = arith.addf %add3A_854, %mul3A_967 : vector<16xf32>
      %add3A_969 = arith.constant 96 : i32
      %add3A_970 = arith.addi %mul3A_266, %add3A_969 : i32
      %get3A_971 = arith.index_cast %add3A_970 : i32 to index
      %get3A_972 = tpu.vector_load %arg17[%get3A_971] {strides = array<i32>} : memref<8192xi32, #tpu.memory_space<vmem>>, vector<16xi32>,
      %gather3A_973 = tpu.vector_load_idx %arg15[%get3A_972] : memref<512xf32, #tpu.memory_space<vmem>>[vector<16xi32>], vector<16xf32>,
      %gather3A_974 = tpu.vector_load_idx %arg11[%get3A_972] : memref<512xf32, #tpu.memory_space<vmem>>[vector<16xi32>], vector<16xf32>,
      %gather3A_975 = tpu.vector_load_idx %arg12[%get3A_972] : memref<512xf32, #tpu.memory_space<vmem>>[vector<16xi32>], vector<16xf32>,
      %gather3A_976 = tpu.vector_load_idx %arg13[%get3A_972] : memref<512xf32, #tpu.memory_space<vmem>>[vector<16xi32>], vector<16xf32>,
      %gather3A_977 = tpu.vector_load_idx %arg16[%get3A_972] : memref<512xf32, #tpu.memory_space<vmem>>[vector<16xi32>], vector<16xf32>,
      %add3A_978 = arith.constant 96 : i32
      %add3A_979 = vector.broadcast %add3A_978 : i32 to vector<16xi32>
      %add3A_980 = arith.addi %add3A_979, %iota3A : vector<16xi32>
      %broadcast_in_dim3A_981 = arith.constant 0.000000e+00 : f32
      %broadcast_in_dim3A_982 = vector.broadcast %broadcast_in_dim3A_981 : f32 to vector<16xf32>
      %broadcast_in_dim3A_983 = arith.constant 0.000000e+00 : f32
      %broadcast_in_dim3A_984 = vector.broadcast %broadcast_in_dim3A_983 : f32 to vector<16xf32>
      %scan3A_985 = arith.constant 0 : i32
      %scan3A_986 = arith.constant 25 : i32
      %scan3A_987 = arith.addi %scan3A_985, %scan3A_986 : i32
      %scan3A_988 = arith.constant 1 : i32
      %scan3A_989:2 = scf.for %scan3A_2143 = %scan3A_985 to %scan3A_987 step %scan3A_988 iter_args(%scan3A_2144 = %broadcast_in_dim3A_982, %scan3A_2145 = %broadcast_in_dim3A_984) -> (vector<16xf32>, vector<16xf32>)  : i32 {
        %add3A_2146 = vector.broadcast %scan3A_2143 : i32 to vector<16xi32>
        %add3A_2147 = arith.addi %iota3A, %add3A_2146 : vector<16xi32>
        %ge3A_2148 = arith.constant 25 : i32
        %ge3A_2149 = vector.broadcast %ge3A_2148 : i32 to vector<16xi32>
        %ge3A_2150 = arith.cmpi sge, %add3A_2147, %ge3A_2149 : vector<16xi32>
        %sub3A_2151 = arith.constant 25 : i32
        %sub3A_2152 = vector.broadcast %sub3A_2151 : i32 to vector<16xi32>
        %sub3A_2153 = arith.subi %add3A_2147, %sub3A_2152 : vector<16xi32>
        %select_n3A_2154 = arith.select %ge3A_2150, %sub3A_2153, %add3A_2147 : vector<16xi1>, vector<16xi32>
        %gather3A_2155 = tpu.vector_load_idx %arg21[%add3A_980, %select_n3A_2154] : memref<128x128xf32, #tpu.memory_space<vmem>>[vector<16xi32>, vector<16xi32>], vector<16xf32>,
        %add3A_2156 = arith.constant 25 : i32
        %add3A_2157 = vector.broadcast %add3A_2156 : i32 to vector<16xi32>
        %add3A_2158 = arith.addi %select_n3A_2154, %add3A_2157 : vector<16xi32>
        %gather3A_2159 = tpu.vector_load_idx %arg21[%add3A_980, %add3A_2158] : memref<128x128xf32, #tpu.memory_space<vmem>>[vector<16xi32>, vector<16xi32>], vector<16xf32>,
        %add3A_2160 = arith.constant 50 : i32
        %add3A_2161 = vector.broadcast %add3A_2160 : i32 to vector<16xi32>
        %add3A_2162 = arith.addi %select_n3A_2154, %add3A_2161 : vector<16xi32>
        %gather3A_2163 = tpu.vector_load_idx %arg21[%add3A_980, %add3A_2162] : memref<128x128xf32, #tpu.memory_space<vmem>>[vector<16xi32>, vector<16xi32>], vector<16xf32>,
        %sub3A_2164 = arith.subf %gather3A_740, %gather3A_2159 : vector<16xf32>
        %sub3A_2165 = arith.subf %gather3A_973, %gather3A_2163 : vector<16xf32>
        %mul3A_2166 = arith.mulf %sub3A_2164, %sub3A_2164 : vector<16xf32>
        %mul3A_2167 = arith.mulf %sub3A_2165, %sub3A_2165 : vector<16xf32>
        %add3A_2168 = arith.addf %mul3A_2166, %mul3A_2167 : vector<16xf32>
        %mul3A_2169 = arith.constant -4.000000e+00 : f32
        %mul3A_2170 = vector.broadcast %mul3A_2169 : f32 to vector<16xf32>
        %mul3A_2171 = arith.mulf %mul3A_2170, %add3A_2168 : vector<16xf32>
        %exp3A = math.exp %mul3A_2171 : vector<16xf32>
        %add3A_2172 = arith.addf %scan3A_2144, %exp3A : vector<16xf32>
        %mul3A_2173 = arith.mulf %gather3A_2155, %exp3A : vector<16xf32>
        %add3A_2174 = arith.addf %scan3A_2145, %mul3A_2173 : vector<16xf32>
        scf.yield %add3A_2172, %add3A_2174 : vector<16xf32>, vector<16xf32>
      }
      %scan3A_990 = arith.constant 25 : i32
      %ne3A_991 = vector.broadcast %add3A_738 : i32 to vector<16xi32>
      %ne3A_992 = arith.cmpi ne, %get3A_972, %ne3A_991 : vector<16xi32>
      %ge3A_993 = arith.constant 9.99999974E-6 : f32
      %ge3A_994 = vector.broadcast %ge3A_993 : f32 to vector<16xf32>
      %ge3A_995 = arith.cmpf oge, %scan3A_989#0, %ge3A_994 : vector<16xf32>
      %and3A_996 = arith.andi %ne3A_992, %ge3A_995 : vector<16xi1>
      %jit3A_997 = arith.constant 0.000000e+00 : f32
      %broadcast_in_dim3A_998 = vector.broadcast %jit3A_997 : f32 to vector<16xf32>
      %select_n3A_999 = arith.select %and3A_996, %scan3A_989#1, %broadcast_in_dim3A_998 : vector<16xi1>, vector<16xf32>
      %max3A_1000 = arith.constant 9.99999974E-6 : f32
      %max3A_1001 = vector.broadcast %max3A_1000 : f32 to vector<16xf32>
      %max3A_1002 = arith.maximumf %scan3A_989#0, %max3A_1001 : vector<16xf32>
      %div3A_1003 = arith.divf %select_n3A_999, %max3A_1002 : vector<16xf32>
      %sub3A_1004 = arith.subf %gather3A_741, %gather3A_974 : vector<16xf32>
      %sub3A_1005 = arith.subf %gather3A_742, %gather3A_975 : vector<16xf32>
      %sub3A_1006 = arith.subf %gather3A_743, %gather3A_976 : vector<16xf32>
      %mul3A_1007 = arith.mulf %sub3A_1004, %sub3A_1004 : vector<16xf32>
      %mul3A_1008 = arith.mulf %sub3A_1005, %sub3A_1005 : vector<16xf32>
      %add3A_1009 = arith.addf %mul3A_1007, %mul3A_1008 : vector<16xf32>
      %mul3A_1010 = arith.mulf %sub3A_1006, %sub3A_1006 : vector<16xf32>
      %add3A_1011 = arith.addf %add3A_1009, %mul3A_1010 : vector<16xf32>
      %max3A_1012 = arith.constant 9.99999996E-13 : f32
      %max3A_1013 = vector.broadcast %max3A_1012 : f32 to vector<16xf32>
      %max3A_1014 = arith.maximumf %add3A_1011, %max3A_1013 : vector<16xf32>
      %mul3A_1015 = arith.constant 3.57106471 : f32
      %mul3A_1016 = vector.broadcast %mul3A_1015 : f32 to vector<16xf32>
      %mul3A_1017 = arith.mulf %max3A_1014, %mul3A_1016 : vector<16xf32>
      %mul3A_1018 = arith.mulf %mul3A_1017, %mul3A_1017 : vector<16xf32>
      %mul3A_1019 = arith.mulf %mul3A_1018, %mul3A_1017 : vector<16xf32>
      %mul3A_1020 = arith.mulf %mul3A_1019, %mul3A_1017 : vector<16xf32>
      %mul3A_1021 = arith.constant 3.000000e+00 : f32
      %mul3A_1022 = vector.broadcast %mul3A_1021 : f32 to vector<16xf32>
      %mul3A_1023 = arith.mulf %mul3A_1022, %gather3A_744 : vector<16xf32>
      %mul3A_1024 = arith.mulf %mul3A_1023, %gather3A_977 : vector<16xf32>
      %bitcast_convert_type3A_1025 = tpu.bitcast %mul3A_1024 : vector<16xf32> -> vector<16xi32>
      %shift_right_arithmetic3A_1026 = arith.constant 1 : i32
      %shift_right_arithmetic3A_1027 = vector.broadcast %shift_right_arithmetic3A_1026 : i32 to vector<16xi32>
      %shift_right_arithmetic3A_1028 = arith.shrsi %bitcast_convert_type3A_1025, %shift_right_arithmetic3A_1027 : vector<16xi32>
      %sub3A_1029 = arith.constant 1597463007 : i32
      %sub3A_1030 = vector.broadcast %sub3A_1029 : i32 to vector<16xi32>
      %sub3A_1031 = arith.subi %sub3A_1030, %shift_right_arithmetic3A_1028 : vector<16xi32>
      %bitcast_convert_type3A_1032 = tpu.bitcast %sub3A_1031 : vector<16xi32> -> vector<16xf32>
      %mul3A_1033 = arith.constant 5.000000e-01 : f32
      %mul3A_1034 = vector.broadcast %mul3A_1033 : f32 to vector<16xf32>
      %mul3A_1035 = arith.mulf %mul3A_1034, %mul3A_1024 : vector<16xf32>
      %mul3A_1036 = arith.mulf %mul3A_1035, %bitcast_convert_type3A_1032 : vector<16xf32>
      %mul3A_1037 = arith.mulf %mul3A_1036, %bitcast_convert_type3A_1032 : vector<16xf32>
      %sub3A_1038 = arith.constant 1.500000e+00 : f32
      %sub3A_1039 = vector.broadcast %sub3A_1038 : f32 to vector<16xf32>
      %sub3A_1040 = arith.subf %sub3A_1039, %mul3A_1037 : vector<16xf32>
      %mul3A_1041 = arith.mulf %bitcast_convert_type3A_1032, %sub3A_1040 : vector<16xf32>
      %mul3A_1042 = arith.constant 5.000000e-01 : f32
      %mul3A_1043 = vector.broadcast %mul3A_1042 : f32 to vector<16xf32>
      %mul3A_1044 = arith.mulf %mul3A_1043, %mul3A_1024 : vector<16xf32>
      %mul3A_1045 = arith.mulf %mul3A_1044, %mul3A_1041 : vector<16xf32>
      %mul3A_1046 = arith.mulf %mul3A_1045, %mul3A_1041 : vector<16xf32>
      %sub3A_1047 = arith.constant 1.500000e+00 : f32
      %sub3A_1048 = vector.broadcast %sub3A_1047 : f32 to vector<16xf32>
      %sub3A_1049 = arith.subf %sub3A_1048, %mul3A_1046 : vector<16xf32>
      %mul3A_1050 = arith.mulf %mul3A_1041, %sub3A_1049 : vector<16xf32>
      %mul3A_1051 = arith.constant 5.000000e-01 : f32
      %mul3A_1052 = vector.broadcast %mul3A_1051 : f32 to vector<16xf32>
      %mul3A_1053 = arith.mulf %mul3A_1052, %mul3A_1024 : vector<16xf32>
      %mul3A_1054 = arith.mulf %mul3A_1053, %mul3A_1050 : vector<16xf32>
      %mul3A_1055 = arith.mulf %mul3A_1054, %mul3A_1050 : vector<16xf32>
      %sub3A_1056 = arith.constant 1.500000e+00 : f32
      %sub3A_1057 = vector.broadcast %sub3A_1056 : f32 to vector<16xf32>
      %sub3A_1058 = arith.subf %sub3A_1057, %mul3A_1055 : vector<16xf32>
      %mul3A_1059 = arith.mulf %mul3A_1050, %sub3A_1058 : vector<16xf32>
      %mul3A_1060 = arith.mulf %mul3A_1024, %mul3A_1059 : vector<16xf32>
      %mul3A_1061 = arith.constant 4.289000e-01 : f32
      %mul3A_1062 = vector.broadcast %mul3A_1061 : f32 to vector<16xf32>
      %mul3A_1063 = arith.mulf %mul3A_1062, %mul3A_1060 : vector<16xf32>
      %add3A_1064 = arith.constant 4.440700e+00 : f32
      %add3A_1065 = vector.broadcast %add3A_1064 : f32 to vector<16xf32>
      %add3A_1066 = arith.addf %mul3A_1063, %add3A_1065 : vector<16xf32>
      %mul3A_1067 = arith.mulf %add3A_1066, %add3A_1066 : vector<16xf32>
      %mul3A_1068 = arith.mulf %mul3A_1067, %mul3A_1067 : vector<16xf32>
      %mul3A_1069 = arith.mulf %mul3A_1068, %mul3A_1067 : vector<16xf32>
      %mul3A_1070 = arith.mulf %mul3A_1069, %mul3A_1067 : vector<16xf32>
      %add3A_1071 = arith.addf %mul3A_1019, %mul3A_1069 : vector<16xf32>
      %div3A_1072 = arith.constant 1.000000e+00 : f32
      %div3A_1073 = vector.broadcast %div3A_1072 : f32 to vector<16xf32>
      %div3A_1074 = arith.divf %div3A_1073, %add3A_1071 : vector<16xf32>
      %mul3A_1075 = arith.constant 7.875000e-01 : f32
      %mul3A_1076 = vector.broadcast %mul3A_1075 : f32 to vector<16xf32>
      %mul3A_1077 = arith.mulf %mul3A_1076, %mul3A_1024 : vector<16xf32>
      %add3A_1078 = arith.addf %mul3A_1020, %mul3A_1070 : vector<16xf32>
      %div3A_1079 = arith.divf %mul3A_1077, %add3A_1078 : vector<16xf32>
      %add3A_1080 = arith.addf %div3A_1074, %div3A_1079 : vector<16xf32>
      %mul3A_1081 = arith.mulf %div3A_1003, %add3A_1080 : vector<16xf32>
      %add3A_1082 = arith.addf %add3A_968, %mul3A_1081 : vector<16xf32>
      %add3A_1083 = arith.constant 112 : i32
      %add3A_1084 = arith.addi %mul3A_266, %add3A_1083 : i32
      %get3A_1085 = arith.index_cast %add3A_1084 : i32 to index
      %get3A_1086 = tpu.vector_load %arg17[%get3A_1085] {strides = array<i32>} : memref<8192xi32, #tpu.memory_space<vmem>>, vector<16xi32>,
      %gather3A_1087 = tpu.vector_load_idx %arg15[%get3A_1086] : memref<512xf32, #tpu.memory_space<vmem>>[vector<16xi32>], vector<16xf32>,
      %gather3A_1088 = tpu.vector_load_idx %arg11[%get3A_1086] : memref<512xf32, #tpu.memory_space<vmem>>[vector<16xi32>], vector<16xf32>,
      %gather3A_1089 = tpu.vector_load_idx %arg12[%get3A_1086] : memref<512xf32, #tpu.memory_space<vmem>>[vector<16xi32>], vector<16xf32>,
      %gather3A_1090 = tpu.vector_load_idx %arg13[%get3A_1086] : memref<512xf32, #tpu.memory_space<vmem>>[vector<16xi32>], vector<16xf32>,
      %gather3A_1091 = tpu.vector_load_idx %arg16[%get3A_1086] : memref<512xf32, #tpu.memory_space<vmem>>[vector<16xi32>], vector<16xf32>,
      %add3A_1092 = arith.constant 112 : i32
      %add3A_1093 = vector.broadcast %add3A_1092 : i32 to vector<16xi32>
      %add3A_1094 = arith.addi %add3A_1093, %iota3A : vector<16xi32>
      %broadcast_in_dim3A_1095 = arith.constant 0.000000e+00 : f32
      %broadcast_in_dim3A_1096 = vector.broadcast %broadcast_in_dim3A_1095 : f32 to vector<16xf32>
      %broadcast_in_dim3A_1097 = arith.constant 0.000000e+00 : f32
      %broadcast_in_dim3A_1098 = vector.broadcast %broadcast_in_dim3A_1097 : f32 to vector<16xf32>
      %scan3A_1099 = arith.constant 0 : i32
      %scan3A_1100 = arith.constant 25 : i32
      %scan3A_1101 = arith.addi %scan3A_1099, %scan3A_1100 : i32
      %scan3A_1102 = arith.constant 1 : i32
      %scan3A_1103:2 = scf.for %scan3A_2143 = %scan3A_1099 to %scan3A_1101 step %scan3A_1102 iter_args(%scan3A_2144 = %broadcast_in_dim3A_1096, %scan3A_2145 = %broadcast_in_dim3A_1098) -> (vector<16xf32>, vector<16xf32>)  : i32 {
        %add3A_2146 = vector.broadcast %scan3A_2143 : i32 to vector<16xi32>
        %add3A_2147 = arith.addi %iota3A, %add3A_2146 : vector<16xi32>
        %ge3A_2148 = arith.constant 25 : i32
        %ge3A_2149 = vector.broadcast %ge3A_2148 : i32 to vector<16xi32>
        %ge3A_2150 = arith.cmpi sge, %add3A_2147, %ge3A_2149 : vector<16xi32>
        %sub3A_2151 = arith.constant 25 : i32
        %sub3A_2152 = vector.broadcast %sub3A_2151 : i32 to vector<16xi32>
        %sub3A_2153 = arith.subi %add3A_2147, %sub3A_2152 : vector<16xi32>
        %select_n3A_2154 = arith.select %ge3A_2150, %sub3A_2153, %add3A_2147 : vector<16xi1>, vector<16xi32>
        %gather3A_2155 = tpu.vector_load_idx %arg21[%add3A_1094, %select_n3A_2154] : memref<128x128xf32, #tpu.memory_space<vmem>>[vector<16xi32>, vector<16xi32>], vector<16xf32>,
        %add3A_2156 = arith.constant 25 : i32
        %add3A_2157 = vector.broadcast %add3A_2156 : i32 to vector<16xi32>
        %add3A_2158 = arith.addi %select_n3A_2154, %add3A_2157 : vector<16xi32>
        %gather3A_2159 = tpu.vector_load_idx %arg21[%add3A_1094, %add3A_2158] : memref<128x128xf32, #tpu.memory_space<vmem>>[vector<16xi32>, vector<16xi32>], vector<16xf32>,
        %add3A_2160 = arith.constant 50 : i32
        %add3A_2161 = vector.broadcast %add3A_2160 : i32 to vector<16xi32>
        %add3A_2162 = arith.addi %select_n3A_2154, %add3A_2161 : vector<16xi32>
        %gather3A_2163 = tpu.vector_load_idx %arg21[%add3A_1094, %add3A_2162] : memref<128x128xf32, #tpu.memory_space<vmem>>[vector<16xi32>, vector<16xi32>], vector<16xf32>,
        %sub3A_2164 = arith.subf %gather3A_740, %gather3A_2159 : vector<16xf32>
        %sub3A_2165 = arith.subf %gather3A_1087, %gather3A_2163 : vector<16xf32>
        %mul3A_2166 = arith.mulf %sub3A_2164, %sub3A_2164 : vector<16xf32>
        %mul3A_2167 = arith.mulf %sub3A_2165, %sub3A_2165 : vector<16xf32>
        %add3A_2168 = arith.addf %mul3A_2166, %mul3A_2167 : vector<16xf32>
        %mul3A_2169 = arith.constant -4.000000e+00 : f32
        %mul3A_2170 = vector.broadcast %mul3A_2169 : f32 to vector<16xf32>
        %mul3A_2171 = arith.mulf %mul3A_2170, %add3A_2168 : vector<16xf32>
        %exp3A = math.exp %mul3A_2171 : vector<16xf32>
        %add3A_2172 = arith.addf %scan3A_2144, %exp3A : vector<16xf32>
        %mul3A_2173 = arith.mulf %gather3A_2155, %exp3A : vector<16xf32>
        %add3A_2174 = arith.addf %scan3A_2145, %mul3A_2173 : vector<16xf32>
        scf.yield %add3A_2172, %add3A_2174 : vector<16xf32>, vector<16xf32>
      }
      %scan3A_1104 = arith.constant 25 : i32
      %ne3A_1105 = vector.broadcast %add3A_738 : i32 to vector<16xi32>
      %ne3A_1106 = arith.cmpi ne, %get3A_1086, %ne3A_1105 : vector<16xi32>
      %ge3A_1107 = arith.constant 9.99999974E-6 : f32
      %ge3A_1108 = vector.broadcast %ge3A_1107 : f32 to vector<16xf32>
      %ge3A_1109 = arith.cmpf oge, %scan3A_1103#0, %ge3A_1108 : vector<16xf32>
      %and3A_1110 = arith.andi %ne3A_1106, %ge3A_1109 : vector<16xi1>
      %jit3A_1111 = arith.constant 0.000000e+00 : f32
      %broadcast_in_dim3A_1112 = vector.broadcast %jit3A_1111 : f32 to vector<16xf32>
      %select_n3A_1113 = arith.select %and3A_1110, %scan3A_1103#1, %broadcast_in_dim3A_1112 : vector<16xi1>, vector<16xf32>
      %max3A_1114 = arith.constant 9.99999974E-6 : f32
      %max3A_1115 = vector.broadcast %max3A_1114 : f32 to vector<16xf32>
      %max3A_1116 = arith.maximumf %scan3A_1103#0, %max3A_1115 : vector<16xf32>
      %div3A_1117 = arith.divf %select_n3A_1113, %max3A_1116 : vector<16xf32>
      %sub3A_1118 = arith.subf %gather3A_741, %gather3A_1088 : vector<16xf32>
      %sub3A_1119 = arith.subf %gather3A_742, %gather3A_1089 : vector<16xf32>
      %sub3A_1120 = arith.subf %gather3A_743, %gather3A_1090 : vector<16xf32>
      %mul3A_1121 = arith.mulf %sub3A_1118, %sub3A_1118 : vector<16xf32>
      %mul3A_1122 = arith.mulf %sub3A_1119, %sub3A_1119 : vector<16xf32>
      %add3A_1123 = arith.addf %mul3A_1121, %mul3A_1122 : vector<16xf32>
      %mul3A_1124 = arith.mulf %sub3A_1120, %sub3A_1120 : vector<16xf32>
      %add3A_1125 = arith.addf %add3A_1123, %mul3A_1124 : vector<16xf32>
      %max3A_1126 = arith.constant 9.99999996E-13 : f32
      %max3A_1127 = vector.broadcast %max3A_1126 : f32 to vector<16xf32>
      %max3A_1128 = arith.maximumf %add3A_1125, %max3A_1127 : vector<16xf32>
      %mul3A_1129 = arith.constant 3.57106471 : f32
      %mul3A_1130 = vector.broadcast %mul3A_1129 : f32 to vector<16xf32>
      %mul3A_1131 = arith.mulf %max3A_1128, %mul3A_1130 : vector<16xf32>
      %mul3A_1132 = arith.mulf %mul3A_1131, %mul3A_1131 : vector<16xf32>
      %mul3A_1133 = arith.mulf %mul3A_1132, %mul3A_1131 : vector<16xf32>
      %mul3A_1134 = arith.mulf %mul3A_1133, %mul3A_1131 : vector<16xf32>
      %mul3A_1135 = arith.constant 3.000000e+00 : f32
      %mul3A_1136 = vector.broadcast %mul3A_1135 : f32 to vector<16xf32>
      %mul3A_1137 = arith.mulf %mul3A_1136, %gather3A_744 : vector<16xf32>
      %mul3A_1138 = arith.mulf %mul3A_1137, %gather3A_1091 : vector<16xf32>
      %bitcast_convert_type3A_1139 = tpu.bitcast %mul3A_1138 : vector<16xf32> -> vector<16xi32>
      %shift_right_arithmetic3A_1140 = arith.constant 1 : i32
      %shift_right_arithmetic3A_1141 = vector.broadcast %shift_right_arithmetic3A_1140 : i32 to vector<16xi32>
      %shift_right_arithmetic3A_1142 = arith.shrsi %bitcast_convert_type3A_1139, %shift_right_arithmetic3A_1141 : vector<16xi32>
      %sub3A_1143 = arith.constant 1597463007 : i32
      %sub3A_1144 = vector.broadcast %sub3A_1143 : i32 to vector<16xi32>
      %sub3A_1145 = arith.subi %sub3A_1144, %shift_right_arithmetic3A_1142 : vector<16xi32>
      %bitcast_convert_type3A_1146 = tpu.bitcast %sub3A_1145 : vector<16xi32> -> vector<16xf32>
      %mul3A_1147 = arith.constant 5.000000e-01 : f32
      %mul3A_1148 = vector.broadcast %mul3A_1147 : f32 to vector<16xf32>
      %mul3A_1149 = arith.mulf %mul3A_1148, %mul3A_1138 : vector<16xf32>
      %mul3A_1150 = arith.mulf %mul3A_1149, %bitcast_convert_type3A_1146 : vector<16xf32>
      %mul3A_1151 = arith.mulf %mul3A_1150, %bitcast_convert_type3A_1146 : vector<16xf32>
      %sub3A_1152 = arith.constant 1.500000e+00 : f32
      %sub3A_1153 = vector.broadcast %sub3A_1152 : f32 to vector<16xf32>
      %sub3A_1154 = arith.subf %sub3A_1153, %mul3A_1151 : vector<16xf32>
      %mul3A_1155 = arith.mulf %bitcast_convert_type3A_1146, %sub3A_1154 : vector<16xf32>
      %mul3A_1156 = arith.constant 5.000000e-01 : f32
      %mul3A_1157 = vector.broadcast %mul3A_1156 : f32 to vector<16xf32>
      %mul3A_1158 = arith.mulf %mul3A_1157, %mul3A_1138 : vector<16xf32>
      %mul3A_1159 = arith.mulf %mul3A_1158, %mul3A_1155 : vector<16xf32>
      %mul3A_1160 = arith.mulf %mul3A_1159, %mul3A_1155 : vector<16xf32>
      %sub3A_1161 = arith.constant 1.500000e+00 : f32
      %sub3A_1162 = vector.broadcast %sub3A_1161 : f32 to vector<16xf32>
      %sub3A_1163 = arith.subf %sub3A_1162, %mul3A_1160 : vector<16xf32>
      %mul3A_1164 = arith.mulf %mul3A_1155, %sub3A_1163 : vector<16xf32>
      %mul3A_1165 = arith.constant 5.000000e-01 : f32
      %mul3A_1166 = vector.broadcast %mul3A_1165 : f32 to vector<16xf32>
      %mul3A_1167 = arith.mulf %mul3A_1166, %mul3A_1138 : vector<16xf32>
      %mul3A_1168 = arith.mulf %mul3A_1167, %mul3A_1164 : vector<16xf32>
      %mul3A_1169 = arith.mulf %mul3A_1168, %mul3A_1164 : vector<16xf32>
      %sub3A_1170 = arith.constant 1.500000e+00 : f32
      %sub3A_1171 = vector.broadcast %sub3A_1170 : f32 to vector<16xf32>
      %sub3A_1172 = arith.subf %sub3A_1171, %mul3A_1169 : vector<16xf32>
      %mul3A_1173 = arith.mulf %mul3A_1164, %sub3A_1172 : vector<16xf32>
      %mul3A_1174 = arith.mulf %mul3A_1138, %mul3A_1173 : vector<16xf32>
      %mul3A_1175 = arith.constant 4.289000e-01 : f32
      %mul3A_1176 = vector.broadcast %mul3A_1175 : f32 to vector<16xf32>
      %mul3A_1177 = arith.mulf %mul3A_1176, %mul3A_1174 : vector<16xf32>
      %add3A_1178 = arith.constant 4.440700e+00 : f32
      %add3A_1179 = vector.broadcast %add3A_1178 : f32 to vector<16xf32>
      %add3A_1180 = arith.addf %mul3A_1177, %add3A_1179 : vector<16xf32>
      %mul3A_1181 = arith.mulf %add3A_1180, %add3A_1180 : vector<16xf32>
      %mul3A_1182 = arith.mulf %mul3A_1181, %mul3A_1181 : vector<16xf32>
      %mul3A_1183 = arith.mulf %mul3A_1182, %mul3A_1181 : vector<16xf32>
      %mul3A_1184 = arith.mulf %mul3A_1183, %mul3A_1181 : vector<16xf32>
      %add3A_1185 = arith.addf %mul3A_1133, %mul3A_1183 : vector<16xf32>
      %div3A_1186 = arith.constant 1.000000e+00 : f32
      %div3A_1187 = vector.broadcast %div3A_1186 : f32 to vector<16xf32>
      %div3A_1188 = arith.divf %div3A_1187, %add3A_1185 : vector<16xf32>
      %mul3A_1189 = arith.constant 7.875000e-01 : f32
      %mul3A_1190 = vector.broadcast %mul3A_1189 : f32 to vector<16xf32>
      %mul3A_1191 = arith.mulf %mul3A_1190, %mul3A_1138 : vector<16xf32>
      %add3A_1192 = arith.addf %mul3A_1134, %mul3A_1184 : vector<16xf32>
      %div3A_1193 = arith.divf %mul3A_1191, %add3A_1192 : vector<16xf32>
      %add3A_1194 = arith.addf %div3A_1188, %div3A_1193 : vector<16xf32>
      %mul3A_1195 = arith.mulf %div3A_1117, %add3A_1194 : vector<16xf32>
      %add3A_1196 = arith.addf %add3A_1082, %mul3A_1195 : vector<16xf32>
      %add3A_1197 = arith.constant 1 : i32
      %add3A_1198 = arith.addi %scan3A_150, %add3A_1197 : i32
      %lt3A_1199 = arith.constant 32 : i32
      %lt3A_1200 = arith.cmpi slt, %add3A_1198, %lt3A_1199 : i32
      %convert_element_type3A = arith.extui %lt3A_1200 : i1 to i32
      %cond3A = arith.constant 0 : i32
      %cond3A_1201 = arith.cmpi ne, %convert_element_type3A, %cond3A : i32
      scf.if %cond3A_1201 {
        %add3A_2143 = arith.constant 2 : i32
        %add3A_2144 = arith.addi %mul3A_153, %add3A_2143 : i32
        %mul3A_2145 = arith.constant 128 : i32
        %mul3A_2146 = arith.muli %add3A_2144, %mul3A_2145 : i32
        %add3A_2147 = arith.constant 0 : i32
        %add3A_2148 = arith.addi %mul3A_2146, %add3A_2147 : i32
        %get3A_2149 = arith.index_cast %add3A_2148 : i32 to index
        %get3A_2150 = tpu.vector_load %arg17[%get3A_2149] {strides = array<i32>} : memref<8192xi32, #tpu.memory_space<vmem>>, vector<16xi32>,
        %gather3A_2151 = tpu.vector_load_idx %arg14[%get3A_2150] : memref<512xi32, #tpu.memory_space<vmem>>[vector<16xi32>], vector<16xi32>,
        %mul3A_2152 = arith.constant 2 : i32
        %mul3A_2153 = arith.muli %add3A_2144, %mul3A_2152 : i32
        %add3A_2154 = arith.addi %mul3A_32, %mul3A_2153 : i32
        %add3A_2155 = arith.constant 0 : i32
        %add3A_2156 = arith.addi %add3A_2154, %add3A_2155 : i32
        %broadcast_in_dim3A_2157 = vector.broadcast %add3A_2156 : i32 to vector<16xi32>
        %gather3A_2158 = tpu.vector_load_idx %arg14[%broadcast_in_dim3A_2157] : memref<512xi32, #tpu.memory_space<vmem>>[vector<16xi32>], vector<16xi32>,
        %mul3A_2159 = arith.constant 95 : i32
        %mul3A_2160 = vector.broadcast %mul3A_2159 : i32 to vector<16xi32>
        %mul3A_2161 = arith.muli %gather3A_2158, %mul3A_2160 : vector<16xi32>
        %add3A_2162 = arith.addi %mul3A_2161, %gather3A_2151 : vector<16xi32>
        %swap3A_2163 = arith.constant 0 : index
        %swap3A_2164 = tpu.vector_load %arg19[%swap3A_2163] {strides = array<i32>} : memref<128xi32, #tpu.memory_space<vmem>>, vector<16xi32>,
        tpu.vector_store %arg19[%swap3A_2163], %add3A_2162 {strides = array<i32>} : memref<128xi32, #tpu.memory_space<vmem>>, vector<16xi32>,
        %add3A_2165 = arith.constant 16 : i32
        %add3A_2166 = arith.addi %mul3A_2146, %add3A_2165 : i32
        %get3A_2167 = arith.index_cast %add3A_2166 : i32 to index
        %get3A_2168 = tpu.vector_load %arg17[%get3A_2167] {strides = array<i32>} : memref<8192xi32, #tpu.memory_space<vmem>>, vector<16xi32>,
        %gather3A_2169 = tpu.vector_load_idx %arg14[%get3A_2168] : memref<512xi32, #tpu.memory_space<vmem>>[vector<16xi32>], vector<16xi32>,
        %mul3A_2170 = arith.constant 95 : i32
        %mul3A_2171 = vector.broadcast %mul3A_2170 : i32 to vector<16xi32>
        %mul3A_2172 = arith.muli %gather3A_2158, %mul3A_2171 : vector<16xi32>
        %add3A_2173 = arith.addi %mul3A_2172, %gather3A_2169 : vector<16xi32>
        %swap3A_2174 = arith.constant 16 : index
        %swap3A_2175 = tpu.vector_load %arg19[%swap3A_2174] {strides = array<i32>} : memref<128xi32, #tpu.memory_space<vmem>>, vector<16xi32>,
        tpu.vector_store %arg19[%swap3A_2174], %add3A_2173 {strides = array<i32>} : memref<128xi32, #tpu.memory_space<vmem>>, vector<16xi32>,
        %add3A_2176 = arith.constant 32 : i32
        %add3A_2177 = arith.addi %mul3A_2146, %add3A_2176 : i32
        %get3A_2178 = arith.index_cast %add3A_2177 : i32 to index
        %get3A_2179 = tpu.vector_load %arg17[%get3A_2178] {strides = array<i32>} : memref<8192xi32, #tpu.memory_space<vmem>>, vector<16xi32>,
        %gather3A_2180 = tpu.vector_load_idx %arg14[%get3A_2179] : memref<512xi32, #tpu.memory_space<vmem>>[vector<16xi32>], vector<16xi32>,
        %mul3A_2181 = arith.constant 95 : i32
        %mul3A_2182 = vector.broadcast %mul3A_2181 : i32 to vector<16xi32>
        %mul3A_2183 = arith.muli %gather3A_2158, %mul3A_2182 : vector<16xi32>
        %add3A_2184 = arith.addi %mul3A_2183, %gather3A_2180 : vector<16xi32>
        %swap3A_2185 = arith.constant 32 : index
        %swap3A_2186 = tpu.vector_load %arg19[%swap3A_2185] {strides = array<i32>} : memref<128xi32, #tpu.memory_space<vmem>>, vector<16xi32>,
        tpu.vector_store %arg19[%swap3A_2185], %add3A_2184 {strides = array<i32>} : memref<128xi32, #tpu.memory_space<vmem>>, vector<16xi32>,
        %add3A_2187 = arith.constant 48 : i32
        %add3A_2188 = arith.addi %mul3A_2146, %add3A_2187 : i32
        %get3A_2189 = arith.index_cast %add3A_2188 : i32 to index
        %get3A_2190 = tpu.vector_load %arg17[%get3A_2189] {strides = array<i32>} : memref<8192xi32, #tpu.memory_space<vmem>>, vector<16xi32>,
        %gather3A_2191 = tpu.vector_load_idx %arg14[%get3A_2190] : memref<512xi32, #tpu.memory_space<vmem>>[vector<16xi32>], vector<16xi32>,
        %mul3A_2192 = arith.constant 95 : i32
        %mul3A_2193 = vector.broadcast %mul3A_2192 : i32 to vector<16xi32>
        %mul3A_2194 = arith.muli %gather3A_2158, %mul3A_2193 : vector<16xi32>
        %add3A_2195 = arith.addi %mul3A_2194, %gather3A_2191 : vector<16xi32>
        %swap3A_2196 = arith.constant 48 : index
        %swap3A_2197 = tpu.vector_load %arg19[%swap3A_2196] {strides = array<i32>} : memref<128xi32, #tpu.memory_space<vmem>>, vector<16xi32>,
        tpu.vector_store %arg19[%swap3A_2196], %add3A_2195 {strides = array<i32>} : memref<128xi32, #tpu.memory_space<vmem>>, vector<16xi32>,
        %add3A_2198 = arith.constant 64 : i32
        %add3A_2199 = arith.addi %mul3A_2146, %add3A_2198 : i32
        %get3A_2200 = arith.index_cast %add3A_2199 : i32 to index
        %get3A_2201 = tpu.vector_load %arg17[%get3A_2200] {strides = array<i32>} : memref<8192xi32, #tpu.memory_space<vmem>>, vector<16xi32>,
        %gather3A_2202 = tpu.vector_load_idx %arg14[%get3A_2201] : memref<512xi32, #tpu.memory_space<vmem>>[vector<16xi32>], vector<16xi32>,
        %mul3A_2203 = arith.constant 2 : i32
        %mul3A_2204 = arith.muli %add3A_2144, %mul3A_2203 : i32
        %add3A_2205 = arith.addi %mul3A_32, %mul3A_2204 : i32
        %add3A_2206 = arith.constant 1 : i32
        %add3A_2207 = arith.addi %add3A_2205, %add3A_2206 : i32
        %broadcast_in_dim3A_2208 = vector.broadcast %add3A_2207 : i32 to vector<16xi32>
        %gather3A_2209 = tpu.vector_load_idx %arg14[%broadcast_in_dim3A_2208] : memref<512xi32, #tpu.memory_space<vmem>>[vector<16xi32>], vector<16xi32>,
        %mul3A_2210 = arith.constant 95 : i32
        %mul3A_2211 = vector.broadcast %mul3A_2210 : i32 to vector<16xi32>
        %mul3A_2212 = arith.muli %gather3A_2209, %mul3A_2211 : vector<16xi32>
        %add3A_2213 = arith.addi %mul3A_2212, %gather3A_2202 : vector<16xi32>
        %swap3A_2214 = arith.constant 64 : index
        %swap3A_2215 = tpu.vector_load %arg19[%swap3A_2214] {strides = array<i32>} : memref<128xi32, #tpu.memory_space<vmem>>, vector<16xi32>,
        tpu.vector_store %arg19[%swap3A_2214], %add3A_2213 {strides = array<i32>} : memref<128xi32, #tpu.memory_space<vmem>>, vector<16xi32>,
        %add3A_2216 = arith.constant 80 : i32
        %add3A_2217 = arith.addi %mul3A_2146, %add3A_2216 : i32
        %get3A_2218 = arith.index_cast %add3A_2217 : i32 to index
        %get3A_2219 = tpu.vector_load %arg17[%get3A_2218] {strides = array<i32>} : memref<8192xi32, #tpu.memory_space<vmem>>, vector<16xi32>,
        %gather3A_2220 = tpu.vector_load_idx %arg14[%get3A_2219] : memref<512xi32, #tpu.memory_space<vmem>>[vector<16xi32>], vector<16xi32>,
        %mul3A_2221 = arith.constant 95 : i32
        %mul3A_2222 = vector.broadcast %mul3A_2221 : i32 to vector<16xi32>
        %mul3A_2223 = arith.muli %gather3A_2209, %mul3A_2222 : vector<16xi32>
        %add3A_2224 = arith.addi %mul3A_2223, %gather3A_2220 : vector<16xi32>
        %swap3A_2225 = arith.constant 80 : index
        %swap3A_2226 = tpu.vector_load %arg19[%swap3A_2225] {strides = array<i32>} : memref<128xi32, #tpu.memory_space<vmem>>, vector<16xi32>,
        tpu.vector_store %arg19[%swap3A_2225], %add3A_2224 {strides = array<i32>} : memref<128xi32, #tpu.memory_space<vmem>>, vector<16xi32>,
        %add3A_2227 = arith.constant 96 : i32
        %add3A_2228 = arith.addi %mul3A_2146, %add3A_2227 : i32
        %get3A_2229 = arith.index_cast %add3A_2228 : i32 to index
        %get3A_2230 = tpu.vector_load %arg17[%get3A_2229] {strides = array<i32>} : memref<8192xi32, #tpu.memory_space<vmem>>, vector<16xi32>,
        %gather3A_2231 = tpu.vector_load_idx %arg14[%get3A_2230] : memref<512xi32, #tpu.memory_space<vmem>>[vector<16xi32>], vector<16xi32>,
        %mul3A_2232 = arith.constant 95 : i32
        %mul3A_2233 = vector.broadcast %mul3A_2232 : i32 to vector<16xi32>
        %mul3A_2234 = arith.muli %gather3A_2209, %mul3A_2233 : vector<16xi32>
        %add3A_2235 = arith.addi %mul3A_2234, %gather3A_2231 : vector<16xi32>
        %swap3A_2236 = arith.constant 96 : index
        %swap3A_2237 = tpu.vector_load %arg19[%swap3A_2236] {strides = array<i32>} : memref<128xi32, #tpu.memory_space<vmem>>, vector<16xi32>,
        tpu.vector_store %arg19[%swap3A_2236], %add3A_2235 {strides = array<i32>} : memref<128xi32, #tpu.memory_space<vmem>>, vector<16xi32>,
        %add3A_2238 = arith.constant 112 : i32
        %add3A_2239 = arith.addi %mul3A_2146, %add3A_2238 : i32
        %get3A_2240 = arith.index_cast %add3A_2239 : i32 to index
        %get3A_2241 = tpu.vector_load %arg17[%get3A_2240] {strides = array<i32>} : memref<8192xi32, #tpu.memory_space<vmem>>, vector<16xi32>,
        %gather3A_2242 = tpu.vector_load_idx %arg14[%get3A_2241] : memref<512xi32, #tpu.memory_space<vmem>>[vector<16xi32>], vector<16xi32>,
        %mul3A_2243 = arith.constant 95 : i32
        %mul3A_2244 = vector.broadcast %mul3A_2243 : i32 to vector<16xi32>
        %mul3A_2245 = arith.muli %gather3A_2209, %mul3A_2244 : vector<16xi32>
        %add3A_2246 = arith.addi %mul3A_2245, %gather3A_2242 : vector<16xi32>
        %swap3A_2247 = arith.constant 112 : index
        %swap3A_2248 = tpu.vector_load %arg19[%swap3A_2247] {strides = array<i32>} : memref<128xi32, #tpu.memory_space<vmem>>, vector<16xi32>,
        tpu.vector_store %arg19[%swap3A_2247], %add3A_2246 {strides = array<i32>} : memref<128xi32, #tpu.memory_space<vmem>>, vector<16xi32>,
        %dma_start3A_2249 = arith.constant 0 : i32
        %dma_start3A_2250 = arith.constant 0 : i32
        %dma_start3A_2251 = tpu.memref_slice %arg9[%dma_start3A_2249, %dma_start3A_2250] : memref<9025x128xf32, #tpu.memory_space<hbm>> -> memref<9025x128xf32, #tpu.memory_space<hbm>>
        tpu.enqueue_indirect_dma source(%dma_start3A_2251 : memref<9025x128xf32, #tpu.memory_space<hbm>>) target(%arg21 : memref<128x128xf32, #tpu.memory_space<vmem>>) offsets(%arg19 : memref<128xi32, #tpu.memory_space<vmem>>) semaphore(%arg24 : memref<!tpu.dma_semaphore, #tpu.memory_space<semaphore_mem>>)
      } else {
      }
      %dma_wait3A_1202 = arith.constant 0 : i32
      %dma_wait3A_1203 = arith.constant 0 : i32
      %dma_wait3A_1204 = tpu.memref_slice %arg9[%dma_wait3A_1202, %dma_wait3A_1203] : memref<9025x128xf32, #tpu.memory_space<hbm>> -> memref<9025x128xf32, #tpu.memory_space<hbm>>
      tpu.wait_indirect_dma semaphore(%arg25 : memref<!tpu.dma_semaphore, #tpu.memory_space<semaphore_mem>>) src(%dma_wait3A_1204 : memref<9025x128xf32, #tpu.memory_space<hbm>>) dst(%arg22 : memref<128x128xf32, #tpu.memory_space<vmem>>)
      %add3A_1205 = arith.constant 1 : i32
      %add3A_1206 = arith.addi %mul3A_153, %add3A_1205 : i32
      %mul3A_1207 = arith.constant 128 : i32
      %mul3A_1208 = arith.muli %add3A_1206, %mul3A_1207 : i32
      %add3A_1209 = arith.constant 0 : i32
      %add3A_1210 = arith.addi %mul3A_1208, %add3A_1209 : i32
      %get3A_1211 = arith.index_cast %add3A_1210 : i32 to index
      %get3A_1212 = tpu.vector_load %arg17[%get3A_1211] {strides = array<i32>} : memref<8192xi32, #tpu.memory_space<vmem>>, vector<16xi32>,
      %mul3A_1213 = arith.constant 2 : i32
      %mul3A_1214 = arith.muli %add3A_1206, %mul3A_1213 : i32
      %add3A_1215 = arith.addi %mul3A_32, %mul3A_1214 : i32
      %add3A_1216 = arith.constant 0 : i32
      %add3A_1217 = arith.addi %add3A_1215, %add3A_1216 : i32
      %broadcast_in_dim3A_1218 = vector.broadcast %add3A_1217 : i32 to vector<16xi32>
      %gather3A_1219 = tpu.vector_load_idx %arg15[%broadcast_in_dim3A_1218] : memref<512xf32, #tpu.memory_space<vmem>>[vector<16xi32>], vector<16xf32>,
      %gather3A_1220 = tpu.vector_load_idx %arg11[%broadcast_in_dim3A_1218] : memref<512xf32, #tpu.memory_space<vmem>>[vector<16xi32>], vector<16xf32>,
      %gather3A_1221 = tpu.vector_load_idx %arg12[%broadcast_in_dim3A_1218] : memref<512xf32, #tpu.memory_space<vmem>>[vector<16xi32>], vector<16xf32>,
      %gather3A_1222 = tpu.vector_load_idx %arg13[%broadcast_in_dim3A_1218] : memref<512xf32, #tpu.memory_space<vmem>>[vector<16xi32>], vector<16xf32>,
      %gather3A_1223 = tpu.vector_load_idx %arg16[%broadcast_in_dim3A_1218] : memref<512xf32, #tpu.memory_space<vmem>>[vector<16xi32>], vector<16xf32>,
      %gather3A_1224 = tpu.vector_load_idx %arg15[%get3A_1212] : memref<512xf32, #tpu.memory_space<vmem>>[vector<16xi32>], vector<16xf32>,
      %gather3A_1225 = tpu.vector_load_idx %arg11[%get3A_1212] : memref<512xf32, #tpu.memory_space<vmem>>[vector<16xi32>], vector<16xf32>,
      %gather3A_1226 = tpu.vector_load_idx %arg12[%get3A_1212] : memref<512xf32, #tpu.memory_space<vmem>>[vector<16xi32>], vector<16xf32>,
      %gather3A_1227 = tpu.vector_load_idx %arg13[%get3A_1212] : memref<512xf32, #tpu.memory_space<vmem>>[vector<16xi32>], vector<16xf32>,
      %gather3A_1228 = tpu.vector_load_idx %arg16[%get3A_1212] : memref<512xf32, #tpu.memory_space<vmem>>[vector<16xi32>], vector<16xf32>,
      %add3A_1229 = arith.constant 0 : i32
      %add3A_1230 = vector.broadcast %add3A_1229 : i32 to vector<16xi32>
      %add3A_1231 = arith.addi %add3A_1230, %iota3A : vector<16xi32>
      %broadcast_in_dim3A_1232 = arith.constant 0.000000e+00 : f32
      %broadcast_in_dim3A_1233 = vector.broadcast %broadcast_in_dim3A_1232 : f32 to vector<16xf32>
      %broadcast_in_dim3A_1234 = arith.constant 0.000000e+00 : f32
      %broadcast_in_dim3A_1235 = vector.broadcast %broadcast_in_dim3A_1234 : f32 to vector<16xf32>
      %scan3A_1236 = arith.constant 0 : i32
      %scan3A_1237 = arith.constant 25 : i32
      %scan3A_1238 = arith.addi %scan3A_1236, %scan3A_1237 : i32
      %scan3A_1239 = arith.constant 1 : i32
      %scan3A_1240:2 = scf.for %scan3A_2143 = %scan3A_1236 to %scan3A_1238 step %scan3A_1239 iter_args(%scan3A_2144 = %broadcast_in_dim3A_1233, %scan3A_2145 = %broadcast_in_dim3A_1235) -> (vector<16xf32>, vector<16xf32>)  : i32 {
        %add3A_2146 = vector.broadcast %scan3A_2143 : i32 to vector<16xi32>
        %add3A_2147 = arith.addi %iota3A, %add3A_2146 : vector<16xi32>
        %ge3A_2148 = arith.constant 25 : i32
        %ge3A_2149 = vector.broadcast %ge3A_2148 : i32 to vector<16xi32>
        %ge3A_2150 = arith.cmpi sge, %add3A_2147, %ge3A_2149 : vector<16xi32>
        %sub3A_2151 = arith.constant 25 : i32
        %sub3A_2152 = vector.broadcast %sub3A_2151 : i32 to vector<16xi32>
        %sub3A_2153 = arith.subi %add3A_2147, %sub3A_2152 : vector<16xi32>
        %select_n3A_2154 = arith.select %ge3A_2150, %sub3A_2153, %add3A_2147 : vector<16xi1>, vector<16xi32>
        %gather3A_2155 = tpu.vector_load_idx %arg22[%add3A_1231, %select_n3A_2154] : memref<128x128xf32, #tpu.memory_space<vmem>>[vector<16xi32>, vector<16xi32>], vector<16xf32>,
        %add3A_2156 = arith.constant 25 : i32
        %add3A_2157 = vector.broadcast %add3A_2156 : i32 to vector<16xi32>
        %add3A_2158 = arith.addi %select_n3A_2154, %add3A_2157 : vector<16xi32>
        %gather3A_2159 = tpu.vector_load_idx %arg22[%add3A_1231, %add3A_2158] : memref<128x128xf32, #tpu.memory_space<vmem>>[vector<16xi32>, vector<16xi32>], vector<16xf32>,
        %add3A_2160 = arith.constant 50 : i32
        %add3A_2161 = vector.broadcast %add3A_2160 : i32 to vector<16xi32>
        %add3A_2162 = arith.addi %select_n3A_2154, %add3A_2161 : vector<16xi32>
        %gather3A_2163 = tpu.vector_load_idx %arg22[%add3A_1231, %add3A_2162] : memref<128x128xf32, #tpu.memory_space<vmem>>[vector<16xi32>, vector<16xi32>], vector<16xf32>,
        %sub3A_2164 = arith.subf %gather3A_1219, %gather3A_2159 : vector<16xf32>
        %sub3A_2165 = arith.subf %gather3A_1224, %gather3A_2163 : vector<16xf32>
        %mul3A_2166 = arith.mulf %sub3A_2164, %sub3A_2164 : vector<16xf32>
        %mul3A_2167 = arith.mulf %sub3A_2165, %sub3A_2165 : vector<16xf32>
        %add3A_2168 = arith.addf %mul3A_2166, %mul3A_2167 : vector<16xf32>
        %mul3A_2169 = arith.constant -4.000000e+00 : f32
        %mul3A_2170 = vector.broadcast %mul3A_2169 : f32 to vector<16xf32>
        %mul3A_2171 = arith.mulf %mul3A_2170, %add3A_2168 : vector<16xf32>
        %exp3A = math.exp %mul3A_2171 : vector<16xf32>
        %add3A_2172 = arith.addf %scan3A_2144, %exp3A : vector<16xf32>
        %mul3A_2173 = arith.mulf %gather3A_2155, %exp3A : vector<16xf32>
        %add3A_2174 = arith.addf %scan3A_2145, %mul3A_2173 : vector<16xf32>
        scf.yield %add3A_2172, %add3A_2174 : vector<16xf32>, vector<16xf32>
      }
      %scan3A_1241 = arith.constant 25 : i32
      %ne3A_1242 = vector.broadcast %add3A_1217 : i32 to vector<16xi32>
      %ne3A_1243 = arith.cmpi ne, %get3A_1212, %ne3A_1242 : vector<16xi32>
      %ge3A_1244 = arith.constant 9.99999974E-6 : f32
      %ge3A_1245 = vector.broadcast %ge3A_1244 : f32 to vector<16xf32>
      %ge3A_1246 = arith.cmpf oge, %scan3A_1240#0, %ge3A_1245 : vector<16xf32>
      %and3A_1247 = arith.andi %ne3A_1243, %ge3A_1246 : vector<16xi1>
      %jit3A_1248 = arith.constant 0.000000e+00 : f32
      %broadcast_in_dim3A_1249 = vector.broadcast %jit3A_1248 : f32 to vector<16xf32>
      %select_n3A_1250 = arith.select %and3A_1247, %scan3A_1240#1, %broadcast_in_dim3A_1249 : vector<16xi1>, vector<16xf32>
      %max3A_1251 = arith.constant 9.99999974E-6 : f32
      %max3A_1252 = vector.broadcast %max3A_1251 : f32 to vector<16xf32>
      %max3A_1253 = arith.maximumf %scan3A_1240#0, %max3A_1252 : vector<16xf32>
      %div3A_1254 = arith.divf %select_n3A_1250, %max3A_1253 : vector<16xf32>
      %sub3A_1255 = arith.subf %gather3A_1220, %gather3A_1225 : vector<16xf32>
      %sub3A_1256 = arith.subf %gather3A_1221, %gather3A_1226 : vector<16xf32>
      %sub3A_1257 = arith.subf %gather3A_1222, %gather3A_1227 : vector<16xf32>
      %mul3A_1258 = arith.mulf %sub3A_1255, %sub3A_1255 : vector<16xf32>
      %mul3A_1259 = arith.mulf %sub3A_1256, %sub3A_1256 : vector<16xf32>
      %add3A_1260 = arith.addf %mul3A_1258, %mul3A_1259 : vector<16xf32>
      %mul3A_1261 = arith.mulf %sub3A_1257, %sub3A_1257 : vector<16xf32>
      %add3A_1262 = arith.addf %add3A_1260, %mul3A_1261 : vector<16xf32>
      %max3A_1263 = arith.constant 9.99999996E-13 : f32
      %max3A_1264 = vector.broadcast %max3A_1263 : f32 to vector<16xf32>
      %max3A_1265 = arith.maximumf %add3A_1262, %max3A_1264 : vector<16xf32>
      %mul3A_1266 = arith.constant 3.57106471 : f32
      %mul3A_1267 = vector.broadcast %mul3A_1266 : f32 to vector<16xf32>
      %mul3A_1268 = arith.mulf %max3A_1265, %mul3A_1267 : vector<16xf32>
      %mul3A_1269 = arith.mulf %mul3A_1268, %mul3A_1268 : vector<16xf32>
      %mul3A_1270 = arith.mulf %mul3A_1269, %mul3A_1268 : vector<16xf32>
      %mul3A_1271 = arith.mulf %mul3A_1270, %mul3A_1268 : vector<16xf32>
      %mul3A_1272 = arith.constant 3.000000e+00 : f32
      %mul3A_1273 = vector.broadcast %mul3A_1272 : f32 to vector<16xf32>
      %mul3A_1274 = arith.mulf %mul3A_1273, %gather3A_1223 : vector<16xf32>
      %mul3A_1275 = arith.mulf %mul3A_1274, %gather3A_1228 : vector<16xf32>
      %bitcast_convert_type3A_1276 = tpu.bitcast %mul3A_1275 : vector<16xf32> -> vector<16xi32>
      %shift_right_arithmetic3A_1277 = arith.constant 1 : i32
      %shift_right_arithmetic3A_1278 = vector.broadcast %shift_right_arithmetic3A_1277 : i32 to vector<16xi32>
      %shift_right_arithmetic3A_1279 = arith.shrsi %bitcast_convert_type3A_1276, %shift_right_arithmetic3A_1278 : vector<16xi32>
      %sub3A_1280 = arith.constant 1597463007 : i32
      %sub3A_1281 = vector.broadcast %sub3A_1280 : i32 to vector<16xi32>
      %sub3A_1282 = arith.subi %sub3A_1281, %shift_right_arithmetic3A_1279 : vector<16xi32>
      %bitcast_convert_type3A_1283 = tpu.bitcast %sub3A_1282 : vector<16xi32> -> vector<16xf32>
      %mul3A_1284 = arith.constant 5.000000e-01 : f32
      %mul3A_1285 = vector.broadcast %mul3A_1284 : f32 to vector<16xf32>
      %mul3A_1286 = arith.mulf %mul3A_1285, %mul3A_1275 : vector<16xf32>
      %mul3A_1287 = arith.mulf %mul3A_1286, %bitcast_convert_type3A_1283 : vector<16xf32>
      %mul3A_1288 = arith.mulf %mul3A_1287, %bitcast_convert_type3A_1283 : vector<16xf32>
      %sub3A_1289 = arith.constant 1.500000e+00 : f32
      %sub3A_1290 = vector.broadcast %sub3A_1289 : f32 to vector<16xf32>
      %sub3A_1291 = arith.subf %sub3A_1290, %mul3A_1288 : vector<16xf32>
      %mul3A_1292 = arith.mulf %bitcast_convert_type3A_1283, %sub3A_1291 : vector<16xf32>
      %mul3A_1293 = arith.constant 5.000000e-01 : f32
      %mul3A_1294 = vector.broadcast %mul3A_1293 : f32 to vector<16xf32>
      %mul3A_1295 = arith.mulf %mul3A_1294, %mul3A_1275 : vector<16xf32>
      %mul3A_1296 = arith.mulf %mul3A_1295, %mul3A_1292 : vector<16xf32>
      %mul3A_1297 = arith.mulf %mul3A_1296, %mul3A_1292 : vector<16xf32>
      %sub3A_1298 = arith.constant 1.500000e+00 : f32
      %sub3A_1299 = vector.broadcast %sub3A_1298 : f32 to vector<16xf32>
      %sub3A_1300 = arith.subf %sub3A_1299, %mul3A_1297 : vector<16xf32>
      %mul3A_1301 = arith.mulf %mul3A_1292, %sub3A_1300 : vector<16xf32>
      %mul3A_1302 = arith.constant 5.000000e-01 : f32
      %mul3A_1303 = vector.broadcast %mul3A_1302 : f32 to vector<16xf32>
      %mul3A_1304 = arith.mulf %mul3A_1303, %mul3A_1275 : vector<16xf32>
      %mul3A_1305 = arith.mulf %mul3A_1304, %mul3A_1301 : vector<16xf32>
      %mul3A_1306 = arith.mulf %mul3A_1305, %mul3A_1301 : vector<16xf32>
      %sub3A_1307 = arith.constant 1.500000e+00 : f32
      %sub3A_1308 = vector.broadcast %sub3A_1307 : f32 to vector<16xf32>
      %sub3A_1309 = arith.subf %sub3A_1308, %mul3A_1306 : vector<16xf32>
      %mul3A_1310 = arith.mulf %mul3A_1301, %sub3A_1309 : vector<16xf32>
      %mul3A_1311 = arith.mulf %mul3A_1275, %mul3A_1310 : vector<16xf32>
      %mul3A_1312 = arith.constant 4.289000e-01 : f32
      %mul3A_1313 = vector.broadcast %mul3A_1312 : f32 to vector<16xf32>
      %mul3A_1314 = arith.mulf %mul3A_1313, %mul3A_1311 : vector<16xf32>
      %add3A_1315 = arith.constant 4.440700e+00 : f32
      %add3A_1316 = vector.broadcast %add3A_1315 : f32 to vector<16xf32>
      %add3A_1317 = arith.addf %mul3A_1314, %add3A_1316 : vector<16xf32>
      %mul3A_1318 = arith.mulf %add3A_1317, %add3A_1317 : vector<16xf32>
      %mul3A_1319 = arith.mulf %mul3A_1318, %mul3A_1318 : vector<16xf32>
      %mul3A_1320 = arith.mulf %mul3A_1319, %mul3A_1318 : vector<16xf32>
      %mul3A_1321 = arith.mulf %mul3A_1320, %mul3A_1318 : vector<16xf32>
      %add3A_1322 = arith.addf %mul3A_1270, %mul3A_1320 : vector<16xf32>
      %div3A_1323 = arith.constant 1.000000e+00 : f32
      %div3A_1324 = vector.broadcast %div3A_1323 : f32 to vector<16xf32>
      %div3A_1325 = arith.divf %div3A_1324, %add3A_1322 : vector<16xf32>
      %mul3A_1326 = arith.constant 7.875000e-01 : f32
      %mul3A_1327 = vector.broadcast %mul3A_1326 : f32 to vector<16xf32>
      %mul3A_1328 = arith.mulf %mul3A_1327, %mul3A_1275 : vector<16xf32>
      %add3A_1329 = arith.addf %mul3A_1271, %mul3A_1321 : vector<16xf32>
      %div3A_1330 = arith.divf %mul3A_1328, %add3A_1329 : vector<16xf32>
      %add3A_1331 = arith.addf %div3A_1325, %div3A_1330 : vector<16xf32>
      %mul3A_1332 = arith.mulf %div3A_1254, %add3A_1331 : vector<16xf32>
      %add3A_1333 = arith.addf %add3A_1196, %mul3A_1332 : vector<16xf32>
      %add3A_1334 = arith.constant 16 : i32
      %add3A_1335 = arith.addi %mul3A_1208, %add3A_1334 : i32
      %get3A_1336 = arith.index_cast %add3A_1335 : i32 to index
      %get3A_1337 = tpu.vector_load %arg17[%get3A_1336] {strides = array<i32>} : memref<8192xi32, #tpu.memory_space<vmem>>, vector<16xi32>,
      %gather3A_1338 = tpu.vector_load_idx %arg15[%get3A_1337] : memref<512xf32, #tpu.memory_space<vmem>>[vector<16xi32>], vector<16xf32>,
      %gather3A_1339 = tpu.vector_load_idx %arg11[%get3A_1337] : memref<512xf32, #tpu.memory_space<vmem>>[vector<16xi32>], vector<16xf32>,
      %gather3A_1340 = tpu.vector_load_idx %arg12[%get3A_1337] : memref<512xf32, #tpu.memory_space<vmem>>[vector<16xi32>], vector<16xf32>,
      %gather3A_1341 = tpu.vector_load_idx %arg13[%get3A_1337] : memref<512xf32, #tpu.memory_space<vmem>>[vector<16xi32>], vector<16xf32>,
      %gather3A_1342 = tpu.vector_load_idx %arg16[%get3A_1337] : memref<512xf32, #tpu.memory_space<vmem>>[vector<16xi32>], vector<16xf32>,
      %add3A_1343 = arith.constant 16 : i32
      %add3A_1344 = vector.broadcast %add3A_1343 : i32 to vector<16xi32>
      %add3A_1345 = arith.addi %add3A_1344, %iota3A : vector<16xi32>
      %broadcast_in_dim3A_1346 = arith.constant 0.000000e+00 : f32
      %broadcast_in_dim3A_1347 = vector.broadcast %broadcast_in_dim3A_1346 : f32 to vector<16xf32>
      %broadcast_in_dim3A_1348 = arith.constant 0.000000e+00 : f32
      %broadcast_in_dim3A_1349 = vector.broadcast %broadcast_in_dim3A_1348 : f32 to vector<16xf32>
      %scan3A_1350 = arith.constant 0 : i32
      %scan3A_1351 = arith.constant 25 : i32
      %scan3A_1352 = arith.addi %scan3A_1350, %scan3A_1351 : i32
      %scan3A_1353 = arith.constant 1 : i32
      %scan3A_1354:2 = scf.for %scan3A_2143 = %scan3A_1350 to %scan3A_1352 step %scan3A_1353 iter_args(%scan3A_2144 = %broadcast_in_dim3A_1347, %scan3A_2145 = %broadcast_in_dim3A_1349) -> (vector<16xf32>, vector<16xf32>)  : i32 {
        %add3A_2146 = vector.broadcast %scan3A_2143 : i32 to vector<16xi32>
        %add3A_2147 = arith.addi %iota3A, %add3A_2146 : vector<16xi32>
        %ge3A_2148 = arith.constant 25 : i32
        %ge3A_2149 = vector.broadcast %ge3A_2148 : i32 to vector<16xi32>
        %ge3A_2150 = arith.cmpi sge, %add3A_2147, %ge3A_2149 : vector<16xi32>
        %sub3A_2151 = arith.constant 25 : i32
        %sub3A_2152 = vector.broadcast %sub3A_2151 : i32 to vector<16xi32>
        %sub3A_2153 = arith.subi %add3A_2147, %sub3A_2152 : vector<16xi32>
        %select_n3A_2154 = arith.select %ge3A_2150, %sub3A_2153, %add3A_2147 : vector<16xi1>, vector<16xi32>
        %gather3A_2155 = tpu.vector_load_idx %arg22[%add3A_1345, %select_n3A_2154] : memref<128x128xf32, #tpu.memory_space<vmem>>[vector<16xi32>, vector<16xi32>], vector<16xf32>,
        %add3A_2156 = arith.constant 25 : i32
        %add3A_2157 = vector.broadcast %add3A_2156 : i32 to vector<16xi32>
        %add3A_2158 = arith.addi %select_n3A_2154, %add3A_2157 : vector<16xi32>
        %gather3A_2159 = tpu.vector_load_idx %arg22[%add3A_1345, %add3A_2158] : memref<128x128xf32, #tpu.memory_space<vmem>>[vector<16xi32>, vector<16xi32>], vector<16xf32>,
        %add3A_2160 = arith.constant 50 : i32
        %add3A_2161 = vector.broadcast %add3A_2160 : i32 to vector<16xi32>
        %add3A_2162 = arith.addi %select_n3A_2154, %add3A_2161 : vector<16xi32>
        %gather3A_2163 = tpu.vector_load_idx %arg22[%add3A_1345, %add3A_2162] : memref<128x128xf32, #tpu.memory_space<vmem>>[vector<16xi32>, vector<16xi32>], vector<16xf32>,
        %sub3A_2164 = arith.subf %gather3A_1219, %gather3A_2159 : vector<16xf32>
        %sub3A_2165 = arith.subf %gather3A_1338, %gather3A_2163 : vector<16xf32>
        %mul3A_2166 = arith.mulf %sub3A_2164, %sub3A_2164 : vector<16xf32>
        %mul3A_2167 = arith.mulf %sub3A_2165, %sub3A_2165 : vector<16xf32>
        %add3A_2168 = arith.addf %mul3A_2166, %mul3A_2167 : vector<16xf32>
        %mul3A_2169 = arith.constant -4.000000e+00 : f32
        %mul3A_2170 = vector.broadcast %mul3A_2169 : f32 to vector<16xf32>
        %mul3A_2171 = arith.mulf %mul3A_2170, %add3A_2168 : vector<16xf32>
        %exp3A = math.exp %mul3A_2171 : vector<16xf32>
        %add3A_2172 = arith.addf %scan3A_2144, %exp3A : vector<16xf32>
        %mul3A_2173 = arith.mulf %gather3A_2155, %exp3A : vector<16xf32>
        %add3A_2174 = arith.addf %scan3A_2145, %mul3A_2173 : vector<16xf32>
        scf.yield %add3A_2172, %add3A_2174 : vector<16xf32>, vector<16xf32>
      }
      %scan3A_1355 = arith.constant 25 : i32
      %ne3A_1356 = vector.broadcast %add3A_1217 : i32 to vector<16xi32>
      %ne3A_1357 = arith.cmpi ne, %get3A_1337, %ne3A_1356 : vector<16xi32>
      %ge3A_1358 = arith.constant 9.99999974E-6 : f32
      %ge3A_1359 = vector.broadcast %ge3A_1358 : f32 to vector<16xf32>
      %ge3A_1360 = arith.cmpf oge, %scan3A_1354#0, %ge3A_1359 : vector<16xf32>
      %and3A_1361 = arith.andi %ne3A_1357, %ge3A_1360 : vector<16xi1>
      %jit3A_1362 = arith.constant 0.000000e+00 : f32
      %broadcast_in_dim3A_1363 = vector.broadcast %jit3A_1362 : f32 to vector<16xf32>
      %select_n3A_1364 = arith.select %and3A_1361, %scan3A_1354#1, %broadcast_in_dim3A_1363 : vector<16xi1>, vector<16xf32>
      %max3A_1365 = arith.constant 9.99999974E-6 : f32
      %max3A_1366 = vector.broadcast %max3A_1365 : f32 to vector<16xf32>
      %max3A_1367 = arith.maximumf %scan3A_1354#0, %max3A_1366 : vector<16xf32>
      %div3A_1368 = arith.divf %select_n3A_1364, %max3A_1367 : vector<16xf32>
      %sub3A_1369 = arith.subf %gather3A_1220, %gather3A_1339 : vector<16xf32>
      %sub3A_1370 = arith.subf %gather3A_1221, %gather3A_1340 : vector<16xf32>
      %sub3A_1371 = arith.subf %gather3A_1222, %gather3A_1341 : vector<16xf32>
      %mul3A_1372 = arith.mulf %sub3A_1369, %sub3A_1369 : vector<16xf32>
      %mul3A_1373 = arith.mulf %sub3A_1370, %sub3A_1370 : vector<16xf32>
      %add3A_1374 = arith.addf %mul3A_1372, %mul3A_1373 : vector<16xf32>
      %mul3A_1375 = arith.mulf %sub3A_1371, %sub3A_1371 : vector<16xf32>
      %add3A_1376 = arith.addf %add3A_1374, %mul3A_1375 : vector<16xf32>
      %max3A_1377 = arith.constant 9.99999996E-13 : f32
      %max3A_1378 = vector.broadcast %max3A_1377 : f32 to vector<16xf32>
      %max3A_1379 = arith.maximumf %add3A_1376, %max3A_1378 : vector<16xf32>
      %mul3A_1380 = arith.constant 3.57106471 : f32
      %mul3A_1381 = vector.broadcast %mul3A_1380 : f32 to vector<16xf32>
      %mul3A_1382 = arith.mulf %max3A_1379, %mul3A_1381 : vector<16xf32>
      %mul3A_1383 = arith.mulf %mul3A_1382, %mul3A_1382 : vector<16xf32>
      %mul3A_1384 = arith.mulf %mul3A_1383, %mul3A_1382 : vector<16xf32>
      %mul3A_1385 = arith.mulf %mul3A_1384, %mul3A_1382 : vector<16xf32>
      %mul3A_1386 = arith.constant 3.000000e+00 : f32
      %mul3A_1387 = vector.broadcast %mul3A_1386 : f32 to vector<16xf32>
      %mul3A_1388 = arith.mulf %mul3A_1387, %gather3A_1223 : vector<16xf32>
      %mul3A_1389 = arith.mulf %mul3A_1388, %gather3A_1342 : vector<16xf32>
      %bitcast_convert_type3A_1390 = tpu.bitcast %mul3A_1389 : vector<16xf32> -> vector<16xi32>
      %shift_right_arithmetic3A_1391 = arith.constant 1 : i32
      %shift_right_arithmetic3A_1392 = vector.broadcast %shift_right_arithmetic3A_1391 : i32 to vector<16xi32>
      %shift_right_arithmetic3A_1393 = arith.shrsi %bitcast_convert_type3A_1390, %shift_right_arithmetic3A_1392 : vector<16xi32>
      %sub3A_1394 = arith.constant 1597463007 : i32
      %sub3A_1395 = vector.broadcast %sub3A_1394 : i32 to vector<16xi32>
      %sub3A_1396 = arith.subi %sub3A_1395, %shift_right_arithmetic3A_1393 : vector<16xi32>
      %bitcast_convert_type3A_1397 = tpu.bitcast %sub3A_1396 : vector<16xi32> -> vector<16xf32>
      %mul3A_1398 = arith.constant 5.000000e-01 : f32
      %mul3A_1399 = vector.broadcast %mul3A_1398 : f32 to vector<16xf32>
      %mul3A_1400 = arith.mulf %mul3A_1399, %mul3A_1389 : vector<16xf32>
      %mul3A_1401 = arith.mulf %mul3A_1400, %bitcast_convert_type3A_1397 : vector<16xf32>
      %mul3A_1402 = arith.mulf %mul3A_1401, %bitcast_convert_type3A_1397 : vector<16xf32>
      %sub3A_1403 = arith.constant 1.500000e+00 : f32
      %sub3A_1404 = vector.broadcast %sub3A_1403 : f32 to vector<16xf32>
      %sub3A_1405 = arith.subf %sub3A_1404, %mul3A_1402 : vector<16xf32>
      %mul3A_1406 = arith.mulf %bitcast_convert_type3A_1397, %sub3A_1405 : vector<16xf32>
      %mul3A_1407 = arith.constant 5.000000e-01 : f32
      %mul3A_1408 = vector.broadcast %mul3A_1407 : f32 to vector<16xf32>
      %mul3A_1409 = arith.mulf %mul3A_1408, %mul3A_1389 : vector<16xf32>
      %mul3A_1410 = arith.mulf %mul3A_1409, %mul3A_1406 : vector<16xf32>
      %mul3A_1411 = arith.mulf %mul3A_1410, %mul3A_1406 : vector<16xf32>
      %sub3A_1412 = arith.constant 1.500000e+00 : f32
      %sub3A_1413 = vector.broadcast %sub3A_1412 : f32 to vector<16xf32>
      %sub3A_1414 = arith.subf %sub3A_1413, %mul3A_1411 : vector<16xf32>
      %mul3A_1415 = arith.mulf %mul3A_1406, %sub3A_1414 : vector<16xf32>
      %mul3A_1416 = arith.constant 5.000000e-01 : f32
      %mul3A_1417 = vector.broadcast %mul3A_1416 : f32 to vector<16xf32>
      %mul3A_1418 = arith.mulf %mul3A_1417, %mul3A_1389 : vector<16xf32>
      %mul3A_1419 = arith.mulf %mul3A_1418, %mul3A_1415 : vector<16xf32>
      %mul3A_1420 = arith.mulf %mul3A_1419, %mul3A_1415 : vector<16xf32>
      %sub3A_1421 = arith.constant 1.500000e+00 : f32
      %sub3A_1422 = vector.broadcast %sub3A_1421 : f32 to vector<16xf32>
      %sub3A_1423 = arith.subf %sub3A_1422, %mul3A_1420 : vector<16xf32>
      %mul3A_1424 = arith.mulf %mul3A_1415, %sub3A_1423 : vector<16xf32>
      %mul3A_1425 = arith.mulf %mul3A_1389, %mul3A_1424 : vector<16xf32>
      %mul3A_1426 = arith.constant 4.289000e-01 : f32
      %mul3A_1427 = vector.broadcast %mul3A_1426 : f32 to vector<16xf32>
      %mul3A_1428 = arith.mulf %mul3A_1427, %mul3A_1425 : vector<16xf32>
      %add3A_1429 = arith.constant 4.440700e+00 : f32
      %add3A_1430 = vector.broadcast %add3A_1429 : f32 to vector<16xf32>
      %add3A_1431 = arith.addf %mul3A_1428, %add3A_1430 : vector<16xf32>
      %mul3A_1432 = arith.mulf %add3A_1431, %add3A_1431 : vector<16xf32>
      %mul3A_1433 = arith.mulf %mul3A_1432, %mul3A_1432 : vector<16xf32>
      %mul3A_1434 = arith.mulf %mul3A_1433, %mul3A_1432 : vector<16xf32>
      %mul3A_1435 = arith.mulf %mul3A_1434, %mul3A_1432 : vector<16xf32>
      %add3A_1436 = arith.addf %mul3A_1384, %mul3A_1434 : vector<16xf32>
      %div3A_1437 = arith.constant 1.000000e+00 : f32
      %div3A_1438 = vector.broadcast %div3A_1437 : f32 to vector<16xf32>
      %div3A_1439 = arith.divf %div3A_1438, %add3A_1436 : vector<16xf32>
      %mul3A_1440 = arith.constant 7.875000e-01 : f32
      %mul3A_1441 = vector.broadcast %mul3A_1440 : f32 to vector<16xf32>
      %mul3A_1442 = arith.mulf %mul3A_1441, %mul3A_1389 : vector<16xf32>
      %add3A_1443 = arith.addf %mul3A_1385, %mul3A_1435 : vector<16xf32>
      %div3A_1444 = arith.divf %mul3A_1442, %add3A_1443 : vector<16xf32>
      %add3A_1445 = arith.addf %div3A_1439, %div3A_1444 : vector<16xf32>
      %mul3A_1446 = arith.mulf %div3A_1368, %add3A_1445 : vector<16xf32>
      %add3A_1447 = arith.addf %add3A_1333, %mul3A_1446 : vector<16xf32>
      %add3A_1448 = arith.constant 32 : i32
      %add3A_1449 = arith.addi %mul3A_1208, %add3A_1448 : i32
      %get3A_1450 = arith.index_cast %add3A_1449 : i32 to index
      %get3A_1451 = tpu.vector_load %arg17[%get3A_1450] {strides = array<i32>} : memref<8192xi32, #tpu.memory_space<vmem>>, vector<16xi32>,
      %gather3A_1452 = tpu.vector_load_idx %arg15[%get3A_1451] : memref<512xf32, #tpu.memory_space<vmem>>[vector<16xi32>], vector<16xf32>,
      %gather3A_1453 = tpu.vector_load_idx %arg11[%get3A_1451] : memref<512xf32, #tpu.memory_space<vmem>>[vector<16xi32>], vector<16xf32>,
      %gather3A_1454 = tpu.vector_load_idx %arg12[%get3A_1451] : memref<512xf32, #tpu.memory_space<vmem>>[vector<16xi32>], vector<16xf32>,
      %gather3A_1455 = tpu.vector_load_idx %arg13[%get3A_1451] : memref<512xf32, #tpu.memory_space<vmem>>[vector<16xi32>], vector<16xf32>,
      %gather3A_1456 = tpu.vector_load_idx %arg16[%get3A_1451] : memref<512xf32, #tpu.memory_space<vmem>>[vector<16xi32>], vector<16xf32>,
      %add3A_1457 = arith.constant 32 : i32
      %add3A_1458 = vector.broadcast %add3A_1457 : i32 to vector<16xi32>
      %add3A_1459 = arith.addi %add3A_1458, %iota3A : vector<16xi32>
      %broadcast_in_dim3A_1460 = arith.constant 0.000000e+00 : f32
      %broadcast_in_dim3A_1461 = vector.broadcast %broadcast_in_dim3A_1460 : f32 to vector<16xf32>
      %broadcast_in_dim3A_1462 = arith.constant 0.000000e+00 : f32
      %broadcast_in_dim3A_1463 = vector.broadcast %broadcast_in_dim3A_1462 : f32 to vector<16xf32>
      %scan3A_1464 = arith.constant 0 : i32
      %scan3A_1465 = arith.constant 25 : i32
      %scan3A_1466 = arith.addi %scan3A_1464, %scan3A_1465 : i32
      %scan3A_1467 = arith.constant 1 : i32
      %scan3A_1468:2 = scf.for %scan3A_2143 = %scan3A_1464 to %scan3A_1466 step %scan3A_1467 iter_args(%scan3A_2144 = %broadcast_in_dim3A_1461, %scan3A_2145 = %broadcast_in_dim3A_1463) -> (vector<16xf32>, vector<16xf32>)  : i32 {
        %add3A_2146 = vector.broadcast %scan3A_2143 : i32 to vector<16xi32>
        %add3A_2147 = arith.addi %iota3A, %add3A_2146 : vector<16xi32>
        %ge3A_2148 = arith.constant 25 : i32
        %ge3A_2149 = vector.broadcast %ge3A_2148 : i32 to vector<16xi32>
        %ge3A_2150 = arith.cmpi sge, %add3A_2147, %ge3A_2149 : vector<16xi32>
        %sub3A_2151 = arith.constant 25 : i32
        %sub3A_2152 = vector.broadcast %sub3A_2151 : i32 to vector<16xi32>
        %sub3A_2153 = arith.subi %add3A_2147, %sub3A_2152 : vector<16xi32>
        %select_n3A_2154 = arith.select %ge3A_2150, %sub3A_2153, %add3A_2147 : vector<16xi1>, vector<16xi32>
        %gather3A_2155 = tpu.vector_load_idx %arg22[%add3A_1459, %select_n3A_2154] : memref<128x128xf32, #tpu.memory_space<vmem>>[vector<16xi32>, vector<16xi32>], vector<16xf32>,
        %add3A_2156 = arith.constant 25 : i32
        %add3A_2157 = vector.broadcast %add3A_2156 : i32 to vector<16xi32>
        %add3A_2158 = arith.addi %select_n3A_2154, %add3A_2157 : vector<16xi32>
        %gather3A_2159 = tpu.vector_load_idx %arg22[%add3A_1459, %add3A_2158] : memref<128x128xf32, #tpu.memory_space<vmem>>[vector<16xi32>, vector<16xi32>], vector<16xf32>,
        %add3A_2160 = arith.constant 50 : i32
        %add3A_2161 = vector.broadcast %add3A_2160 : i32 to vector<16xi32>
        %add3A_2162 = arith.addi %select_n3A_2154, %add3A_2161 : vector<16xi32>
        %gather3A_2163 = tpu.vector_load_idx %arg22[%add3A_1459, %add3A_2162] : memref<128x128xf32, #tpu.memory_space<vmem>>[vector<16xi32>, vector<16xi32>], vector<16xf32>,
        %sub3A_2164 = arith.subf %gather3A_1219, %gather3A_2159 : vector<16xf32>
        %sub3A_2165 = arith.subf %gather3A_1452, %gather3A_2163 : vector<16xf32>
        %mul3A_2166 = arith.mulf %sub3A_2164, %sub3A_2164 : vector<16xf32>
        %mul3A_2167 = arith.mulf %sub3A_2165, %sub3A_2165 : vector<16xf32>
        %add3A_2168 = arith.addf %mul3A_2166, %mul3A_2167 : vector<16xf32>
        %mul3A_2169 = arith.constant -4.000000e+00 : f32
        %mul3A_2170 = vector.broadcast %mul3A_2169 : f32 to vector<16xf32>
        %mul3A_2171 = arith.mulf %mul3A_2170, %add3A_2168 : vector<16xf32>
        %exp3A = math.exp %mul3A_2171 : vector<16xf32>
        %add3A_2172 = arith.addf %scan3A_2144, %exp3A : vector<16xf32>
        %mul3A_2173 = arith.mulf %gather3A_2155, %exp3A : vector<16xf32>
        %add3A_2174 = arith.addf %scan3A_2145, %mul3A_2173 : vector<16xf32>
        scf.yield %add3A_2172, %add3A_2174 : vector<16xf32>, vector<16xf32>
      }
      %scan3A_1469 = arith.constant 25 : i32
      %ne3A_1470 = vector.broadcast %add3A_1217 : i32 to vector<16xi32>
      %ne3A_1471 = arith.cmpi ne, %get3A_1451, %ne3A_1470 : vector<16xi32>
      %ge3A_1472 = arith.constant 9.99999974E-6 : f32
      %ge3A_1473 = vector.broadcast %ge3A_1472 : f32 to vector<16xf32>
      %ge3A_1474 = arith.cmpf oge, %scan3A_1468#0, %ge3A_1473 : vector<16xf32>
      %and3A_1475 = arith.andi %ne3A_1471, %ge3A_1474 : vector<16xi1>
      %jit3A_1476 = arith.constant 0.000000e+00 : f32
      %broadcast_in_dim3A_1477 = vector.broadcast %jit3A_1476 : f32 to vector<16xf32>
      %select_n3A_1478 = arith.select %and3A_1475, %scan3A_1468#1, %broadcast_in_dim3A_1477 : vector<16xi1>, vector<16xf32>
      %max3A_1479 = arith.constant 9.99999974E-6 : f32
      %max3A_1480 = vector.broadcast %max3A_1479 : f32 to vector<16xf32>
      %max3A_1481 = arith.maximumf %scan3A_1468#0, %max3A_1480 : vector<16xf32>
      %div3A_1482 = arith.divf %select_n3A_1478, %max3A_1481 : vector<16xf32>
      %sub3A_1483 = arith.subf %gather3A_1220, %gather3A_1453 : vector<16xf32>
      %sub3A_1484 = arith.subf %gather3A_1221, %gather3A_1454 : vector<16xf32>
      %sub3A_1485 = arith.subf %gather3A_1222, %gather3A_1455 : vector<16xf32>
      %mul3A_1486 = arith.mulf %sub3A_1483, %sub3A_1483 : vector<16xf32>
      %mul3A_1487 = arith.mulf %sub3A_1484, %sub3A_1484 : vector<16xf32>
      %add3A_1488 = arith.addf %mul3A_1486, %mul3A_1487 : vector<16xf32>
      %mul3A_1489 = arith.mulf %sub3A_1485, %sub3A_1485 : vector<16xf32>
      %add3A_1490 = arith.addf %add3A_1488, %mul3A_1489 : vector<16xf32>
      %max3A_1491 = arith.constant 9.99999996E-13 : f32
      %max3A_1492 = vector.broadcast %max3A_1491 : f32 to vector<16xf32>
      %max3A_1493 = arith.maximumf %add3A_1490, %max3A_1492 : vector<16xf32>
      %mul3A_1494 = arith.constant 3.57106471 : f32
      %mul3A_1495 = vector.broadcast %mul3A_1494 : f32 to vector<16xf32>
      %mul3A_1496 = arith.mulf %max3A_1493, %mul3A_1495 : vector<16xf32>
      %mul3A_1497 = arith.mulf %mul3A_1496, %mul3A_1496 : vector<16xf32>
      %mul3A_1498 = arith.mulf %mul3A_1497, %mul3A_1496 : vector<16xf32>
      %mul3A_1499 = arith.mulf %mul3A_1498, %mul3A_1496 : vector<16xf32>
      %mul3A_1500 = arith.constant 3.000000e+00 : f32
      %mul3A_1501 = vector.broadcast %mul3A_1500 : f32 to vector<16xf32>
      %mul3A_1502 = arith.mulf %mul3A_1501, %gather3A_1223 : vector<16xf32>
      %mul3A_1503 = arith.mulf %mul3A_1502, %gather3A_1456 : vector<16xf32>
      %bitcast_convert_type3A_1504 = tpu.bitcast %mul3A_1503 : vector<16xf32> -> vector<16xi32>
      %shift_right_arithmetic3A_1505 = arith.constant 1 : i32
      %shift_right_arithmetic3A_1506 = vector.broadcast %shift_right_arithmetic3A_1505 : i32 to vector<16xi32>
      %shift_right_arithmetic3A_1507 = arith.shrsi %bitcast_convert_type3A_1504, %shift_right_arithmetic3A_1506 : vector<16xi32>
      %sub3A_1508 = arith.constant 1597463007 : i32
      %sub3A_1509 = vector.broadcast %sub3A_1508 : i32 to vector<16xi32>
      %sub3A_1510 = arith.subi %sub3A_1509, %shift_right_arithmetic3A_1507 : vector<16xi32>
      %bitcast_convert_type3A_1511 = tpu.bitcast %sub3A_1510 : vector<16xi32> -> vector<16xf32>
      %mul3A_1512 = arith.constant 5.000000e-01 : f32
      %mul3A_1513 = vector.broadcast %mul3A_1512 : f32 to vector<16xf32>
      %mul3A_1514 = arith.mulf %mul3A_1513, %mul3A_1503 : vector<16xf32>
      %mul3A_1515 = arith.mulf %mul3A_1514, %bitcast_convert_type3A_1511 : vector<16xf32>
      %mul3A_1516 = arith.mulf %mul3A_1515, %bitcast_convert_type3A_1511 : vector<16xf32>
      %sub3A_1517 = arith.constant 1.500000e+00 : f32
      %sub3A_1518 = vector.broadcast %sub3A_1517 : f32 to vector<16xf32>
      %sub3A_1519 = arith.subf %sub3A_1518, %mul3A_1516 : vector<16xf32>
      %mul3A_1520 = arith.mulf %bitcast_convert_type3A_1511, %sub3A_1519 : vector<16xf32>
      %mul3A_1521 = arith.constant 5.000000e-01 : f32
      %mul3A_1522 = vector.broadcast %mul3A_1521 : f32 to vector<16xf32>
      %mul3A_1523 = arith.mulf %mul3A_1522, %mul3A_1503 : vector<16xf32>
      %mul3A_1524 = arith.mulf %mul3A_1523, %mul3A_1520 : vector<16xf32>
      %mul3A_1525 = arith.mulf %mul3A_1524, %mul3A_1520 : vector<16xf32>
      %sub3A_1526 = arith.constant 1.500000e+00 : f32
      %sub3A_1527 = vector.broadcast %sub3A_1526 : f32 to vector<16xf32>
      %sub3A_1528 = arith.subf %sub3A_1527, %mul3A_1525 : vector<16xf32>
      %mul3A_1529 = arith.mulf %mul3A_1520, %sub3A_1528 : vector<16xf32>
      %mul3A_1530 = arith.constant 5.000000e-01 : f32
      %mul3A_1531 = vector.broadcast %mul3A_1530 : f32 to vector<16xf32>
      %mul3A_1532 = arith.mulf %mul3A_1531, %mul3A_1503 : vector<16xf32>
      %mul3A_1533 = arith.mulf %mul3A_1532, %mul3A_1529 : vector<16xf32>
      %mul3A_1534 = arith.mulf %mul3A_1533, %mul3A_1529 : vector<16xf32>
      %sub3A_1535 = arith.constant 1.500000e+00 : f32
      %sub3A_1536 = vector.broadcast %sub3A_1535 : f32 to vector<16xf32>
      %sub3A_1537 = arith.subf %sub3A_1536, %mul3A_1534 : vector<16xf32>
      %mul3A_1538 = arith.mulf %mul3A_1529, %sub3A_1537 : vector<16xf32>
      %mul3A_1539 = arith.mulf %mul3A_1503, %mul3A_1538 : vector<16xf32>
      %mul3A_1540 = arith.constant 4.289000e-01 : f32
      %mul3A_1541 = vector.broadcast %mul3A_1540 : f32 to vector<16xf32>
      %mul3A_1542 = arith.mulf %mul3A_1541, %mul3A_1539 : vector<16xf32>
      %add3A_1543 = arith.constant 4.440700e+00 : f32
      %add3A_1544 = vector.broadcast %add3A_1543 : f32 to vector<16xf32>
      %add3A_1545 = arith.addf %mul3A_1542, %add3A_1544 : vector<16xf32>
      %mul3A_1546 = arith.mulf %add3A_1545, %add3A_1545 : vector<16xf32>
      %mul3A_1547 = arith.mulf %mul3A_1546, %mul3A_1546 : vector<16xf32>
      %mul3A_1548 = arith.mulf %mul3A_1547, %mul3A_1546 : vector<16xf32>
      %mul3A_1549 = arith.mulf %mul3A_1548, %mul3A_1546 : vector<16xf32>
      %add3A_1550 = arith.addf %mul3A_1498, %mul3A_1548 : vector<16xf32>
      %div3A_1551 = arith.constant 1.000000e+00 : f32
      %div3A_1552 = vector.broadcast %div3A_1551 : f32 to vector<16xf32>
      %div3A_1553 = arith.divf %div3A_1552, %add3A_1550 : vector<16xf32>
      %mul3A_1554 = arith.constant 7.875000e-01 : f32
      %mul3A_1555 = vector.broadcast %mul3A_1554 : f32 to vector<16xf32>
      %mul3A_1556 = arith.mulf %mul3A_1555, %mul3A_1503 : vector<16xf32>
      %add3A_1557 = arith.addf %mul3A_1499, %mul3A_1549 : vector<16xf32>
      %div3A_1558 = arith.divf %mul3A_1556, %add3A_1557 : vector<16xf32>
      %add3A_1559 = arith.addf %div3A_1553, %div3A_1558 : vector<16xf32>
      %mul3A_1560 = arith.mulf %div3A_1482, %add3A_1559 : vector<16xf32>
      %add3A_1561 = arith.addf %add3A_1447, %mul3A_1560 : vector<16xf32>
      %add3A_1562 = arith.constant 48 : i32
      %add3A_1563 = arith.addi %mul3A_1208, %add3A_1562 : i32
      %get3A_1564 = arith.index_cast %add3A_1563 : i32 to index
      %get3A_1565 = tpu.vector_load %arg17[%get3A_1564] {strides = array<i32>} : memref<8192xi32, #tpu.memory_space<vmem>>, vector<16xi32>,
      %gather3A_1566 = tpu.vector_load_idx %arg15[%get3A_1565] : memref<512xf32, #tpu.memory_space<vmem>>[vector<16xi32>], vector<16xf32>,
      %gather3A_1567 = tpu.vector_load_idx %arg11[%get3A_1565] : memref<512xf32, #tpu.memory_space<vmem>>[vector<16xi32>], vector<16xf32>,
      %gather3A_1568 = tpu.vector_load_idx %arg12[%get3A_1565] : memref<512xf32, #tpu.memory_space<vmem>>[vector<16xi32>], vector<16xf32>,
      %gather3A_1569 = tpu.vector_load_idx %arg13[%get3A_1565] : memref<512xf32, #tpu.memory_space<vmem>>[vector<16xi32>], vector<16xf32>,
      %gather3A_1570 = tpu.vector_load_idx %arg16[%get3A_1565] : memref<512xf32, #tpu.memory_space<vmem>>[vector<16xi32>], vector<16xf32>,
      %add3A_1571 = arith.constant 48 : i32
      %add3A_1572 = vector.broadcast %add3A_1571 : i32 to vector<16xi32>
      %add3A_1573 = arith.addi %add3A_1572, %iota3A : vector<16xi32>
      %broadcast_in_dim3A_1574 = arith.constant 0.000000e+00 : f32
      %broadcast_in_dim3A_1575 = vector.broadcast %broadcast_in_dim3A_1574 : f32 to vector<16xf32>
      %broadcast_in_dim3A_1576 = arith.constant 0.000000e+00 : f32
      %broadcast_in_dim3A_1577 = vector.broadcast %broadcast_in_dim3A_1576 : f32 to vector<16xf32>
      %scan3A_1578 = arith.constant 0 : i32
      %scan3A_1579 = arith.constant 25 : i32
      %scan3A_1580 = arith.addi %scan3A_1578, %scan3A_1579 : i32
      %scan3A_1581 = arith.constant 1 : i32
      %scan3A_1582:2 = scf.for %scan3A_2143 = %scan3A_1578 to %scan3A_1580 step %scan3A_1581 iter_args(%scan3A_2144 = %broadcast_in_dim3A_1575, %scan3A_2145 = %broadcast_in_dim3A_1577) -> (vector<16xf32>, vector<16xf32>)  : i32 {
        %add3A_2146 = vector.broadcast %scan3A_2143 : i32 to vector<16xi32>
        %add3A_2147 = arith.addi %iota3A, %add3A_2146 : vector<16xi32>
        %ge3A_2148 = arith.constant 25 : i32
        %ge3A_2149 = vector.broadcast %ge3A_2148 : i32 to vector<16xi32>
        %ge3A_2150 = arith.cmpi sge, %add3A_2147, %ge3A_2149 : vector<16xi32>
        %sub3A_2151 = arith.constant 25 : i32
        %sub3A_2152 = vector.broadcast %sub3A_2151 : i32 to vector<16xi32>
        %sub3A_2153 = arith.subi %add3A_2147, %sub3A_2152 : vector<16xi32>
        %select_n3A_2154 = arith.select %ge3A_2150, %sub3A_2153, %add3A_2147 : vector<16xi1>, vector<16xi32>
        %gather3A_2155 = tpu.vector_load_idx %arg22[%add3A_1573, %select_n3A_2154] : memref<128x128xf32, #tpu.memory_space<vmem>>[vector<16xi32>, vector<16xi32>], vector<16xf32>,
        %add3A_2156 = arith.constant 25 : i32
        %add3A_2157 = vector.broadcast %add3A_2156 : i32 to vector<16xi32>
        %add3A_2158 = arith.addi %select_n3A_2154, %add3A_2157 : vector<16xi32>
        %gather3A_2159 = tpu.vector_load_idx %arg22[%add3A_1573, %add3A_2158] : memref<128x128xf32, #tpu.memory_space<vmem>>[vector<16xi32>, vector<16xi32>], vector<16xf32>,
        %add3A_2160 = arith.constant 50 : i32
        %add3A_2161 = vector.broadcast %add3A_2160 : i32 to vector<16xi32>
        %add3A_2162 = arith.addi %select_n3A_2154, %add3A_2161 : vector<16xi32>
        %gather3A_2163 = tpu.vector_load_idx %arg22[%add3A_1573, %add3A_2162] : memref<128x128xf32, #tpu.memory_space<vmem>>[vector<16xi32>, vector<16xi32>], vector<16xf32>,
        %sub3A_2164 = arith.subf %gather3A_1219, %gather3A_2159 : vector<16xf32>
        %sub3A_2165 = arith.subf %gather3A_1566, %gather3A_2163 : vector<16xf32>
        %mul3A_2166 = arith.mulf %sub3A_2164, %sub3A_2164 : vector<16xf32>
        %mul3A_2167 = arith.mulf %sub3A_2165, %sub3A_2165 : vector<16xf32>
        %add3A_2168 = arith.addf %mul3A_2166, %mul3A_2167 : vector<16xf32>
        %mul3A_2169 = arith.constant -4.000000e+00 : f32
        %mul3A_2170 = vector.broadcast %mul3A_2169 : f32 to vector<16xf32>
        %mul3A_2171 = arith.mulf %mul3A_2170, %add3A_2168 : vector<16xf32>
        %exp3A = math.exp %mul3A_2171 : vector<16xf32>
        %add3A_2172 = arith.addf %scan3A_2144, %exp3A : vector<16xf32>
        %mul3A_2173 = arith.mulf %gather3A_2155, %exp3A : vector<16xf32>
        %add3A_2174 = arith.addf %scan3A_2145, %mul3A_2173 : vector<16xf32>
        scf.yield %add3A_2172, %add3A_2174 : vector<16xf32>, vector<16xf32>
      }
      %scan3A_1583 = arith.constant 25 : i32
      %ne3A_1584 = vector.broadcast %add3A_1217 : i32 to vector<16xi32>
      %ne3A_1585 = arith.cmpi ne, %get3A_1565, %ne3A_1584 : vector<16xi32>
      %ge3A_1586 = arith.constant 9.99999974E-6 : f32
      %ge3A_1587 = vector.broadcast %ge3A_1586 : f32 to vector<16xf32>
      %ge3A_1588 = arith.cmpf oge, %scan3A_1582#0, %ge3A_1587 : vector<16xf32>
      %and3A_1589 = arith.andi %ne3A_1585, %ge3A_1588 : vector<16xi1>
      %jit3A_1590 = arith.constant 0.000000e+00 : f32
      %broadcast_in_dim3A_1591 = vector.broadcast %jit3A_1590 : f32 to vector<16xf32>
      %select_n3A_1592 = arith.select %and3A_1589, %scan3A_1582#1, %broadcast_in_dim3A_1591 : vector<16xi1>, vector<16xf32>
      %max3A_1593 = arith.constant 9.99999974E-6 : f32
      %max3A_1594 = vector.broadcast %max3A_1593 : f32 to vector<16xf32>
      %max3A_1595 = arith.maximumf %scan3A_1582#0, %max3A_1594 : vector<16xf32>
      %div3A_1596 = arith.divf %select_n3A_1592, %max3A_1595 : vector<16xf32>
      %sub3A_1597 = arith.subf %gather3A_1220, %gather3A_1567 : vector<16xf32>
      %sub3A_1598 = arith.subf %gather3A_1221, %gather3A_1568 : vector<16xf32>
      %sub3A_1599 = arith.subf %gather3A_1222, %gather3A_1569 : vector<16xf32>
      %mul3A_1600 = arith.mulf %sub3A_1597, %sub3A_1597 : vector<16xf32>
      %mul3A_1601 = arith.mulf %sub3A_1598, %sub3A_1598 : vector<16xf32>
      %add3A_1602 = arith.addf %mul3A_1600, %mul3A_1601 : vector<16xf32>
      %mul3A_1603 = arith.mulf %sub3A_1599, %sub3A_1599 : vector<16xf32>
      %add3A_1604 = arith.addf %add3A_1602, %mul3A_1603 : vector<16xf32>
      %max3A_1605 = arith.constant 9.99999996E-13 : f32
      %max3A_1606 = vector.broadcast %max3A_1605 : f32 to vector<16xf32>
      %max3A_1607 = arith.maximumf %add3A_1604, %max3A_1606 : vector<16xf32>
      %mul3A_1608 = arith.constant 3.57106471 : f32
      %mul3A_1609 = vector.broadcast %mul3A_1608 : f32 to vector<16xf32>
      %mul3A_1610 = arith.mulf %max3A_1607, %mul3A_1609 : vector<16xf32>
      %mul3A_1611 = arith.mulf %mul3A_1610, %mul3A_1610 : vector<16xf32>
      %mul3A_1612 = arith.mulf %mul3A_1611, %mul3A_1610 : vector<16xf32>
      %mul3A_1613 = arith.mulf %mul3A_1612, %mul3A_1610 : vector<16xf32>
      %mul3A_1614 = arith.constant 3.000000e+00 : f32
      %mul3A_1615 = vector.broadcast %mul3A_1614 : f32 to vector<16xf32>
      %mul3A_1616 = arith.mulf %mul3A_1615, %gather3A_1223 : vector<16xf32>
      %mul3A_1617 = arith.mulf %mul3A_1616, %gather3A_1570 : vector<16xf32>
      %bitcast_convert_type3A_1618 = tpu.bitcast %mul3A_1617 : vector<16xf32> -> vector<16xi32>
      %shift_right_arithmetic3A_1619 = arith.constant 1 : i32
      %shift_right_arithmetic3A_1620 = vector.broadcast %shift_right_arithmetic3A_1619 : i32 to vector<16xi32>
      %shift_right_arithmetic3A_1621 = arith.shrsi %bitcast_convert_type3A_1618, %shift_right_arithmetic3A_1620 : vector<16xi32>
      %sub3A_1622 = arith.constant 1597463007 : i32
      %sub3A_1623 = vector.broadcast %sub3A_1622 : i32 to vector<16xi32>
      %sub3A_1624 = arith.subi %sub3A_1623, %shift_right_arithmetic3A_1621 : vector<16xi32>
      %bitcast_convert_type3A_1625 = tpu.bitcast %sub3A_1624 : vector<16xi32> -> vector<16xf32>
      %mul3A_1626 = arith.constant 5.000000e-01 : f32
      %mul3A_1627 = vector.broadcast %mul3A_1626 : f32 to vector<16xf32>
      %mul3A_1628 = arith.mulf %mul3A_1627, %mul3A_1617 : vector<16xf32>
      %mul3A_1629 = arith.mulf %mul3A_1628, %bitcast_convert_type3A_1625 : vector<16xf32>
      %mul3A_1630 = arith.mulf %mul3A_1629, %bitcast_convert_type3A_1625 : vector<16xf32>
      %sub3A_1631 = arith.constant 1.500000e+00 : f32
      %sub3A_1632 = vector.broadcast %sub3A_1631 : f32 to vector<16xf32>
      %sub3A_1633 = arith.subf %sub3A_1632, %mul3A_1630 : vector<16xf32>
      %mul3A_1634 = arith.mulf %bitcast_convert_type3A_1625, %sub3A_1633 : vector<16xf32>
      %mul3A_1635 = arith.constant 5.000000e-01 : f32
      %mul3A_1636 = vector.broadcast %mul3A_1635 : f32 to vector<16xf32>
      %mul3A_1637 = arith.mulf %mul3A_1636, %mul3A_1617 : vector<16xf32>
      %mul3A_1638 = arith.mulf %mul3A_1637, %mul3A_1634 : vector<16xf32>
      %mul3A_1639 = arith.mulf %mul3A_1638, %mul3A_1634 : vector<16xf32>
      %sub3A_1640 = arith.constant 1.500000e+00 : f32
      %sub3A_1641 = vector.broadcast %sub3A_1640 : f32 to vector<16xf32>
      %sub3A_1642 = arith.subf %sub3A_1641, %mul3A_1639 : vector<16xf32>
      %mul3A_1643 = arith.mulf %mul3A_1634, %sub3A_1642 : vector<16xf32>
      %mul3A_1644 = arith.constant 5.000000e-01 : f32
      %mul3A_1645 = vector.broadcast %mul3A_1644 : f32 to vector<16xf32>
      %mul3A_1646 = arith.mulf %mul3A_1645, %mul3A_1617 : vector<16xf32>
      %mul3A_1647 = arith.mulf %mul3A_1646, %mul3A_1643 : vector<16xf32>
      %mul3A_1648 = arith.mulf %mul3A_1647, %mul3A_1643 : vector<16xf32>
      %sub3A_1649 = arith.constant 1.500000e+00 : f32
      %sub3A_1650 = vector.broadcast %sub3A_1649 : f32 to vector<16xf32>
      %sub3A_1651 = arith.subf %sub3A_1650, %mul3A_1648 : vector<16xf32>
      %mul3A_1652 = arith.mulf %mul3A_1643, %sub3A_1651 : vector<16xf32>
      %mul3A_1653 = arith.mulf %mul3A_1617, %mul3A_1652 : vector<16xf32>
      %mul3A_1654 = arith.constant 4.289000e-01 : f32
      %mul3A_1655 = vector.broadcast %mul3A_1654 : f32 to vector<16xf32>
      %mul3A_1656 = arith.mulf %mul3A_1655, %mul3A_1653 : vector<16xf32>
      %add3A_1657 = arith.constant 4.440700e+00 : f32
      %add3A_1658 = vector.broadcast %add3A_1657 : f32 to vector<16xf32>
      %add3A_1659 = arith.addf %mul3A_1656, %add3A_1658 : vector<16xf32>
      %mul3A_1660 = arith.mulf %add3A_1659, %add3A_1659 : vector<16xf32>
      %mul3A_1661 = arith.mulf %mul3A_1660, %mul3A_1660 : vector<16xf32>
      %mul3A_1662 = arith.mulf %mul3A_1661, %mul3A_1660 : vector<16xf32>
      %mul3A_1663 = arith.mulf %mul3A_1662, %mul3A_1660 : vector<16xf32>
      %add3A_1664 = arith.addf %mul3A_1612, %mul3A_1662 : vector<16xf32>
      %div3A_1665 = arith.constant 1.000000e+00 : f32
      %div3A_1666 = vector.broadcast %div3A_1665 : f32 to vector<16xf32>
      %div3A_1667 = arith.divf %div3A_1666, %add3A_1664 : vector<16xf32>
      %mul3A_1668 = arith.constant 7.875000e-01 : f32
      %mul3A_1669 = vector.broadcast %mul3A_1668 : f32 to vector<16xf32>
      %mul3A_1670 = arith.mulf %mul3A_1669, %mul3A_1617 : vector<16xf32>
      %add3A_1671 = arith.addf %mul3A_1613, %mul3A_1663 : vector<16xf32>
      %div3A_1672 = arith.divf %mul3A_1670, %add3A_1671 : vector<16xf32>
      %add3A_1673 = arith.addf %div3A_1667, %div3A_1672 : vector<16xf32>
      %mul3A_1674 = arith.mulf %div3A_1596, %add3A_1673 : vector<16xf32>
      %add3A_1675 = arith.addf %add3A_1561, %mul3A_1674 : vector<16xf32>
      %add3A_1676 = arith.constant 64 : i32
      %add3A_1677 = arith.addi %mul3A_1208, %add3A_1676 : i32
      %get3A_1678 = arith.index_cast %add3A_1677 : i32 to index
      %get3A_1679 = tpu.vector_load %arg17[%get3A_1678] {strides = array<i32>} : memref<8192xi32, #tpu.memory_space<vmem>>, vector<16xi32>,
      %mul3A_1680 = arith.constant 2 : i32
      %mul3A_1681 = arith.muli %add3A_1206, %mul3A_1680 : i32
      %add3A_1682 = arith.addi %mul3A_32, %mul3A_1681 : i32
      %add3A_1683 = arith.constant 1 : i32
      %add3A_1684 = arith.addi %add3A_1682, %add3A_1683 : i32
      %broadcast_in_dim3A_1685 = vector.broadcast %add3A_1684 : i32 to vector<16xi32>
      %gather3A_1686 = tpu.vector_load_idx %arg15[%broadcast_in_dim3A_1685] : memref<512xf32, #tpu.memory_space<vmem>>[vector<16xi32>], vector<16xf32>,
      %gather3A_1687 = tpu.vector_load_idx %arg11[%broadcast_in_dim3A_1685] : memref<512xf32, #tpu.memory_space<vmem>>[vector<16xi32>], vector<16xf32>,
      %gather3A_1688 = tpu.vector_load_idx %arg12[%broadcast_in_dim3A_1685] : memref<512xf32, #tpu.memory_space<vmem>>[vector<16xi32>], vector<16xf32>,
      %gather3A_1689 = tpu.vector_load_idx %arg13[%broadcast_in_dim3A_1685] : memref<512xf32, #tpu.memory_space<vmem>>[vector<16xi32>], vector<16xf32>,
      %gather3A_1690 = tpu.vector_load_idx %arg16[%broadcast_in_dim3A_1685] : memref<512xf32, #tpu.memory_space<vmem>>[vector<16xi32>], vector<16xf32>,
      %gather3A_1691 = tpu.vector_load_idx %arg15[%get3A_1679] : memref<512xf32, #tpu.memory_space<vmem>>[vector<16xi32>], vector<16xf32>,
      %gather3A_1692 = tpu.vector_load_idx %arg11[%get3A_1679] : memref<512xf32, #tpu.memory_space<vmem>>[vector<16xi32>], vector<16xf32>,
      %gather3A_1693 = tpu.vector_load_idx %arg12[%get3A_1679] : memref<512xf32, #tpu.memory_space<vmem>>[vector<16xi32>], vector<16xf32>,
      %gather3A_1694 = tpu.vector_load_idx %arg13[%get3A_1679] : memref<512xf32, #tpu.memory_space<vmem>>[vector<16xi32>], vector<16xf32>,
      %gather3A_1695 = tpu.vector_load_idx %arg16[%get3A_1679] : memref<512xf32, #tpu.memory_space<vmem>>[vector<16xi32>], vector<16xf32>,
      %add3A_1696 = arith.constant 64 : i32
      %add3A_1697 = vector.broadcast %add3A_1696 : i32 to vector<16xi32>
      %add3A_1698 = arith.addi %add3A_1697, %iota3A : vector<16xi32>
      %broadcast_in_dim3A_1699 = arith.constant 0.000000e+00 : f32
      %broadcast_in_dim3A_1700 = vector.broadcast %broadcast_in_dim3A_1699 : f32 to vector<16xf32>
      %broadcast_in_dim3A_1701 = arith.constant 0.000000e+00 : f32
      %broadcast_in_dim3A_1702 = vector.broadcast %broadcast_in_dim3A_1701 : f32 to vector<16xf32>
      %scan3A_1703 = arith.constant 0 : i32
      %scan3A_1704 = arith.constant 25 : i32
      %scan3A_1705 = arith.addi %scan3A_1703, %scan3A_1704 : i32
      %scan3A_1706 = arith.constant 1 : i32
      %scan3A_1707:2 = scf.for %scan3A_2143 = %scan3A_1703 to %scan3A_1705 step %scan3A_1706 iter_args(%scan3A_2144 = %broadcast_in_dim3A_1700, %scan3A_2145 = %broadcast_in_dim3A_1702) -> (vector<16xf32>, vector<16xf32>)  : i32 {
        %add3A_2146 = vector.broadcast %scan3A_2143 : i32 to vector<16xi32>
        %add3A_2147 = arith.addi %iota3A, %add3A_2146 : vector<16xi32>
        %ge3A_2148 = arith.constant 25 : i32
        %ge3A_2149 = vector.broadcast %ge3A_2148 : i32 to vector<16xi32>
        %ge3A_2150 = arith.cmpi sge, %add3A_2147, %ge3A_2149 : vector<16xi32>
        %sub3A_2151 = arith.constant 25 : i32
        %sub3A_2152 = vector.broadcast %sub3A_2151 : i32 to vector<16xi32>
        %sub3A_2153 = arith.subi %add3A_2147, %sub3A_2152 : vector<16xi32>
        %select_n3A_2154 = arith.select %ge3A_2150, %sub3A_2153, %add3A_2147 : vector<16xi1>, vector<16xi32>
        %gather3A_2155 = tpu.vector_load_idx %arg22[%add3A_1698, %select_n3A_2154] : memref<128x128xf32, #tpu.memory_space<vmem>>[vector<16xi32>, vector<16xi32>], vector<16xf32>,
        %add3A_2156 = arith.constant 25 : i32
        %add3A_2157 = vector.broadcast %add3A_2156 : i32 to vector<16xi32>
        %add3A_2158 = arith.addi %select_n3A_2154, %add3A_2157 : vector<16xi32>
        %gather3A_2159 = tpu.vector_load_idx %arg22[%add3A_1698, %add3A_2158] : memref<128x128xf32, #tpu.memory_space<vmem>>[vector<16xi32>, vector<16xi32>], vector<16xf32>,
        %add3A_2160 = arith.constant 50 : i32
        %add3A_2161 = vector.broadcast %add3A_2160 : i32 to vector<16xi32>
        %add3A_2162 = arith.addi %select_n3A_2154, %add3A_2161 : vector<16xi32>
        %gather3A_2163 = tpu.vector_load_idx %arg22[%add3A_1698, %add3A_2162] : memref<128x128xf32, #tpu.memory_space<vmem>>[vector<16xi32>, vector<16xi32>], vector<16xf32>,
        %sub3A_2164 = arith.subf %gather3A_1686, %gather3A_2159 : vector<16xf32>
        %sub3A_2165 = arith.subf %gather3A_1691, %gather3A_2163 : vector<16xf32>
        %mul3A_2166 = arith.mulf %sub3A_2164, %sub3A_2164 : vector<16xf32>
        %mul3A_2167 = arith.mulf %sub3A_2165, %sub3A_2165 : vector<16xf32>
        %add3A_2168 = arith.addf %mul3A_2166, %mul3A_2167 : vector<16xf32>
        %mul3A_2169 = arith.constant -4.000000e+00 : f32
        %mul3A_2170 = vector.broadcast %mul3A_2169 : f32 to vector<16xf32>
        %mul3A_2171 = arith.mulf %mul3A_2170, %add3A_2168 : vector<16xf32>
        %exp3A = math.exp %mul3A_2171 : vector<16xf32>
        %add3A_2172 = arith.addf %scan3A_2144, %exp3A : vector<16xf32>
        %mul3A_2173 = arith.mulf %gather3A_2155, %exp3A : vector<16xf32>
        %add3A_2174 = arith.addf %scan3A_2145, %mul3A_2173 : vector<16xf32>
        scf.yield %add3A_2172, %add3A_2174 : vector<16xf32>, vector<16xf32>
      }
      %scan3A_1708 = arith.constant 25 : i32
      %ne3A_1709 = vector.broadcast %add3A_1684 : i32 to vector<16xi32>
      %ne3A_1710 = arith.cmpi ne, %get3A_1679, %ne3A_1709 : vector<16xi32>
      %ge3A_1711 = arith.constant 9.99999974E-6 : f32
      %ge3A_1712 = vector.broadcast %ge3A_1711 : f32 to vector<16xf32>
      %ge3A_1713 = arith.cmpf oge, %scan3A_1707#0, %ge3A_1712 : vector<16xf32>
      %and3A_1714 = arith.andi %ne3A_1710, %ge3A_1713 : vector<16xi1>
      %jit3A_1715 = arith.constant 0.000000e+00 : f32
      %broadcast_in_dim3A_1716 = vector.broadcast %jit3A_1715 : f32 to vector<16xf32>
      %select_n3A_1717 = arith.select %and3A_1714, %scan3A_1707#1, %broadcast_in_dim3A_1716 : vector<16xi1>, vector<16xf32>
      %max3A_1718 = arith.constant 9.99999974E-6 : f32
      %max3A_1719 = vector.broadcast %max3A_1718 : f32 to vector<16xf32>
      %max3A_1720 = arith.maximumf %scan3A_1707#0, %max3A_1719 : vector<16xf32>
      %div3A_1721 = arith.divf %select_n3A_1717, %max3A_1720 : vector<16xf32>
      %sub3A_1722 = arith.subf %gather3A_1687, %gather3A_1692 : vector<16xf32>
      %sub3A_1723 = arith.subf %gather3A_1688, %gather3A_1693 : vector<16xf32>
      %sub3A_1724 = arith.subf %gather3A_1689, %gather3A_1694 : vector<16xf32>
      %mul3A_1725 = arith.mulf %sub3A_1722, %sub3A_1722 : vector<16xf32>
      %mul3A_1726 = arith.mulf %sub3A_1723, %sub3A_1723 : vector<16xf32>
      %add3A_1727 = arith.addf %mul3A_1725, %mul3A_1726 : vector<16xf32>
      %mul3A_1728 = arith.mulf %sub3A_1724, %sub3A_1724 : vector<16xf32>
      %add3A_1729 = arith.addf %add3A_1727, %mul3A_1728 : vector<16xf32>
      %max3A_1730 = arith.constant 9.99999996E-13 : f32
      %max3A_1731 = vector.broadcast %max3A_1730 : f32 to vector<16xf32>
      %max3A_1732 = arith.maximumf %add3A_1729, %max3A_1731 : vector<16xf32>
      %mul3A_1733 = arith.constant 3.57106471 : f32
      %mul3A_1734 = vector.broadcast %mul3A_1733 : f32 to vector<16xf32>
      %mul3A_1735 = arith.mulf %max3A_1732, %mul3A_1734 : vector<16xf32>
      %mul3A_1736 = arith.mulf %mul3A_1735, %mul3A_1735 : vector<16xf32>
      %mul3A_1737 = arith.mulf %mul3A_1736, %mul3A_1735 : vector<16xf32>
      %mul3A_1738 = arith.mulf %mul3A_1737, %mul3A_1735 : vector<16xf32>
      %mul3A_1739 = arith.constant 3.000000e+00 : f32
      %mul3A_1740 = vector.broadcast %mul3A_1739 : f32 to vector<16xf32>
      %mul3A_1741 = arith.mulf %mul3A_1740, %gather3A_1690 : vector<16xf32>
      %mul3A_1742 = arith.mulf %mul3A_1741, %gather3A_1695 : vector<16xf32>
      %bitcast_convert_type3A_1743 = tpu.bitcast %mul3A_1742 : vector<16xf32> -> vector<16xi32>
      %shift_right_arithmetic3A_1744 = arith.constant 1 : i32
      %shift_right_arithmetic3A_1745 = vector.broadcast %shift_right_arithmetic3A_1744 : i32 to vector<16xi32>
      %shift_right_arithmetic3A_1746 = arith.shrsi %bitcast_convert_type3A_1743, %shift_right_arithmetic3A_1745 : vector<16xi32>
      %sub3A_1747 = arith.constant 1597463007 : i32
      %sub3A_1748 = vector.broadcast %sub3A_1747 : i32 to vector<16xi32>
      %sub3A_1749 = arith.subi %sub3A_1748, %shift_right_arithmetic3A_1746 : vector<16xi32>
      %bitcast_convert_type3A_1750 = tpu.bitcast %sub3A_1749 : vector<16xi32> -> vector<16xf32>
      %mul3A_1751 = arith.constant 5.000000e-01 : f32
      %mul3A_1752 = vector.broadcast %mul3A_1751 : f32 to vector<16xf32>
      %mul3A_1753 = arith.mulf %mul3A_1752, %mul3A_1742 : vector<16xf32>
      %mul3A_1754 = arith.mulf %mul3A_1753, %bitcast_convert_type3A_1750 : vector<16xf32>
      %mul3A_1755 = arith.mulf %mul3A_1754, %bitcast_convert_type3A_1750 : vector<16xf32>
      %sub3A_1756 = arith.constant 1.500000e+00 : f32
      %sub3A_1757 = vector.broadcast %sub3A_1756 : f32 to vector<16xf32>
      %sub3A_1758 = arith.subf %sub3A_1757, %mul3A_1755 : vector<16xf32>
      %mul3A_1759 = arith.mulf %bitcast_convert_type3A_1750, %sub3A_1758 : vector<16xf32>
      %mul3A_1760 = arith.constant 5.000000e-01 : f32
      %mul3A_1761 = vector.broadcast %mul3A_1760 : f32 to vector<16xf32>
      %mul3A_1762 = arith.mulf %mul3A_1761, %mul3A_1742 : vector<16xf32>
      %mul3A_1763 = arith.mulf %mul3A_1762, %mul3A_1759 : vector<16xf32>
      %mul3A_1764 = arith.mulf %mul3A_1763, %mul3A_1759 : vector<16xf32>
      %sub3A_1765 = arith.constant 1.500000e+00 : f32
      %sub3A_1766 = vector.broadcast %sub3A_1765 : f32 to vector<16xf32>
      %sub3A_1767 = arith.subf %sub3A_1766, %mul3A_1764 : vector<16xf32>
      %mul3A_1768 = arith.mulf %mul3A_1759, %sub3A_1767 : vector<16xf32>
      %mul3A_1769 = arith.constant 5.000000e-01 : f32
      %mul3A_1770 = vector.broadcast %mul3A_1769 : f32 to vector<16xf32>
      %mul3A_1771 = arith.mulf %mul3A_1770, %mul3A_1742 : vector<16xf32>
      %mul3A_1772 = arith.mulf %mul3A_1771, %mul3A_1768 : vector<16xf32>
      %mul3A_1773 = arith.mulf %mul3A_1772, %mul3A_1768 : vector<16xf32>
      %sub3A_1774 = arith.constant 1.500000e+00 : f32
      %sub3A_1775 = vector.broadcast %sub3A_1774 : f32 to vector<16xf32>
      %sub3A_1776 = arith.subf %sub3A_1775, %mul3A_1773 : vector<16xf32>
      %mul3A_1777 = arith.mulf %mul3A_1768, %sub3A_1776 : vector<16xf32>
      %mul3A_1778 = arith.mulf %mul3A_1742, %mul3A_1777 : vector<16xf32>
      %mul3A_1779 = arith.constant 4.289000e-01 : f32
      %mul3A_1780 = vector.broadcast %mul3A_1779 : f32 to vector<16xf32>
      %mul3A_1781 = arith.mulf %mul3A_1780, %mul3A_1778 : vector<16xf32>
      %add3A_1782 = arith.constant 4.440700e+00 : f32
      %add3A_1783 = vector.broadcast %add3A_1782 : f32 to vector<16xf32>
      %add3A_1784 = arith.addf %mul3A_1781, %add3A_1783 : vector<16xf32>
      %mul3A_1785 = arith.mulf %add3A_1784, %add3A_1784 : vector<16xf32>
      %mul3A_1786 = arith.mulf %mul3A_1785, %mul3A_1785 : vector<16xf32>
      %mul3A_1787 = arith.mulf %mul3A_1786, %mul3A_1785 : vector<16xf32>
      %mul3A_1788 = arith.mulf %mul3A_1787, %mul3A_1785 : vector<16xf32>
      %add3A_1789 = arith.addf %mul3A_1737, %mul3A_1787 : vector<16xf32>
      %div3A_1790 = arith.constant 1.000000e+00 : f32
      %div3A_1791 = vector.broadcast %div3A_1790 : f32 to vector<16xf32>
      %div3A_1792 = arith.divf %div3A_1791, %add3A_1789 : vector<16xf32>
      %mul3A_1793 = arith.constant 7.875000e-01 : f32
      %mul3A_1794 = vector.broadcast %mul3A_1793 : f32 to vector<16xf32>
      %mul3A_1795 = arith.mulf %mul3A_1794, %mul3A_1742 : vector<16xf32>
      %add3A_1796 = arith.addf %mul3A_1738, %mul3A_1788 : vector<16xf32>
      %div3A_1797 = arith.divf %mul3A_1795, %add3A_1796 : vector<16xf32>
      %add3A_1798 = arith.addf %div3A_1792, %div3A_1797 : vector<16xf32>
      %mul3A_1799 = arith.mulf %div3A_1721, %add3A_1798 : vector<16xf32>
      %add3A_1800 = arith.addf %add3A_1675, %mul3A_1799 : vector<16xf32>
      %add3A_1801 = arith.constant 80 : i32
      %add3A_1802 = arith.addi %mul3A_1208, %add3A_1801 : i32
      %get3A_1803 = arith.index_cast %add3A_1802 : i32 to index
      %get3A_1804 = tpu.vector_load %arg17[%get3A_1803] {strides = array<i32>} : memref<8192xi32, #tpu.memory_space<vmem>>, vector<16xi32>,
      %gather3A_1805 = tpu.vector_load_idx %arg15[%get3A_1804] : memref<512xf32, #tpu.memory_space<vmem>>[vector<16xi32>], vector<16xf32>,
      %gather3A_1806 = tpu.vector_load_idx %arg11[%get3A_1804] : memref<512xf32, #tpu.memory_space<vmem>>[vector<16xi32>], vector<16xf32>,
      %gather3A_1807 = tpu.vector_load_idx %arg12[%get3A_1804] : memref<512xf32, #tpu.memory_space<vmem>>[vector<16xi32>], vector<16xf32>,
      %gather3A_1808 = tpu.vector_load_idx %arg13[%get3A_1804] : memref<512xf32, #tpu.memory_space<vmem>>[vector<16xi32>], vector<16xf32>,
      %gather3A_1809 = tpu.vector_load_idx %arg16[%get3A_1804] : memref<512xf32, #tpu.memory_space<vmem>>[vector<16xi32>], vector<16xf32>,
      %add3A_1810 = arith.constant 80 : i32
      %add3A_1811 = vector.broadcast %add3A_1810 : i32 to vector<16xi32>
      %add3A_1812 = arith.addi %add3A_1811, %iota3A : vector<16xi32>
      %broadcast_in_dim3A_1813 = arith.constant 0.000000e+00 : f32
      %broadcast_in_dim3A_1814 = vector.broadcast %broadcast_in_dim3A_1813 : f32 to vector<16xf32>
      %broadcast_in_dim3A_1815 = arith.constant 0.000000e+00 : f32
      %broadcast_in_dim3A_1816 = vector.broadcast %broadcast_in_dim3A_1815 : f32 to vector<16xf32>
      %scan3A_1817 = arith.constant 0 : i32
      %scan3A_1818 = arith.constant 25 : i32
      %scan3A_1819 = arith.addi %scan3A_1817, %scan3A_1818 : i32
      %scan3A_1820 = arith.constant 1 : i32
      %scan3A_1821:2 = scf.for %scan3A_2143 = %scan3A_1817 to %scan3A_1819 step %scan3A_1820 iter_args(%scan3A_2144 = %broadcast_in_dim3A_1814, %scan3A_2145 = %broadcast_in_dim3A_1816) -> (vector<16xf32>, vector<16xf32>)  : i32 {
        %add3A_2146 = vector.broadcast %scan3A_2143 : i32 to vector<16xi32>
        %add3A_2147 = arith.addi %iota3A, %add3A_2146 : vector<16xi32>
        %ge3A_2148 = arith.constant 25 : i32
        %ge3A_2149 = vector.broadcast %ge3A_2148 : i32 to vector<16xi32>
        %ge3A_2150 = arith.cmpi sge, %add3A_2147, %ge3A_2149 : vector<16xi32>
        %sub3A_2151 = arith.constant 25 : i32
        %sub3A_2152 = vector.broadcast %sub3A_2151 : i32 to vector<16xi32>
        %sub3A_2153 = arith.subi %add3A_2147, %sub3A_2152 : vector<16xi32>
        %select_n3A_2154 = arith.select %ge3A_2150, %sub3A_2153, %add3A_2147 : vector<16xi1>, vector<16xi32>
        %gather3A_2155 = tpu.vector_load_idx %arg22[%add3A_1812, %select_n3A_2154] : memref<128x128xf32, #tpu.memory_space<vmem>>[vector<16xi32>, vector<16xi32>], vector<16xf32>,
        %add3A_2156 = arith.constant 25 : i32
        %add3A_2157 = vector.broadcast %add3A_2156 : i32 to vector<16xi32>
        %add3A_2158 = arith.addi %select_n3A_2154, %add3A_2157 : vector<16xi32>
        %gather3A_2159 = tpu.vector_load_idx %arg22[%add3A_1812, %add3A_2158] : memref<128x128xf32, #tpu.memory_space<vmem>>[vector<16xi32>, vector<16xi32>], vector<16xf32>,
        %add3A_2160 = arith.constant 50 : i32
        %add3A_2161 = vector.broadcast %add3A_2160 : i32 to vector<16xi32>
        %add3A_2162 = arith.addi %select_n3A_2154, %add3A_2161 : vector<16xi32>
        %gather3A_2163 = tpu.vector_load_idx %arg22[%add3A_1812, %add3A_2162] : memref<128x128xf32, #tpu.memory_space<vmem>>[vector<16xi32>, vector<16xi32>], vector<16xf32>,
        %sub3A_2164 = arith.subf %gather3A_1686, %gather3A_2159 : vector<16xf32>
        %sub3A_2165 = arith.subf %gather3A_1805, %gather3A_2163 : vector<16xf32>
        %mul3A_2166 = arith.mulf %sub3A_2164, %sub3A_2164 : vector<16xf32>
        %mul3A_2167 = arith.mulf %sub3A_2165, %sub3A_2165 : vector<16xf32>
        %add3A_2168 = arith.addf %mul3A_2166, %mul3A_2167 : vector<16xf32>
        %mul3A_2169 = arith.constant -4.000000e+00 : f32
        %mul3A_2170 = vector.broadcast %mul3A_2169 : f32 to vector<16xf32>
        %mul3A_2171 = arith.mulf %mul3A_2170, %add3A_2168 : vector<16xf32>
        %exp3A = math.exp %mul3A_2171 : vector<16xf32>
        %add3A_2172 = arith.addf %scan3A_2144, %exp3A : vector<16xf32>
        %mul3A_2173 = arith.mulf %gather3A_2155, %exp3A : vector<16xf32>
        %add3A_2174 = arith.addf %scan3A_2145, %mul3A_2173 : vector<16xf32>
        scf.yield %add3A_2172, %add3A_2174 : vector<16xf32>, vector<16xf32>
      }
      %scan3A_1822 = arith.constant 25 : i32
      %ne3A_1823 = vector.broadcast %add3A_1684 : i32 to vector<16xi32>
      %ne3A_1824 = arith.cmpi ne, %get3A_1804, %ne3A_1823 : vector<16xi32>
      %ge3A_1825 = arith.constant 9.99999974E-6 : f32
      %ge3A_1826 = vector.broadcast %ge3A_1825 : f32 to vector<16xf32>
      %ge3A_1827 = arith.cmpf oge, %scan3A_1821#0, %ge3A_1826 : vector<16xf32>
      %and3A_1828 = arith.andi %ne3A_1824, %ge3A_1827 : vector<16xi1>
      %jit3A_1829 = arith.constant 0.000000e+00 : f32
      %broadcast_in_dim3A_1830 = vector.broadcast %jit3A_1829 : f32 to vector<16xf32>
      %select_n3A_1831 = arith.select %and3A_1828, %scan3A_1821#1, %broadcast_in_dim3A_1830 : vector<16xi1>, vector<16xf32>
      %max3A_1832 = arith.constant 9.99999974E-6 : f32
      %max3A_1833 = vector.broadcast %max3A_1832 : f32 to vector<16xf32>
      %max3A_1834 = arith.maximumf %scan3A_1821#0, %max3A_1833 : vector<16xf32>
      %div3A_1835 = arith.divf %select_n3A_1831, %max3A_1834 : vector<16xf32>
      %sub3A_1836 = arith.subf %gather3A_1687, %gather3A_1806 : vector<16xf32>
      %sub3A_1837 = arith.subf %gather3A_1688, %gather3A_1807 : vector<16xf32>
      %sub3A_1838 = arith.subf %gather3A_1689, %gather3A_1808 : vector<16xf32>
      %mul3A_1839 = arith.mulf %sub3A_1836, %sub3A_1836 : vector<16xf32>
      %mul3A_1840 = arith.mulf %sub3A_1837, %sub3A_1837 : vector<16xf32>
      %add3A_1841 = arith.addf %mul3A_1839, %mul3A_1840 : vector<16xf32>
      %mul3A_1842 = arith.mulf %sub3A_1838, %sub3A_1838 : vector<16xf32>
      %add3A_1843 = arith.addf %add3A_1841, %mul3A_1842 : vector<16xf32>
      %max3A_1844 = arith.constant 9.99999996E-13 : f32
      %max3A_1845 = vector.broadcast %max3A_1844 : f32 to vector<16xf32>
      %max3A_1846 = arith.maximumf %add3A_1843, %max3A_1845 : vector<16xf32>
      %mul3A_1847 = arith.constant 3.57106471 : f32
      %mul3A_1848 = vector.broadcast %mul3A_1847 : f32 to vector<16xf32>
      %mul3A_1849 = arith.mulf %max3A_1846, %mul3A_1848 : vector<16xf32>
      %mul3A_1850 = arith.mulf %mul3A_1849, %mul3A_1849 : vector<16xf32>
      %mul3A_1851 = arith.mulf %mul3A_1850, %mul3A_1849 : vector<16xf32>
      %mul3A_1852 = arith.mulf %mul3A_1851, %mul3A_1849 : vector<16xf32>
      %mul3A_1853 = arith.constant 3.000000e+00 : f32
      %mul3A_1854 = vector.broadcast %mul3A_1853 : f32 to vector<16xf32>
      %mul3A_1855 = arith.mulf %mul3A_1854, %gather3A_1690 : vector<16xf32>
      %mul3A_1856 = arith.mulf %mul3A_1855, %gather3A_1809 : vector<16xf32>
      %bitcast_convert_type3A_1857 = tpu.bitcast %mul3A_1856 : vector<16xf32> -> vector<16xi32>
      %shift_right_arithmetic3A_1858 = arith.constant 1 : i32
      %shift_right_arithmetic3A_1859 = vector.broadcast %shift_right_arithmetic3A_1858 : i32 to vector<16xi32>
      %shift_right_arithmetic3A_1860 = arith.shrsi %bitcast_convert_type3A_1857, %shift_right_arithmetic3A_1859 : vector<16xi32>
      %sub3A_1861 = arith.constant 1597463007 : i32
      %sub3A_1862 = vector.broadcast %sub3A_1861 : i32 to vector<16xi32>
      %sub3A_1863 = arith.subi %sub3A_1862, %shift_right_arithmetic3A_1860 : vector<16xi32>
      %bitcast_convert_type3A_1864 = tpu.bitcast %sub3A_1863 : vector<16xi32> -> vector<16xf32>
      %mul3A_1865 = arith.constant 5.000000e-01 : f32
      %mul3A_1866 = vector.broadcast %mul3A_1865 : f32 to vector<16xf32>
      %mul3A_1867 = arith.mulf %mul3A_1866, %mul3A_1856 : vector<16xf32>
      %mul3A_1868 = arith.mulf %mul3A_1867, %bitcast_convert_type3A_1864 : vector<16xf32>
      %mul3A_1869 = arith.mulf %mul3A_1868, %bitcast_convert_type3A_1864 : vector<16xf32>
      %sub3A_1870 = arith.constant 1.500000e+00 : f32
      %sub3A_1871 = vector.broadcast %sub3A_1870 : f32 to vector<16xf32>
      %sub3A_1872 = arith.subf %sub3A_1871, %mul3A_1869 : vector<16xf32>
      %mul3A_1873 = arith.mulf %bitcast_convert_type3A_1864, %sub3A_1872 : vector<16xf32>
      %mul3A_1874 = arith.constant 5.000000e-01 : f32
      %mul3A_1875 = vector.broadcast %mul3A_1874 : f32 to vector<16xf32>
      %mul3A_1876 = arith.mulf %mul3A_1875, %mul3A_1856 : vector<16xf32>
      %mul3A_1877 = arith.mulf %mul3A_1876, %mul3A_1873 : vector<16xf32>
      %mul3A_1878 = arith.mulf %mul3A_1877, %mul3A_1873 : vector<16xf32>
      %sub3A_1879 = arith.constant 1.500000e+00 : f32
      %sub3A_1880 = vector.broadcast %sub3A_1879 : f32 to vector<16xf32>
      %sub3A_1881 = arith.subf %sub3A_1880, %mul3A_1878 : vector<16xf32>
      %mul3A_1882 = arith.mulf %mul3A_1873, %sub3A_1881 : vector<16xf32>
      %mul3A_1883 = arith.constant 5.000000e-01 : f32
      %mul3A_1884 = vector.broadcast %mul3A_1883 : f32 to vector<16xf32>
      %mul3A_1885 = arith.mulf %mul3A_1884, %mul3A_1856 : vector<16xf32>
      %mul3A_1886 = arith.mulf %mul3A_1885, %mul3A_1882 : vector<16xf32>
      %mul3A_1887 = arith.mulf %mul3A_1886, %mul3A_1882 : vector<16xf32>
      %sub3A_1888 = arith.constant 1.500000e+00 : f32
      %sub3A_1889 = vector.broadcast %sub3A_1888 : f32 to vector<16xf32>
      %sub3A_1890 = arith.subf %sub3A_1889, %mul3A_1887 : vector<16xf32>
      %mul3A_1891 = arith.mulf %mul3A_1882, %sub3A_1890 : vector<16xf32>
      %mul3A_1892 = arith.mulf %mul3A_1856, %mul3A_1891 : vector<16xf32>
      %mul3A_1893 = arith.constant 4.289000e-01 : f32
      %mul3A_1894 = vector.broadcast %mul3A_1893 : f32 to vector<16xf32>
      %mul3A_1895 = arith.mulf %mul3A_1894, %mul3A_1892 : vector<16xf32>
      %add3A_1896 = arith.constant 4.440700e+00 : f32
      %add3A_1897 = vector.broadcast %add3A_1896 : f32 to vector<16xf32>
      %add3A_1898 = arith.addf %mul3A_1895, %add3A_1897 : vector<16xf32>
      %mul3A_1899 = arith.mulf %add3A_1898, %add3A_1898 : vector<16xf32>
      %mul3A_1900 = arith.mulf %mul3A_1899, %mul3A_1899 : vector<16xf32>
      %mul3A_1901 = arith.mulf %mul3A_1900, %mul3A_1899 : vector<16xf32>
      %mul3A_1902 = arith.mulf %mul3A_1901, %mul3A_1899 : vector<16xf32>
      %add3A_1903 = arith.addf %mul3A_1851, %mul3A_1901 : vector<16xf32>
      %div3A_1904 = arith.constant 1.000000e+00 : f32
      %div3A_1905 = vector.broadcast %div3A_1904 : f32 to vector<16xf32>
      %div3A_1906 = arith.divf %div3A_1905, %add3A_1903 : vector<16xf32>
      %mul3A_1907 = arith.constant 7.875000e-01 : f32
      %mul3A_1908 = vector.broadcast %mul3A_1907 : f32 to vector<16xf32>
      %mul3A_1909 = arith.mulf %mul3A_1908, %mul3A_1856 : vector<16xf32>
      %add3A_1910 = arith.addf %mul3A_1852, %mul3A_1902 : vector<16xf32>
      %div3A_1911 = arith.divf %mul3A_1909, %add3A_1910 : vector<16xf32>
      %add3A_1912 = arith.addf %div3A_1906, %div3A_1911 : vector<16xf32>
      %mul3A_1913 = arith.mulf %div3A_1835, %add3A_1912 : vector<16xf32>
      %add3A_1914 = arith.addf %add3A_1800, %mul3A_1913 : vector<16xf32>
      %add3A_1915 = arith.constant 96 : i32
      %add3A_1916 = arith.addi %mul3A_1208, %add3A_1915 : i32
      %get3A_1917 = arith.index_cast %add3A_1916 : i32 to index
      %get3A_1918 = tpu.vector_load %arg17[%get3A_1917] {strides = array<i32>} : memref<8192xi32, #tpu.memory_space<vmem>>, vector<16xi32>,
      %gather3A_1919 = tpu.vector_load_idx %arg15[%get3A_1918] : memref<512xf32, #tpu.memory_space<vmem>>[vector<16xi32>], vector<16xf32>,
      %gather3A_1920 = tpu.vector_load_idx %arg11[%get3A_1918] : memref<512xf32, #tpu.memory_space<vmem>>[vector<16xi32>], vector<16xf32>,
      %gather3A_1921 = tpu.vector_load_idx %arg12[%get3A_1918] : memref<512xf32, #tpu.memory_space<vmem>>[vector<16xi32>], vector<16xf32>,
      %gather3A_1922 = tpu.vector_load_idx %arg13[%get3A_1918] : memref<512xf32, #tpu.memory_space<vmem>>[vector<16xi32>], vector<16xf32>,
      %gather3A_1923 = tpu.vector_load_idx %arg16[%get3A_1918] : memref<512xf32, #tpu.memory_space<vmem>>[vector<16xi32>], vector<16xf32>,
      %add3A_1924 = arith.constant 96 : i32
      %add3A_1925 = vector.broadcast %add3A_1924 : i32 to vector<16xi32>
      %add3A_1926 = arith.addi %add3A_1925, %iota3A : vector<16xi32>
      %broadcast_in_dim3A_1927 = arith.constant 0.000000e+00 : f32
      %broadcast_in_dim3A_1928 = vector.broadcast %broadcast_in_dim3A_1927 : f32 to vector<16xf32>
      %broadcast_in_dim3A_1929 = arith.constant 0.000000e+00 : f32
      %broadcast_in_dim3A_1930 = vector.broadcast %broadcast_in_dim3A_1929 : f32 to vector<16xf32>
      %scan3A_1931 = arith.constant 0 : i32
      %scan3A_1932 = arith.constant 25 : i32
      %scan3A_1933 = arith.addi %scan3A_1931, %scan3A_1932 : i32
      %scan3A_1934 = arith.constant 1 : i32
      %scan3A_1935:2 = scf.for %scan3A_2143 = %scan3A_1931 to %scan3A_1933 step %scan3A_1934 iter_args(%scan3A_2144 = %broadcast_in_dim3A_1928, %scan3A_2145 = %broadcast_in_dim3A_1930) -> (vector<16xf32>, vector<16xf32>)  : i32 {
        %add3A_2146 = vector.broadcast %scan3A_2143 : i32 to vector<16xi32>
        %add3A_2147 = arith.addi %iota3A, %add3A_2146 : vector<16xi32>
        %ge3A_2148 = arith.constant 25 : i32
        %ge3A_2149 = vector.broadcast %ge3A_2148 : i32 to vector<16xi32>
        %ge3A_2150 = arith.cmpi sge, %add3A_2147, %ge3A_2149 : vector<16xi32>
        %sub3A_2151 = arith.constant 25 : i32
        %sub3A_2152 = vector.broadcast %sub3A_2151 : i32 to vector<16xi32>
        %sub3A_2153 = arith.subi %add3A_2147, %sub3A_2152 : vector<16xi32>
        %select_n3A_2154 = arith.select %ge3A_2150, %sub3A_2153, %add3A_2147 : vector<16xi1>, vector<16xi32>
        %gather3A_2155 = tpu.vector_load_idx %arg22[%add3A_1926, %select_n3A_2154] : memref<128x128xf32, #tpu.memory_space<vmem>>[vector<16xi32>, vector<16xi32>], vector<16xf32>,
        %add3A_2156 = arith.constant 25 : i32
        %add3A_2157 = vector.broadcast %add3A_2156 : i32 to vector<16xi32>
        %add3A_2158 = arith.addi %select_n3A_2154, %add3A_2157 : vector<16xi32>
        %gather3A_2159 = tpu.vector_load_idx %arg22[%add3A_1926, %add3A_2158] : memref<128x128xf32, #tpu.memory_space<vmem>>[vector<16xi32>, vector<16xi32>], vector<16xf32>,
        %add3A_2160 = arith.constant 50 : i32
        %add3A_2161 = vector.broadcast %add3A_2160 : i32 to vector<16xi32>
        %add3A_2162 = arith.addi %select_n3A_2154, %add3A_2161 : vector<16xi32>
        %gather3A_2163 = tpu.vector_load_idx %arg22[%add3A_1926, %add3A_2162] : memref<128x128xf32, #tpu.memory_space<vmem>>[vector<16xi32>, vector<16xi32>], vector<16xf32>,
        %sub3A_2164 = arith.subf %gather3A_1686, %gather3A_2159 : vector<16xf32>
        %sub3A_2165 = arith.subf %gather3A_1919, %gather3A_2163 : vector<16xf32>
        %mul3A_2166 = arith.mulf %sub3A_2164, %sub3A_2164 : vector<16xf32>
        %mul3A_2167 = arith.mulf %sub3A_2165, %sub3A_2165 : vector<16xf32>
        %add3A_2168 = arith.addf %mul3A_2166, %mul3A_2167 : vector<16xf32>
        %mul3A_2169 = arith.constant -4.000000e+00 : f32
        %mul3A_2170 = vector.broadcast %mul3A_2169 : f32 to vector<16xf32>
        %mul3A_2171 = arith.mulf %mul3A_2170, %add3A_2168 : vector<16xf32>
        %exp3A = math.exp %mul3A_2171 : vector<16xf32>
        %add3A_2172 = arith.addf %scan3A_2144, %exp3A : vector<16xf32>
        %mul3A_2173 = arith.mulf %gather3A_2155, %exp3A : vector<16xf32>
        %add3A_2174 = arith.addf %scan3A_2145, %mul3A_2173 : vector<16xf32>
        scf.yield %add3A_2172, %add3A_2174 : vector<16xf32>, vector<16xf32>
      }
      %scan3A_1936 = arith.constant 25 : i32
      %ne3A_1937 = vector.broadcast %add3A_1684 : i32 to vector<16xi32>
      %ne3A_1938 = arith.cmpi ne, %get3A_1918, %ne3A_1937 : vector<16xi32>
      %ge3A_1939 = arith.constant 9.99999974E-6 : f32
      %ge3A_1940 = vector.broadcast %ge3A_1939 : f32 to vector<16xf32>
      %ge3A_1941 = arith.cmpf oge, %scan3A_1935#0, %ge3A_1940 : vector<16xf32>
      %and3A_1942 = arith.andi %ne3A_1938, %ge3A_1941 : vector<16xi1>
      %jit3A_1943 = arith.constant 0.000000e+00 : f32
      %broadcast_in_dim3A_1944 = vector.broadcast %jit3A_1943 : f32 to vector<16xf32>
      %select_n3A_1945 = arith.select %and3A_1942, %scan3A_1935#1, %broadcast_in_dim3A_1944 : vector<16xi1>, vector<16xf32>
      %max3A_1946 = arith.constant 9.99999974E-6 : f32
      %max3A_1947 = vector.broadcast %max3A_1946 : f32 to vector<16xf32>
      %max3A_1948 = arith.maximumf %scan3A_1935#0, %max3A_1947 : vector<16xf32>
      %div3A_1949 = arith.divf %select_n3A_1945, %max3A_1948 : vector<16xf32>
      %sub3A_1950 = arith.subf %gather3A_1687, %gather3A_1920 : vector<16xf32>
      %sub3A_1951 = arith.subf %gather3A_1688, %gather3A_1921 : vector<16xf32>
      %sub3A_1952 = arith.subf %gather3A_1689, %gather3A_1922 : vector<16xf32>
      %mul3A_1953 = arith.mulf %sub3A_1950, %sub3A_1950 : vector<16xf32>
      %mul3A_1954 = arith.mulf %sub3A_1951, %sub3A_1951 : vector<16xf32>
      %add3A_1955 = arith.addf %mul3A_1953, %mul3A_1954 : vector<16xf32>
      %mul3A_1956 = arith.mulf %sub3A_1952, %sub3A_1952 : vector<16xf32>
      %add3A_1957 = arith.addf %add3A_1955, %mul3A_1956 : vector<16xf32>
      %max3A_1958 = arith.constant 9.99999996E-13 : f32
      %max3A_1959 = vector.broadcast %max3A_1958 : f32 to vector<16xf32>
      %max3A_1960 = arith.maximumf %add3A_1957, %max3A_1959 : vector<16xf32>
      %mul3A_1961 = arith.constant 3.57106471 : f32
      %mul3A_1962 = vector.broadcast %mul3A_1961 : f32 to vector<16xf32>
      %mul3A_1963 = arith.mulf %max3A_1960, %mul3A_1962 : vector<16xf32>
      %mul3A_1964 = arith.mulf %mul3A_1963, %mul3A_1963 : vector<16xf32>
      %mul3A_1965 = arith.mulf %mul3A_1964, %mul3A_1963 : vector<16xf32>
      %mul3A_1966 = arith.mulf %mul3A_1965, %mul3A_1963 : vector<16xf32>
      %mul3A_1967 = arith.constant 3.000000e+00 : f32
      %mul3A_1968 = vector.broadcast %mul3A_1967 : f32 to vector<16xf32>
      %mul3A_1969 = arith.mulf %mul3A_1968, %gather3A_1690 : vector<16xf32>
      %mul3A_1970 = arith.mulf %mul3A_1969, %gather3A_1923 : vector<16xf32>
      %bitcast_convert_type3A_1971 = tpu.bitcast %mul3A_1970 : vector<16xf32> -> vector<16xi32>
      %shift_right_arithmetic3A_1972 = arith.constant 1 : i32
      %shift_right_arithmetic3A_1973 = vector.broadcast %shift_right_arithmetic3A_1972 : i32 to vector<16xi32>
      %shift_right_arithmetic3A_1974 = arith.shrsi %bitcast_convert_type3A_1971, %shift_right_arithmetic3A_1973 : vector<16xi32>
      %sub3A_1975 = arith.constant 1597463007 : i32
      %sub3A_1976 = vector.broadcast %sub3A_1975 : i32 to vector<16xi32>
      %sub3A_1977 = arith.subi %sub3A_1976, %shift_right_arithmetic3A_1974 : vector<16xi32>
      %bitcast_convert_type3A_1978 = tpu.bitcast %sub3A_1977 : vector<16xi32> -> vector<16xf32>
      %mul3A_1979 = arith.constant 5.000000e-01 : f32
      %mul3A_1980 = vector.broadcast %mul3A_1979 : f32 to vector<16xf32>
      %mul3A_1981 = arith.mulf %mul3A_1980, %mul3A_1970 : vector<16xf32>
      %mul3A_1982 = arith.mulf %mul3A_1981, %bitcast_convert_type3A_1978 : vector<16xf32>
      %mul3A_1983 = arith.mulf %mul3A_1982, %bitcast_convert_type3A_1978 : vector<16xf32>
      %sub3A_1984 = arith.constant 1.500000e+00 : f32
      %sub3A_1985 = vector.broadcast %sub3A_1984 : f32 to vector<16xf32>
      %sub3A_1986 = arith.subf %sub3A_1985, %mul3A_1983 : vector<16xf32>
      %mul3A_1987 = arith.mulf %bitcast_convert_type3A_1978, %sub3A_1986 : vector<16xf32>
      %mul3A_1988 = arith.constant 5.000000e-01 : f32
      %mul3A_1989 = vector.broadcast %mul3A_1988 : f32 to vector<16xf32>
      %mul3A_1990 = arith.mulf %mul3A_1989, %mul3A_1970 : vector<16xf32>
      %mul3A_1991 = arith.mulf %mul3A_1990, %mul3A_1987 : vector<16xf32>
      %mul3A_1992 = arith.mulf %mul3A_1991, %mul3A_1987 : vector<16xf32>
      %sub3A_1993 = arith.constant 1.500000e+00 : f32
      %sub3A_1994 = vector.broadcast %sub3A_1993 : f32 to vector<16xf32>
      %sub3A_1995 = arith.subf %sub3A_1994, %mul3A_1992 : vector<16xf32>
      %mul3A_1996 = arith.mulf %mul3A_1987, %sub3A_1995 : vector<16xf32>
      %mul3A_1997 = arith.constant 5.000000e-01 : f32
      %mul3A_1998 = vector.broadcast %mul3A_1997 : f32 to vector<16xf32>
      %mul3A_1999 = arith.mulf %mul3A_1998, %mul3A_1970 : vector<16xf32>
      %mul3A_2000 = arith.mulf %mul3A_1999, %mul3A_1996 : vector<16xf32>
      %mul3A_2001 = arith.mulf %mul3A_2000, %mul3A_1996 : vector<16xf32>
      %sub3A_2002 = arith.constant 1.500000e+00 : f32
      %sub3A_2003 = vector.broadcast %sub3A_2002 : f32 to vector<16xf32>
      %sub3A_2004 = arith.subf %sub3A_2003, %mul3A_2001 : vector<16xf32>
      %mul3A_2005 = arith.mulf %mul3A_1996, %sub3A_2004 : vector<16xf32>
      %mul3A_2006 = arith.mulf %mul3A_1970, %mul3A_2005 : vector<16xf32>
      %mul3A_2007 = arith.constant 4.289000e-01 : f32
      %mul3A_2008 = vector.broadcast %mul3A_2007 : f32 to vector<16xf32>
      %mul3A_2009 = arith.mulf %mul3A_2008, %mul3A_2006 : vector<16xf32>
      %add3A_2010 = arith.constant 4.440700e+00 : f32
      %add3A_2011 = vector.broadcast %add3A_2010 : f32 to vector<16xf32>
      %add3A_2012 = arith.addf %mul3A_2009, %add3A_2011 : vector<16xf32>
      %mul3A_2013 = arith.mulf %add3A_2012, %add3A_2012 : vector<16xf32>
      %mul3A_2014 = arith.mulf %mul3A_2013, %mul3A_2013 : vector<16xf32>
      %mul3A_2015 = arith.mulf %mul3A_2014, %mul3A_2013 : vector<16xf32>
      %mul3A_2016 = arith.mulf %mul3A_2015, %mul3A_2013 : vector<16xf32>
      %add3A_2017 = arith.addf %mul3A_1965, %mul3A_2015 : vector<16xf32>
      %div3A_2018 = arith.constant 1.000000e+00 : f32
      %div3A_2019 = vector.broadcast %div3A_2018 : f32 to vector<16xf32>
      %div3A_2020 = arith.divf %div3A_2019, %add3A_2017 : vector<16xf32>
      %mul3A_2021 = arith.constant 7.875000e-01 : f32
      %mul3A_2022 = vector.broadcast %mul3A_2021 : f32 to vector<16xf32>
      %mul3A_2023 = arith.mulf %mul3A_2022, %mul3A_1970 : vector<16xf32>
      %add3A_2024 = arith.addf %mul3A_1966, %mul3A_2016 : vector<16xf32>
      %div3A_2025 = arith.divf %mul3A_2023, %add3A_2024 : vector<16xf32>
      %add3A_2026 = arith.addf %div3A_2020, %div3A_2025 : vector<16xf32>
      %mul3A_2027 = arith.mulf %div3A_1949, %add3A_2026 : vector<16xf32>
      %add3A_2028 = arith.addf %add3A_1914, %mul3A_2027 : vector<16xf32>
      %add3A_2029 = arith.constant 112 : i32
      %add3A_2030 = arith.addi %mul3A_1208, %add3A_2029 : i32
      %get3A_2031 = arith.index_cast %add3A_2030 : i32 to index
      %get3A_2032 = tpu.vector_load %arg17[%get3A_2031] {strides = array<i32>} : memref<8192xi32, #tpu.memory_space<vmem>>, vector<16xi32>,
      %gather3A_2033 = tpu.vector_load_idx %arg15[%get3A_2032] : memref<512xf32, #tpu.memory_space<vmem>>[vector<16xi32>], vector<16xf32>,
      %gather3A_2034 = tpu.vector_load_idx %arg11[%get3A_2032] : memref<512xf32, #tpu.memory_space<vmem>>[vector<16xi32>], vector<16xf32>,
      %gather3A_2035 = tpu.vector_load_idx %arg12[%get3A_2032] : memref<512xf32, #tpu.memory_space<vmem>>[vector<16xi32>], vector<16xf32>,
      %gather3A_2036 = tpu.vector_load_idx %arg13[%get3A_2032] : memref<512xf32, #tpu.memory_space<vmem>>[vector<16xi32>], vector<16xf32>,
      %gather3A_2037 = tpu.vector_load_idx %arg16[%get3A_2032] : memref<512xf32, #tpu.memory_space<vmem>>[vector<16xi32>], vector<16xf32>,
      %add3A_2038 = arith.constant 112 : i32
      %add3A_2039 = vector.broadcast %add3A_2038 : i32 to vector<16xi32>
      %add3A_2040 = arith.addi %add3A_2039, %iota3A : vector<16xi32>
      %broadcast_in_dim3A_2041 = arith.constant 0.000000e+00 : f32
      %broadcast_in_dim3A_2042 = vector.broadcast %broadcast_in_dim3A_2041 : f32 to vector<16xf32>
      %broadcast_in_dim3A_2043 = arith.constant 0.000000e+00 : f32
      %broadcast_in_dim3A_2044 = vector.broadcast %broadcast_in_dim3A_2043 : f32 to vector<16xf32>
      %scan3A_2045 = arith.constant 0 : i32
      %scan3A_2046 = arith.constant 25 : i32
      %scan3A_2047 = arith.addi %scan3A_2045, %scan3A_2046 : i32
      %scan3A_2048 = arith.constant 1 : i32
      %scan3A_2049:2 = scf.for %scan3A_2143 = %scan3A_2045 to %scan3A_2047 step %scan3A_2048 iter_args(%scan3A_2144 = %broadcast_in_dim3A_2042, %scan3A_2145 = %broadcast_in_dim3A_2044) -> (vector<16xf32>, vector<16xf32>)  : i32 {
        %add3A_2146 = vector.broadcast %scan3A_2143 : i32 to vector<16xi32>
        %add3A_2147 = arith.addi %iota3A, %add3A_2146 : vector<16xi32>
        %ge3A_2148 = arith.constant 25 : i32
        %ge3A_2149 = vector.broadcast %ge3A_2148 : i32 to vector<16xi32>
        %ge3A_2150 = arith.cmpi sge, %add3A_2147, %ge3A_2149 : vector<16xi32>
        %sub3A_2151 = arith.constant 25 : i32
        %sub3A_2152 = vector.broadcast %sub3A_2151 : i32 to vector<16xi32>
        %sub3A_2153 = arith.subi %add3A_2147, %sub3A_2152 : vector<16xi32>
        %select_n3A_2154 = arith.select %ge3A_2150, %sub3A_2153, %add3A_2147 : vector<16xi1>, vector<16xi32>
        %gather3A_2155 = tpu.vector_load_idx %arg22[%add3A_2040, %select_n3A_2154] : memref<128x128xf32, #tpu.memory_space<vmem>>[vector<16xi32>, vector<16xi32>], vector<16xf32>,
        %add3A_2156 = arith.constant 25 : i32
        %add3A_2157 = vector.broadcast %add3A_2156 : i32 to vector<16xi32>
        %add3A_2158 = arith.addi %select_n3A_2154, %add3A_2157 : vector<16xi32>
        %gather3A_2159 = tpu.vector_load_idx %arg22[%add3A_2040, %add3A_2158] : memref<128x128xf32, #tpu.memory_space<vmem>>[vector<16xi32>, vector<16xi32>], vector<16xf32>,
        %add3A_2160 = arith.constant 50 : i32
        %add3A_2161 = vector.broadcast %add3A_2160 : i32 to vector<16xi32>
        %add3A_2162 = arith.addi %select_n3A_2154, %add3A_2161 : vector<16xi32>
        %gather3A_2163 = tpu.vector_load_idx %arg22[%add3A_2040, %add3A_2162] : memref<128x128xf32, #tpu.memory_space<vmem>>[vector<16xi32>, vector<16xi32>], vector<16xf32>,
        %sub3A_2164 = arith.subf %gather3A_1686, %gather3A_2159 : vector<16xf32>
        %sub3A_2165 = arith.subf %gather3A_2033, %gather3A_2163 : vector<16xf32>
        %mul3A_2166 = arith.mulf %sub3A_2164, %sub3A_2164 : vector<16xf32>
        %mul3A_2167 = arith.mulf %sub3A_2165, %sub3A_2165 : vector<16xf32>
        %add3A_2168 = arith.addf %mul3A_2166, %mul3A_2167 : vector<16xf32>
        %mul3A_2169 = arith.constant -4.000000e+00 : f32
        %mul3A_2170 = vector.broadcast %mul3A_2169 : f32 to vector<16xf32>
        %mul3A_2171 = arith.mulf %mul3A_2170, %add3A_2168 : vector<16xf32>
        %exp3A = math.exp %mul3A_2171 : vector<16xf32>
        %add3A_2172 = arith.addf %scan3A_2144, %exp3A : vector<16xf32>
        %mul3A_2173 = arith.mulf %gather3A_2155, %exp3A : vector<16xf32>
        %add3A_2174 = arith.addf %scan3A_2145, %mul3A_2173 : vector<16xf32>
        scf.yield %add3A_2172, %add3A_2174 : vector<16xf32>, vector<16xf32>
      }
      %scan3A_2050 = arith.constant 25 : i32
      %ne3A_2051 = vector.broadcast %add3A_1684 : i32 to vector<16xi32>
      %ne3A_2052 = arith.cmpi ne, %get3A_2032, %ne3A_2051 : vector<16xi32>
      %ge3A_2053 = arith.constant 9.99999974E-6 : f32
      %ge3A_2054 = vector.broadcast %ge3A_2053 : f32 to vector<16xf32>
      %ge3A_2055 = arith.cmpf oge, %scan3A_2049#0, %ge3A_2054 : vector<16xf32>
      %and3A_2056 = arith.andi %ne3A_2052, %ge3A_2055 : vector<16xi1>
      %jit3A_2057 = arith.constant 0.000000e+00 : f32
      %broadcast_in_dim3A_2058 = vector.broadcast %jit3A_2057 : f32 to vector<16xf32>
      %select_n3A_2059 = arith.select %and3A_2056, %scan3A_2049#1, %broadcast_in_dim3A_2058 : vector<16xi1>, vector<16xf32>
      %max3A_2060 = arith.constant 9.99999974E-6 : f32
      %max3A_2061 = vector.broadcast %max3A_2060 : f32 to vector<16xf32>
      %max3A_2062 = arith.maximumf %scan3A_2049#0, %max3A_2061 : vector<16xf32>
      %div3A_2063 = arith.divf %select_n3A_2059, %max3A_2062 : vector<16xf32>
      %sub3A_2064 = arith.subf %gather3A_1687, %gather3A_2034 : vector<16xf32>
      %sub3A_2065 = arith.subf %gather3A_1688, %gather3A_2035 : vector<16xf32>
      %sub3A_2066 = arith.subf %gather3A_1689, %gather3A_2036 : vector<16xf32>
      %mul3A_2067 = arith.mulf %sub3A_2064, %sub3A_2064 : vector<16xf32>
      %mul3A_2068 = arith.mulf %sub3A_2065, %sub3A_2065 : vector<16xf32>
      %add3A_2069 = arith.addf %mul3A_2067, %mul3A_2068 : vector<16xf32>
      %mul3A_2070 = arith.mulf %sub3A_2066, %sub3A_2066 : vector<16xf32>
      %add3A_2071 = arith.addf %add3A_2069, %mul3A_2070 : vector<16xf32>
      %max3A_2072 = arith.constant 9.99999996E-13 : f32
      %max3A_2073 = vector.broadcast %max3A_2072 : f32 to vector<16xf32>
      %max3A_2074 = arith.maximumf %add3A_2071, %max3A_2073 : vector<16xf32>
      %mul3A_2075 = arith.constant 3.57106471 : f32
      %mul3A_2076 = vector.broadcast %mul3A_2075 : f32 to vector<16xf32>
      %mul3A_2077 = arith.mulf %max3A_2074, %mul3A_2076 : vector<16xf32>
      %mul3A_2078 = arith.mulf %mul3A_2077, %mul3A_2077 : vector<16xf32>
      %mul3A_2079 = arith.mulf %mul3A_2078, %mul3A_2077 : vector<16xf32>
      %mul3A_2080 = arith.mulf %mul3A_2079, %mul3A_2077 : vector<16xf32>
      %mul3A_2081 = arith.constant 3.000000e+00 : f32
      %mul3A_2082 = vector.broadcast %mul3A_2081 : f32 to vector<16xf32>
      %mul3A_2083 = arith.mulf %mul3A_2082, %gather3A_1690 : vector<16xf32>
      %mul3A_2084 = arith.mulf %mul3A_2083, %gather3A_2037 : vector<16xf32>
      %bitcast_convert_type3A_2085 = tpu.bitcast %mul3A_2084 : vector<16xf32> -> vector<16xi32>
      %shift_right_arithmetic3A_2086 = arith.constant 1 : i32
      %shift_right_arithmetic3A_2087 = vector.broadcast %shift_right_arithmetic3A_2086 : i32 to vector<16xi32>
      %shift_right_arithmetic3A_2088 = arith.shrsi %bitcast_convert_type3A_2085, %shift_right_arithmetic3A_2087 : vector<16xi32>
      %sub3A_2089 = arith.constant 1597463007 : i32
      %sub3A_2090 = vector.broadcast %sub3A_2089 : i32 to vector<16xi32>
      %sub3A_2091 = arith.subi %sub3A_2090, %shift_right_arithmetic3A_2088 : vector<16xi32>
      %bitcast_convert_type3A_2092 = tpu.bitcast %sub3A_2091 : vector<16xi32> -> vector<16xf32>
      %mul3A_2093 = arith.constant 5.000000e-01 : f32
      %mul3A_2094 = vector.broadcast %mul3A_2093 : f32 to vector<16xf32>
      %mul3A_2095 = arith.mulf %mul3A_2094, %mul3A_2084 : vector<16xf32>
      %mul3A_2096 = arith.mulf %mul3A_2095, %bitcast_convert_type3A_2092 : vector<16xf32>
      %mul3A_2097 = arith.mulf %mul3A_2096, %bitcast_convert_type3A_2092 : vector<16xf32>
      %sub3A_2098 = arith.constant 1.500000e+00 : f32
      %sub3A_2099 = vector.broadcast %sub3A_2098 : f32 to vector<16xf32>
      %sub3A_2100 = arith.subf %sub3A_2099, %mul3A_2097 : vector<16xf32>
      %mul3A_2101 = arith.mulf %bitcast_convert_type3A_2092, %sub3A_2100 : vector<16xf32>
      %mul3A_2102 = arith.constant 5.000000e-01 : f32
      %mul3A_2103 = vector.broadcast %mul3A_2102 : f32 to vector<16xf32>
      %mul3A_2104 = arith.mulf %mul3A_2103, %mul3A_2084 : vector<16xf32>
      %mul3A_2105 = arith.mulf %mul3A_2104, %mul3A_2101 : vector<16xf32>
      %mul3A_2106 = arith.mulf %mul3A_2105, %mul3A_2101 : vector<16xf32>
      %sub3A_2107 = arith.constant 1.500000e+00 : f32
      %sub3A_2108 = vector.broadcast %sub3A_2107 : f32 to vector<16xf32>
      %sub3A_2109 = arith.subf %sub3A_2108, %mul3A_2106 : vector<16xf32>
      %mul3A_2110 = arith.mulf %mul3A_2101, %sub3A_2109 : vector<16xf32>
      %mul3A_2111 = arith.constant 5.000000e-01 : f32
      %mul3A_2112 = vector.broadcast %mul3A_2111 : f32 to vector<16xf32>
      %mul3A_2113 = arith.mulf %mul3A_2112, %mul3A_2084 : vector<16xf32>
      %mul3A_2114 = arith.mulf %mul3A_2113, %mul3A_2110 : vector<16xf32>
      %mul3A_2115 = arith.mulf %mul3A_2114, %mul3A_2110 : vector<16xf32>
      %sub3A_2116 = arith.constant 1.500000e+00 : f32
      %sub3A_2117 = vector.broadcast %sub3A_2116 : f32 to vector<16xf32>
      %sub3A_2118 = arith.subf %sub3A_2117, %mul3A_2115 : vector<16xf32>
      %mul3A_2119 = arith.mulf %mul3A_2110, %sub3A_2118 : vector<16xf32>
      %mul3A_2120 = arith.mulf %mul3A_2084, %mul3A_2119 : vector<16xf32>
      %mul3A_2121 = arith.constant 4.289000e-01 : f32
      %mul3A_2122 = vector.broadcast %mul3A_2121 : f32 to vector<16xf32>
      %mul3A_2123 = arith.mulf %mul3A_2122, %mul3A_2120 : vector<16xf32>
      %add3A_2124 = arith.constant 4.440700e+00 : f32
      %add3A_2125 = vector.broadcast %add3A_2124 : f32 to vector<16xf32>
      %add3A_2126 = arith.addf %mul3A_2123, %add3A_2125 : vector<16xf32>
      %mul3A_2127 = arith.mulf %add3A_2126, %add3A_2126 : vector<16xf32>
      %mul3A_2128 = arith.mulf %mul3A_2127, %mul3A_2127 : vector<16xf32>
      %mul3A_2129 = arith.mulf %mul3A_2128, %mul3A_2127 : vector<16xf32>
      %mul3A_2130 = arith.mulf %mul3A_2129, %mul3A_2127 : vector<16xf32>
      %add3A_2131 = arith.addf %mul3A_2079, %mul3A_2129 : vector<16xf32>
      %div3A_2132 = arith.constant 1.000000e+00 : f32
      %div3A_2133 = vector.broadcast %div3A_2132 : f32 to vector<16xf32>
      %div3A_2134 = arith.divf %div3A_2133, %add3A_2131 : vector<16xf32>
      %mul3A_2135 = arith.constant 7.875000e-01 : f32
      %mul3A_2136 = vector.broadcast %mul3A_2135 : f32 to vector<16xf32>
      %mul3A_2137 = arith.mulf %mul3A_2136, %mul3A_2084 : vector<16xf32>
      %add3A_2138 = arith.addf %mul3A_2080, %mul3A_2130 : vector<16xf32>
      %div3A_2139 = arith.divf %mul3A_2137, %add3A_2138 : vector<16xf32>
      %add3A_2140 = arith.addf %div3A_2134, %div3A_2139 : vector<16xf32>
      %mul3A_2141 = arith.mulf %div3A_2063, %add3A_2140 : vector<16xf32>
      %add3A_2142 = arith.addf %add3A_2028, %mul3A_2141 : vector<16xf32>
      scf.yield %add3A_2142 : vector<16xf32>
    }
    %scan3A_129 = arith.constant 32 : i32
    %swap3A_130 = arith.constant 0 : index
    %swap3A_131 = tpu.vector_load %arg23[%swap3A_130] {strides = array<i32>} : memref<16xf32, #tpu.memory_space<vmem>>, vector<16xf32>,
    tpu.vector_store %arg23[%swap3A_130], %scan3A_128 {strides = array<i32>} : memref<16xf32, #tpu.memory_space<vmem>>, vector<16xf32>,
    %jit3A_132 = arith.constant 4 : i32
    %eq3A_133 = arith.constant 0 : i32
    %eq3A_134 = arith.cmpi eq, %jit3A_132, %eq3A_133 : i32
    %jit3A_135 = arith.constant 1 : i32
    %select_n3A_136 = arith.select %eq3A_134, %jit3A_135, %jit3A_132 : i32
    %rem3A_137 = arith.remsi %add3A, %select_n3A_136 : i32
    %ne3A_138 = arith.constant 0 : i32
    %ne3A_139 = arith.cmpi ne, %rem3A_137, %ne3A_138 : i32
    %lt3A_140 = arith.constant 0 : i32
    %lt3A_141 = arith.cmpi slt, %rem3A_137, %lt3A_140 : i32
    %lt3A_142 = arith.constant 0 : i32
    %lt3A_143 = arith.cmpi slt, %select_n3A_136, %lt3A_142 : i32
    %ne3A_144 = arith.xori %lt3A_141, %lt3A_143 : i1
    %and3A_145 = arith.andi %ne3A_144, %ne3A_139 : i1
    %add3A_146 = arith.addi %rem3A_137, %select_n3A_136 : i32
    %select_n3A_147 = arith.select %and3A_145, %add3A_146, %rem3A_137 : i32
    %mul3A_148 = arith.constant 16 : i32
    %mul3A_149 = arith.muli %select_n3A_147, %mul3A_148 : i32
    "tpu.region"() ({
      %run_scoped3A = tpu.sem_alloc : memref<!tpu.dma_semaphore, #tpu.memory_space<semaphore_mem>>
      %dma_start3A_150 = tpu.memref_slice %arg10[%select_n3A, %mul3A_149] : memref<8x64xf32, #tpu.memory_space<hbm>> -> memref<1x16xf32, #tpu.memory_space<hbm>>
      %dma_start3A_151 = tpu.memref_squeeze %dma_start3A_150 : memref<1x16xf32, #tpu.memory_space<hbm>> -> memref<16xf32, #tpu.memory_space<hbm>>
      %dma_start3A_152 = tpu.memref_slice %arg10[%select_n3A, %mul3A_149] : memref<8x64xf32, #tpu.memory_space<hbm>> -> memref<1x16xf32, #tpu.memory_space<hbm>>
      %dma_start3A_153 = tpu.memref_squeeze %dma_start3A_152 : memref<1x16xf32, #tpu.memory_space<hbm>> -> memref<16xf32, #tpu.memory_space<hbm>>
      tpu.enqueue_dma source(%arg23 : memref<16xf32, #tpu.memory_space<vmem>>) target(%dma_start3A_153 : memref<16xf32, #tpu.memory_space<hbm>>) target_semaphore(%run_scoped3A : memref<!tpu.dma_semaphore, #tpu.memory_space<semaphore_mem>>)
      %dma_wait3A = tpu.memref_slice %arg10[%select_n3A, %mul3A_149] : memref<8x64xf32, #tpu.memory_space<hbm>> -> memref<1x16xf32, #tpu.memory_space<hbm>>
      %dma_wait3A_154 = tpu.memref_squeeze %dma_wait3A : memref<1x16xf32, #tpu.memory_space<hbm>> -> memref<16xf32, #tpu.memory_space<hbm>>
      %dma_wait3A_155 = tpu.memref_slice %arg10[%select_n3A, %mul3A_149] : memref<8x64xf32, #tpu.memory_space<hbm>> -> memref<1x16xf32, #tpu.memory_space<hbm>>
      %dma_wait3A_156 = tpu.memref_squeeze %dma_wait3A_155 : memref<1x16xf32, #tpu.memory_space<hbm>> -> memref<16xf32, #tpu.memory_space<hbm>>
      tpu.wait_dma2 semaphore(%run_scoped3A : memref<!tpu.dma_semaphore, #tpu.memory_space<semaphore_mem>>) src(%arg23 : memref<16xf32, #tpu.memory_space<vmem>>) dst(%dma_wait3A_156 : memref<16xf32, #tpu.memory_space<hbm>>)
      tpu.yield
    }) : () -> ()
    return
  }
}

</mosaic_0001>

<sc_bundles>
// kernel: kernel.4.cloned.1.call-start
scs
__scs_entry_jumppad:
0x0: {  	(pc) =	sbr.rel $0x88, $3  }
0x1: {  	(tag) =	ssettag $0x0;
	lr =	simm.s32 $0x1  }
0x2: {  	[smem:$0x3F9A] =	sst lr;
	_ =	strace $0xD0000000  }
0x3: {  	_ = 	snop  }
0x4: {  	_ = 	snop  }
0x5: {  	_ = 	snop  }
0x6: {  	_ = 	snop  }
0x7: {  	_ = 	snop  }
__scs_overlays_trampoline_lowered:
0x8: {  	[smem:$0x3FA9] =	sst s0  }
0x9: {  	[smem:$0x3FAA] =	sst s1  }
0xa: {  	[smem:$0x3FAB] =	sst s2  }
0xb: {  	[smem:$0x3FAC] =	sst s3  }
0xc: {  	[smem:$0x3FAD] =	sst s4  }
0xd: {  	[smem:$0x3FAE] =	sst s5  }
0xe: {  	[smem:$0x3FAF] =	sst s6  }
0xf: {  	[smem:$0x3FB0] =	sst s7  }
0x10: {  	[smem:$0x3FB1] =	sst s8  }
0x11: {  	[smem:$0x3FB2] =	sst s9;
	s0 =	simm.s32 @!p0 $0x0  }
0x12: {  	s1 =	sld [smem:$0x3F98];
	s0 =	simm.s32 @p0 $0x1  }
0x13: {  	[smem:$0x3FB3] =	sst s0;
	s0 =	simm.s32 @!p1 $0x0  }
0x14: {  	s2 =	sld [smem:$0x3F97];
	s0 =	simm.s32 @p1 $0x1  }
0x15: {  	[smem:$0x3FB4] =	sst s0;
	s0 =	simm.s32 @!p2 $0x0  }
0x16: {  	s3 =	sld [smem:$0x3FDB];
	s0 =	simm.s32 @p2 $0x1  }
0x17: {  	s4 =	simm.s32 $0x1BF5;
	[smem:$0x3FB6] =	sst s0  }
0x18: {  	s0 =	sld [smem:$0x3F99];
	_ =	swait.ge [sflag:s4], $0x0  }
0x19: {  	s7 =	sld [smem:$0x3F9A]  }
0x1a: {  	s8 =	sadd.s32 $0xFFFFE003, lr  }
0x1b: {  	s9 =	sadd.s32 $0xFFFFFEF7, lr;
	s5 =	simm.s32 $0xFFFFFFFF;
	p2 =	slt.u32 s8, $0xFFFFF086  }
0x1c: {  	p1 =	slt.u32 s9, $0xF7A;
	s5 =	simm.s32 @!p2 $0x0  }
0x1d: {  	s5 =	simm.s32 @p1 $0x1;
	p0 =	seq.s32 s7, s2  }
0x1e: {  	s7 =	smul.u32 @!p0 $0xF7A, s2;
	p2 =	seq.s32 @!p0 s5, $0x0  }
0x1f: {  	s9 =	smul.u32 $0xF7A, s1;
	s8 =	simm.s32 @!p0 $0x1BF5;
	p2 =	por !p2, p0  }
0x20: {  	[sflag:s8] =	ssyncset.s32 @!p0 $0xFFFFF086;
	s6 =	sadd.s32 @!p0 s3, s7;
	s7 =	simm.s32 @!p0 $0x108  }
0x21: {  	s3 =	sadd.s32 s3, s9;
	s6 =	sadd.s32 @!p0 $0x88, s6;
	s7 =	simm.s32 @p2 $0x1082  }
0x22: {  	[simem:s7], [sflag:s8] =	dma.local @!p0 [hbm:s6], $0xF7A  }
0x23: {  	s9 =	sor.u32 $0xD0000000, s2;
	s6 =	simm.s32 $0x108;
	_ =	swait.ge @!p0 [sflag:s8], $0x0  }
0x24: {  	s3 =	sadd.s32 $0x88, s3;
	s6 =	simm.s32 @!p1 $0x1082;
	[sflag:s4] =	ssyncset.s32 $0xFFFFF086  }
0x25: {  	[simem:s6], [sflag:s4] =	dma.local [hbm:s3], $0xF7A  }
0x26: {  	[smem:$0x3F9A] =	sst s1;
	(tag) =	ssettag s2;
	_ =	strace s9  }
0x27: {  	s1 =	sld [smem:$0x3FAA]  }
0x28: {  	s2 =	sld [smem:$0x3FAB]  }
0x29: {  	s4 =	sld [smem:$0x3FAD]  }
0x2a: {  	p0 =	seq.s32 s5, $0x0;
	s5 =	sld [smem:$0x3FAE]  }
0x2b: {  	s6 =	sld [smem:$0x3FAF]  }
0x2c: {  	s7 =	sld [smem:$0x3FB0]  }
0x2d: {  	s3 =	simm.s32 $0x108;
	s8 =	sld [smem:$0x3FB1]  }
0x2e: {  	s3 =	simm.s32 @!p0 $0x1082;
	s9 =	sld [smem:$0x3FB2]  }
0x2f: {  	lr =	sadd.s32 s0, s3;
	s0 =	sld [smem:$0x3FA9]  }
0x30: {  	s3 =	sld [smem:$0x3FAC]  }
0x31: {  	[smem:$0x3FB5] =	sst s10  }
0x32: {  	s10 =	sld [smem:$0x3FB3];
	_ =	sdelay $0x3  }
0x33: {  	p0 =	seq.s32 s10, $0x1;
	s10 =	sld [smem:$0x3FB5];
	_ =	sdelay $0x3  }
0x34: {  	[smem:$0x3FB5] =	sst s10  }
0x35: {  	s10 =	sld [smem:$0x3FB4];
	_ =	sdelay $0x3  }
0x36: {  	p1 =	seq.s32 s10, $0x1;
	s10 =	sld [smem:$0x3FB5];
	_ =	sdelay $0x3  }
0x37: {  	[smem:$0x3FB5] =	sst s10  }
0x38: {  	s10 =	sld [smem:$0x3FB6]  }
0x39: {  	_ = 	snop;
	(pc) =	sbr.ind lr, $3  }
0x3a: {  	_ = 	snop  }
0x3b: {  	_ = 	snop  }
0x3c: {  	p2 =	seq.s32 s10, $0x1;
	s10 =	sld [smem:$0x3FB5]  }
0x3d: {  	_ =	shalt  }
0x3e: {  	_ =	shalt  }
0x3f: {  	_ =	shalt  }
0x40: {  	_ =	shalt  }
0x41: {  	_ =	shalt  }
0x42: {  	_ =	shalt  }
0x43: {  	_ =	shalt  }
0x44: {  	_ =	shalt  }
0x45: {  	_ =	shalt  }
0x46: {  	_ =	shalt  }
0x47: {  	_ =	shalt  }
0x48: {  	_ =	shalt  }
0x49: {  	_ =	shalt  }
0x4a: {  	_ =	shalt  }
0x4b: {  	_ =	shalt  }
0x4c: {  	_ =	shalt  }
0x4d: {  	_ =	shalt  }
0x4e: {  	_ =	shalt  }
0x4f: {  	_ =	shalt  }
0x50: {  	_ =	shalt  }
0x51: {  	_ =	shalt  }
0x52: {  	_ =	shalt  }
0x53: {  	_ =	shalt  }
0x54: {  	_ =	shalt  }
0x55: {  	_ =	shalt  }
0x56: {  	_ =	shalt  }
0x57: {  	_ =	shalt  }
0x58: {  	_ =	shalt  }
0x59: {  	_ =	shalt  }
0x5a: {  	_ =	shalt  }
0x5b: {  	_ =	shalt  }
0x5c: {  	_ =	shalt  }
0x5d: {  	_ =	shalt  }
0x5e: {  	_ =	shalt  }
0x5f: {  	_ =	shalt  }
0x60: {  	_ =	shalt  }
0x61: {  	_ =	shalt  }
0x62: {  	_ =	shalt  }
0x63: {  	_ =	shalt  }
0x64: {  	_ =	shalt  }
0x65: {  	_ =	shalt  }
0x66: {  	_ =	shalt  }
0x67: {  	_ =	shalt  }
0x68: {  	_ =	shalt  }
0x69: {  	_ =	shalt  }
0x6a: {  	_ =	shalt  }
0x6b: {  	_ =	shalt  }
0x6c: {  	_ =	shalt  }
0x6d: {  	_ =	shalt  }
0x6e: {  	_ =	shalt  }
0x6f: {  	_ =	shalt  }
0x70: {  	_ =	shalt  }
0x71: {  	_ =	shalt  }
0x72: {  	_ =	shalt  }
0x73: {  	_ =	shalt  }
0x74: {  	_ =	shalt  }
0x75: {  	_ =	shalt  }
0x76: {  	_ =	shalt  }
0x77: {  	_ =	shalt  }
0x78: {  	_ =	shalt  }
0x79: {  	_ =	shalt  }
0x7a: {  	_ =	shalt  }
0x7b: {  	_ =	shalt  }
0x7c: {  	_ =	shalt  }
0x7d: {  	_ =	shalt  }
0x7e: {  	_ =	shalt  }
0x7f: {  	_ =	shalt  }
0x80: {  	_ =	shalt  }
0x81: {  	_ =	shalt  }
0x82: {  	_ =	shalt  }
0x83: {  	_ =	shalt  }
0x84: {  	_ =	shalt  }
0x85: {  	_ =	shalt  }
0x86: {  	_ =	shalt  }
0x87: {  	_ =	shalt  }
.Lfunc_end0:
.L_simem_size_0:
called_computation_lowered:
.L_overlay_start_0:
0x88: {  	s2 =	sld [smem:$0x3FD9]  }
0x89: {  	s3 =	sld [smem:$0x3FFE];
	_ =	sdelay $0x1  }
0x8a: {  	s1 =	srdreg.scid  }
0x8b: {  	s0 =	sand.u32 $0x1, s1  }
0x8c: {  	s17 =	sshll.u32 s0, $0xA;
	s2 =	sadd.s32 s3, s2  }
0x8d: {  	s2 =	sadd.s32 s2, s17  }
0x8e: {  	[smem:$0x3FC1] =	sst s2  }
0x8f: {  	_ = 	snop  }
0x90: {  	s2 =	sld [smem:$0x3FC4]  }
0x91: {  	s18 =	sld [smem:$0x3FD0];
	(tm) =	ssettm $0x1  }
0x92: {  	s4 =	sld [smem:$0x3FFB];
	_ =	sdelay $0x3  }
0x93: {  	_ =	strace s4  }
0x94: {  	s4 =	sld [smem:$0x3FFC];
	_ =	sdelay $0x3  }
0x95: {  	_ =	strace s4  }
0x96: {  	s4 =	sld [smem:$0x3FFD];
	_ =	sdelay $0x3  }
0x97: {  	_ =	strace s4  }
0x98: {  	_ =	strace $0x8FFFFFFF  }
0x99: {  	s19 =	sld [smem:$0x3FDB];
	_ =	sdelay $0x1  }
0x9a: {  	s5 =	simm.s32 $_scs_section_size  }
0x9b: {  	s6 =	simm.s32 $_size__tile_overlayer_lowered;
	s7 =	simm.s32 $_tile_overlayer_lowered  }
0x9c: {  	s22 =	simm.s32 $0x1BFF;
	s21 =	sshll.u32 s7, $0x1;
	s4 =	sadd.s32 s5, s19  }
0x9d: {  	s8 =	simm.s32 $0x0;
	s20 =	sshll.u32 s6, $0x1;
	s6 =	sadd.s32 s21, s4  }
0x9e: {  	[timem:s8], [sflag:s22] =	dma.local [hbm:s6], s20  }
0x9f: {  	_ =	swait.ge [sflag:s22], s20  }
0xa0: {  	s5 =	ssub.s32 $0x0, s20;
	[sflag:s22] =	ssyncset.done $0x0  }
0xa1: {  	[sflag:s22] =	ssyncadd.s32 s5;
	_ =	sdelay $0x1  }
0xa2: {  	s23 =	simm.s32 $0x1B8B  }
0xa3: {  	_ =	swait.ge [sflag:s23], $0x1  }
0xa4: {  	[sflag:s23] =	ssyncset.done $0x0  }
0xa5: {  	s25 =	simm.s32 $0x1B8E;
	s24 =	sld [smem:$0x3FFE];
	[sflag:s23] =	ssyncadd.s32 $0xFFFFFFFF  }
0xa6: {  	s26 =	simm.s32 $execute0_lowered;
	[smem:$0x3FD2] =	sst s25  }
0xa7: {  	s6 =	sshll.u32 s26, $0x1;
	_ =	strace $0x80000046;
	[dreg:$0x1] =	wrdreg $0xFFFFFFFF  }
0xa8: {  	s28 =	simm.s32 $_size_execute0_lowered;
	s4 =	sadd.s32 s4, s6;
	[dreg:$0x0] =	wrdreg $0x0  }
0xa9: {  	s6 =	sshll.u32 s28, $0x1;
	[dreg:$0x2] =	wrdreg s4  }
0xaa: {  	[dreg:$0x3] =	wrdreg s6  }
0xab: {  	[dreg:$0x4] =	wrdreg $0xC0  }
0xac: {  	_ =	task [dreg:s8], $0x5FFFF  }
0xad: {  	[dreg:$0x1] =	wrdreg $0xFFFFFFFF  }
0xae: {  	[dreg:$0x0] =	wrdreg $0x60  }
0xaf: {  	[dreg:$0x2] =	wrdreg s24  }
0xb0: {  	[dreg:$0x3] =	wrdreg s2  }
0xb1: {  	[dreg:$0x4] =	wrdreg s18  }
0xb2: {  	[dreg:$0x5] =	wrdreg $0x9  }
0xb3: {  	_ =	task.clear_ibuf [dreg:s8], $0x6FFFF;
	_ =	strace $0x90000046  }
0xb4: {  	s29 =	simm.s32 $0x9;
	_ =	strace $0x80000048  }
0xb5: {  	_ =	swait.ge [sflag:s29], $0x1  }
0xb6: {  	[sflag:s29] =	ssyncadd.s32 $0xFFFFFFFF  }
0xb7: {  	_ =	strace $0x90000048  }
0xb8: {  	_ =	sfence  }
0xb9: {  	s30 =	sld [smem:$0x0];
	_ =	sdelay $0x2  }
0xba: {  	s31 =	sshll.u32 s1, $0xD;
	s1 =	sshrl.u32 s1, $0x2  }
0xbb: {  	s3 =	sand.u32 $0x4000, s31;
	s1 =	sadd.s32 s1, s30  }
0xbc: {  	s0 =	sor.u32 s3, s0;
	s1 =	sshll.u32 s1, $0x11  }
0xbd: {  	s0 =	sor.u32 s1, s0  }
0xbe: {  	s0 =	sadd.s32 $0x8F2B, s0  }
0xbf: {  	[sflag:s0] =	ssyncadd.remote.s32 $0x1  }
0xc0: {  	_ =	sfence.sel $0xFFFF  }
0xc1: {  	[dreg:$0x0] =	wrdreg $0xFFFFFFFF;
	(pc) =	sbr.abs _section_cstart, $3  }
0xc2: {  	[dreg:$0x1] =	wrdreg $0xFFFFFFFF  }
0xc3: {  	_ =	task.clear_ibuf [dreg:s8], $0x2FFFF;
	_ =	strace $0x9FFFFFFF  }
0xc4: {  	(tm) =	ssettm $0x7FFFFFFF  }
0xc5: {  	_ =	shalt  }
tec
execute0_lowered:
.L_overlay_start_1:
0x0: {  	(tag) =	ssettag $0x1  }
0x1: {  	s7 =	rddreg [dreg:$0x0]  }
0x2: {  	s0 =	srdreg.scid;
	s10 =	rddreg [dreg:$0x1];
	s4 =	simm.s32 $0x1  }
0x3: {  	s2 =	rddreg [dreg:$0x2];
	s3 =	simm.s32 $0x0;
	s17 =	simm.s32 $0x600  }
0x4: {  	s18 =	simm.s32 $0xA00;
	s19 =	simm.s32 $0x2A00;
	s20 =	simm.s32 $0x2A80  }
0x5: {  	s21 =	simm.s32 $0x800;
	s22 =	simm.s32 $0x2B00;
	s5 =	sand.u32 $0x1, s0  }
0x6: {  	s23 =	simm.s32 $0x0;
	s0 =	stileid.u32;
	s1 =	sshll.u32 s5, $0x4  }
0x7: {  	[smem:$0x7FF] =	sst s3;
	s6 =	sand.u32 $0x3, s0;
	s1 =	sor.u32 s0, s1  }
0x8: {  	s29 =	ssub.s32 $0x2, s5;
	p1 =	sne.s32 s6, $0x0;
	p0 =	seq.s32 s1, $0x0  }
0x9: {  	s5 =	sadd.s32 $0x9800, s7;
	s12 =	sshll.u32 s6, $0x10;
	p0 =	por !p1, !p0  }
0xa: {  	s28 =	sshll.u32 s6, $0xA;
	s31 =	sshrl.u32 s29, $0x1;
	p0 =	por !p0, !p0  }
0xb: {  	s6 =	sshll.u32 s6, $0x7;
	s8 =	sshrl.u32 s1, $0x2;
	s4 =	simm.s32 @!p0 $0x0  }
0xc: {  	s1 =	rddreg [dreg:$0x3];
	_ =	strace $0x80000047;
	s4 =	ssub.s32 s8, s4  }
0xd: {  	s16 =	ssub.s32 s29, s31;
	s8 =	sshrl.u32 s4, $0x3;
	s4 =	sshll.u32 s4, $0x7  }
0xe: {  	s9 =	sshll.u32 s8, $0xC;
	s11 =	sand.u32 $0x380, s4;
	s8 =	sshll.u32 s8, $0x12  }
0xf: {  	s4 =	simm.s32 $0x1;
	s9 =	sor.u32 s11, s9;
	s8 =	sor.u32 s12, s8  }
0x10: {  	s13 =	sshrl.u32 s9, $0x3;
	s8 =	sor.u32 s11, s8;
	s9 =	sor.u32 s28, s9  }
0x11: {  	s26 =	sadd.s32 s13, s7;
	s8 =	sshrl.u32 s8, $0x3;
	s30 =	sshrl.u32 s9, $0x3  }
0x12: {  	s10 =	sadd.s32 s10, s13;
	s13 =	smax.u32 s16, $0x1;
	s16 =	simm.s32 $0x200  }
0x13: {  	s14 =	sadd.s32 s8, s7;
	s15 =	sadd.s32 s30, s7;
	s7 =	sadd.s32 $0x1600, s26  }
0x14: {  	v0 =	vlaneseq.u32;
	s8 =	sadd.s32 $0x1400, s26;
	s9 =	sadd.s32 $0x1200, s26;
	s11 =	sadd.s32 $0x1800, s14  }
0x15: {  	v1 =	vmul.u32 $0x40, v0;
	v2 =	vmov s6;
	s12 =	sadd.s32 $0x9C00, s15;
	s14 =	simm.s32 $0x80;
	s15 =	simm.s32 $0x400  }
.LBB2_1:
0x16: {  	[tilespmem:s3], [sflag:$0x1] =	stream.strided.gather [hbm4b:s7+s14], $0x200, s15, s14, $0x38;
	[tilespmem:$0x2B80] =	vst v63  }
0x17: {  	_ =	swait.ge [sflag:s4], $0x200  }
0x18: {  	[sflag:s4] =	ssyncset.done $0x0  }
0x19: {  	[sflag:s4] =	ssyncadd.s32 $0xFFFFFE00  }
0x1a: {  	[tilespmem:s16], [sflag:$0x1] =	stream.strided.gather [hbm4b:s8+s14], $0x200, s15, s14, $0x38;
	[tilespmem:$0x2B80] =	vst v63  }
0x1b: {  	_ =	swait.ge [sflag:s4], $0x200  }
0x1c: {  	[sflag:s4] =	ssyncset.done $0x0  }
0x1d: {  	[sflag:s4] =	ssyncadd.s32 $0xFFFFFE00  }
0x1e: {  	[tilespmem:s15], [sflag:$0x1] =	stream.strided.gather [hbm4b:s9+s14], $0x200, s15, s14, $0x38;
	[tilespmem:$0x2B80] =	vst v63  }
0x1f: {  	_ =	swait.ge [sflag:s4], $0x200  }
0x20: {  	[sflag:s4] =	ssyncset.done $0x0  }
0x21: {  	[sflag:s4] =	ssyncadd.s32 $0xFFFFFE00  }
0x22: {  	[tilespmem:s17], [sflag:$0x1] =	stream.strided.gather [hbm4b:s10+s14], $0x200, s15, s14, $0x38;
	[tilespmem:$0x2B80] =	vst v63  }
0x23: {  	_ =	swait.ge [sflag:s4], $0x200  }
0x24: {  	[sflag:s4] =	ssyncset.done $0x0  }
0x25: {  	[sflag:s4] =	ssyncadd.s32 $0xFFFFFE00  }
0x26: {  	[tilespmem:s18], [sflag:$0x1] =	stream.strided.gather [hbm4b:s11+s14], $0x2000, s15, s14, $0x38;
	[tilespmem:$0x2B80] =	vst v63  }
0x27: {  	_ =	swait.ge [sflag:s4], $0x2000  }
0x28: {  	[sflag:s4] =	ssyncset.done $0x0  }
0x29: {  	[sflag:s4] =	ssyncadd.s32 $0xFFFFE000  }
0x2a: {  	[tilespmem:s19], [sflag:$0x1] =	stream.linear.gather [hbm4b:s2+s3], $0x80, $0x38;
	[tilespmem:$0x2B80] =	vst v63  }
0x2b: {  	_ =	swait.ge [sflag:s4], $0x80  }
0x2c: {  	[sflag:s4] =	ssyncset.done $0x0  }
0x2d: {  	[sflag:s4] =	ssyncadd.s32 $0xFFFFFF80  }
0x2e: {  	[tilespmem:s20], [sflag:$0x1] =	stream.linear.gather [hbm4b:s5+s3], $0x80, $0x38;
	[tilespmem:$0x2B80] =	vst v63  }
0x2f: {  	_ =	swait.ge [sflag:s4], $0x80  }
0x30: {  	[sflag:s4] =	ssyncset.done $0x0  }
0x31: {  	s24 =	simm.s32 $0x0;
	[sflag:s4] =	ssyncadd.s32 $0xFFFFFF80  }
0x32: {  	v3 =	vld [tilespmem:s24+$0x600];
	_ =	sdelay $0x7  }
0x33: {  	s25 =	simm.s32 $0x10;
	s26 =	simm.s32 $0x80;
	v3 =	vld.idx.msk [tilespmem:v3+s19+$0x0], $0xffff  }
.LBB2_2:
0x34: {  	p0 =	sne.s32 s26, $0x7C0;
	v4 =	vld [tilespmem:s25+$0x600];
	_ =	sdelay $0x3  }
.Ltmp0:
0x35: {  	(pc) =	sbr.rel @p0 .LBB2_2-.Ltmp0, $2  }
0x36: {  	[tilespmem:s24+$0x800] =	vst v3;
	s24 =	smov.u32 s25;
	_ =	sdelay $0x2  }
0x37: {  	s25 =	sshra.s32 s26, $0x2;
	s26 =	sadd.s32 $0x40, s26;
	v3 =	vld.idx.msk [tilespmem:v4+s19+$0x0], $0xffff  }
0x38: {  	v4 =	vld [tilespmem:s25+$0x600];
	_ =	sdelay $0x6  }
0x39: {  	[tilespmem:s24+$0x800] =	vst v3  }
0x3a: {  	v3 =	vld.idx.msk [tilespmem:v4+s19+$0x0], $0xffff;
	_ =	sdelay $0x4  }
0x3b: {  	s24 =	simm.s32 $0x0;
	[tilespmem:s25+$0x800] =	vst v3;
	s25 =	simm.s32 $0x0  }
.LBB2_4:
0x3c: {  	s26 =	sadd.s32 $0x0, s24  }
0x3d: {  	v3 =	vor.u32 s26, v1;
	_ =	sdelay $0x4  }
0x3e: {  	v4 =	vld.idx.msk [tilespmem:v3+s18+$0x0], $0xffff;
	_ =	sdelay $0x4  }
0x3f: {  	s26 =	sshll.u32 s25, $0x4  }
0x40: {  	v10 =	vld.idx.msk [tilespmem:v2+s26+$0x0 ss:$0x1], $0xffff  }
0x41: {  	s28 =	sadd.s32 $0x1, s24;
	v9 =	vld.idx.msk [tilespmem:v2+s26+$0x200 ss:$0x1], $0xffff  }
0x42: {  	v3 =	vor.u32 s28, v1;
	v5 =	vld.idx.msk [tilespmem:v4+s3+$0x0], $0xffff  }
0x43: {  	v6 =	vld.idx.msk [tilespmem:v4+s16+$0x0], $0xffff  }
0x44: {  	v11 =	vld.idx.msk [tilespmem:v2+s26+$0x400 ss:$0x1], $0xffff  }
0x45: {  	v7 =	vld.idx.msk [tilespmem:v4+s15+$0x0], $0xffff;
	_ =	sdelay $0x1  }
0x46: {  	v3 =	vld.idx.msk [tilespmem:v3+s18+$0x0], $0xffff  }
0x47: {  	v5 =	vsub.f32 v10, v5;
	v6 =	vsub.f32 v9, v6;
	_ =	sdelay $0x1  }
0x48: {  	v7 =	vsub.f32 v11, v7;
	v5 =	vmul.f32 v5, v5;
	v6 =	vmul.f32 v6, v6;
	_ =	sdelay $0x1  }
0x49: {  	v7 =	vmul.f32 v7, v7;
	v5 =	vadd.f32 v6, v5;
	_ =	sdelay $0x1  }
0x4a: {  	s28 =	sadd.s32 $0x2, s24;
	v5 =	vadd.f32 v7, v5  }
0x4b: {  	v8 =	vld.idx.msk [tilespmem:v3+s16+$0x0], $0xffff;
	v6 =	vor.u32 s28, v1  }
0x4c: {  	v7 =	vld.idx.msk [tilespmem:v3+s3+$0x0], $0xffff;
	v5 =	vmax.f32 v5, $9.999999960e-13  }
0x4d: {  	v12 =	vld.idx.msk [tilespmem:v3+s15+$0x0], $0xffff;
	v13 =	vshra.s32 v5, $0x1;
	v14 =	vmul.f32 $5.000000000e-01, v5  }
0x4e: {  	v13 =	vsub.s32 $0x5F3759DF, v13  }
0x4f: {  	v15 =	vmul.f32 v13, v14  }
0x50: {  	v5 =	vld.idx.msk [tilespmem:v6+s18+$0x0], $0xffff  }
0x51: {  	v6 =	vsub.f32 v10, v7;
	v7 =	vsub.f32 v9, v8;
	v8 =	vmul.f32 v13, v15  }
0x52: {  	v12 =	vsub.f32 v11, v12  }
0x53: {  	v6 =	vmul.f32 v6, v6;
	v7 =	vmul.f32 v7, v7;
	v8 =	vsub.f32 $1.500000000e+00, v8;
	_ =	sdelay $0x1  }
0x54: {  	v12 =	vmul.f32 v12, v12;
	v6 =	vadd.f32 v7, v6;
	v7 =	vmul.f32 v13, v8;
	_ =	sdelay $0x1  }
0x55: {  	s28 =	sadd.s32 $0x3, s24;
	v6 =	vadd.f32 v12, v6;
	v8 =	vmul.f32 v7, v14  }
0x56: {  	v12 =	vor.u32 s28, v1;
	v13 =	vld.idx.msk [tilespmem:v5+s3+$0x0], $0xffff  }
0x57: {  	v15 =	vld.idx.msk [tilespmem:v5+s16+$0x0], $0xffff;
	v6 =	vmax.f32 v6, $9.999999960e-13;
	v8 =	vmul.f32 v8, v7  }
0x58: {  	v16 =	vld.idx.msk [tilespmem:v5+s15+$0x0], $0xffff;
	v17 =	vshra.s32 v6, $0x1;
	v18 =	vmul.f32 $5.000000000e-01, v6  }
0x59: {  	v17 =	vsub.s32 $0x5F3759DF, v17;
	v8 =	vsub.f32 $1.500000000e+00, v8  }
0x5a: {  	v19 =	vmul.f32 v17, v18  }
0x5b: {  	v6 =	vld.idx.msk [tilespmem:v12+s18+$0x0], $0xffff;
	v8 =	vmul.f32 v8, v7  }
0x5c: {  	v12 =	vsub.f32 v10, v13;
	v13 =	vsub.f32 v9, v15;
	v15 =	vmul.f32 v17, v19  }
0x5d: {  	v16 =	vsub.f32 v11, v16;
	v19 =	vld.idx.msk [tilespmem:v4+s21+$0x0], $0xffff;
	v14 =	vmul.f32 v8, v14  }
0x5e: {  	v12 =	vmul.f32 v12, v12;
	v13 =	vmul.f32 v13, v13;
	v7 =	vld.idx.msk [tilespmem:v2+s26+$0x800 ss:$0x1], $0xffff;
	v15 =	vsub.f32 $1.500000000e+00, v15  }
0x5f: {  	v14 =	vmul.f32 v14, v8  }
0x60: {  	s28 =	sadd.s32 $0x4, s24;
	v16 =	vmul.f32 v16, v16;
	v12 =	vadd.f32 v13, v12;
	v13 =	vmul.f32 v17, v15  }
0x61: {  	v15 =	vor.u32 s28, v1;
	v14 =	vsub.f32 $1.500000000e+00, v14  }
0x62: {  	v12 =	vadd.f32 v16, v12;
	v16 =	vmul.f32 v13, v18  }
0x63: {  	v17 =	vld.idx.msk [tilespmem:v6+s3+$0x0], $0xffff;
	v8 =	vmul.f32 v14, v8;
	v14 =	vadd.f32 v19, v7  }
0x64: {  	v12 =	vmax.f32 v12, $9.999999960e-13;
	v16 =	vmul.f32 v16, v13;
	v19 =	vld.idx.msk [tilespmem:v6+s16+$0x0], $0xffff  }
0x65: {  	v20 =	vld.idx.msk [tilespmem:v6+s15+$0x0], $0xffff;
	v21 =	vshra.s32 v12, $0x1;
	v22 =	vmul.f32 $5.000000000e-01, v12;
	v12 =	vmul.f32 v8, v14  }
0x66: {  	v16 =	vsub.f32 $1.500000000e+00, v16;
	v14 =	vsub.s32 $0x5F3759DF, v21;
	v8 =	vld.idx.msk [tilespmem:v15+s18+$0x0], $0xffff  }
0x67: {  	v15 =	vmul.f32 v14, v22;
	v12 =	vmul.f32 $5.291771890e-01, v12  }
0x68: {  	v17 =	vsub.f32 v10, v17;
	v13 =	vmul.f32 v16, v13  }
0x69: {  	v16 =	vsub.f32 v9, v19;
	v15 =	vmul.f32 v14, v15;
	v12 =	vadd.f32 $-1.000000000e+00, v12  }
0x6a: {  	v17 =	vmul.f32 v17, v17;
	v19 =	vsub.f32 v11, v20;
	v18 =	vmul.f32 v13, v18  }
0x6b: {  	s28 =	sadd.s32 $0x5, s24;
	v20 =	vld.idx.msk [tilespmem:v3+s21+$0x0], $0xffff;
	v16 =	vmul.f32 v16, v16;
	v15 =	vsub.f32 $1.500000000e+00, v15;
	v12 =	vmul.f32 $-1.600000000e+01, v12  }
0x6c: {  	v21 =	vor.u32 s28, v1;
	v19 =	vmul.f32 v19, v19;
	v18 =	vmul.f32 v18, v13  }
0x6d: {  	v16 =	vadd.f32 v16, v17;
	v15 =	vmul.f32 v14, v15;
	v12 =	vmul.f32 $1.442695020e+00, v12  }
0x6e: {  	v14 =	vsub.f32 $1.500000000e+00, v18;
	v18 =	vld.idx.msk [tilespmem:v8+s15+$0x0], $0xffff  }
0x6f: {  	v16 =	vadd.f32 v19, v16;
	v17 =	vmul.f32 v15, v22;
	v19 =	vld.idx.msk [tilespmem:v8+s3+$0x0], $0xffff;
	(erf) = vpow2.f32 v12  }
0x70: {  	v13 =	vmul.f32 v14, v13;
	v14 =	vadd.f32 v20, v7;
	v20 =	vld.idx.msk [tilespmem:v8+s16+$0x0], $0xffff  }
0x71: {  	v16 =	vmax.f32 v16, $9.999999960e-13;
	v17 =	vmul.f32 v17, v15  }
0x72: {  	v12 =	vld.idx.msk [tilespmem:v21+s18+$0x0], $0xffff;
	v14 =	vmul.f32 v13, v14;
	v21 =	vshra.s32 v16, $0x1;
	v16 =	vmul.f32 $5.000000000e-01, v16  }
0x73: {  	v21 =	vsub.s32 $0x5F3759DF, v21;
	v17 =	vsub.f32 $1.500000000e+00, v17  }
0x74: {  	v24 =	vmul.f32 $5.291771890e-01, v14;
	v23 =	vmul.f32 v21, v16;
	v19 =	vsub.f32 v10, v19  }
0x75: {  	v18 =	vsub.f32 v11, v18;
	v17 =	vmul.f32 v17, v15;
	v15 =	vsub.f32 v9, v20  }
0x76: {  	s28 =	sadd.s32 s6, s26;
	v20 =	vmul.f32 v21, v23;
	v23 =	vadd.f32 $-1.000000000e+00, v24;
	v24 =	vmul.f32 v19, v19  }
0x77: {  	v13 =	vor.u32 s28, v0;
	v19 =	vmul.f32 v17, v22;
	v15 =	vmul.f32 v15, v15  }
0x78: {  	v26 =	vmul.f32 v18, v18;
	v22 =	vsub.f32 $1.500000000e+00, v20;
	v23 =	vmul.f32 $-1.600000000e+01, v23;
	v20 =	vld.idx.msk [tilespmem:v5+s21+$0x0], $0xffff;
	v25 =	vpop (erf)  }
0x79: {  	s29 =	sadd.s32 $0x6, s24;
	v27 =	vmul.f32 v19, v17;
	v24 =	vadd.f32 v15, v24;
	v25 =	vadd.f32 $1.000000000e+00, v25  }
0x7a: {  	v19 =	vld.idx.msk [tilespmem:v12+s15+$0x0], $0xffff;
	v15 =	vor.u32 s29, v1;
	v18 =	vmul.f32 v21, v22;
	v28 =	vmul.f32 $1.442695020e+00, v23  }
0x7b: {  	v14 =	vimm.f32 $0.0e+00;
	v21 =	vld.idx.msk [tilespmem:v12+s3+$0x0], $0xffff;
	v23 =	vsub.f32 $1.500000000e+00, v27;
	(erf) = vrcp.f32 v25  }
0x7c: {  	s29 =	simm.s32 $0x7;
	v22 =	vld.idx.msk [tilespmem:v12+s16+$0x0], $0xffff;
	v24 =	vadd.f32 v26, v24;
	v25 =	vmul.f32 v18, v16;
	(erf) = vpow2.f32 v28  }
.LBB2_5:
0x7d: {  	s30 =	sadd.s32 s29, s24;
	p0 =	sne.s32 s29, $0x3F;
	v17 =	vmul.f32 v23, v17;
	v20 =	vadd.f32 v20, v7  }
0x7e: {  	v23 =	vor.u32 s30, v1;
	v24 =	vmax.f32 v24, $9.999999960e-13;
	v25 =	vmul.f32 v25, v18  }
0x7f: {  	v26 =	vld.idx.msk [tilespmem:v15+s18+$0x0], $0xffff;
	v27 =	vshra.s32 v24, $0x1;
	v28 =	vmul.f32 $5.000000000e-01, v24;
	v17 =	vmul.f32 v17, v20;
	v15 =	vmovc v23  }
0x80: {  	v19 =	vsub.f32 v11, v19;
	v23 =	vsub.s32 $0x5F3759DF, v27;
	v20 =	vsub.f32 $1.500000000e+00, v25  }
0x81: {  	v21 =	vsub.f32 v10, v21;
	v24 =	vmul.f32 v23, v28;
	v25 =	vmul.f32 $5.291771890e-01, v17  }
0x82: {  	v22 =	vsub.f32 v9, v22;
	v27 =	vmul.f32 v19, v19;
	v17 =	vmul.f32 v20, v18  }
0x83: {  	v18 =	vmul.f32 v21, v21;
	v29 =	vmul.f32 v23, v24;
	v21 =	vadd.f32 $-1.000000000e+00, v25  }
0x84: {  	vm0 =	veq.s32 v4, v13;
	v22 =	vmul.f32 v22, v22;
	v20 =	vld.idx.msk [tilespmem:v6+s21+$0x0], $0xffff;
	v16 =	vmul.f32 v17, v16;
	v4 =	vpop (erf)  }
.Ltmp1:
0x85: {  	v24 =	vsub.f32 $1.500000000e+00, v29;
	v21 =	vmul.f32 $-1.600000000e+01, v21;
	v19 =	vpop (erf);
	v29 =	vsel vm0, $0x0, v4;
	(pc) =	sbr.rel @p0 .LBB2_5-.Ltmp1, $4  }
0x86: {  	v4 =	vmovc v3;
	v3 =	vmovc v5;
	v31 =	vmul.f32 v16, v17;
	v25 =	vadd.f32 $1.000000000e+00, v19;
	v14 =	vadd.f32 v29, v14  }
0x87: {  	v5 =	vmovc v6;
	v29 =	vadd.f32 v22, v18;
	v19 =	vld.idx.msk [tilespmem:v26+s15+$0x0], $0xffff;
	v18 =	vmul.f32 v23, v24;
	v30 =	vmul.f32 $1.442695020e+00, v21  }
0x88: {  	v6 =	vmovc v8;
	v8 =	vmovc v12;
	v12 =	vmov v26;
	v21 =	vld.idx.msk [tilespmem:v26+s3+$0x0], $0xffff;
	v23 =	vsub.f32 $1.500000000e+00, v31;
	(erf) = vrcp.f32 v25  }
0x89: {  	s29 =	sadd.s32 $0x1, s29;
	v24 =	vadd.f32 v27, v29;
	v16 =	vmovc v28;
	v22 =	vld.idx.msk [tilespmem:v26+s16+$0x0], $0xffff;
	v25 =	vmul.f32 v18, v28;
	(erf) = vpow2.f32 v30  }
0x8a: {  	_ = 	snop  }
0x8b: {  	v17 =	vmul.f32 v23, v17;
	v20 =	vadd.f32 v20, v7;
	v49 =	vmax.f32 v24, $9.999999960e-13  }
0x8c: {  	v50 =	vmul.f32 v25, v18;
	v51 =	vshra.s32 v49, $0x1;
	v23 =	vmul.f32 $5.000000000e-01, v49  }
0x8d: {  	v17 =	vmul.f32 v17, v20;
	v52 =	vsub.s32 $0x5F3759DF, v51  }
0x8e: {  	v24 =	vsub.f32 $1.500000000e+00, v50;
	v25 =	vmul.f32 v52, v23  }
0x8f: {  	v17 =	vmul.f32 $5.291771890e-01, v17  }
0x90: {  	v15 =	vld.idx.msk [tilespmem:v15+s18+$0x0], $0xffff;
	v21 =	vsub.f32 v10, v21;
	v53 =	vmul.f32 v24, v18  }
0x91: {  	v22 =	vsub.f32 v9, v22;
	v54 =	vmul.f32 v52, v25;
	v17 =	vadd.f32 $-1.000000000e+00, v17  }
0x92: {  	v19 =	vsub.f32 v11, v19;
	v21 =	vmul.f32 v21, v21;
	v16 =	vmul.f32 v53, v16;
	v25 =	vpop (erf)  }
0x93: {  	v26 =	vld.idx.msk [tilespmem:v6+s21+$0x0], $0xffff;
	v22 =	vmul.f32 v22, v22;
	v24 =	vsub.f32 $1.500000000e+00, v54;
	v17 =	vmul.f32 $-1.600000000e+01, v17;
	v27 =	vpop (erf)  }
0x94: {  	v19 =	vmul.f32 v19, v19;
	v16 =	vmul.f32 v16, v53;
	v27 =	vadd.f32 $1.000000000e+00, v27  }
0x95: {  	v21 =	vadd.f32 v22, v21;
	v20 =	vmul.f32 v52, v24;
	v17 =	vmul.f32 $1.442695020e+00, v17  }
0x96: {  	v16 =	vsub.f32 $1.500000000e+00, v16;
	(erf) = vrcp.f32 v27  }
0x97: {  	v19 =	vadd.f32 v19, v21;
	v55 =	vmul.f32 v20, v23;
	(erf) = vpow2.f32 v17  }
0x98: {  	v57 =	vadd.f32 v26, v7;
	v56 =	vld.idx.msk [tilespmem:v15+s3+$0x0], $0xffff;
	v16 =	vmul.f32 v16, v53  }
0x99: {  	v58 =	vld.idx.msk [tilespmem:v15+s16+$0x0], $0xffff;
	v19 =	vmax.f32 v19, $9.999999960e-13;
	v21 =	vmul.f32 v55, v20  }
0x9a: {  	v59 =	vld.idx.msk [tilespmem:v15+s15+$0x0], $0xffff;
	v60 =	vshra.s32 v19, $0x1;
	v19 =	vmul.f32 $5.000000000e-01, v19;
	v16 =	vmul.f32 v16, v57  }
0x9b: {  	v61 =	vsub.s32 $0x5F3759DF, v60;
	v21 =	vsub.f32 $1.500000000e+00, v21  }
0x9c: {  	v26 =	vmul.f32 v61, v19;
	v16 =	vmul.f32 $5.291771890e-01, v16  }
0x9d: {  	v62 =	vsub.f32 v10, v56;
	v63 =	vmul.f32 v21, v20  }
0x9e: {  	v28 =	vsub.f32 v9, v58;
	v29 =	vmul.f32 v61, v26;
	v16 =	vadd.f32 $-1.000000000e+00, v16  }
0x9f: {  	v30 =	vsub.f32 v11, v59;
	v10 =	vmul.f32 v62, v62;
	v21 =	vmul.f32 v63, v23;
	v31 =	vpop (erf)  }
0xa0: {  	v32 =	vld.idx.msk [tilespmem:v8+s21+$0x0], $0xffff;
	v9 =	vmul.f32 v28, v28;
	v20 =	vsub.f32 $1.500000000e+00, v29;
	v16 =	vmul.f32 $-1.600000000e+01, v16;
	v33 =	vpop (erf)  }
0xa1: {  	v11 =	vmul.f32 v30, v30;
	v21 =	vmul.f32 v21, v63;
	v24 =	vadd.f32 $1.000000000e+00, v33  }
0xa2: {  	v9 =	vadd.f32 v9, v10;
	v34 =	vmul.f32 v61, v20;
	v16 =	vmul.f32 $1.442695020e+00, v16  }
0xa3: {  	v35 =	vsub.f32 $1.500000000e+00, v21;
	(erf) = vrcp.f32 v24  }
0xa4: {  	v9 =	vadd.f32 v11, v9;
	v36 =	vmul.f32 v34, v19;
	(erf) = vpow2.f32 v16  }
0xa5: {  	v38 =	vadd.f32 v32, v7;
	v37 =	vmul.f32 v35, v63  }
0xa6: {  	v9 =	vmax.f32 v9, $9.999999960e-13;
	v11 =	vmul.f32 v36, v34  }
0xa7: {  	v39 =	vshra.s32 v9, $0x1;
	v9 =	vmul.f32 $5.000000000e-01, v9;
	v16 =	vmul.f32 v37, v38  }
0xa8: {  	v40 =	vsub.s32 $0x5F3759DF, v39;
	v11 =	vsub.f32 $1.500000000e+00, v11  }
0xa9: {  	v18 =	vmul.f32 v40, v9;
	v16 =	vmul.f32 $5.291771890e-01, v16  }
0xaa: {  	v10 =	vmul.f32 v11, v34  }
0xab: {  	v41 =	vmul.f32 v40, v18;
	v16 =	vadd.f32 $-1.000000000e+00, v16  }
0xac: {  	v42 =	vmul.f32 v10, v19;
	v43 =	vpop (erf)  }
0xad: {  	v44 =	vld.idx.msk [tilespmem:v12+s21+$0x0], $0xffff;
	v11 =	vsub.f32 $1.500000000e+00, v41;
	v16 =	vmul.f32 $-1.600000000e+01, v16;
	v45 =	vpop (erf)  }
0xae: {  	v18 =	vmul.f32 v42, v10;
	v21 =	vadd.f32 $1.000000000e+00, v45  }
0xaf: {  	v11 =	vmul.f32 v40, v11;
	v16 =	vmul.f32 $1.442695020e+00, v16  }
0xb0: {  	v46 =	vsub.f32 $1.500000000e+00, v18;
	(erf) = vrcp.f32 v21  }
0xb1: {  	v47 =	vmul.f32 v11, v9;
	(erf) = vpow2.f32 v16  }
0xb2: {  	v48 =	vadd.f32 v44, v7;
	v10 =	vmul.f32 v46, v10  }
0xb3: {  	v49 =	vmul.f32 v47, v11  }
0xb4: {  	v10 =	vmul.f32 v10, v48  }
0xb5: {  	v50 =	vsub.f32 $1.500000000e+00, v49  }
0xb6: {  	v10 =	vmul.f32 $5.291771890e-01, v10  }
0xb7: {  	v11 =	vmul.f32 v50, v11  }
0xb8: {  	v10 =	vadd.f32 $-1.000000000e+00, v10  }
0xb9: {  	v9 =	vmul.f32 v11, v9;
	v51 =	vpop (erf)  }
0xba: {  	v52 =	vld.idx.msk [tilespmem:v15+s21+$0x0], $0xffff;
	v10 =	vmul.f32 $-1.600000000e+01, v10;
	v53 =	vpop (erf)  }
0xbb: {  	v9 =	vmul.f32 v9, v11;
	v18 =	vadd.f32 $1.000000000e+00, v53  }
0xbc: {  	v10 =	vmul.f32 $1.442695020e+00, v10  }
0xbd: {  	v9 =	vsub.f32 $1.500000000e+00, v9;
	(erf) = vrcp.f32 v18  }
0xbe: {  	(erf) = vpow2.f32 v10  }
0xbf: {  	v54 =	vadd.f32 v52, v7;
	v9 =	vmul.f32 v9, v11;
	_ =	sdelay $0x1  }
0xc0: {  	v7 =	vmul.f32 v9, v54;
	_ =	sdelay $0x1  }
0xc1: {  	v7 =	vmul.f32 $5.291771890e-01, v7;
	_ =	sdelay $0x1  }
0xc2: {  	v7 =	vadd.f32 $-1.000000000e+00, v7  }
0xc3: {  	v55 =	vpop (erf)  }
0xc4: {  	v7 =	vmul.f32 $-1.600000000e+01, v7;
	v10 =	vpop (erf)  }
0xc5: {  	v10 =	vadd.f32 $1.000000000e+00, v10  }
0xc6: {  	v7 =	vmul.f32 $1.442695020e+00, v7  }
0xc7: {  	(erf) = vrcp.f32 v10  }
0xc8: {  	(erf) = vpow2.f32 v7;
	_ =	sdelay $0x7  }
0xc9: {  	v56 =	vpop (erf)  }
0xca: {  	vm0 =	veq.s32 v4, v13;
	v57 =	vpop (erf)  }
0xcb: {  	v58 =	vsel vm0, $0x0, v25;
	v4 =	vadd.f32 $1.000000000e+00, v57  }
0xcc: {  	vm10 =	veq.s32 v3, v13;
	v10 =	vadd.f32 v58, v14  }
0xcd: {  	v59 =	vld [tilespmem:s28+$0x600];
	v3 =	vsel vm10, $0x0, v31;
	(erf) = vrcp.f32 v4  }
0xce: {  	vm11 =	veq.s32 v5, v13;
	v3 =	vadd.f32 v3, v10  }
0xcf: {  	v5 =	vsel vm11, $0x0, v43  }
0xd0: {  	vm12 =	veq.s32 v6, v13;
	v3 =	vadd.f32 v5, v3  }
0xd1: {  	v60 =	vsel vm12, $0x0, v51  }
0xd2: {  	vm13 =	veq.s32 v8, v13;
	v3 =	vadd.f32 v60, v3  }
0xd3: {  	v61 =	vsel vm13, $0x0, v55  }
0xd4: {  	vm14 =	veq.s32 v12, v13;
	v3 =	vadd.f32 v61, v3  }
0xd5: {  	s25 =	sadd.s32 $0x1, s25;
	v62 =	vsel vm14, $0x0, v56;
	v4 =	vld.idx.msk [tilespmem:v59+s20+$0x0], $0xffff  }
0xd6: {  	p0 =	sne.s32 s25, $0x8;
	vm15 =	veq.s32 v15, v13;
	v3 =	vadd.f32 v62, v3;
	v63 =	vpop (erf)  }
.Ltmp2:
0xd7: {  	v5 =	vsel vm15, $0x0, v63;
	(pc) =	sbr.rel @p0 .LBB2_4-.Ltmp2, $3  }
0xd8: {  	v3 =	vadd.f32 v5, v3;
	_ =	sdelay $0x1  }
0xd9: {  	v3 =	vmin.f32 v3, v4  }
0xda: {  	s24 =	sadd.s32 $0x400, s24;
	[tilespmem:s26+$0x2B00] =	vst v3  }
0xdb: {  	s23 =	sadd.s32 $0x1, s23  }
0xdc: {  	p0 =	sne.s32 s23, s13  }
.Ltmp3:
0xdd: {  	_ = 	snop;
	(pc) =	sbr.rel @p0 .LBB2_1-.Ltmp3, $4  }
0xde: {  	[hbm4b:s12+s3] =	stream.linear.scatter [tilespmem:s22], [sflag:$0x1], $0x80, $0x38;
	[tilespmem:$0x2B80] =	vst v63  }
0xdf: {  	_ =	swait.ge [sflag:s4], $0x80  }
0xe0: {  	[sflag:s4] =	ssyncset.done $0x0  }
0xe1: {  	[sflag:s4] =	ssyncadd.s32 $0xFFFFFF80  }
0xe2: {  	_ =	sfence.sel $0x180000  }
0xe3: {  	[bflag:$0x0] =	sbarrier.arrive $0xFFFF  }
0xe4: {  	p0 =	sne.s32 s0, $0x0;
	_ =	strace $0x90000047  }
0xe5: {  	s0 =	sadd.s32 @!p0 $0x100000, s1;
	[bflag:$0x2] =	sbarrier.arrive $0xFFFF  }
0xe6: {  	[sflag:s0] =	ssyncadd.tile.s32 @!p0 $0x1;
	_ =	shalt  }
.Lfunc_end2:
_tile_overlayer_lowered:
.L_overlay_start_2:
0xe7: {  	(tag) =	ssettag $0x2  }
0xe8: {  	s0 =	rddreg [dreg:$0x0];
	s2 =	stileid.u32  }
0xe9: {  	s1 =	rddreg [dreg:$0x1];
	p0 =	sne.s32 s2, $0x0  }
0xea: {  	s3 =	rddreg [dreg:$0x2];
	[bflag:$0x3] =	sbarrier.arrive $0xFFFF;
	s2 =	simm.s32 @!p0 $0x1C01  }
0xeb: {  	[timem:s3], [sflag:s2] =	dma.local @!p0 [hbm:s0], s1  }
0xec: {  	s0 =	simm.s32 @!p0 $0x1  }
0xed: {  	_ =	swait.ge @!p0 [sflag:s0], s1  }
0xee: {  	s1 =	ssub.s32 @!p0 $0x0, s1;
	[sflag:s0] =	ssyncset.done @!p0 $0x0  }
0xef: {  	[sflag:s0] =	ssyncadd.s32 @!p0 s1  }
0xf0: {  	[bflag:$0x3] =	sbarrier.arrive $0xFFFF  }
0xf1: {  	_ =	shalt  }

// kernel: kernel.7.cloned.1.call-start
scs
__scs_entry_jumppad:
0x0: {  	(pc) =	sbr.rel $0x88, $3  }
0x1: {  	(tag) =	ssettag $0x0;
	lr =	simm.s32 $0x1  }
0x2: {  	[smem:$0x3F9A] =	sst lr;
	_ =	strace $0xD0000000  }
0x3: {  	_ = 	snop  }
0x4: {  	_ = 	snop  }
0x5: {  	_ = 	snop  }
0x6: {  	_ = 	snop  }
0x7: {  	_ = 	snop  }
__scs_overlays_trampoline_lowered:
0x8: {  	[smem:$0x3FA9] =	sst s0  }
0x9: {  	[smem:$0x3FAA] =	sst s1  }
0xa: {  	[smem:$0x3FAB] =	sst s2  }
0xb: {  	[smem:$0x3FAC] =	sst s3  }
0xc: {  	[smem:$0x3FAD] =	sst s4  }
0xd: {  	[smem:$0x3FAE] =	sst s5  }
0xe: {  	[smem:$0x3FAF] =	sst s6  }
0xf: {  	[smem:$0x3FB0] =	sst s7  }
0x10: {  	[smem:$0x3FB1] =	sst s8  }
0x11: {  	[smem:$0x3FB2] =	sst s9;
	s0 =	simm.s32 @!p0 $0x0  }
0x12: {  	s1 =	sld [smem:$0x3F98];
	s0 =	simm.s32 @p0 $0x1  }
0x13: {  	[smem:$0x3FB3] =	sst s0;
	s0 =	simm.s32 @!p1 $0x0  }
0x14: {  	s2 =	sld [smem:$0x3F97];
	s0 =	simm.s32 @p1 $0x1  }
0x15: {  	[smem:$0x3FB4] =	sst s0;
	s0 =	simm.s32 @!p2 $0x0  }
0x16: {  	s3 =	sld [smem:$0x3FDB];
	s0 =	simm.s32 @p2 $0x1  }
0x17: {  	s4 =	simm.s32 $0x1BF5;
	[smem:$0x3FB6] =	sst s0  }
0x18: {  	s0 =	sld [smem:$0x3F99];
	_ =	swait.ge [sflag:s4], $0x0  }
0x19: {  	s7 =	sld [smem:$0x3F9A]  }
0x1a: {  	s8 =	sadd.s32 $0xFFFFE003, lr  }
0x1b: {  	s9 =	sadd.s32 $0xFFFFFEF7, lr;
	s5 =	simm.s32 $0xFFFFFFFF;
	p2 =	slt.u32 s8, $0xFFFFF086  }
0x1c: {  	p1 =	slt.u32 s9, $0xF7A;
	s5 =	simm.s32 @!p2 $0x0  }
0x1d: {  	s5 =	simm.s32 @p1 $0x1;
	p0 =	seq.s32 s7, s2  }
0x1e: {  	s7 =	smul.u32 @!p0 $0xF7A, s2;
	p2 =	seq.s32 @!p0 s5, $0x0  }
0x1f: {  	s9 =	smul.u32 $0xF7A, s1;
	s8 =	simm.s32 @!p0 $0x1BF5;
	p2 =	por !p2, p0  }
0x20: {  	[sflag:s8] =	ssyncset.s32 @!p0 $0xFFFFF086;
	s6 =	sadd.s32 @!p0 s3, s7;
	s7 =	simm.s32 @!p0 $0x108  }
0x21: {  	s3 =	sadd.s32 s3, s9;
	s6 =	sadd.s32 @!p0 $0x88, s6;
	s7 =	simm.s32 @p2 $0x1082  }
0x22: {  	[simem:s7], [sflag:s8] =	dma.local @!p0 [hbm:s6], $0xF7A  }
0x23: {  	s9 =	sor.u32 $0xD0000000, s2;
	s6 =	simm.s32 $0x108;
	_ =	swait.ge @!p0 [sflag:s8], $0x0  }
0x24: {  	s3 =	sadd.s32 $0x88, s3;
	s6 =	simm.s32 @!p1 $0x1082;
	[sflag:s4] =	ssyncset.s32 $0xFFFFF086  }
0x25: {  	[simem:s6], [sflag:s4] =	dma.local [hbm:s3], $0xF7A  }
0x26: {  	[smem:$0x3F9A] =	sst s1;
	(tag) =	ssettag s2;
	_ =	strace s9  }
0x27: {  	s1 =	sld [smem:$0x3FAA]  }
0x28: {  	s2 =	sld [smem:$0x3FAB]  }
0x29: {  	s4 =	sld [smem:$0x3FAD]  }
0x2a: {  	p0 =	seq.s32 s5, $0x0;
	s5 =	sld [smem:$0x3FAE]  }
0x2b: {  	s6 =	sld [smem:$0x3FAF]  }
0x2c: {  	s7 =	sld [smem:$0x3FB0]  }
0x2d: {  	s3 =	simm.s32 $0x108;
	s8 =	sld [smem:$0x3FB1]  }
0x2e: {  	s3 =	simm.s32 @!p0 $0x1082;
	s9 =	sld [smem:$0x3FB2]  }
0x2f: {  	lr =	sadd.s32 s0, s3;
	s0 =	sld [smem:$0x3FA9]  }
0x30: {  	s3 =	sld [smem:$0x3FAC]  }
0x31: {  	[smem:$0x3FB5] =	sst s10  }
0x32: {  	s10 =	sld [smem:$0x3FB3];
	_ =	sdelay $0x3  }
0x33: {  	p0 =	seq.s32 s10, $0x1;
	s10 =	sld [smem:$0x3FB5];
	_ =	sdelay $0x3  }
0x34: {  	[smem:$0x3FB5] =	sst s10  }
0x35: {  	s10 =	sld [smem:$0x3FB4];
	_ =	sdelay $0x3  }
0x36: {  	p1 =	seq.s32 s10, $0x1;
	s10 =	sld [smem:$0x3FB5];
	_ =	sdelay $0x3  }
0x37: {  	[smem:$0x3FB5] =	sst s10  }
0x38: {  	s10 =	sld [smem:$0x3FB6]  }
0x39: {  	_ = 	snop;
	(pc) =	sbr.ind lr, $3  }
0x3a: {  	_ = 	snop  }
0x3b: {  	_ = 	snop  }
0x3c: {  	p2 =	seq.s32 s10, $0x1;
	s10 =	sld [smem:$0x3FB5]  }
0x3d: {  	_ =	shalt  }
0x3e: {  	_ =	shalt  }
0x3f: {  	_ =	shalt  }
0x40: {  	_ =	shalt  }
0x41: {  	_ =	shalt  }
0x42: {  	_ =	shalt  }
0x43: {  	_ =	shalt  }
0x44: {  	_ =	shalt  }
0x45: {  	_ =	shalt  }
0x46: {  	_ =	shalt  }
0x47: {  	_ =	shalt  }
0x48: {  	_ =	shalt  }
0x49: {  	_ =	shalt  }
0x4a: {  	_ =	shalt  }
0x4b: {  	_ =	shalt  }
0x4c: {  	_ =	shalt  }
0x4d: {  	_ =	shalt  }
0x4e: {  	_ =	shalt  }
0x4f: {  	_ =	shalt  }
0x50: {  	_ =	shalt  }
0x51: {  	_ =	shalt  }
0x52: {  	_ =	shalt  }
0x53: {  	_ =	shalt  }
0x54: {  	_ =	shalt  }
0x55: {  	_ =	shalt  }
0x56: {  	_ =	shalt  }
0x57: {  	_ =	shalt  }
0x58: {  	_ =	shalt  }
0x59: {  	_ =	shalt  }
0x5a: {  	_ =	shalt  }
0x5b: {  	_ =	shalt  }
0x5c: {  	_ =	shalt  }
0x5d: {  	_ =	shalt  }
0x5e: {  	_ =	shalt  }
0x5f: {  	_ =	shalt  }
0x60: {  	_ =	shalt  }
0x61: {  	_ =	shalt  }
0x62: {  	_ =	shalt  }
0x63: {  	_ =	shalt  }
0x64: {  	_ =	shalt  }
0x65: {  	_ =	shalt  }
0x66: {  	_ =	shalt  }
0x67: {  	_ =	shalt  }
0x68: {  	_ =	shalt  }
0x69: {  	_ =	shalt  }
0x6a: {  	_ =	shalt  }
0x6b: {  	_ =	shalt  }
0x6c: {  	_ =	shalt  }
0x6d: {  	_ =	shalt  }
0x6e: {  	_ =	shalt  }
0x6f: {  	_ =	shalt  }
0x70: {  	_ =	shalt  }
0x71: {  	_ =	shalt  }
0x72: {  	_ =	shalt  }
0x73: {  	_ =	shalt  }
0x74: {  	_ =	shalt  }
0x75: {  	_ =	shalt  }
0x76: {  	_ =	shalt  }
0x77: {  	_ =	shalt  }
0x78: {  	_ =	shalt  }
0x79: {  	_ =	shalt  }
0x7a: {  	_ =	shalt  }
0x7b: {  	_ =	shalt  }
0x7c: {  	_ =	shalt  }
0x7d: {  	_ =	shalt  }
0x7e: {  	_ =	shalt  }
0x7f: {  	_ =	shalt  }
0x80: {  	_ =	shalt  }
0x81: {  	_ =	shalt  }
0x82: {  	_ =	shalt  }
0x83: {  	_ =	shalt  }
0x84: {  	_ =	shalt  }
0x85: {  	_ =	shalt  }
0x86: {  	_ =	shalt  }
0x87: {  	_ =	shalt  }
.Lfunc_end0:
.L_simem_size_0:
called_computation.1_lowered:
.L_overlay_start_0:
0x88: {  	s2 =	sld [smem:$0x3FD9]  }
0x89: {  	s3 =	sld [smem:$0x3FFE];
	_ =	sdelay $0x1  }
0x8a: {  	s1 =	srdreg.scid  }
0x8b: {  	s0 =	sand.u32 $0x1, s1  }
0x8c: {  	s17 =	sshll.u32 s0, $0xA;
	s2 =	sadd.s32 s3, s2  }
0x8d: {  	s2 =	sadd.s32 s2, s17  }
0x8e: {  	[smem:$0x3FC1] =	sst s2  }
0x8f: {  	_ = 	snop  }
0x90: {  	s2 =	sld [smem:$0x3FC4];
	(tm) =	ssettm $0x1  }
0x91: {  	s18 =	sld [smem:$0x3FFB];
	_ =	sdelay $0x3  }
0x92: {  	_ =	strace s18  }
0x93: {  	s3 =	sld [smem:$0x3FFC];
	_ =	sdelay $0x3  }
0x94: {  	_ =	strace s3  }
0x95: {  	s3 =	sld [smem:$0x3FFD];
	_ =	sdelay $0x3  }
0x96: {  	_ =	strace s3  }
0x97: {  	_ =	strace $0x8FFFFFFF  }
0x98: {  	s19 =	sld [smem:$0x3FDB];
	_ =	sdelay $0x1  }
0x99: {  	s4 =	simm.s32 $_scs_section_size  }
0x9a: {  	s5 =	simm.s32 $_size__tile_overlayer_lowered;
	s6 =	simm.s32 $_tile_overlayer_lowered  }
0x9b: {  	s22 =	simm.s32 $0x1BFF;
	s21 =	sshll.u32 s6, $0x1;
	s3 =	sadd.s32 s4, s19  }
0x9c: {  	s7 =	simm.s32 $0x0;
	s20 =	sshll.u32 s5, $0x1;
	s5 =	sadd.s32 s21, s3  }
0x9d: {  	[timem:s7], [sflag:s22] =	dma.local [hbm:s5], s20  }
0x9e: {  	_ =	swait.ge [sflag:s22], s20  }
0x9f: {  	s4 =	ssub.s32 $0x0, s20;
	[sflag:s22] =	ssyncset.done $0x0  }
0xa0: {  	[sflag:s22] =	ssyncadd.s32 s4;
	_ =	sdelay $0x1  }
0xa1: {  	s23 =	simm.s32 $0x1B8B  }
0xa2: {  	_ =	swait.ge [sflag:s23], $0x1  }
0xa3: {  	[sflag:s23] =	ssyncset.done $0x0  }
0xa4: {  	s25 =	simm.s32 $0x1B8E;
	s24 =	sld [smem:$0x3FFE];
	[sflag:s23] =	ssyncadd.s32 $0xFFFFFFFF  }
0xa5: {  	s26 =	simm.s32 $execute0_lowered;
	[smem:$0x3FD2] =	sst s25  }
0xa6: {  	s5 =	sshll.u32 s26, $0x1;
	_ =	strace $0x80000049;
	[dreg:$0x1] =	wrdreg $0xFFFFFFFF  }
0xa7: {  	s28 =	simm.s32 $_size_execute0_lowered;
	s3 =	sadd.s32 s3, s5;
	[dreg:$0x0] =	wrdreg $0x0  }
0xa8: {  	s5 =	sshll.u32 s28, $0x1;
	[dreg:$0x2] =	wrdreg s3  }
0xa9: {  	[dreg:$0x3] =	wrdreg s5  }
0xaa: {  	[dreg:$0x4] =	wrdreg $0xC0  }
0xab: {  	_ =	task [dreg:s7], $0x5FFFF  }
0xac: {  	[dreg:$0x1] =	wrdreg $0xFFFFFFFF  }
0xad: {  	[dreg:$0x0] =	wrdreg $0x60  }
0xae: {  	[dreg:$0x2] =	wrdreg s24  }
0xaf: {  	[dreg:$0x3] =	wrdreg s2  }
0xb0: {  	[dreg:$0x4] =	wrdreg $0x9  }
0xb1: {  	_ =	task.clear_ibuf [dreg:s7], $0x5FFFF;
	_ =	strace $0x90000049  }
0xb2: {  	s29 =	simm.s32 $0x9;
	_ =	strace $0x8000004B  }
0xb3: {  	_ =	swait.ge [sflag:s29], $0x1  }
0xb4: {  	[sflag:s29] =	ssyncadd.s32 $0xFFFFFFFF  }
0xb5: {  	_ =	strace $0x9000004B  }
0xb6: {  	_ =	sfence  }
0xb7: {  	s30 =	sld [smem:$0x0];
	_ =	sdelay $0x2  }
0xb8: {  	s31 =	sshll.u32 s1, $0xD;
	s1 =	sshrl.u32 s1, $0x2  }
0xb9: {  	s3 =	sand.u32 $0x4000, s31;
	s1 =	sadd.s32 s1, s30  }
0xba: {  	s0 =	sor.u32 s3, s0;
	s1 =	sshll.u32 s1, $0x11  }
0xbb: {  	s0 =	sor.u32 s1, s0  }
0xbc: {  	s0 =	sadd.s32 $0x8F2B, s0  }
0xbd: {  	[sflag:s0] =	ssyncadd.remote.s32 $0x1  }
0xbe: {  	_ =	sfence.sel $0xFFFF  }
0xbf: {  	[dreg:$0x0] =	wrdreg $0xFFFFFFFF;
	(pc) =	sbr.abs _section_cstart, $3  }
0xc0: {  	[dreg:$0x1] =	wrdreg $0xFFFFFFFF  }
0xc1: {  	_ =	task.clear_ibuf [dreg:s7], $0x2FFFF;
	_ =	strace $0x9FFFFFFF  }
0xc2: {  	(tm) =	ssettm $0x7FFFFFFF  }
0xc3: {  	_ =	shalt  }
tec
execute0_lowered:
.L_overlay_start_1:
0x0: {  	(tag) =	ssettag $0x1  }
0x1: {  	s0 =	srdreg.scid  }
0x2: {  	s0 =	sand.u32 $0x1, s0  }
0x3: {  	s2 =	stileid.u32;
	s1 =	sshll.u32 s0, $0x4  }
0x4: {  	s4 =	sand.u32 $0x3, s2;
	s1 =	sor.u32 s2, s1  }
0x5: {  	s6 =	rddreg [dreg:$0x0];
	p1 =	sne.s32 s4, $0x0;
	p0 =	seq.s32 s1, $0x0  }
0x6: {  	s7 =	rddreg [dreg:$0x1];
	s15 =	simm.s32 $0x80;
	p0 =	por !p1, !p0  }
0x7: {  	s16 =	simm.s32 $0x400;
	s2 =	simm.s32 $0x1;
	p0 =	por !p0, !p0  }
0x8: {  	s17 =	simm.s32 $0x3;
	s1 =	sshrl.u32 s1, $0x2;
	s2 =	simm.s32 @!p0 $0x0  }
0x9: {  	s18 =	simm.s32 $0x200;
	s24 =	sadd.s32 $0x9A00, s6;
	s1 =	ssub.s32 s1, s2  }
0xa: {  	s8 =	sshll.u32 s4, $0x10;
	s5 =	sshrl.u32 s1, $0x3;
	s1 =	sshll.u32 s1, $0x7  }
0xb: {  	s23 =	sshll.u32 s4, $0x4;
	s3 =	sshll.u32 s5, $0x12;
	s1 =	sand.u32 $0x380, s1  }
0xc: {  	s9 =	sshll.u32 s5, $0xC;
	s5 =	sshll.u32 s5, $0xA;
	s3 =	sor.u32 s8, s3  }
0xd: {  	s9 =	sor.u32 s1, s9;
	s5 =	sor.u32 s23, s5;
	s8 =	sor.u32 s1, s3  }
0xe: {  	s10 =	sshrl.u32 s9, $0x3;
	s1 =	sor.u32 s1, s5;
	s5 =	sadd.s32 $0x9E00, s6  }
0xf: {  	s8 =	sshrl.u32 s8, $0x3;
	s11 =	sadd.s32 s10, s6;
	s1 =	sshrl.u32 s1, $0x3  }
0x10: {  	s12 =	sadd.s32 s8, s6;
	s1 =	sadd.s32 s1, s6;
	s6 =	sshll.u32 s4, $0x7  }
0x11: {  	v1 =	vimm.s32 $0x0;
	vm0 =	vcmask $0x300;
	s19 =	simm.s32 $0x600;
	s20 =	simm.s32 $0x800;
	s22 =	simm.s32 $0x2C00;
	v0 =	vmov s6  }
0x12: {  	s28 =	simm.s32 $0xA00;
	s29 =	simm.s32 $0x2;
	v1 =	vsel vm0, $0x7, v1;
	s0 =	ssub.s32 $0x2, s0;
	v0 =	vshrl.u32 v0, $0x7  }
0x13: {  	s31 =	simm.s32 $0x0;
	s25 =	sshrl.u32 s0, $0x1;
	s2 =	simm.s32 $0x0;
	v2 =	vshll.u32 v0, v1  }
0x14: {  	s0 =	ssub.s32 s0, s25;
	s25 =	simm.s32 $0x2D00;
	[smem:$0x7FF] =	sst s2;
	v0 =	vlaneseq.u32;
	v3 =	vadd.s32 $0x1, v2;
	v2 =	vbroadcast v2, $0x0  }
0x15: {  	s14 =	smax.u32 s0, $0x1;
	_ =	strace $0x8000004A;
	[dreg:$0x3] =	wrdreg s24;
	v1 =	vmul.u32 $0x80, v0  }
0x16: {  	s24 =	simm.s32 $0x2D80;
	s3 =	simm.s32 $0x1;
	s10 =	sadd.s32 s7, s10;
	v4 =	vadd.s32 $0xFFFFFFE7, v0;
	[tilespmem:$0x1FFE0] =	vst v2;
	v2 =	vbroadcast v3, $0x0  }
0x17: {  	s26 =	sadd.s32 $0x1600, s11;
	s30 =	sadd.s32 $0x1400, s11;
	s9 =	sadd.s32 $0x1200, s11;
	v5 =	vor.u32 $0x19, v1;
	v6 =	vor.u32 $0x32, v1;
	v7 =	vor.u32 $0x800, v1  }
0x18: {  	s11 =	sadd.s32 $0x9C00, s11;
	[dreg:$0x4] =	wrdreg s26;
	s12 =	sadd.s32 $0x1800, s12;
	v8 =	vor.u32 $0x819, v1;
	v9 =	vor.u32 $0x832, v1;
	v10 =	vor.u32 $0x1000, v1  }
0x19: {  	[dreg:$0x5] =	wrdreg s30;
	s13 =	sadd.s32 $0x2D400, s1;
	s26 =	simm.s32 $0x6D80;
	v11 =	vor.u32 $0x1019, v1;
	v12 =	vor.u32 $0x1032, v1;
	v13 =	vor.u32 $0x1800, v1;
	[tilespmem:$0x1FFF0] =	vst v2  }
.LBB2_1:
0x1a: {  	s0 =	rddreg [dreg:$0x4]  }
0x1b: {  	[tilespmem:s2], [sflag:$0x3] =	stream.strided.gather [hbm4b:s0+s15], $0x200, s16, s15, $0x38;
	[tilespmem:$0xAE00] =	vst v63  }
0x1c: {  	_ =	swait.ge [sflag:s17], $0x200  }
0x1d: {  	[sflag:s17] =	ssyncset.done $0x0  }
0x1e: {  	s21 =	rddreg [dreg:$0x5];
	[sflag:s17] =	ssyncadd.s32 $0xFFFFFE00  }
0x1f: {  	[tilespmem:s18], [sflag:$0x3] =	stream.strided.gather [hbm4b:s21+s15], $0x200, s16, s15, $0x38;
	[tilespmem:$0xAE00] =	vst v63  }
0x20: {  	_ =	swait.ge [sflag:s17], $0x200  }
0x21: {  	[sflag:s17] =	ssyncset.done $0x0  }
0x22: {  	[sflag:s17] =	ssyncadd.s32 $0xFFFFFE00  }
0x23: {  	[tilespmem:s16], [sflag:$0x3] =	stream.strided.gather [hbm4b:s9+s15], $0x200, s16, s15, $0x38;
	[tilespmem:$0xAE00] =	vst v63  }
0x24: {  	_ =	swait.ge [sflag:s17], $0x200  }
0x25: {  	[sflag:s17] =	ssyncset.done $0x0  }
0x26: {  	[sflag:s17] =	ssyncadd.s32 $0xFFFFFE00  }
0x27: {  	[tilespmem:s19], [sflag:$0x3] =	stream.strided.gather [hbm4b:s10+s15], $0x200, s16, s15, $0x38;
	[tilespmem:$0xAE00] =	vst v63  }
0x28: {  	_ =	swait.ge [sflag:s17], $0x200  }
0x29: {  	[sflag:s17] =	ssyncset.done $0x0  }
0x2a: {  	[sflag:s17] =	ssyncadd.s32 $0xFFFFFE00  }
0x2b: {  	[tilespmem:s20], [sflag:$0x3] =	stream.strided.gather [hbm4b:s11+s15], $0x200, s16, s15, $0x38;
	[tilespmem:$0xAE00] =	vst v63  }
0x2c: {  	_ =	swait.ge [sflag:s17], $0x200  }
0x2d: {  	[sflag:s17] =	ssyncset.done $0x0  }
0x2e: {  	s23 =	simm.s32 $0xC00;
	[sflag:s17] =	ssyncadd.s32 $0xFFFFFE00  }
0x2f: {  	[tilespmem:s23], [sflag:$0x3] =	stream.strided.gather [hbm4b:s12+s15], $0x2000, s16, s15, $0x38;
	[tilespmem:$0xAE00] =	vst v63  }
0x30: {  	_ =	swait.ge [sflag:s17], $0x2000  }
0x31: {  	[sflag:s17] =	ssyncset.done $0x0  }
0x32: {  	s30 =	rddreg [dreg:$0x3];
	[sflag:s17] =	ssyncadd.s32 $0xFFFFE000  }
0x33: {  	[tilespmem:s22], [sflag:$0x3] =	stream.linear.gather [hbm4b:s30+s2], $0x80, $0x38;
	[tilespmem:$0xAE00] =	vst v63  }
0x34: {  	_ =	swait.ge [sflag:s17], $0x80  }
0x35: {  	[sflag:s17] =	ssyncset.done $0x0  }
0x36: {  	s0 =	simm.s32 $0x0;
	[sflag:s17] =	ssyncadd.s32 $0xFFFFFF80  }
0x37: {  	v2 =	vld [tilespmem:s0+$0x600];
	_ =	sdelay $0x7  }
0x38: {  	s1 =	simm.s32 $0x10;
	s4 =	simm.s32 $0x80;
	v2 =	vld.idx.msk [tilespmem:v2+s22+$0x0], $0xffff  }
.LBB2_2:
0x39: {  	p0 =	sne.s32 s4, $0x7C0;
	v3 =	vld [tilespmem:s1+$0x600];
	_ =	sdelay $0x3  }
.Ltmp0:
0x3a: {  	(pc) =	sbr.rel @p0 .LBB2_2-.Ltmp0, $2  }
0x3b: {  	[tilespmem:s0+$0xA00] =	vst v2;
	s0 =	smov.u32 s1;
	_ =	sdelay $0x2  }
0x3c: {  	s1 =	sshra.s32 s4, $0x2;
	s4 =	sadd.s32 $0x40, s4;
	v2 =	vld.idx.msk [tilespmem:v3+s22+$0x0], $0xffff  }
0x3d: {  	v3 =	vld [tilespmem:s1+$0x600];
	_ =	sdelay $0x6  }
0x3e: {  	[tilespmem:s0+$0xA00] =	vst v2  }
0x3f: {  	v2 =	vld.idx.msk [tilespmem:v3+s22+$0x0], $0xffff;
	_ =	sdelay $0x3  }
0x40: {  	v3 =	vld [tilespmem:$0x1FFE0]  }
0x41: {  	[tilespmem:s1+$0xA00] =	vst v2  }
0x42: {  	v2 =	vld [tilespmem:$0xC00];
	_ =	sdelay $0x5  }
0x43: {  	v3 =	vld.idx.msk [tilespmem:v3+s19+$0x0], $0xffff  }
0x44: {  	v14 =	vld [tilespmem:$0xC10]  }
0x45: {  	v2 =	vld.idx.msk [tilespmem:v2+s19+$0x0], $0xffff;
	_ =	sdelay $0x2  }
0x46: {  	v3 =	vmul.u32 $0x5F, v3;
	_ =	sdelay $0x1  }
0x47: {  	v2 =	vadd.s32 v2, v3  }
0x48: {  	[tilespmem:$0x2C80] =	vst v2;
	v2 =	vld [tilespmem:$0xC20]  }
0x49: {  	v14 =	vld.idx.msk [tilespmem:v14+s19+$0x0], $0xffff;
	_ =	sdelay $0x4  }
0x4a: {  	v14 =	vadd.s32 v3, v14  }
0x4b: {  	[tilespmem:$0x2C90] =	vst v14;
	v14 =	vld [tilespmem:$0xC30]  }
0x4c: {  	v2 =	vld.idx.msk [tilespmem:v2+s19+$0x0], $0xffff;
	_ =	sdelay $0x4  }
0x4d: {  	v2 =	vadd.s32 v3, v2  }
0x4e: {  	[tilespmem:$0x2CA0] =	vst v2  }
0x4f: {  	v2 =	vld.idx.msk [tilespmem:v14+s19+$0x0], $0xffff;
	_ =	sdelay $0x4  }
0x50: {  	v2 =	vadd.s32 v3, v2  }
0x51: {  	[tilespmem:$0x2CB0] =	vst v2;
	v2 =	vld [tilespmem:$0x1FFF0];
	_ =	sdelay $0x1  }
0x52: {  	v14 =	vld [tilespmem:$0xC40];
	_ =	sdelay $0x5  }
0x53: {  	v2 =	vld.idx.msk [tilespmem:v2+s19+$0x0], $0xffff  }
0x54: {  	v3 =	vld [tilespmem:$0xC50]  }
0x55: {  	v14 =	vld.idx.msk [tilespmem:v14+s19+$0x0], $0xffff;
	_ =	sdelay $0x2  }
0x56: {  	v2 =	vmul.u32 $0x5F, v2;
	_ =	sdelay $0x1  }
0x57: {  	v14 =	vadd.s32 v14, v2  }
0x58: {  	[tilespmem:$0x2CC0] =	vst v14;
	v14 =	vld [tilespmem:$0xC60]  }
0x59: {  	v3 =	vld.idx.msk [tilespmem:v3+s19+$0x0], $0xffff;
	_ =	sdelay $0x4  }
0x5a: {  	v3 =	vadd.s32 v2, v3  }
0x5b: {  	[tilespmem:$0x2CD0] =	vst v3;
	v3 =	vld [tilespmem:$0xC70]  }
0x5c: {  	v14 =	vld.idx.msk [tilespmem:v14+s19+$0x0], $0xffff;
	_ =	sdelay $0x4  }
0x5d: {  	v14 =	vadd.s32 v2, v14  }
0x5e: {  	[tilespmem:$0x2CE0] =	vst v14  }
0x5f: {  	v3 =	vld.idx.msk [tilespmem:v3+s19+$0x0], $0xffff;
	_ =	sdelay $0x4  }
0x60: {  	v2 =	vadd.s32 v2, v3  }
0x61: {  	s30 =	simm.s32 $0x2C80;
	s21 =	simm.s32 $0x0;
	s1 =	simm.s32 $0x0;
	[tilespmem:$0x2CF0] =	vst v2  }
0x62: {  	v2 =	vimm.f32 $0.0e+00;
	[tilespmem:s24], [sflag:$0x1] =	stream.indirect.gather [hbm4b:s5+s15], $0x80, s30, s15, $0xb8;
	[tilespmem:$0xAE00] =	vst v63  }
.LBB2_4:
0x63: {  	s4 =	sshllo.u32 s21, $0x1  }
0x64: {  	s0 =	sshll.u32 s4, $0x7  }
0x65: {  	s4 =	sshll.u32 s4, $0x1;
	s0 =	sand.u32 $0x3FFFFF80, s0  }
0x66: {  	[tilespmem:$0x1FF90] =	vst v2;
	s4 =	sadd.s32 s6, s4;
	v2 =	vld [tilespmem:s0+$0xC00]  }
0x67: {  	v3 =	vmov s4;
	_ =	sdelay $0x4  }
0x68: {  	[tilespmem:$0x1FFA0] =	vst v3;
	v3 =	vld.idx.msk [tilespmem:v3+s19+$0x0], $0xffff;
	_ =	sdelay $0x1  }
0x69: {  	v2 =	vld.idx.msk [tilespmem:v2+s19+$0x0], $0xffff;
	_ =	sdelay $0x2  }
0x6a: {  	v3 =	vmul.u32 $0x5F, v3;
	_ =	sdelay $0x1  }
0x6b: {  	v2 =	vadd.s32 v2, v3  }
0x6c: {  	[tilespmem:$0x2D00] =	vst v2  }
0x6d: {  	v2 =	vld [tilespmem:s0+$0xC10];
	_ =	sdelay $0x7  }
0x6e: {  	v2 =	vld.idx.msk [tilespmem:v2+s19+$0x0], $0xffff;
	_ =	sdelay $0x4  }
0x6f: {  	v2 =	vadd.s32 v3, v2  }
0x70: {  	[tilespmem:$0x2D10] =	vst v2  }
0x71: {  	v2 =	vld [tilespmem:s0+$0xC20];
	_ =	sdelay $0x7  }
0x72: {  	v2 =	vld.idx.msk [tilespmem:v2+s19+$0x0], $0xffff;
	_ =	sdelay $0x4  }
0x73: {  	v2 =	vadd.s32 v3, v2  }
0x74: {  	[tilespmem:$0x2D20] =	vst v2  }
0x75: {  	v2 =	vld [tilespmem:s0+$0xC30];
	_ =	sdelay $0x7  }
0x76: {  	v2 =	vld.idx.msk [tilespmem:v2+s19+$0x0], $0xffff;
	_ =	sdelay $0x4  }
0x77: {  	v2 =	vadd.s32 v3, v2  }
0x78: {  	[tilespmem:$0x2D30] =	vst v2  }
0x79: {  	s4 =	sor.u32 $0x1, s4;
	v2 =	vld [tilespmem:s0+$0xC40]  }
0x7a: {  	v3 =	vmov s4;
	_ =	sdelay $0x4  }
0x7b: {  	[tilespmem:$0x1FFB0] =	vst v3;
	v3 =	vld.idx.msk [tilespmem:v3+s19+$0x0], $0xffff;
	_ =	sdelay $0x1  }
0x7c: {  	v2 =	vld.idx.msk [tilespmem:v2+s19+$0x0], $0xffff;
	_ =	sdelay $0x2  }
0x7d: {  	v3 =	vmul.u32 $0x5F, v3;
	_ =	sdelay $0x1  }
0x7e: {  	v2 =	vadd.s32 v2, v3  }
0x7f: {  	[tilespmem:$0x2D40] =	vst v2  }
0x80: {  	v2 =	vld [tilespmem:s0+$0xC50];
	_ =	sdelay $0x7  }
0x81: {  	v2 =	vld.idx.msk [tilespmem:v2+s19+$0x0], $0xffff;
	_ =	sdelay $0x4  }
0x82: {  	v2 =	vadd.s32 v3, v2  }
0x83: {  	[tilespmem:$0x2D50] =	vst v2  }
0x84: {  	v2 =	vld [tilespmem:s0+$0xC60];
	_ =	sdelay $0x7  }
0x85: {  	v2 =	vld.idx.msk [tilespmem:v2+s19+$0x0], $0xffff;
	_ =	sdelay $0x4  }
0x86: {  	v2 =	vadd.s32 v3, v2  }
0x87: {  	[tilespmem:$0x2D60] =	vst v2  }
0x88: {  	v2 =	vld [tilespmem:s0+$0xC70];
	_ =	sdelay $0x7  }
0x89: {  	v2 =	vld.idx.msk [tilespmem:v2+s19+$0x0], $0xffff;
	_ =	sdelay $0x4  }
0x8a: {  	v2 =	vadd.s32 v3, v2  }
0x8b: {  	[tilespmem:$0x2D70] =	vst v2  }
0x8c: {  	[tilespmem:s26], [sflag:$0x2] =	stream.indirect.gather [hbm4b:s5+s15], $0x80, s25, s15, $0xb8;
	[tilespmem:$0xAE00] =	vst v63  }
0x8d: {  	_ =	swait.ge [sflag:s3], $0x4000  }
0x8e: {  	s23 =	sshll.u32 s21, $0x8;
	s7 =	sshll.u32 s21, $0x2;
	v2 =	vadd.s32 s1, v0;
	[sflag:s3] =	ssyncset.done $0x0  }
0x8f: {  	s30 =	sand.u32 $0x3FFFFF00, s23;
	s4 =	sadd.s32 s6, s7;
	v3 =	vadd.s32 s1, v4;
	vm0 =	vgt.u32 v2, $0x18;
	[sflag:s3] =	ssyncadd.s32 $0xFFFFC000  }
0x90: {  	v25 =	vmov s4;
	v16 =	vsel vm0, v3, v2;
	v29 =	vld [tilespmem:s30+$0xC00]  }
0x91: {  	v14 =	vadd.s32 v5, v16  }
0x92: {  	v15 =	vadd.s32 v6, v16;
	_ =	sdelay $0x2  }
0x93: {  	s7 =	simm.s32 $0x1;
	v2 =	vld.idx.msk [tilespmem:v25+s20+$0x0], $0xffff  }
0x94: {  	v17 =	vadd.s32 s7, v0;
	v14 =	vld.idx.msk [tilespmem:v14+s24+$0x0], $0xffff  }
0x95: {  	v18 =	vadd.s32 s7, v4;
	vm11 =	vgt.u32 v17, $0x18;
	v15 =	vld.idx.msk [tilespmem:v15+s24+$0x0], $0xffff  }
0x96: {  	v17 =	vsel vm11, v18, v17;
	v3 =	vld.idx.msk [tilespmem:v29+s20+$0x0], $0xffff  }
0x97: {  	v18 =	vadd.s32 v5, v17  }
0x98: {  	v19 =	vadd.s32 v6, v17;
	_ =	sdelay $0x1  }
0x99: {  	s8 =	simm.s32 $0x2  }
0x9a: {  	v20 =	vadd.s32 s8, v0;
	v22 =	vsub.f32 v2, v14;
	v15 =	vsub.f32 v3, v15  }
0x9b: {  	v21 =	vadd.s32 s8, v4;
	vm12 =	vgt.u32 v20, $0x18;
	v18 =	vld.idx.msk [tilespmem:v18+s24+$0x0], $0xffff  }
0x9c: {  	v19 =	vld.idx.msk [tilespmem:v19+s24+$0x0], $0xffff;
	v14 =	vsel vm12, v21, v20;
	v21 =	vmul.f32 v22, v22;
	v15 =	vmul.f32 v15, v15  }
0x9d: {  	v20 =	vadd.s32 v5, v14  }
0x9e: {  	v22 =	vadd.s32 v6, v14;
	v15 =	vadd.f32 v15, v21;
	_ =	sdelay $0x1  }
0x9f: {  	s23 =	simm.s32 $0x3;
	v16 =	vadd.s32 v1, v16;
	v15 =	vmul.f32 $-4.000000000e+00, v15  }
0xa0: {  	v45 =	vld.idx.msk [tilespmem:v25+s1+$0x0], $0xffff;
	v18 =	vsub.f32 v2, v18;
	v19 =	vsub.f32 v3, v19;
	v21 =	vadd.s32 s23, v0  }
0xa1: {  	v23 =	vadd.s32 s23, v4;
	v20 =	vld.idx.msk [tilespmem:v20+s24+$0x0], $0xffff;
	vm13 =	vgt.u32 v21, $0x18;
	v24 =	vmul.f32 $1.442695020e+00, v15  }
0xa2: {  	v18 =	vmul.f32 v18, v18;
	v22 =	vld.idx.msk [tilespmem:v22+s24+$0x0], $0xffff;
	v19 =	vmul.f32 v19, v19;
	v15 =	vsel vm13, v23, v21  }
0xa3: {  	v47 =	vld.idx.msk [tilespmem:v25+s18+$0x0], $0xffff;
	v21 =	vadd.s32 v5, v15;
	(erf) = vpow2.f32 v24  }
0xa4: {  	v49 =	vld.idx.msk [tilespmem:v25+s16+$0x0], $0xffff;
	v18 =	vadd.f32 v19, v18;
	v23 =	vadd.s32 v6, v15  }
0xa5: {  	s8 =	simm.s32 $0x4;
	v17 =	vadd.s32 v1, v17;
	v26 =	vld.idx.msk [tilespmem:v16+s24+$0x0], $0xffff  }
0xa6: {  	v38 =	vld.idx.msk [tilespmem:v29+s1+$0x0], $0xffff;
	v19 =	vadd.s32 s8, v0;
	v20 =	vsub.f32 v2, v20;
	v18 =	vmul.f32 $-4.000000000e+00, v18  }
0xa7: {  	v48 =	vld.idx.msk [tilespmem:v29+s18+$0x0], $0xffff;
	vm14 =	vgt.u32 v19, $0x18;
	v22 =	vsub.f32 v3, v22;
	v24 =	vadd.s32 s8, v4  }
0xa8: {  	v18 =	vmul.f32 $1.442695020e+00, v18;
	v16 =	vsel vm14, v24, v19;
	v19 =	vmul.f32 v20, v20;
	v21 =	vld.idx.msk [tilespmem:v21+s24+$0x0], $0xffff  }
0xa9: {  	s23 =	simm.s32 $0x5;
	v20 =	vmul.f32 v22, v22;
	v27 =	vld.idx.msk [tilespmem:v23+s24+$0x0], $0xffff;
	v23 =	vadd.s32 v5, v16  }
0xaa: {  	v39 =	vld.idx.msk [tilespmem:v29+s16+$0x0], $0xffff;
	v28 =	vadd.s32 s23, v0;
	(erf) = vpow2.f32 v18;
	v24 =	vadd.s32 v6, v16  }
0xab: {  	[tilespmem:$0x1FFD0] =	vst v29;
	v56 =	vld.idx.msk [tilespmem:v29+s28+$0x0], $0xffff;
	v29 =	vadd.s32 s23, v4;
	vm15 =	vgt.u32 v28, $0x18;
	v20 =	vadd.f32 v20, v19  }
0xac: {  	v18 =	vld.idx.msk [tilespmem:v17+s24+$0x0], $0xffff;
	v17 =	vsel vm15, v29, v28;
	v19 =	vpop (erf)  }
0xad: {  	[tilespmem:$0x1FFC0] =	vst v25;
	v41 =	vld.idx.msk [tilespmem:v25+s28+$0x0], $0xffff;
	v25 =	vmul.f32 $-4.000000000e+00, v20;
	v20 =	vimm.f32 $0.0e+00;
	v22 =	vmul.f32 v19, v26  }
0xae: {  	s7 =	simm.s32 $0x6;
	s23 =	sshll.u32 s21, $0x1;
	v23 =	vld.idx.msk [tilespmem:v23+s24+$0x0], $0xffff;
	v27 =	vsub.f32 v3, v27;
	v26 =	vsub.f32 v2, v21;
	v21 =	vimm.f32 $0.0e+00  }
.LBB2_5:
0xaf: {  	p0 =	sne.s32 s7, $0x18;
	v28 =	vld.idx.msk [tilespmem:v24+s24+$0x0], $0xffff;
	v29 =	vadd.s32 v1, v14;
	v25 =	vmul.f32 $1.442695020e+00, v25;
	v21 =	vadd.f32 v22, v21;
	v14 =	vmovc v15  }
0xb0: {  	v30 =	vadd.s32 v5, v17;
	v15 =	vmovc v16;
	v22 =	vmul.f32 v26, v26;
	v26 =	vmul.f32 v27, v27  }
.Ltmp1:
0xb1: {  	v24 =	vadd.s32 v6, v17;
	v20 =	vadd.f32 v19, v20;
	v16 =	vmovc v17;
	(erf) = vpow2.f32 v25;
	(pc) =	sbr.rel @p0 .LBB2_5-.Ltmp1, $4  }
0xb2: {  	v17 =	vadd.f32 v26, v22  }
0xb3: {  	v27 =	vadd.s32 s7, v4;
	v26 =	vadd.s32 s7, v0;
	v19 =	vpop (erf)  }
0xb4: {  	vm0 =	vgt.u32 v26, $0x18;
	v25 =	vmul.f32 $-4.000000000e+00, v17;
	v22 =	vmul.f32 v19, v18;
	v18 =	vld.idx.msk [tilespmem:v29+s24+$0x0], $0xffff  }
0xb5: {  	s7 =	sadd.s32 $0x1, s7;
	v17 =	vsel vm0, v27, v26;
	v26 =	vsub.f32 v2, v23;
	v27 =	vsub.f32 v3, v28;
	v23 =	vld.idx.msk [tilespmem:v30+s24+$0x0], $0xffff  }
0xb6: {  	_ =	sdelay $0x2  }
0xb7: {  	v28 =	vadd.s32 v5, v17  }
0xb8: {  	v29 =	vadd.s32 v6, v17;
	v24 =	vld.idx.msk [tilespmem:v24+s24+$0x0], $0xffff;
	_ =	sdelay $0x3  }
0xb9: {  	v25 =	vmul.f32 $1.442695020e+00, v25;
	v26 =	vmul.f32 v26, v26;
	v28 =	vld.idx.msk [tilespmem:v28+s24+$0x0], $0xffff  }
0xba: {  	v27 =	vmul.f32 v27, v27;
	v23 =	vsub.f32 v2, v23;
	v29 =	vld.idx.msk [tilespmem:v29+s24+$0x0], $0xffff;
	v24 =	vsub.f32 v3, v24  }
0xbb: {  	(erf) = vpow2.f32 v25  }
0xbc: {  	s7 =	simm.s32 $0x0;
	v25 =	vadd.f32 v27, v26;
	v23 =	vmul.f32 v23, v23;
	v24 =	vmul.f32 v24, v24  }
0xbd: {  	v26 =	vadd.s32 s7, v0;
	v27 =	vadd.s32 s7, v4  }
0xbe: {  	vm0 =	vgt.u32 v26, $0x18;
	v25 =	vmul.f32 $-4.000000000e+00, v25;
	v23 =	vadd.f32 v24, v23  }
0xbf: {  	v26 =	vsel vm0, v27, v26;
	v27 =	vsub.f32 v2, v28;
	v3 =	vsub.f32 v3, v29  }
0xc0: {  	v30 =	vld [tilespmem:s30+$0xC10];
	v25 =	vmul.f32 $1.442695020e+00, v25  }
0xc1: {  	v27 =	vmul.f32 v27, v27;
	v3 =	vmul.f32 v3, v3  }
0xc2: {  	v14 =	vadd.s32 v1, v14;
	v21 =	vadd.f32 v22, v21  }
0xc3: {  	v22 =	vmul.f32 $-4.000000000e+00, v23;
	v23 =	vpop (erf);
	(erf) = vpow2.f32 v25;
	v25 =	vadd.f32 v3, v27  }
0xc4: {  	v24 =	vadd.s32 v9, v26  }
0xc5: {  	v28 =	vadd.s32 v8, v26;
	v25 =	vmul.f32 $-4.000000000e+00, v25  }
0xc6: {  	v15 =	vadd.s32 v1, v15  }
0xc7: {  	v19 =	vadd.f32 v19, v20;
	v14 =	vld.idx.msk [tilespmem:v14+s24+$0x0], $0xffff;
	v20 =	vmul.f32 $1.442695020e+00, v22;
	v25 =	vmul.f32 $1.442695020e+00, v25  }
0xc8: {  	v3 =	vld.idx.msk [tilespmem:v30+s20+$0x0], $0xffff  }
0xc9: {  	v16 =	vadd.s32 v1, v16;
	v24 =	vld.idx.msk [tilespmem:v24+s24+$0x0], $0xffff;
	(erf) = vpow2.f32 v20  }
0xca: {  	s8 =	simm.s32 $0x1;
	v17 =	vadd.s32 v1, v17;
	v18 =	vmul.f32 v23, v18;
	v22 =	vld.idx.msk [tilespmem:v28+s24+$0x0], $0xffff  }
0xcb: {  	v15 =	vld.idx.msk [tilespmem:v15+s24+$0x0], $0xffff;
	v27 =	vadd.s32 s8, v0;
	v20 =	vadd.s32 s8, v4;
	(erf) = vpow2.f32 v25;
	v25 =	vpop (erf)  }
0xcc: {  	vm11 =	vgt.u32 v27, $0x18;
	v18 =	vadd.f32 v18, v21;
	v28 =	vmul.f32 v25, v14  }
0xcd: {  	v19 =	vadd.f32 v23, v19;
	s8 =	simm.s32 $0x2;
	v20 =	vsel vm11, v20, v27  }
0xce: {  	v16 =	vld.idx.msk [tilespmem:v16+s24+$0x0], $0xffff;
	v27 =	vadd.s32 s8, v0;
	v24 =	vsub.f32 v3, v24;
	v18 =	vadd.f32 v28, v18  }
0xcf: {  	v21 =	vadd.s32 v8, v20;
	v23 =	vadd.s32 v9, v20;
	v22 =	vsub.f32 v2, v22;
	v29 =	vpop (erf)  }
0xd0: {  	vm12 =	vgt.u32 v27, $0x18;
	v24 =	vmul.f32 v24, v24;
	v15 =	vmul.f32 v29, v15  }
0xd1: {  	v17 =	vld.idx.msk [tilespmem:v17+s24+$0x0], $0xffff;
	v22 =	vmul.f32 v22, v22;
	v14 =	vadd.s32 s8, v4;
	v19 =	vadd.f32 v25, v19;
	s8 =	simm.s32 $0x3  }
0xd2: {  	v14 =	vsel vm12, v14, v27;
	v25 =	vadd.s32 s8, v4;
	v15 =	vadd.f32 v15, v18;
	v18 =	vpop (erf)  }
0xd3: {  	v22 =	vadd.f32 v24, v22;
	v24 =	vadd.s32 s8, v0;
	v16 =	vmul.f32 v18, v16  }
0xd4: {  	v27 =	vadd.s32 v8, v14;
	vm13 =	vgt.u32 v24, $0x18  }
0xd5: {  	v21 =	vld.idx.msk [tilespmem:v21+s24+$0x0], $0xffff;
	v16 =	vadd.f32 v16, v15;
	v15 =	vsel vm13, v25, v24;
	v25 =	vpop (erf)  }
0xd6: {  	v23 =	vld.idx.msk [tilespmem:v23+s24+$0x0], $0xffff;
	v28 =	vadd.s32 v9, v14;
	v17 =	vmul.f32 v25, v17;
	_ =	sdelay $0x1  }
0xd7: {  	v16 =	vadd.f32 v17, v16  }
0xd8: {  	v22 =	vmul.f32 $-4.000000000e+00, v22;
	v24 =	vld.idx.msk [tilespmem:v27+s24+$0x0], $0xffff  }
0xd9: {  	v21 =	vsub.f32 v2, v21;
	[tilespmem:$0x1FF30] =	vst v16;
	v16 =	vld.idx.msk [tilespmem:v30+s7+$0x0], $0xffff  }
0xda: {  	v23 =	vsub.f32 v3, v23;
	v22 =	vmul.f32 $1.442695020e+00, v22;
	v27 =	vld.idx.msk [tilespmem:v28+s24+$0x0], $0xffff  }
0xdb: {  	v26 =	vadd.s32 v7, v26;
	v19 =	vadd.f32 v29, v19;
	v21 =	vmul.f32 v21, v21  }
0xdc: {  	(erf) = vpow2.f32 v22;
	v22 =	vmul.f32 v23, v23  }
0xdd: {  	s8 =	simm.s32 $0x4;
	v18 =	vadd.f32 v18, v19;
	v28 =	vadd.s32 v8, v15  }
0xde: {  	v19 =	vadd.s32 s8, v4;
	v17 =	vadd.s32 s8, v0;
	[tilespmem:$0x1FF40] =	vst v16;
	v16 =	vadd.f32 v22, v21  }
0xdf: {  	vm14 =	vgt.u32 v17, $0x18;
	v22 =	vsub.f32 v2, v24;
	v24 =	vsub.f32 v3, v27  }
0xe0: {  	v23 =	vadd.s32 v9, v15;
	v21 =	vld.idx.msk [tilespmem:v26+s24+$0x0], $0xffff;
	v26 =	vmul.f32 $-4.000000000e+00, v16;
	v16 =	vsel vm14, v19, v17  }
0xe1: {  	v19 =	vadd.s32 v7, v20;
	v20 =	vmul.f32 v22, v22;
	v22 =	vmul.f32 v24, v24;
	v24 =	vld.idx.msk [tilespmem:v30+s16+$0x0], $0xffff  }
0xe2: {  	v27 =	vld.idx.msk [tilespmem:v28+s24+$0x0], $0xffff  }
0xe3: {  	v22 =	vadd.f32 v22, v20;
	v20 =	vld.idx.msk [tilespmem:v30+s28+$0x0], $0xffff  }
0xe4: {  	v54 =	vadd.f32 v25, v18;
	v17 =	vld.idx.msk [tilespmem:v30+s18+$0x0], $0xffff;
	v18 =	vmul.f32 $1.442695020e+00, v26  }
0xe5: {  	v28 =	vld.idx.msk [tilespmem:v23+s24+$0x0], $0xffff;
	v23 =	vadd.s32 v8, v16  }
0xe6: {  	s8 =	simm.s32 $0x5;
	(erf) = vpow2.f32 v18;
	[tilespmem:$0x1FF60] =	vst v24;
	v24 =	vadd.s32 v9, v16  }
0xe7: {  	v26 =	vadd.s32 s8, v0  }
0xe8: {  	vm15 =	vgt.u32 v26, $0x18;
	v18 =	vadd.s32 s8, v4;
	v25 =	vmul.f32 $-4.000000000e+00, v22;
	[tilespmem:$0x1FF80] =	vst v20;
	v20 =	vpop (erf)  }
0xe9: {  	[tilespmem:$0x1FF50] =	vst v17;
	v17 =	vimm.f32 $0.0e+00;
	v19 =	vld.idx.msk [tilespmem:v19+s24+$0x0], $0xffff;
	v18 =	vsel vm15, v18, v26;
	v22 =	vmul.f32 v20, v21  }
0xea: {  	[tilespmem:$0x1FF70] =	vst v30;
	s7 =	simm.s32 $0x6;
	v26 =	vsub.f32 v2, v27;
	v27 =	vsub.f32 v3, v28;
	v23 =	vld.idx.msk [tilespmem:v23+s24+$0x0], $0xffff;
	v21 =	vimm.f32 $0.0e+00  }
.LBB2_7:
0xeb: {  	p0 =	sne.s32 s7, $0x18;
	v28 =	vld.idx.msk [tilespmem:v24+s24+$0x0], $0xffff;
	v29 =	vadd.s32 v7, v14;
	v25 =	vmul.f32 $1.442695020e+00, v25;
	v17 =	vadd.f32 v22, v17;
	v14 =	vmovc v15  }
0xec: {  	v30 =	vadd.s32 v8, v18;
	v15 =	vmovc v16;
	v22 =	vmul.f32 v26, v26;
	v26 =	vmul.f32 v27, v27  }
.Ltmp2:
0xed: {  	v24 =	vadd.s32 v9, v18;
	v21 =	vadd.f32 v20, v21;
	v16 =	vmovc v18;
	(erf) = vpow2.f32 v25;
	(pc) =	sbr.rel @p0 .LBB2_7-.Ltmp2, $4  }
0xee: {  	v18 =	vadd.f32 v26, v22  }
0xef: {  	v27 =	vadd.s32 s7, v4;
	v26 =	vadd.s32 s7, v0;
	v20 =	vpop (erf)  }
0xf0: {  	vm0 =	vgt.u32 v26, $0x18;
	v25 =	vmul.f32 $-4.000000000e+00, v18;
	v22 =	vmul.f32 v20, v19;
	v19 =	vld.idx.msk [tilespmem:v29+s24+$0x0], $0xffff  }
0xf1: {  	s7 =	sadd.s32 $0x1, s7;
	v18 =	vsel vm0, v27, v26;
	v26 =	vsub.f32 v2, v23;
	v27 =	vsub.f32 v3, v28;
	v23 =	vld.idx.msk [tilespmem:v30+s24+$0x0], $0xffff  }
0xf2: {  	_ =	sdelay $0x2  }
0xf3: {  	v28 =	vadd.s32 v8, v18  }
0xf4: {  	v29 =	vadd.s32 v9, v18;
	v24 =	vld.idx.msk [tilespmem:v24+s24+$0x0], $0xffff;
	_ =	sdelay $0x3  }
0xf5: {  	v25 =	vmul.f32 $1.442695020e+00, v25;
	v26 =	vmul.f32 v26, v26;
	v28 =	vld.idx.msk [tilespmem:v28+s24+$0x0], $0xffff  }
0xf6: {  	v27 =	vmul.f32 v27, v27;
	v23 =	vsub.f32 v2, v23;
	v29 =	vld.idx.msk [tilespmem:v29+s24+$0x0], $0xffff;
	v24 =	vsub.f32 v3, v24  }
0xf7: {  	(erf) = vpow2.f32 v25  }
0xf8: {  	s7 =	simm.s32 $0x0;
	v25 =	vadd.f32 v27, v26;
	v23 =	vmul.f32 v23, v23;
	v24 =	vmul.f32 v24, v24  }
0xf9: {  	v26 =	vadd.s32 s7, v0;
	v27 =	vadd.s32 s7, v4  }
0xfa: {  	vm0 =	vgt.u32 v26, $0x18;
	v25 =	vmul.f32 $-4.000000000e+00, v25;
	v23 =	vadd.f32 v24, v23  }
0xfb: {  	v26 =	vsel vm0, v27, v26;
	v27 =	vsub.f32 v2, v28;
	v3 =	vsub.f32 v3, v29  }
0xfc: {  	v30 =	vld [tilespmem:s30+$0xC20];
	v25 =	vmul.f32 $1.442695020e+00, v25  }
0xfd: {  	v27 =	vmul.f32 v27, v27;
	v3 =	vmul.f32 v3, v3  }
0xfe: {  	v14 =	vadd.s32 v7, v14;
	v17 =	vadd.f32 v22, v17  }
0xff: {  	v22 =	vmul.f32 $-4.000000000e+00, v23;
	v23 =	vpop (erf);
	(erf) = vpow2.f32 v25;
	v25 =	vadd.f32 v3, v27  }
0x100: {  	v24 =	vadd.s32 v12, v26  }
0x101: {  	v28 =	vadd.s32 v11, v26;
	v25 =	vmul.f32 $-4.000000000e+00, v25  }
0x102: {  	v15 =	vadd.s32 v7, v15  }
0x103: {  	v20 =	vadd.f32 v20, v21;
	v14 =	vld.idx.msk [tilespmem:v14+s24+$0x0], $0xffff;
	v21 =	vmul.f32 $1.442695020e+00, v22;
	v25 =	vmul.f32 $1.442695020e+00, v25  }
0x104: {  	v3 =	vld.idx.msk [tilespmem:v30+s20+$0x0], $0xffff  }
0x105: {  	v16 =	vadd.s32 v7, v16;
	v24 =	vld.idx.msk [tilespmem:v24+s24+$0x0], $0xffff;
	(erf) = vpow2.f32 v21  }
0x106: {  	s8 =	simm.s32 $0x1;
	v18 =	vadd.s32 v7, v18;
	v19 =	vmul.f32 v23, v19;
	v22 =	vld.idx.msk [tilespmem:v28+s24+$0x0], $0xffff  }
0x107: {  	v15 =	vld.idx.msk [tilespmem:v15+s24+$0x0], $0xffff;
	v27 =	vadd.s32 s8, v0;
	v21 =	vadd.s32 s8, v4;
	(erf) = vpow2.f32 v25;
	v25 =	vpop (erf)  }
0x108: {  	vm11 =	vgt.u32 v27, $0x18;
	v17 =	vadd.f32 v19, v17;
	v28 =	vmul.f32 v25, v14  }
0x109: {  	s8 =	simm.s32 $0x2;
	v21 =	vsel vm11, v21, v27;
	v19 =	vadd.f32 v23, v20  }
0x10a: {  	v16 =	vld.idx.msk [tilespmem:v16+s24+$0x0], $0xffff;
	v27 =	vadd.s32 s8, v0;
	v24 =	vsub.f32 v3, v24;
	v17 =	vadd.f32 v28, v17  }
0x10b: {  	v20 =	vadd.s32 v11, v21;
	v23 =	vadd.s32 v12, v21;
	v22 =	vsub.f32 v2, v22;
	v29 =	vpop (erf)  }
0x10c: {  	vm12 =	vgt.u32 v27, $0x18;
	v24 =	vmul.f32 v24, v24;
	v15 =	vmul.f32 v29, v15  }
0x10d: {  	v18 =	vld.idx.msk [tilespmem:v18+s24+$0x0], $0xffff;
	v22 =	vmul.f32 v22, v22;
	v14 =	vadd.s32 s8, v4;
	v19 =	vadd.f32 v25, v19;
	s8 =	simm.s32 $0x3  }
0x10e: {  	v14 =	vsel vm12, v14, v27;
	v25 =	vadd.s32 s8, v4;
	v15 =	vadd.f32 v15, v17;
	v17 =	vpop (erf)  }
0x10f: {  	v22 =	vadd.f32 v24, v22;
	v24 =	vadd.s32 s8, v0;
	v16 =	vmul.f32 v17, v16  }
0x110: {  	v27 =	vadd.s32 v11, v14;
	vm13 =	vgt.u32 v24, $0x18  }
0x111: {  	v20 =	vld.idx.msk [tilespmem:v20+s24+$0x0], $0xffff;
	v16 =	vadd.f32 v16, v15;
	v15 =	vsel vm13, v25, v24;
	v25 =	vpop (erf)  }
0x112: {  	v23 =	vld.idx.msk [tilespmem:v23+s24+$0x0], $0xffff;
	v28 =	vadd.s32 v12, v14;
	v18 =	vmul.f32 v25, v18;
	_ =	sdelay $0x1  }
0x113: {  	v16 =	vadd.f32 v18, v16  }
0x114: {  	v22 =	vmul.f32 $-4.000000000e+00, v22;
	v24 =	vld.idx.msk [tilespmem:v27+s24+$0x0], $0xffff  }
0x115: {  	v20 =	vsub.f32 v2, v20;
	[tilespmem:$0x1FED0] =	vst v16;
	v16 =	vld.idx.msk [tilespmem:v30+s7+$0x0], $0xffff  }
0x116: {  	v19 =	vadd.f32 v29, v19;
	v23 =	vsub.f32 v3, v23;
	v22 =	vmul.f32 $1.442695020e+00, v22;
	v27 =	vld.idx.msk [tilespmem:v28+s24+$0x0], $0xffff  }
0x117: {  	v26 =	vadd.s32 v10, v26;
	v20 =	vmul.f32 v20, v20  }
0x118: {  	s8 =	simm.s32 $0x4;
	(erf) = vpow2.f32 v22;
	v22 =	vmul.f32 v23, v23;
	v17 =	vadd.f32 v17, v19  }
0x119: {  	v19 =	vadd.s32 s8, v4  }
0x11a: {  	v23 =	vadd.s32 v12, v15;
	v63 =	vadd.f32 v25, v17;
	[tilespmem:$0x1FEE0] =	vst v16;
	v16 =	vadd.f32 v22, v20  }
0x11b: {  	v17 =	vld.idx.msk [tilespmem:v30+s18+$0x0], $0xffff;
	v18 =	vadd.s32 s8, v0;
	v22 =	vsub.f32 v2, v24;
	v24 =	vsub.f32 v3, v27  }
0x11c: {  	v28 =	vadd.s32 v11, v15;
	vm14 =	vgt.u32 v18, $0x18;
	v20 =	vld.idx.msk [tilespmem:v26+s24+$0x0], $0xffff;
	v26 =	vmul.f32 $-4.000000000e+00, v16  }
0x11d: {  	v16 =	vsel vm14, v19, v18;
	v22 =	vmul.f32 v22, v22;
	v24 =	vmul.f32 v24, v24;
	v19 =	vld.idx.msk [tilespmem:v30+s16+$0x0], $0xffff;
	_ =	sdelay $0x1  }
0x11e: {  	v24 =	vadd.f32 v24, v22;
	v22 =	vld.idx.msk [tilespmem:v30+s28+$0x0], $0xffff  }
0x11f: {  	v21 =	vadd.s32 v10, v21;
	v23 =	vld.idx.msk [tilespmem:v23+s24+$0x0], $0xffff;
	[tilespmem:$0x1FEF0] =	vst v17;
	v17 =	vmul.f32 $1.442695020e+00, v26  }
0x120: {  	v27 =	vld.idx.msk [tilespmem:v28+s24+$0x0], $0xffff;
	v28 =	vadd.s32 v11, v16  }
0x121: {  	s8 =	simm.s32 $0x5;
	(erf) = vpow2.f32 v17;
	[tilespmem:$0x1FF00] =	vst v19;
	v19 =	vadd.s32 v12, v16  }
0x122: {  	v26 =	vadd.s32 s8, v0  }
0x123: {  	v18 =	vimm.f32 $0.0e+00;
	vm15 =	vgt.u32 v26, $0x18;
	v17 =	vadd.s32 s8, v4;
	[tilespmem:$0x1FF20] =	vst v22;
	v22 =	vpop (erf)  }
0x124: {  	v21 =	vld.idx.msk [tilespmem:v21+s24+$0x0], $0xffff;
	v25 =	vmul.f32 $-4.000000000e+00, v24;
	v24 =	vmul.f32 v22, v20;
	v20 =	vsel vm15, v17, v26  }
0x125: {  	[tilespmem:$0x1FF10] =	vst v30;
	s7 =	simm.s32 $0x6;
	v17 =	vld.idx.msk [tilespmem:v28+s24+$0x0], $0xffff;
	v26 =	vsub.f32 v2, v27;
	v27 =	vsub.f32 v3, v23;
	v23 =	vimm.f32 $0.0e+00  }
.LBB2_9:
0x126: {  	p0 =	sne.s32 s7, $0x18;
	v28 =	vld.idx.msk [tilespmem:v19+s24+$0x0], $0xffff;
	v29 =	vadd.s32 v10, v14;
	v25 =	vmul.f32 $1.442695020e+00, v25;
	v18 =	vadd.f32 v24, v18;
	v14 =	vmovc v15  }
0x127: {  	v30 =	vadd.s32 v11, v20;
	v15 =	vmovc v16;
	v24 =	vmul.f32 v26, v26;
	v26 =	vmul.f32 v27, v27  }
.Ltmp3:
0x128: {  	v19 =	vadd.s32 v12, v20;
	v23 =	vadd.f32 v22, v23;
	v16 =	vmovc v20;
	(erf) = vpow2.f32 v25;
	(pc) =	sbr.rel @p0 .LBB2_9-.Ltmp3, $4  }
0x129: {  	v20 =	vadd.f32 v26, v24  }
0x12a: {  	v27 =	vadd.s32 s7, v4;
	v26 =	vadd.s32 s7, v0;
	v22 =	vpop (erf)  }
0x12b: {  	vm0 =	vgt.u32 v26, $0x18;
	v25 =	vmul.f32 $-4.000000000e+00, v20;
	v24 =	vmul.f32 v22, v21;
	v21 =	vld.idx.msk [tilespmem:v29+s24+$0x0], $0xffff  }
0x12c: {  	s7 =	sadd.s32 $0x1, s7;
	v20 =	vsel vm0, v27, v26;
	v26 =	vsub.f32 v2, v17;
	v27 =	vsub.f32 v3, v28;
	v17 =	vld.idx.msk [tilespmem:v30+s24+$0x0], $0xffff  }
0x12d: {  	_ =	sdelay $0x2  }
0x12e: {  	v28 =	vadd.s32 v11, v20  }
0x12f: {  	v29 =	vadd.s32 v12, v20;
	v19 =	vld.idx.msk [tilespmem:v19+s24+$0x0], $0xffff;
	_ =	sdelay $0x1  }
0x130: {  	v26 =	vmul.f32 v26, v26;
	v27 =	vmul.f32 v27, v27;
	_ =	sdelay $0x1  }
0x131: {  	v25 =	vmul.f32 $1.442695020e+00, v25;
	v26 =	vadd.f32 v27, v26;
	v28 =	vld.idx.msk [tilespmem:v28+s24+$0x0], $0xffff  }
0x132: {  	v17 =	vsub.f32 v2, v17;
	v27 =	vld.idx.msk [tilespmem:v29+s24+$0x0], $0xffff;
	v19 =	vsub.f32 v3, v19  }
0x133: {  	s7 =	simm.s32 $0x0;
	(erf) = vpow2.f32 v25;
	v25 =	vmul.f32 $-4.000000000e+00, v26  }
0x134: {  	v33 =	vld [tilespmem:s30+$0xC30];
	v29 =	vadd.s32 s7, v0;
	v26 =	vmul.f32 v17, v17;
	v30 =	vmul.f32 v19, v19  }
0x135: {  	vm0 =	vgt.u32 v29, $0x18;
	v19 =	vadd.s32 s7, v4  }
0x136: {  	v14 =	vadd.s32 v10, v14;
	v29 =	vsel vm0, v19, v29;
	v26 =	vadd.f32 v30, v26  }
0x137: {  	v19 =	vor.u32 $0x1832, v1;
	v28 =	vsub.f32 v2, v28;
	v3 =	vsub.f32 v3, v27  }
0x138: {  	v17 =	vor.u32 $0x1819, v1;
	v25 =	vmul.f32 $1.442695020e+00, v25;
	v30 =	vadd.s32 v19, v29  }
0x139: {  	v27 =	vadd.s32 v17, v29;
	v28 =	vmul.f32 v28, v28;
	v3 =	vmul.f32 v3, v3  }
0x13a: {  	v18 =	vadd.f32 v24, v18;
	v24 =	vmul.f32 $-4.000000000e+00, v26  }
0x13b: {  	v15 =	vadd.s32 v10, v15;
	v14 =	vld.idx.msk [tilespmem:v14+s24+$0x0], $0xffff;
	v26 =	vpop (erf);
	(erf) = vpow2.f32 v25;
	v25 =	vadd.f32 v3, v28  }
0x13c: {  	v22 =	vadd.f32 v22, v23;
	v23 =	vmul.f32 $1.442695020e+00, v24;
	v3 =	vld.idx.msk [tilespmem:v33+s20+$0x0], $0xffff  }
0x13d: {  	v16 =	vadd.s32 v10, v16;
	v28 =	vld.idx.msk [tilespmem:v30+s24+$0x0], $0xffff;
	v25 =	vmul.f32 $-4.000000000e+00, v25  }
0x13e: {  	s8 =	simm.s32 $0x1;
	v20 =	vadd.s32 v10, v20;
	v21 =	vmul.f32 v26, v21;
	v24 =	vld.idx.msk [tilespmem:v27+s24+$0x0], $0xffff;
	(erf) = vpow2.f32 v23  }
0x13f: {  	v27 =	vadd.s32 s8, v0;
	v23 =	vadd.s32 s8, v4;
	v25 =	vmul.f32 $1.442695020e+00, v25  }
0x140: {  	v15 =	vld.idx.msk [tilespmem:v15+s24+$0x0], $0xffff;
	vm11 =	vgt.u32 v27, $0x18;
	v18 =	vadd.f32 v21, v18;
	v21 =	vadd.f32 v26, v22;
	v26 =	vpop (erf)  }
0x141: {  	s8 =	simm.s32 $0x2;
	v23 =	vsel vm11, v23, v27;
	v30 =	vmul.f32 v26, v14;
	(erf) = vpow2.f32 v25  }
0x142: {  	v27 =	vadd.s32 s8, v0;
	v14 =	vadd.s32 s8, v4;
	v28 =	vsub.f32 v3, v28  }
0x143: {  	v16 =	vld.idx.msk [tilespmem:v16+s24+$0x0], $0xffff;
	vm12 =	vgt.u32 v27, $0x18;
	v18 =	vadd.f32 v30, v18;
	v24 =	vsub.f32 v2, v24  }
0x144: {  	v14 =	vsel vm12, v14, v27;
	v27 =	vmul.f32 v28, v28;
	v32 =	vpop (erf)  }
0x145: {  	v22 =	vadd.s32 v17, v23;
	v24 =	vmul.f32 v24, v24;
	v15 =	vmul.f32 v32, v15  }
0x146: {  	v20 =	vld.idx.msk [tilespmem:v20+s24+$0x0], $0xffff;
	s8 =	simm.s32 $0x3;
	v25 =	vadd.s32 v19, v23  }
0x147: {  	v24 =	vadd.f32 v27, v24;
	v27 =	vadd.s32 s8, v4;
	v15 =	vadd.f32 v15, v18;
	v18 =	vpop (erf)  }
0x148: {  	v21 =	vadd.f32 v26, v21;
	v26 =	vadd.s32 s8, v0;
	v16 =	vmul.f32 v18, v16  }
0x149: {  	vm13 =	vgt.u32 v26, $0x18  }
0x14a: {  	v22 =	vld.idx.msk [tilespmem:v22+s24+$0x0], $0xffff;
	v16 =	vadd.f32 v16, v15;
	v15 =	vsel vm13, v27, v26;
	v27 =	vpop (erf)  }
0x14b: {  	v25 =	vld.idx.msk [tilespmem:v25+s24+$0x0], $0xffff;
	v20 =	vmul.f32 v27, v20  }
0x14c: {  	v30 =	vadd.s32 v19, v14;
	v28 =	vadd.s32 v17, v14  }
0x14d: {  	v21 =	vadd.f32 v32, v21;
	v24 =	vmul.f32 $-4.000000000e+00, v24;
	v16 =	vadd.f32 v20, v16;
	_ =	sdelay $0x1  }
0x14e: {  	v18 =	vadd.f32 v18, v21;
	v24 =	vmul.f32 $1.442695020e+00, v24;
	[tilespmem:$0x1FE70] =	vst v16;
	v16 =	vld.idx.msk [tilespmem:v33+s7+$0x0], $0xffff  }
0x14f: {  	v22 =	vsub.f32 v2, v22;
	v25 =	vsub.f32 v3, v25  }
0x150: {  	v26 =	vld.idx.msk [tilespmem:v28+s24+$0x0], $0xffff;
	(erf) = vpow2.f32 v24;
	v18 =	vadd.f32 v27, v18  }
0x151: {  	v28 =	vld.idx.msk [tilespmem:v30+s24+$0x0], $0xffff;
	v22 =	vmul.f32 v22, v22;
	v24 =	vmul.f32 v25, v25  }
0x152: {  	s8 =	simm.s32 $0x4;
	v30 =	vadd.s32 v17, v15;
	[tilespmem:$0x1FE90] =	vst v18  }
0x153: {  	v29 =	vadd.s32 v13, v29;
	v20 =	vadd.s32 s8, v0;
	v18 =	vld.idx.msk [tilespmem:v33+s18+$0x0], $0xffff;
	[tilespmem:$0x1FE80] =	vst v16;
	v16 =	vadd.f32 v24, v22  }
0x154: {  	v21 =	vadd.s32 s8, v4;
	v25 =	vadd.s32 v19, v15;
	vm14 =	vgt.u32 v20, $0x18  }
0x155: {  	v22 =	vsub.f32 v2, v26;
	v26 =	vmul.f32 $-4.000000000e+00, v16;
	v16 =	vsel vm14, v21, v20;
	v20 =	vld.idx.msk [tilespmem:v33+s16+$0x0], $0xffff  }
0x156: {  	v24 =	vsub.f32 v3, v28  }
0x157: {  	v28 =	vld.idx.msk [tilespmem:v30+s24+$0x0], $0xffff  }
0x158: {  	v29 =	vld.idx.msk [tilespmem:v29+s24+$0x0], $0xffff;
	v23 =	vadd.s32 v13, v23;
	[tilespmem:$0x1FEA0] =	vst v18;
	v24 =	vmul.f32 v24, v24;
	v18 =	vmul.f32 $1.442695020e+00, v26  }
0x159: {  	v25 =	vld.idx.msk [tilespmem:v25+s24+$0x0], $0xffff;
	v22 =	vmul.f32 v22, v22;
	v30 =	vadd.s32 v17, v16  }
0x15a: {  	s8 =	simm.s32 $0x5;
	(erf) = vpow2.f32 v18;
	[tilespmem:$0x1FEB0] =	vst v20;
	v20 =	vadd.s32 v19, v16  }
0x15b: {  	v59 =	vadd.s32 s8, v0;
	v22 =	vadd.f32 v24, v22  }
0x15c: {  	v62 =	vld.idx.msk [tilespmem:v33+s28+$0x0], $0xffff;
	vm15 =	vgt.u32 v59, $0x18;
	v21 =	vimm.f32 $0.0e+00;
	v28 =	vsub.f32 v2, v28;
	v24 =	vpop (erf)  }
0x15d: {  	v18 =	vadd.s32 s8, v4;
	v27 =	vmul.f32 $-4.000000000e+00, v22;
	v22 =	vld.idx.msk [tilespmem:v23+s24+$0x0], $0xffff;
	v26 =	vmul.f32 v24, v29  }
0x15e: {  	[tilespmem:$0x1FEC0] =	vst v33;
	s7 =	simm.s32 $0x6;
	v23 =	vsel vm15, v18, v59;
	v29 =	vsub.f32 v3, v25;
	v25 =	vimm.f32 $0.0e+00;
	v18 =	vld.idx.msk [tilespmem:v30+s24+$0x0], $0xffff  }
.LBB2_11:
0x15f: {  	p0 =	sne.s32 s7, $0x18;
	v30 =	vld.idx.msk [tilespmem:v20+s24+$0x0], $0xffff;
	v32 =	vadd.s32 v13, v14;
	v27 =	vmul.f32 $1.442695020e+00, v27;
	v21 =	vadd.f32 v26, v21;
	v14 =	vmovc v15  }
0x160: {  	v33 =	vadd.s32 v17, v23;
	v15 =	vmovc v16;
	v26 =	vmul.f32 v28, v28;
	v28 =	vmul.f32 v29, v29  }
.Ltmp4:
0x161: {  	v20 =	vadd.s32 v19, v23;
	v25 =	vadd.f32 v24, v25;
	v16 =	vmovc v23;
	(erf) = vpow2.f32 v27;
	(pc) =	sbr.rel @p0 .LBB2_11-.Ltmp4, $4  }
0x162: {  	v23 =	vadd.f32 v28, v26  }
0x163: {  	v29 =	vadd.s32 s7, v4;
	v28 =	vadd.s32 s7, v0;
	v24 =	vpop (erf)  }
0x164: {  	vm0 =	vgt.u32 v28, $0x18;
	v27 =	vmul.f32 $-4.000000000e+00, v23;
	v26 =	vmul.f32 v24, v22;
	v22 =	vld.idx.msk [tilespmem:v32+s24+$0x0], $0xffff  }
0x165: {  	s7 =	sadd.s32 $0x1, s7;
	v23 =	vsel vm0, v29, v28;
	v28 =	vsub.f32 v2, v18;
	v29 =	vsub.f32 v3, v30;
	v18 =	vld.idx.msk [tilespmem:v33+s24+$0x0], $0xffff  }
0x166: {  	_ =	sdelay $0x3  }
0x167: {  	v20 =	vld.idx.msk [tilespmem:v20+s24+$0x0], $0xffff;
	_ =	sdelay $0x1  }
0x168: {  	v30 =	vadd.s32 v17, v23  }
0x169: {  	v32 =	vadd.s32 v19, v23  }
0x16a: {  	v28 =	vmul.f32 v28, v28;
	v29 =	vmul.f32 v29, v29  }
0x16b: {  	v18 =	vsub.f32 v2, v18;
	v20 =	vsub.f32 v3, v20  }
0x16c: {  	v27 =	vmul.f32 $1.442695020e+00, v27;
	v28 =	vadd.f32 v29, v28  }
0x16d: {  	v30 =	vld.idx.msk [tilespmem:v30+s24+$0x0], $0xffff;
	v18 =	vmul.f32 v18, v18;
	v20 =	vmul.f32 v20, v20  }
0x16e: {  	(erf) = vpow2.f32 v27;
	v29 =	vld.idx.msk [tilespmem:v32+s24+$0x0], $0xffff;
	v27 =	vmul.f32 $-4.000000000e+00, v28  }
0x16f: {  	v14 =	vadd.s32 v13, v14;
	v15 =	vadd.s32 v13, v15;
	v28 =	vadd.f32 v20, v18  }
0x170: {  	s7 =	simm.s32 $0x0;
	v21 =	vadd.f32 v26, v21;
	v16 =	vadd.s32 v13, v16;
	v27 =	vmul.f32 $1.442695020e+00, v27  }
0x171: {  	v37 =	vld [tilespmem:s30+$0xC40];
	v50 =	vadd.s32 s7, v4;
	v20 =	vadd.s32 s7, v0;
	v28 =	vmul.f32 $-4.000000000e+00, v28  }
0x172: {  	v18 =	vor.u32 $0x2019, v1;
	(erf) = vpow2.f32 v27;
	v2 =	vsub.f32 v2, v30  }
0x173: {  	vm0 =	vgt.u32 v20, $0x18;
	v3 =	vsub.f32 v3, v29;
	v27 =	vmul.f32 $1.442695020e+00, v28  }
0x174: {  	v30 =	vsel vm0, v50, v20;
	v20 =	vor.u32 $0x2032, v1;
	v2 =	vmul.f32 v2, v2  }
0x175: {  	v26 =	vpop (erf);
	v14 =	vld.idx.msk [tilespmem:v14+s24+$0x0], $0xffff;
	v32 =	vadd.s32 v20, v30;
	v3 =	vmul.f32 v3, v3;
	(erf) = vpow2.f32 v27  }
0x176: {  	v29 =	vadd.s32 v18, v30  }
0x177: {  	v24 =	vadd.f32 v24, v25;
	v22 =	vmul.f32 v26, v22;
	v15 =	vld.idx.msk [tilespmem:v15+s24+$0x0], $0xffff;
	v2 =	vadd.f32 v3, v2  }
0x178: {  	v16 =	vld.idx.msk [tilespmem:v16+s24+$0x0], $0xffff  }
0x179: {  	s4 =	sor.u32 $0x1, s4;
	s8 =	simm.s32 $0x1;
	v21 =	vadd.f32 v22, v21;
	v22 =	vadd.f32 v26, v24;
	v26 =	vpop (erf);
	v3 =	vld.idx.msk [tilespmem:v37+s20+$0x0], $0xffff;
	v2 =	vmul.f32 $-4.000000000e+00, v2  }
0x17a: {  	v36 =	vmov s4;
	v51 =	vmul.f32 v26, v14;
	v27 =	vadd.s32 s8, v0;
	v28 =	vld.idx.msk [tilespmem:v32+s24+$0x0], $0xffff  }
0x17b: {  	vm11 =	vgt.u32 v27, $0x18;
	v25 =	vld.idx.msk [tilespmem:v29+s24+$0x0], $0xffff;
	v29 =	vadd.s32 s8, v4;
	s8 =	simm.s32 $0x2;
	v2 =	vmul.f32 $1.442695020e+00, v2  }
0x17c: {  	v21 =	vadd.f32 v51, v21;
	v29 =	vsel vm11, v29, v27;
	v27 =	vadd.s32 s8, v0;
	v33 =	vpop (erf)  }
0x17d: {  	v15 =	vmul.f32 v33, v15;
	(erf) = vpow2.f32 v2;
	v2 =	vadd.s32 v20, v29  }
0x17e: {  	v23 =	vadd.s32 v13, v23;
	v14 =	vadd.s32 s8, v4;
	vm12 =	vgt.u32 v27, $0x18;
	v52 =	vpop (erf)  }
0x17f: {  	v15 =	vadd.f32 v15, v21;
	v28 =	vsub.f32 v3, v28;
	v16 =	vmul.f32 v52, v16  }
0x180: {  	v14 =	vsel vm12, v14, v27  }
0x181: {  	v27 =	vmul.f32 v28, v28;
	v28 =	vadd.s32 v18, v14;
	v16 =	vadd.f32 v16, v15;
	v15 =	vld.idx.msk [tilespmem:v36+s7+$0x0], $0xffff  }
0x182: {  	v2 =	vld.idx.msk [tilespmem:v2+s24+$0x0], $0xffff  }
0x183: {  	s8 =	simm.s32 $0x3  }
0x184: {  	v21 =	vld.idx.msk [tilespmem:v23+s24+$0x0], $0xffff;
	v23 =	vadd.s32 s8, v0  }
0x185: {  	v22 =	vadd.f32 v26, v22;
	v26 =	vadd.s32 s8, v4;
	vm13 =	vgt.u32 v23, $0x18  }
0x186: {  	[tilespmem:$0x1FDD0] =	vst v15;
	v15 =	vsel vm13, v26, v23;
	v23 =	vld.idx.msk [tilespmem:v28+s24+$0x0], $0xffff  }
0x187: {  	v28 =	vsub.f32 v3, v2;
	v2 =	vld.idx.msk [tilespmem:v36+s18+$0x0], $0xffff;
	_ =	sdelay $0x3  }
0x188: {  	v59 =	vld.idx.msk [tilespmem:v36+s20+$0x0], $0xffff  }
0x189: {  	[tilespmem:$0x1FDE0] =	vst v2;
	v2 =	vld.idx.msk [tilespmem:v36+s16+$0x0], $0xffff  }
0x18a: {  	v24 =	vadd.s32 v18, v29  }
0x18b: {  	v26 =	vpop (erf)  }
0x18c: {  	v21 =	vmul.f32 v26, v21;
	_ =	sdelay $0x1  }
0x18d: {  	v25 =	vsub.f32 v59, v25;
	[tilespmem:$0x1FDF0] =	vst v2;
	v2 =	vadd.f32 v21, v16  }
0x18e: {  	v24 =	vld.idx.msk [tilespmem:v24+s24+$0x0], $0xffff  }
0x18f: {  	v25 =	vmul.f32 v25, v25;
	[tilespmem:$0x1FE00] =	vst v2;
	v2 =	vld.idx.msk [tilespmem:v37+s7+$0x0], $0xffff;
	_ =	sdelay $0x1  }
0x190: {  	v25 =	vadd.f32 v27, v25  }
0x191: {  	v34 =	vadd.s32 v20, v14  }
0x192: {  	v25 =	vmul.f32 $-4.000000000e+00, v25  }
0x193: {  	v24 =	vsub.f32 v59, v24;
	[tilespmem:$0x1FE10] =	vst v2;
	v2 =	vld.idx.msk [tilespmem:v37+s18+$0x0], $0xffff  }
0x194: {  	v22 =	vadd.f32 v33, v22;
	v25 =	vmul.f32 $1.442695020e+00, v25  }
0x195: {  	v27 =	vor.u32 $0x2000, v1;
	v24 =	vmul.f32 v24, v24;
	v35 =	vadd.s32 v18, v15  }
0x196: {  	v53 =	vld.idx.msk [tilespmem:v34+s24+$0x0], $0xffff;
	v30 =	vadd.s32 v27, v30;
	(erf) = vpow2.f32 v25;
	v25 =	vmul.f32 v28, v28  }
0x197: {  	v22 =	vadd.f32 v52, v22;
	v28 =	vadd.s32 v20, v15  }
0x198: {  	v16 =	vadd.f32 v25, v24;
	[tilespmem:$0x1FE30] =	vst v2;
	v2 =	vld.idx.msk [tilespmem:v37+s16+$0x0], $0xffff  }
0x199: {  	v29 =	vadd.s32 v27, v29;
	v31 =	vadd.f32 v26, v22;
	s7 =	simm.s32 $0x4  }
0x19a: {  	v23 =	vsub.f32 v59, v23;
	v57 =	vld.idx.msk [tilespmem:v35+s24+$0x0], $0xffff;
	v55 =	vmul.f32 $-4.000000000e+00, v16;
	v21 =	vadd.s32 s7, v0  }
0x19b: {  	v25 =	vld.idx.msk [tilespmem:v30+s24+$0x0], $0xffff;
	v30 =	vsub.f32 v3, v53;
	v24 =	vadd.s32 s7, v4;
	vm14 =	vgt.u32 v21, $0x18  }
0x19c: {  	v28 =	vld.idx.msk [tilespmem:v28+s24+$0x0], $0xffff;
	v23 =	vmul.f32 v23, v23;
	v22 =	vmul.f32 $1.442695020e+00, v55;
	v16 =	vsel vm14, v24, v21  }
0x19d: {  	v30 =	vmul.f32 v30, v30;
	v58 =	vadd.s32 v18, v16;
	[tilespmem:$0x1FE40] =	vst v2;
	v2 =	vld.idx.msk [tilespmem:v37+s28+$0x0], $0xffff  }
0x19e: {  	s8 =	simm.s32 $0x5;
	v24 =	vadd.s32 v20, v16;
	(erf) = vpow2.f32 v22  }
0x19f: {  	v60 =	vadd.s32 s8, v0;
	v23 =	vadd.f32 v30, v23  }
0x1a0: {  	[tilespmem:$0x1FE20] =	vst v36;
	v61 =	vadd.s32 s8, v4;
	vm15 =	vgt.u32 v60, $0x18;
	v34 =	vld.idx.msk [tilespmem:v36+s28+$0x0], $0xffff;
	v26 =	vpop (erf);
	v32 =	vsub.f32 v59, v57  }
0x1a1: {  	[tilespmem:$0x1FE50] =	vst v37;
	v33 =	vsub.f32 v3, v28;
	v30 =	vmul.f32 $-4.000000000e+00, v23;
	v22 =	vld.idx.msk [tilespmem:v29+s24+$0x0], $0xffff;
	v29 =	vmul.f32 v26, v25  }
0x1a2: {  	s4 =	simm.s32 $0x6;
	v28 =	vimm.f32 $0.0e+00;
	v21 =	vimm.f32 $0.0e+00;
	v25 =	vsel vm15, v61, v60;
	v23 =	vld.idx.msk [tilespmem:v58+s24+$0x0], $0xffff;
	[tilespmem:$0x1FE60] =	vst v2  }
.LBB2_13:
0x1a3: {  	p0 =	sne.s32 s4, $0x18;
	v35 =	vld.idx.msk [tilespmem:v24+s24+$0x0], $0xffff;
	v36 =	vadd.s32 v27, v14;
	v30 =	vmul.f32 $1.442695020e+00, v30;
	v21 =	vadd.f32 v29, v21;
	v14 =	vmovc v15  }
0x1a4: {  	v37 =	vadd.s32 v18, v25;
	v15 =	vmovc v16;
	v29 =	vmul.f32 v32, v32;
	v32 =	vmul.f32 v33, v33  }
.Ltmp5:
0x1a5: {  	v24 =	vadd.s32 v20, v25;
	v28 =	vadd.f32 v26, v28;
	v16 =	vmovc v25;
	(erf) = vpow2.f32 v30;
	(pc) =	sbr.rel @p0 .LBB2_13-.Ltmp5, $4  }
0x1a6: {  	v25 =	vadd.f32 v32, v29  }
0x1a7: {  	v33 =	vadd.s32 s4, v4;
	v32 =	vadd.s32 s4, v0;
	v26 =	vpop (erf)  }
0x1a8: {  	vm0 =	vgt.u32 v32, $0x18;
	v30 =	vmul.f32 $-4.000000000e+00, v25;
	v29 =	vmul.f32 v26, v22;
	v22 =	vld.idx.msk [tilespmem:v36+s24+$0x0], $0xffff  }
0x1a9: {  	s4 =	sadd.s32 $0x1, s4;
	v25 =	vsel vm0, v33, v32;
	v32 =	vsub.f32 v59, v23;
	v33 =	vsub.f32 v3, v35;
	v23 =	vld.idx.msk [tilespmem:v37+s24+$0x0], $0xffff  }
0x1aa: {  	_ =	sdelay $0x2  }
0x1ab: {  	v35 =	vadd.s32 v18, v25  }
0x1ac: {  	v24 =	vld.idx.msk [tilespmem:v24+s24+$0x0], $0xffff;
	v36 =	vadd.s32 v20, v25;
	_ =	sdelay $0x3  }
0x1ad: {  	v32 =	vmul.f32 v32, v32;
	v35 =	vld.idx.msk [tilespmem:v35+s24+$0x0], $0xffff  }
0x1ae: {  	v33 =	vmul.f32 v33, v33;
	v23 =	vsub.f32 v59, v23;
	v24 =	vsub.f32 v3, v24;
	v57 =	vld.idx.msk [tilespmem:v36+s24+$0x0], $0xffff  }
0x1af: {  	v30 =	vmul.f32 $1.442695020e+00, v30  }
0x1b0: {  	v32 =	vadd.f32 v33, v32;
	v23 =	vmul.f32 v23, v23;
	v24 =	vmul.f32 v24, v24;
	_ =	sdelay $0x1  }
0x1b1: {  	(erf) = vpow2.f32 v30;
	v30 =	vmul.f32 $-4.000000000e+00, v32;
	v60 =	vadd.f32 v24, v23  }
0x1b2: {  	v35 =	vsub.f32 v59, v35;
	v3 =	vsub.f32 v3, v57  }
0x1b3: {  	v30 =	vmul.f32 $1.442695020e+00, v30;
	v36 =	vmul.f32 $-4.000000000e+00, v60  }
0x1b4: {  	v35 =	vmul.f32 v35, v35;
	v3 =	vmul.f32 v3, v3  }
0x1b5: {  	v14 =	vadd.s32 v27, v14  }
0x1b6: {  	(erf) = vpow2.f32 v30;
	v30 =	vmul.f32 $1.442695020e+00, v36;
	v35 =	vadd.f32 v3, v35  }
0x1b7: {  	v15 =	vadd.s32 v27, v15  }
0x1b8: {  	v2 =	vld [tilespmem:s30+$0xC50];
	s4 =	simm.s32 $0x0;
	v21 =	vadd.f32 v29, v21;
	v29 =	vpop (erf);
	(erf) = vpow2.f32 v30;
	v30 =	vmul.f32 $-4.000000000e+00, v35  }
0x1b9: {  	v16 =	vadd.s32 v27, v16;
	v58 =	vadd.s32 s4, v0  }
0x1ba: {  	vm0 =	vgt.u32 v58, $0x18;
	v14 =	vld.idx.msk [tilespmem:v14+s24+$0x0], $0xffff;
	v24 =	vadd.s32 s4, v4;
	v30 =	vmul.f32 $1.442695020e+00, v30  }
0x1bb: {  	v26 =	vadd.f32 v26, v28;
	v23 =	vor.u32 $0x2819, v1;
	v32 =	vsel vm0, v24, v58  }
0x1bc: {  	s7 =	simm.s32 $0x1;
	v25 =	vadd.s32 v27, v25;
	v15 =	vld.idx.msk [tilespmem:v15+s24+$0x0], $0xffff;
	v24 =	vor.u32 $0x2832, v1;
	v61 =	vadd.s32 v23, v32  }
0x1bd: {  	v40 =	vadd.s32 s7, v0;
	v22 =	vmul.f32 v29, v22;
	v37 =	vadd.s32 v24, v32  }
0x1be: {  	v43 =	vadd.s32 s7, v4;
	vm11 =	vgt.u32 v40, $0x18;
	(erf) = vpow2.f32 v30;
	v30 =	vpop (erf)  }
0x1bf: {  	v33 =	vsel vm11, v43, v40;
	v16 =	vld.idx.msk [tilespmem:v16+s24+$0x0], $0xffff;
	v21 =	vadd.f32 v22, v21;
	v46 =	vmul.f32 v30, v14  }
0x1c0: {  	v22 =	vadd.f32 v29, v26;
	v26 =	vadd.s32 v23, v33;
	v3 =	vld.idx.msk [tilespmem:v2+s20+$0x0], $0xffff;
	v40 =	vpop (erf)  }
0x1c1: {  	v28 =	vld.idx.msk [tilespmem:v61+s24+$0x0], $0xffff;
	v15 =	vmul.f32 v40, v15;
	v21 =	vadd.f32 v46, v21  }
0x1c2: {  	v29 =	vadd.s32 v24, v33;
	v42 =	vld.idx.msk [tilespmem:v37+s24+$0x0], $0xffff  }
0x1c3: {  	v15 =	vadd.f32 v15, v21;
	v21 =	vld.idx.msk [tilespmem:v25+s24+$0x0], $0xffff  }
0x1c4: {  	s8 =	simm.s32 $0x2  }
0x1c5: {  	v44 =	vadd.s32 s8, v0;
	v26 =	vld.idx.msk [tilespmem:v26+s24+$0x0], $0xffff;
	v22 =	vadd.f32 v30, v22;
	v30 =	vpop (erf)  }
0x1c6: {  	vm12 =	vgt.u32 v44, $0x18;
	v14 =	vadd.s32 s8, v4;
	v16 =	vmul.f32 v30, v16  }
0x1c7: {  	v29 =	vld.idx.msk [tilespmem:v29+s24+$0x0], $0xffff;
	v28 =	vsub.f32 v59, v28;
	v35 =	vsub.f32 v3, v42;
	v14 =	vsel vm12, v14, v44;
	v51 =	vpop (erf)  }
0x1c8: {  	v36 =	vadd.s32 v23, v14;
	v16 =	vadd.f32 v16, v15;
	v21 =	vmul.f32 v51, v21  }
0x1c9: {  	v28 =	vmul.f32 v28, v28;
	v35 =	vmul.f32 v35, v35;
	s8 =	simm.s32 $0x3;
	v50 =	vadd.s32 v24, v14  }
0x1ca: {  	v26 =	vsub.f32 v59, v26;
	v25 =	vadd.s32 s8, v0;
	v16 =	vadd.f32 v21, v16  }
0x1cb: {  	v28 =	vadd.f32 v35, v28;
	vm13 =	vgt.u32 v25, $0x18;
	v15 =	vadd.s32 s8, v4  }
0x1cc: {  	v29 =	vsub.f32 v3, v29;
	v15 =	vsel vm13, v15, v25;
	[tilespmem:$0x1FD60] =	vst v16;
	v16 =	vld.idx.msk [tilespmem:v2+s4+$0x0], $0xffff  }
0x1cd: {  	v35 =	vmul.f32 $-4.000000000e+00, v28;
	v25 =	vld.idx.msk [tilespmem:v36+s24+$0x0], $0xffff;
	v52 =	vadd.s32 v23, v15  }
0x1ce: {  	v26 =	vmul.f32 v26, v26;
	v29 =	vmul.f32 v29, v29;
	v22 =	vadd.f32 v40, v22;
	v37 =	vld.idx.msk [tilespmem:v50+s24+$0x0], $0xffff  }
0x1cf: {  	v28 =	vor.u32 $0x2800, v1;
	v35 =	vmul.f32 $1.442695020e+00, v35;
	v53 =	vadd.s32 v24, v15  }
0x1d0: {  	v22 =	vadd.f32 v30, v22;
	v32 =	vadd.s32 v28, v32;
	s8 =	simm.s32 $0x4  }
0x1d1: {  	(erf) = vpow2.f32 v35;
	v21 =	vadd.s32 s8, v0;
	[tilespmem:$0x1FD70] =	vst v16;
	v16 =	vadd.f32 v29, v26  }
0x1d2: {  	vm14 =	vgt.u32 v21, $0x18;
	v25 =	vsub.f32 v59, v25;
	v57 =	vld.idx.msk [tilespmem:v52+s24+$0x0], $0xffff;
	v26 =	vadd.s32 s8, v4  }
0x1d3: {  	v30 =	vsub.f32 v3, v37;
	v55 =	vmul.f32 $-4.000000000e+00, v16;
	v16 =	vsel vm14, v26, v21;
	v26 =	vld.idx.msk [tilespmem:v2+s16+$0x0], $0xffff  }
0x1d4: {  	v58 =	vld.idx.msk [tilespmem:v53+s24+$0x0], $0xffff;
	v21 =	vadd.f32 v51, v22  }
0x1d5: {  	v25 =	vmul.f32 v25, v25;
	v30 =	vmul.f32 v30, v30;
	v29 =	vld.idx.msk [tilespmem:v32+s24+$0x0], $0xffff  }
0x1d6: {  	v33 =	vadd.s32 v28, v33;
	[tilespmem:$0x1FD80] =	vst v21;
	v21 =	vld.idx.msk [tilespmem:v2+s18+$0x0], $0xffff;
	v22 =	vmul.f32 $1.442695020e+00, v55  }
0x1d7: {  	[tilespmem:$0x1FDB0] =	vst v2;
	v25 =	vadd.f32 v30, v25;
	v42 =	vadd.s32 v23, v16;
	v2 =	vld.idx.msk [tilespmem:v2+s28+$0x0], $0xffff  }
0x1d8: {  	(erf) = vpow2.f32 v22;
	[tilespmem:$0x1FDA0] =	vst v26;
	v26 =	vadd.s32 v24, v16  }
0x1d9: {  	s8 =	simm.s32 $0x5;
	v35 =	vmul.f32 $-4.000000000e+00, v25  }
0x1da: {  	v30 =	vpop (erf);
	v36 =	vsub.f32 v59, v57;
	v37 =	vsub.f32 v3, v58;
	v60 =	vadd.s32 s8, v0  }
0x1db: {  	v61 =	vadd.s32 s8, v4;
	vm15 =	vgt.u32 v60, $0x18;
	v22 =	vld.idx.msk [tilespmem:v33+s24+$0x0], $0xffff;
	v33 =	vmul.f32 v30, v29;
	[tilespmem:$0x1FD90] =	vst v21  }
0x1dc: {  	s4 =	simm.s32 $0x6;
	v32 =	vimm.f32 $0.0e+00;
	v29 =	vsel vm15, v61, v60;
	v25 =	vld.idx.msk [tilespmem:v42+s24+$0x0], $0xffff;
	v21 =	vimm.f32 $0.0e+00;
	[tilespmem:$0x1FDC0] =	vst v2  }
.LBB2_15:
0x1dd: {  	p0 =	sne.s32 s4, $0x18;
	v40 =	vld.idx.msk [tilespmem:v26+s24+$0x0], $0xffff;
	v42 =	vadd.s32 v28, v14;
	v35 =	vmul.f32 $1.442695020e+00, v35;
	v21 =	vadd.f32 v33, v21;
	v14 =	vmovc v15  }
0x1de: {  	v43 =	vadd.s32 v23, v29;
	v15 =	vmovc v16;
	v33 =	vmul.f32 v36, v36;
	v36 =	vmul.f32 v37, v37  }
.Ltmp6:
0x1df: {  	v26 =	vadd.s32 v24, v29;
	v32 =	vadd.f32 v30, v32;
	v16 =	vmovc v29;
	(erf) = vpow2.f32 v35;
	(pc) =	sbr.rel @p0 .LBB2_15-.Ltmp6, $4  }
0x1e0: {  	v29 =	vadd.f32 v36, v33  }
0x1e1: {  	v37 =	vadd.s32 s4, v4;
	v36 =	vadd.s32 s4, v0;
	v30 =	vpop (erf)  }
0x1e2: {  	vm0 =	vgt.u32 v36, $0x18;
	v35 =	vmul.f32 $-4.000000000e+00, v29;
	v33 =	vmul.f32 v30, v22;
	v22 =	vld.idx.msk [tilespmem:v42+s24+$0x0], $0xffff  }
0x1e3: {  	s4 =	sadd.s32 $0x1, s4;
	v29 =	vsel vm0, v37, v36;
	v36 =	vsub.f32 v59, v25;
	v37 =	vsub.f32 v3, v40;
	v25 =	vld.idx.msk [tilespmem:v43+s24+$0x0], $0xffff  }
0x1e4: {  	v40 =	vadd.s32 v23, v29  }
0x1e5: {  	v42 =	vadd.s32 v24, v29;
	_ =	sdelay $0x2  }
0x1e6: {  	v26 =	vld.idx.msk [tilespmem:v26+s24+$0x0], $0xffff  }
0x1e7: {  	v40 =	vld.idx.msk [tilespmem:v40+s24+$0x0], $0xffff  }
0x1e8: {  	v36 =	vmul.f32 v36, v36;
	v37 =	vmul.f32 v37, v37;
	v51 =	vld.idx.msk [tilespmem:v42+s24+$0x0], $0xffff;
	_ =	sdelay $0x1  }
0x1e9: {  	v36 =	vadd.f32 v37, v36;
	v25 =	vsub.f32 v59, v25  }
0x1ea: {  	v35 =	vmul.f32 $1.442695020e+00, v35;
	v26 =	vsub.f32 v3, v26  }
0x1eb: {  	v44 =	vadd.s32 v28, v14;
	v52 =	vmul.f32 $-4.000000000e+00, v36;
	v25 =	vmul.f32 v25, v25  }
0x1ec: {  	v26 =	vmul.f32 v26, v26;
	v40 =	vsub.f32 v59, v40;
	v3 =	vsub.f32 v3, v51  }
0x1ed: {  	v15 =	vadd.s32 v28, v15;
	(erf) = vpow2.f32 v35;
	v35 =	vmul.f32 $1.442695020e+00, v52  }
0x1ee: {  	s4 =	simm.s32 $0x0;
	v55 =	vadd.f32 v26, v25;
	v14 =	vmul.f32 v40, v40;
	v3 =	vmul.f32 v3, v3  }
0x1ef: {  	v21 =	vadd.f32 v33, v21;
	v53 =	vadd.s32 s4, v0;
	v61 =	vpop (erf);
	(erf) = vpow2.f32 v35  }
0x1f0: {  	v22 =	vmul.f32 v61, v22;
	v42 =	vmul.f32 $-4.000000000e+00, v55;
	v3 =	vadd.f32 v3, v14  }
0x1f1: {  	v2 =	vld [tilespmem:s30+$0xC60];
	v30 =	vadd.f32 v30, v32;
	v16 =	vadd.s32 v28, v16;
	vm0 =	vgt.u32 v53, $0x18  }
0x1f2: {  	v21 =	vadd.f32 v22, v21;
	v51 =	vld.idx.msk [tilespmem:v44+s24+$0x0], $0xffff;
	v58 =	vmul.f32 $1.442695020e+00, v42;
	v3 =	vmul.f32 $-4.000000000e+00, v3  }
0x1f3: {  	v22 =	vadd.f32 v61, v30;
	v26 =	vadd.s32 s4, v4;
	v25 =	vor.u32 $0x3019, v1  }
0x1f4: {  	v30 =	vld.idx.msk [tilespmem:v15+s24+$0x0], $0xffff;
	v36 =	vsel vm0, v26, v53;
	(erf) = vpow2.f32 v58;
	v3 =	vmul.f32 $1.442695020e+00, v3  }
0x1f5: {  	v57 =	vadd.s32 v25, v36  }
0x1f6: {  	v29 =	vadd.s32 v28, v29;
	v26 =	vor.u32 $0x3032, v1;
	v55 =	vpop (erf);
	(erf) = vpow2.f32 v3  }
0x1f7: {  	v43 =	vadd.s32 v26, v36;
	v40 =	vmul.f32 v55, v51  }
0x1f8: {  	v16 =	vld.idx.msk [tilespmem:v16+s24+$0x0], $0xffff;
	v58 =	vpop (erf)  }
0x1f9: {  	v14 =	vld.idx.msk [tilespmem:v2+s20+$0x0], $0xffff;
	v21 =	vadd.f32 v40, v21;
	v30 =	vmul.f32 v58, v30  }
0x1fa: {  	v60 =	vld.idx.msk [tilespmem:v57+s24+$0x0], $0xffff  }
0x1fb: {  	v21 =	vadd.f32 v30, v21;
	v30 =	vld.idx.msk [tilespmem:v29+s24+$0x0], $0xffff  }
0x1fc: {  	v50 =	vld.idx.msk [tilespmem:v43+s24+$0x0], $0xffff  }
0x1fd: {  	s7 =	simm.s32 $0x1;
	v61 =	vpop (erf)  }
0x1fe: {  	v46 =	vadd.s32 s7, v0;
	v16 =	vmul.f32 v61, v16  }
0x1ff: {  	vm11 =	vgt.u32 v46, $0x18;
	v51 =	vpop (erf)  }
0x200: {  	v52 =	vadd.s32 s7, v4;
	v21 =	vadd.f32 v16, v21;
	v30 =	vmul.f32 v51, v30  }
0x201: {  	v35 =	vsel vm11, v52, v46;
	v32 =	vsub.f32 v59, v60;
	v37 =	vsub.f32 v14, v50  }
0x202: {  	v53 =	vadd.s32 v25, v35;
	v21 =	vadd.f32 v30, v21  }
0x203: {  	v3 =	vadd.s32 v26, v35;
	v32 =	vmul.f32 v32, v32;
	v37 =	vmul.f32 v37, v37  }
0x204: {  	s8 =	simm.s32 $0x2;
	[tilespmem:$0x1FCF0] =	vst v21;
	v21 =	vld.idx.msk [tilespmem:v2+s4+$0x0], $0xffff  }
0x205: {  	v15 =	vadd.s32 s8, v0;
	v22 =	vadd.f32 v55, v22;
	v32 =	vadd.f32 v37, v32  }
0x206: {  	vm12 =	vgt.u32 v15, $0x18;
	v57 =	vadd.s32 s8, v4  }
0x207: {  	v33 =	vld.idx.msk [tilespmem:v53+s24+$0x0], $0xffff;
	s8 =	simm.s32 $0x3;
	v15 =	vsel vm12, v57, v15;
	v22 =	vadd.f32 v58, v22;
	v32 =	vmul.f32 $-4.000000000e+00, v32  }
0x208: {  	v46 =	vadd.s32 s8, v0;
	v60 =	vadd.s32 v25, v15;
	v3 =	vld.idx.msk [tilespmem:v3+s24+$0x0], $0xffff;
	v16 =	vadd.s32 s8, v4;
	s8 =	simm.s32 $0x4  }
0x209: {  	v22 =	vadd.f32 v61, v22;
	v32 =	vmul.f32 $1.442695020e+00, v32;
	[tilespmem:$0x1FD00] =	vst v21;
	v21 =	vadd.s32 s8, v0  }
0x20a: {  	v43 =	vadd.s32 v26, v15;
	v30 =	vadd.s32 s8, v4;
	vm14 =	vgt.u32 v21, $0x18  }
0x20b: {  	(erf) = vpow2.f32 v32;
	v32 =	vsel vm14, v30, v21;
	v21 =	vadd.f32 v51, v22  }
0x20c: {  	vm13 =	vgt.u32 v46, $0x18  }
0x20d: {  	v33 =	vsub.f32 v59, v33;
	v29 =	vor.u32 $0x3000, v1;
	v3 =	vsub.f32 v14, v3;
	[tilespmem:$0x1FD10] =	vst v21;
	v21 =	vld.idx.msk [tilespmem:v2+s18+$0x0], $0xffff  }
0x20e: {  	v36 =	vadd.s32 v29, v36;
	v50 =	vld.idx.msk [tilespmem:v60+s24+$0x0], $0xffff;
	v16 =	vsel vm13, v16, v46  }
0x20f: {  	v53 =	vmul.f32 v33, v33;
	v43 =	vld.idx.msk [tilespmem:v43+s24+$0x0], $0xffff;
	v55 =	vadd.s32 v26, v16;
	v3 =	vmul.f32 v3, v3  }
0x210: {  	v52 =	vadd.s32 v25, v16  }
0x211: {  	v3 =	vadd.f32 v3, v53  }
0x212: {  	[tilespmem:$0x1FD20] =	vst v21;
	v21 =	vld.idx.msk [tilespmem:v2+s16+$0x0], $0xffff  }
0x213: {  	v36 =	vld.idx.msk [tilespmem:v36+s24+$0x0], $0xffff;
	v37 =	vsub.f32 v59, v50;
	v3 =	vmul.f32 $-4.000000000e+00, v3  }
0x214: {  	v57 =	vsub.f32 v14, v43;
	v58 =	vld.idx.msk [tilespmem:v55+s24+$0x0], $0xffff  }
0x215: {  	v35 =	vadd.s32 v29, v35;
	v37 =	vmul.f32 v37, v37;
	v3 =	vmul.f32 $1.442695020e+00, v3;
	v30 =	vld.idx.msk [tilespmem:v52+s24+$0x0], $0xffff  }
0x216: {  	[tilespmem:$0x1FD40] =	vst v2;
	v42 =	vmul.f32 v57, v57;
	v60 =	vadd.s32 v25, v32;
	v2 =	vld.idx.msk [tilespmem:v2+s28+$0x0], $0xffff  }
0x217: {  	(erf) = vpow2.f32 v3;
	[tilespmem:$0x1FD30] =	vst v21;
	v21 =	vadd.s32 v26, v32  }
0x218: {  	v40 =	vimm.f32 $0.0e+00;
	s8 =	simm.s32 $0x5;
	v22 =	vadd.f32 v42, v37  }
0x219: {  	v43 =	vsub.f32 v14, v58;
	v61 =	vadd.s32 s8, v0;
	v3 =	vadd.s32 s8, v4;
	v37 =	vpop (erf)  }
0x21a: {  	v35 =	vld.idx.msk [tilespmem:v35+s24+$0x0], $0xffff;
	vm15 =	vgt.u32 v61, $0x18;
	v42 =	vmul.f32 v37, v36;
	v22 =	vmul.f32 $-4.000000000e+00, v22  }
0x21b: {  	v33 =	vimm.f32 $0.0e+00;
	s4 =	simm.s32 $0x6;
	v36 =	vsel vm15, v3, v61;
	v30 =	vsub.f32 v59, v30;
	v3 =	vld.idx.msk [tilespmem:v60+s24+$0x0], $0xffff;
	[tilespmem:$0x1FD50] =	vst v2  }
.LBB2_17:
0x21c: {  	p0 =	sne.s32 s4, $0x18;
	v44 =	vld.idx.msk [tilespmem:v21+s24+$0x0], $0xffff;
	v46 =	vadd.s32 v29, v15;
	v22 =	vmul.f32 $1.442695020e+00, v22;
	v33 =	vadd.f32 v42, v33;
	v15 =	vmovc v16  }
0x21d: {  	v50 =	vadd.s32 v25, v36;
	v16 =	vmovc v32;
	v30 =	vmul.f32 v30, v30;
	v42 =	vmul.f32 v43, v43  }
.Ltmp7:
0x21e: {  	v21 =	vadd.s32 v26, v36;
	v40 =	vadd.f32 v37, v40;
	v32 =	vmovc v36;
	(erf) = vpow2.f32 v22;
	(pc) =	sbr.rel @p0 .LBB2_17-.Ltmp7, $4  }
0x21f: {  	v22 =	vadd.f32 v42, v30  }
0x220: {  	v36 =	vadd.s32 s4, v4;
	v30 =	vadd.s32 s4, v0;
	v37 =	vpop (erf)  }
0x221: {  	vm0 =	vgt.u32 v30, $0x18;
	v22 =	vmul.f32 $-4.000000000e+00, v22;
	v42 =	vmul.f32 v37, v35;
	v35 =	vld.idx.msk [tilespmem:v46+s24+$0x0], $0xffff  }
0x222: {  	s4 =	sadd.s32 $0x1, s4;
	v36 =	vsel vm0, v36, v30;
	v30 =	vsub.f32 v59, v3;
	v43 =	vsub.f32 v14, v44;
	v3 =	vld.idx.msk [tilespmem:v50+s24+$0x0], $0xffff  }
0x223: {  	_ =	sdelay $0x3  }
0x224: {  	v21 =	vld.idx.msk [tilespmem:v21+s24+$0x0], $0xffff;
	v44 =	vadd.s32 v25, v36  }
0x225: {  	v46 =	vadd.s32 v26, v36;
	_ =	sdelay $0x1  }
0x226: {  	v22 =	vmul.f32 $1.442695020e+00, v22  }
0x227: {  	v2 =	vld [tilespmem:s30+$0xC70];
	s4 =	simm.s32 $0x0;
	v30 =	vmul.f32 v30, v30;
	v43 =	vmul.f32 v43, v43  }
0x228: {  	v50 =	vadd.s32 s4, v4;
	v3 =	vsub.f32 v59, v3;
	v44 =	vld.idx.msk [tilespmem:v44+s24+$0x0], $0xffff;
	v21 =	vsub.f32 v14, v21  }
0x229: {  	(erf) = vpow2.f32 v22;
	v22 =	vadd.s32 s4, v0;
	v30 =	vadd.f32 v43, v30;
	v57 =	vld.idx.msk [tilespmem:v46+s24+$0x0], $0xffff  }
0x22a: {  	vm0 =	vgt.u32 v22, $0x18;
	v58 =	vmul.f32 v3, v3;
	v21 =	vmul.f32 v21, v21  }
0x22b: {  	v50 =	vsel vm0, v50, v22;
	v22 =	vor.u32 $0x3832, v1;
	v30 =	vmul.f32 $-4.000000000e+00, v30  }
0x22c: {  	v51 =	vadd.s32 v22, v50;
	v46 =	vadd.f32 v21, v58;
	v21 =	vor.u32 $0x3819, v1  }
0x22d: {  	v30 =	vmul.f32 $1.442695020e+00, v30;
	v60 =	vadd.s32 v21, v50  }
0x22e: {  	v44 =	vsub.f32 v59, v44;
	v14 =	vsub.f32 v14, v57  }
0x22f: {  	(erf) = vpow2.f32 v30  }
0x230: {  	v30 =	vld.idx.msk [tilespmem:v2+s20+$0x0], $0xffff;
	v44 =	vmul.f32 v44, v44;
	v14 =	vmul.f32 v14, v14  }
0x231: {  	v15 =	vadd.s32 v29, v15;
	v53 =	vld.idx.msk [tilespmem:v51+s24+$0x0], $0xffff  }
0x232: {  	v37 =	vadd.f32 v37, v40;
	v46 =	vmul.f32 $-4.000000000e+00, v46;
	v14 =	vadd.f32 v14, v44;
	v40 =	vld.idx.msk [tilespmem:v60+s24+$0x0], $0xffff;
	_ =	sdelay $0x1  }
0x233: {  	v16 =	vadd.s32 v29, v16;
	v46 =	vmul.f32 $1.442695020e+00, v46;
	v14 =	vmul.f32 $-4.000000000e+00, v14;
	_ =	sdelay $0x1  }
0x234: {  	v32 =	vadd.s32 v29, v32;
	v61 =	vpop (erf);
	(erf) = vpow2.f32 v46;
	v14 =	vmul.f32 $1.442695020e+00, v14  }
0x235: {  	v15 =	vld.idx.msk [tilespmem:v15+s24+$0x0], $0xffff;
	v44 =	vsub.f32 v30, v53;
	v40 =	vsub.f32 v59, v40  }
0x236: {  	v57 =	vadd.s32 v29, v36;
	(erf) = vpow2.f32 v14  }
0x237: {  	s7 =	simm.s32 $0x1;
	v16 =	vld.idx.msk [tilespmem:v16+s24+$0x0], $0xffff;
	v44 =	vmul.f32 v44, v44;
	v40 =	vmul.f32 v40, v40  }
0x238: {  	v33 =	vadd.f32 v42, v33;
	v52 =	vadd.s32 s7, v0;
	v35 =	vmul.f32 v61, v35  }
0x239: {  	v55 =	vadd.s32 s7, v4;
	vm11 =	vgt.u32 v52, $0x18;
	v32 =	vld.idx.msk [tilespmem:v32+s24+$0x0], $0xffff;
	v60 =	vpop (erf);
	v40 =	vadd.f32 v44, v40  }
0x23a: {  	v43 =	vsel vm11, v55, v52;
	v33 =	vadd.f32 v35, v33;
	v15 =	vmul.f32 v60, v15  }
0x23b: {  	v35 =	vadd.f32 v61, v37;
	v58 =	vadd.s32 v22, v43;
	v36 =	vld.idx.msk [tilespmem:v57+s24+$0x0], $0xffff;
	v52 =	vpop (erf);
	v40 =	vmul.f32 $-4.000000000e+00, v40  }
0x23c: {  	s8 =	simm.s32 $0x2;
	v37 =	vadd.s32 v21, v43;
	v15 =	vadd.f32 v15, v33;
	v16 =	vmul.f32 v52, v16  }
0x23d: {  	v61 =	vadd.s32 s8, v4;
	v14 =	vadd.s32 s8, v0;
	v46 =	vpop (erf)  }
0x23e: {  	vm12 =	vgt.u32 v14, $0x18;
	v15 =	vadd.f32 v16, v15;
	v16 =	vmul.f32 v46, v32  }
0x23f: {  	v14 =	vsel vm12, v61, v14;
	v61 =	vmul.f32 $1.442695020e+00, v40;
	v40 =	vpop (erf)  }
0x240: {  	v42 =	vld.idx.msk [tilespmem:v58+s24+$0x0], $0xffff;
	v58 =	vadd.f32 v16, v15;
	v36 =	vmul.f32 v40, v36  }
0x241: {  	v33 =	vld.idx.msk [tilespmem:v37+s24+$0x0], $0xffff  }
0x242: {  	v55 =	vadd.s32 v21, v14;
	v3 =	vadd.f32 v36, v58  }
0x243: {  	v35 =	vadd.f32 v60, v35;
	v51 =	vadd.s32 v22, v14  }
0x244: {  	s30 =	simm.s32 $0x3;
	[tilespmem:$0x1FC90] =	vst v3;
	v3 =	vld.idx.msk [tilespmem:v2+s4+$0x0], $0xffff  }
0x245: {  	v57 =	vadd.s32 s30, v0;
	v32 =	vadd.f32 v52, v35  }
0x246: {  	vm13 =	vgt.u32 v57, $0x18;
	v42 =	vsub.f32 v30, v42;
	v33 =	vsub.f32 v59, v33  }
0x247: {  	v15 =	vadd.s32 s30, v4;
	v16 =	vor.u32 $0x3800, v1;
	v46 =	vadd.f32 v46, v32;
	v60 =	vld.idx.msk [tilespmem:v55+s24+$0x0], $0xffff  }
0x248: {  	v53 =	vmul.f32 v42, v42;
	v15 =	vsel vm13, v15, v57;
	v51 =	vld.idx.msk [tilespmem:v51+s24+$0x0], $0xffff;
	v50 =	vadd.s32 v16, v50  }
0x249: {  	v33 =	vmul.f32 v33, v33;
	v52 =	vadd.s32 v21, v15;
	[tilespmem:$0x1FCA0] =	vst v3;
	v3 =	vadd.f32 v40, v46  }
0x24a: {  	s8 =	simm.s32 $0x4;
	v42 =	vadd.s32 v22, v15;
	(erf) = vpow2.f32 v61  }
0x24b: {  	v55 =	vadd.f32 v53, v33;
	v57 =	vadd.s32 s8, v0;
	[tilespmem:$0x1FCB0] =	vst v3;
	v3 =	vld.idx.msk [tilespmem:v2+s18+$0x0], $0xffff  }
0x24c: {  	vm14 =	vgt.u32 v57, $0x18;
	v35 =	vsub.f32 v59, v60  }
0x24d: {  	v61 =	vmul.f32 $-4.000000000e+00, v55;
	v58 =	vadd.s32 s8, v4;
	v44 =	vld.idx.msk [tilespmem:v50+s24+$0x0], $0xffff;
	v60 =	vsub.f32 v30, v51  }
0x24e: {  	v32 =	vsel vm14, v58, v57;
	v52 =	vld.idx.msk [tilespmem:v52+s24+$0x0], $0xffff;
	v35 =	vmul.f32 v35, v35  }
0x24f: {  	v57 =	vadd.s32 v16, v43;
	v53 =	vld.idx.msk [tilespmem:v42+s24+$0x0], $0xffff;
	v58 =	vmul.f32 v60, v60;
	v60 =	vmul.f32 $1.442695020e+00, v61  }
0x250: {  	v36 =	vadd.s32 v21, v32;
	[tilespmem:$0x1FCC0] =	vst v3;
	v3 =	vld.idx.msk [tilespmem:v2+s16+$0x0], $0xffff  }
0x251: {  	s30 =	simm.s32 $0x5;
	v37 =	vadd.s32 v22, v32;
	(erf) = vpow2.f32 v60  }
0x252: {  	v55 =	vadd.s32 s30, v4;
	v61 =	vadd.f32 v58, v35  }
0x253: {  	v51 =	vimm.f32 $0.0e+00;
	v42 =	vld.idx.msk [tilespmem:v2+s28+$0x0], $0xffff;
	v35 =	vpop (erf);
	v43 =	vsub.f32 v59, v52;
	v46 =	vadd.s32 s30, v0  }
0x254: {  	[tilespmem:$0x1FCE0] =	vst v2;
	v40 =	vmul.f32 $-4.000000000e+00, v61;
	v61 =	vld.idx.msk [tilespmem:v57+s24+$0x0], $0xffff;
	v58 =	vmul.f32 v35, v44;
	vm15 =	vgt.u32 v46, $0x18  }
0x255: {  	s4 =	simm.s32 $0x6;
	v60 =	vimm.f32 $0.0e+00;
	v36 =	vld.idx.msk [tilespmem:v36+s24+$0x0], $0xffff;
	v44 =	vsub.f32 v30, v53;
	v33 =	vsel vm15, v55, v46;
	[tilespmem:$0x1FCD0] =	vst v3  }
.LBB2_19:
0x256: {  	p0 =	sne.s32 s4, $0x18;
	v50 =	vld.idx.msk [tilespmem:v37+s24+$0x0], $0xffff;
	v52 =	vadd.s32 v16, v14;
	v40 =	vmul.f32 $1.442695020e+00, v40;
	v51 =	vadd.f32 v58, v51;
	v14 =	vmovc v15  }
0x257: {  	v53 =	vadd.s32 v21, v33;
	v15 =	vmovc v32;
	v43 =	vmul.f32 v43, v43;
	v44 =	vmul.f32 v44, v44  }
.Ltmp8:
0x258: {  	v37 =	vadd.s32 v22, v33;
	v60 =	vadd.f32 v35, v60;
	v32 =	vmovc v33;
	(erf) = vpow2.f32 v40;
	(pc) =	sbr.rel @p0 .LBB2_19-.Ltmp8, $4  }
0x259: {  	v33 =	vadd.f32 v44, v43  }
0x25a: {  	v43 =	vadd.s32 s4, v0;
	v44 =	vadd.s32 s4, v4;
	v35 =	vpop (erf)  }
0x25b: {  	vm0 =	vgt.u32 v43, $0x18;
	v40 =	vmul.f32 $-4.000000000e+00, v33;
	v58 =	vmul.f32 v35, v61;
	v61 =	vld.idx.msk [tilespmem:v52+s24+$0x0], $0xffff  }
0x25c: {  	s4 =	sadd.s32 $0x1, s4;
	v33 =	vsel vm0, v44, v43;
	v43 =	vsub.f32 v59, v36;
	v44 =	vsub.f32 v30, v50;
	v36 =	vld.idx.msk [tilespmem:v53+s24+$0x0], $0xffff  }
0x25d: {  	v52 =	vmul.f32 $3.000000000e+00, v41;
	_ =	sdelay $0x1  }
0x25e: {  	v3 =	vmul.f32 v56, v52;
	_ =	sdelay $0x1  }
0x25f: {  	v53 =	vshra.s32 v3, $0x1;
	v55 =	vmul.f32 $5.000000000e-01, v3  }
0x260: {  	v53 =	vsub.s32 $0x5F3759DF, v53  }
0x261: {  	v46 =	vmul.f32 v53, v55;
	_ =	sdelay $0x1  }
0x262: {  	v56 =	vmul.f32 v53, v46;
	_ =	sdelay $0x1  }
0x263: {  	v56 =	vsub.f32 $1.500000000e+00, v56;
	_ =	sdelay $0x1  }
0x264: {  	v53 =	vmul.f32 v53, v56;
	_ =	sdelay $0x1  }
0x265: {  	v56 =	vmul.f32 v53, v55;
	_ =	sdelay $0x1  }
0x266: {  	v56 =	vmul.f32 v56, v53  }
0x267: {  	v57 =	vadd.s32 v21, v33  }
0x268: {  	v43 =	vmul.f32 v43, v43;
	v44 =	vmul.f32 v44, v44;
	v56 =	vsub.f32 $1.500000000e+00, v56  }
0x269: {  	v37 =	vld.idx.msk [tilespmem:v37+s24+$0x0], $0xffff  }
0x26a: {  	v2 =	vld [tilespmem:$0x1FF80];
	v43 =	vadd.f32 v44, v43;
	v44 =	vmul.f32 v56, v53  }
0x26b: {  	v50 =	vadd.s32 v22, v33;
	v40 =	vmul.f32 $1.442695020e+00, v40  }
0x26c: {  	v46 =	vld.idx.msk [tilespmem:v57+s24+$0x0], $0xffff;
	v55 =	vmul.f32 v44, v55  }
0x26d: {  	(erf) = vpow2.f32 v40;
	v36 =	vsub.f32 v59, v36  }
0x26e: {  	v43 =	vmul.f32 $-4.000000000e+00, v43;
	v37 =	vsub.f32 v30, v37;
	v55 =	vmul.f32 v55, v44  }
0x26f: {  	v36 =	vmul.f32 v36, v36;
	v57 =	vmul.f32 v2, v52  }
0x270: {  	v41 =	vld.idx.msk [tilespmem:v50+s24+$0x0], $0xffff;
	v43 =	vmul.f32 $1.442695020e+00, v43;
	v37 =	vmul.f32 v37, v37;
	v50 =	vsub.f32 $1.500000000e+00, v55  }
0x271: {  	v40 =	vsub.f32 v59, v46;
	v59 =	vshra.s32 v57, $0x1;
	v55 =	vmul.f32 $5.000000000e-01, v57  }
0x272: {  	(erf) = vpow2.f32 v43;
	v43 =	vmul.f32 v50, v44;
	v44 =	vsub.s32 $0x5F3759DF, v59  }
0x273: {  	v46 =	vmul.f32 v44, v55  }
0x274: {  	v48 =	vsub.f32 v47, v48;
	v36 =	vadd.f32 v37, v36  }
0x275: {  	v53 =	vsub.f32 v45, v38;
	v50 =	vmul.f32 v44, v46  }
0x276: {  	v30 =	vsub.f32 v30, v41;
	v36 =	vmul.f32 $-4.000000000e+00, v36;
	v56 =	vmul.f32 v48, v48  }
0x277: {  	v53 =	vmul.f32 v53, v53;
	v46 =	vsub.f32 v49, v39;
	v37 =	vsub.f32 $1.500000000e+00, v50  }
0x278: {  	v2 =	vld [tilespmem:$0x1FF40];
	v30 =	vmul.f32 v30, v30;
	v40 =	vmul.f32 v40, v40  }
0x279: {  	v48 =	vadd.f32 v56, v53;
	v41 =	vmul.f32 v46, v46;
	v37 =	vmul.f32 v44, v37  }
0x27a: {  	v36 =	vmul.f32 $1.442695020e+00, v36;
	v43 =	vmul.f32 v43, v3  }
0x27b: {  	v30 =	vadd.f32 v30, v40;
	v40 =	vadd.f32 v41, v48;
	v53 =	vmul.f32 v37, v55  }
0x27c: {  	(erf) = vpow2.f32 v36;
	v50 =	vmul.f32 $4.289000030e-01, v43  }
0x27d: {  	v43 =	vsub.f32 v45, v2;
	v2 =	vld [tilespmem:$0x1FF20];
	v40 =	vmax.f32 v40, $9.999999960e-13;
	v36 =	vmul.f32 v53, v37  }
0x27e: {  	v40 =	vmul.f32 $3.571064710e+00, v40  }
0x27f: {  	v30 =	vmul.f32 $-4.000000000e+00, v30;
	v36 =	vsub.f32 $1.500000000e+00, v36  }
0x280: {  	v59 =	vmul.f32 v40, v40  }
0x281: {  	v30 =	vmul.f32 $1.442695020e+00, v30;
	v41 =	vadd.f32 $4.440700050e+00, v50;
	v36 =	vmul.f32 v36, v37  }
0x282: {  	v37 =	vmul.f32 v59, v40;
	v59 =	vmul.f32 v2, v52;
	v2 =	vld [tilespmem:$0x1FF50]  }
0x283: {  	(erf) = vpow2.f32 v30;
	v30 =	vmul.f32 v41, v41;
	_ =	sdelay $0x1  }
0x284: {  	v44 =	vmul.f32 v30, v30;
	_ =	sdelay $0x1  }
0x285: {  	v15 =	vadd.s32 v16, v15;
	v41 =	vmul.f32 v44, v30;
	v44 =	vsub.f32 v47, v2;
	v2 =	vld [tilespmem:$0x1FF60];
	_ =	sdelay $0x1  }
0x286: {  	p0 =	seq.s32 s21, $0x1F  }
0x287: {  	s4 =	sadd.s32 @!p0 $0x2, s23;
	v46 =	vmul.f32 v36, v55  }
0x288: {  	v32 =	vadd.s32 v16, v32;
	s7 =	sshll.u32 @!p0 s4, $0x1  }
0x289: {  	s30 =	sadd.s32 @!p0 s6, s7;
	v56 =	vmax.f32 v54, $9.999999740e-06;
	v53 =	vmul.f32 v46, v36;
	v46 =	vsub.f32 v49, v2;
	v2 =	vld.idx.msk [tilespmem:v15+s24+$0x0], $0xffff  }
0x28a: {  	s4 =	sshll.u32 @!p0 s4, $0x7;
	v55 =	vmov @!p0 s30;
	v48 =	vshra.s32 v59, $0x1;
	v38 =	vmul.f32 $5.000000000e-01, v59  }
0x28b: {  	s23 =	sand.u32 @!p0 $0x3FFFFF80, s4;
	(erf) = vrcp.f32 v56;
	v55 =	vand.u32 @!p0 $0xFFFFFFFC, v55;
	v56 =	vsub.s32 $0x5F3759DF, v48  }
0x28c: {  	v48 =	vld @!p0 [tilespmem:s23+$0xC00];
	v55 =	vbroadcast @!p0 v55, $0x0;
	v50 =	vmul.f32 v56, v38;
	v53 =	vsub.f32 $1.500000000e+00, v53  }
0x28d: {  	v33 =	vadd.s32 v16, v33;
	v43 =	vmul.f32 v43, v43  }
0x28e: {  	v39 =	vmul.f32 v56, v50;
	v36 =	vmul.f32 v53, v36;
	[tilespmem:$0x1FBC0] =	vst v2;
	v2 =	vld.idx.msk [tilespmem:v32+s24+$0x0], $0xffff  }
0x28f: {  	[tilespmem:$0x1FBD0] =	vst v54;
	v54 =	vadd.s32 v16, v14;
	v30 =	vmul.f32 v41, v30;
	v44 =	vmul.f32 v44, v44  }
0x290: {  	v40 =	vmul.f32 v37, v40;
	v39 =	vsub.f32 $1.500000000e+00, v39;
	v36 =	vmul.f32 v36, v57  }
0x291: {  	s4 =	simm.s32 @!p0 $0x600;
	v37 =	vadd.f32 v41, v37;
	v50 =	vadd.f32 v44, v43;
	v14 =	vmul.f32 v46, v46  }
0x292: {  	v30 =	vadd.f32 v30, v40;
	v40 =	vld.idx.msk @!p0 [tilespmem:v55+s4+$0x0], $0xffff;
	v39 =	vmul.f32 v56, v39;
	v36 =	vmul.f32 $4.289000030e-01, v36  }
0x293: {  	(erf) = vrcp.f32 v37;
	v37 =	vadd.f32 v14, v50;
	v50 =	vmul.f32 v62, v52;
	[tilespmem:$0x1FBF0] =	vst v2;
	v2 =	vld.idx.msk [tilespmem:v33+s24+$0x0], $0xffff  }
0x294: {  	(erf) = vrcp.f32 v30;
	v41 =	vld.idx.msk @!p0 [tilespmem:v48+s4+$0x0], $0xffff;
	v56 =	vmul.f32 v39, v38;
	v48 =	vadd.f32 $4.440700050e+00, v36  }
0x295: {  	v30 =	vmax.f32 v37, $9.999999960e-13;
	v62 =	vshra.s32 v50, $0x1;
	v53 =	vmul.f32 $5.000000000e-01, v50  }
0x296: {  	v37 =	vmul.f32 v56, v39;
	v46 =	vsub.s32 $0x5F3759DF, v62;
	v30 =	vmul.f32 $3.571064710e+00, v30  }
0x297: {  	v43 =	vld.idx.msk [tilespmem:v54+s24+$0x0], $0xffff;
	v52 =	vmul.u32 @!p0 $0x5F, v40;
	v54 =	vmul.f32 v46, v53;
	v33 =	vmul.f32 v48, v48  }
0x298: {  	v37 =	vsub.f32 $1.500000000e+00, v37;
	v56 =	vmul.f32 v30, v30;
	[tilespmem:$0x1FC10] =	vst v2;
	v2 =	vld [tilespmem:$0x1FE60]  }
0x299: {  	v40 =	vadd.s32 @!p0 v41, v52;
	v32 =	vmul.f32 v46, v54;
	v44 =	vmul.f32 v33, v33  }
0x29a: {  	[tilespmem:$0x2C80] =	vst @!p0 v40;
	v39 =	vmul.f32 v37, v39;
	v40 =	vmul.f32 v56, v30  }
0x29b: {  	v37 =	vmul.f32 $3.000000000e+00, v34;
	v48 =	vld @!p0 [tilespmem:s23+$0xC10];
	v32 =	vsub.f32 $1.500000000e+00, v32;
	v41 =	vmul.f32 v44, v33  }
0x29c: {  	v30 =	vmul.f32 v40, v30  }
0x29d: {  	v32 =	vmul.f32 v46, v32;
	v46 =	vadd.f32 v41, v40;
	v40 =	vmul.f32 v2, v37;
	v2 =	vld [tilespmem:$0x1FEE0];
	_ =	sdelay $0x1  }
0x29e: {  	v62 =	vmov v63;
	v63 =	vmax.f32 v63, $9.999999740e-06  }
0x29f: {  	(erf) = vrcp.f32 v63;
	v63 =	vmul.f32 v32, v53  }
0x2a0: {  	[tilespmem:$0x1FBE0] =	vst v3;
	v3 =	vld [tilespmem:$0x1FF00];
	v38 =	vmul.f32 v39, v38  }
0x2a1: {  	v44 =	vmul.f32 v63, v32;
	v63 =	vsub.f32 v45, v2;
	v2 =	vld [tilespmem:$0x1FEF0]  }
0x2a2: {  	v38 =	vmul.f32 v38, v39;
	v48 =	vld.idx.msk @!p0 [tilespmem:v48+s4+$0x0], $0xffff  }
0x2a3: {  	v14 =	vld [tilespmem:$0x1FE80];
	(erf) = vrcp.f32 v46;
	v46 =	vshra.s32 v40, $0x1;
	v56 =	vmul.f32 $5.000000000e-01, v40  }
0x2a4: {  	v38 =	vsub.f32 $1.500000000e+00, v38;
	v54 =	vsub.f32 $1.500000000e+00, v44;
	v55 =	vsub.s32 $0x5F3759DF, v46  }
0x2a5: {  	v33 =	vmul.f32 v41, v33;
	v44 =	vmul.f32 v55, v56  }
0x2a6: {  	v38 =	vmul.f32 v38, v39;
	v32 =	vmul.f32 v54, v32;
	v2 =	vsub.f32 v47, v2  }
0x2a7: {  	v46 =	vsub.f32 v49, v3;
	v41 =	vadd.s32 @!p0 v52, v48;
	v54 =	vmul.f32 v55, v44  }
0x2a8: {  	[tilespmem:$0x2C90] =	vst @!p0 v41;
	v41 =	vsub.f32 v45, v14;
	v14 =	vld [tilespmem:$0x1FEA0];
	v63 =	vmul.f32 v63, v63;
	v2 =	vmul.f32 v2, v2  }
0x2a9: {  	v30 =	vadd.f32 v33, v30;
	v38 =	vmul.f32 v38, v59  }
0x2aa: {  	v34 =	vmul.f32 v46, v46;
	v33 =	vsub.f32 $1.500000000e+00, v54;
	v2 =	vadd.f32 v2, v63  }
0x2ab: {  	(erf) = vrcp.f32 v30;
	v30 =	vmul.f32 $4.289000030e-01, v38  }
0x2ac: {  	v3 =	vld [tilespmem:$0x1FE90];
	v39 =	vmul.f32 v32, v53;
	v33 =	vmul.f32 v55, v33;
	v2 =	vadd.f32 v34, v2  }
0x2ad: {  	v30 =	vadd.f32 $4.440700050e+00, v30;
	v47 =	vsub.f32 v47, v14;
	v14 =	vld [tilespmem:$0x1FEB0]  }
0x2ae: {  	v46 =	vmul.f32 v33, v56;
	v63 =	vmul.f32 v39, v32;
	v2 =	vmax.f32 v2, $9.999999960e-13  }
0x2af: {  	v30 =	vmul.f32 v30, v30;
	v2 =	vmul.f32 $3.571064710e+00, v2  }
0x2b0: {  	v41 =	vmul.f32 v41, v41;
	v34 =	vsub.f32 $1.500000000e+00, v63;
	v63 =	vmul.f32 v46, v33  }
0x2b1: {  	v44 =	vmax.f32 v3, $9.999999740e-06;
	v46 =	vmul.f32 v30, v30;
	v45 =	vmul.f32 v2, v2  }
0x2b2: {  	(erf) = vrcp.f32 v44;
	v48 =	vmul.f32 v47, v47;
	v44 =	vsub.f32 v49, v14  }
0x2b3: {  	v55 =	vmul.f32 v46, v30;
	v53 =	vmul.f32 v45, v2  }
0x2b4: {  	v41 =	vadd.f32 v48, v41;
	v47 =	vmul.f32 v44, v44;
	v32 =	vmul.f32 v34, v32  }
0x2b5: {  	v34 =	vsub.f32 $1.500000000e+00, v63;
	v30 =	vmul.f32 v55, v30;
	v2 =	vmul.f32 v53, v2  }
0x2b6: {  	v48 =	vadd.f32 v55, v53  }
0x2b7: {  	v34 =	vmul.f32 v34, v33;
	v33 =	vadd.f32 v47, v41;
	v2 =	vadd.f32 v30, v2  }
0x2b8: {  	v39 =	vld @!p0 [tilespmem:s23+$0xC20];
	v53 =	vpop (erf);
	(erf) = vrcp.f32 v48  }
0x2b9: {  	v14 =	vld [tilespmem:$0x1FE10];
	v30 =	vmax.f32 v33, $9.999999960e-13;
	v33 =	vmax.f32 v31, $9.999999740e-06;
	v36 =	vpop (erf);
	(erf) = vrcp.f32 v2  }
0x2ba: {  	v44 =	vpop (erf);
	(erf) = vrcp.f32 v33;
	v33 =	vld [tilespmem:$0x1FDD0];
	_ =	sdelay $0x3  }
0x2bb: {  	v15 =	vld [tilespmem:$0x1FDE0]  }
0x2bc: {  	v46 =	vsub.f32 v33, v14;
	v14 =	vld [tilespmem:$0x1FE30];
	_ =	sdelay $0x2  }
0x2bd: {  	v38 =	vld.idx.msk @!p0 [tilespmem:v39+s4+$0x0], $0xffff  }
0x2be: {  	v32 =	vmul.f32 v32, v50  }
0x2bf: {  	v47 =	vsub.f32 v15, v14;
	v14 =	vld [tilespmem:$0x1FDC0]  }
0x2c0: {  	v32 =	vmul.f32 $4.289000030e-01, v32  }
0x2c1: {  	v49 =	vmul.f32 v34, v56  }
0x2c2: {  	v32 =	vadd.f32 $4.440700050e+00, v32;
	v2 =	vmul.f32 $3.571064710e+00, v30;
	v30 =	vadd.s32 @!p0 v52, v38  }
0x2c3: {  	v56 =	vmul.f32 v49, v34;
	[tilespmem:$0x2CA0] =	vst @!p0 v30;
	v30 =	vld [tilespmem:$0x1FDF0]  }
0x2c4: {  	v32 =	vmul.f32 v32, v32;
	v38 =	vmul.f32 v14, v37;
	v14 =	vld [tilespmem:$0x1FE40]  }
0x2c5: {  	v63 =	vsub.f32 $1.500000000e+00, v56;
	v41 =	vld @!p0 [tilespmem:s23+$0xC30]  }
0x2c6: {  	v49 =	vmul.f32 v32, v32  }
0x2c7: {  	v34 =	vmul.f32 v63, v34  }
0x2c8: {  	v63 =	vmul.f32 v49, v32;
	v45 =	vmul.f32 v2, v2  }
0x2c9: {  	v48 =	vmul.f32 v46, v46;
	v55 =	vmul.f32 v47, v47;
	v56 =	vsub.f32 v30, v14  }
0x2ca: {  	v39 =	vmul.f32 v45, v2;
	v46 =	vshra.s32 v38, $0x1;
	v45 =	vmul.f32 $5.000000000e-01, v38  }
0x2cb: {  	v48 =	vadd.f32 v55, v48;
	v46 =	vsub.s32 $0x5F3759DF, v46;
	v56 =	vmul.f32 v56, v56  }
0x2cc: {  	[tilespmem:$0x1FC20] =	vst v31;
	v34 =	vmul.f32 v34, v40;
	v47 =	vmul.f32 v46, v45;
	v14 =	vld [tilespmem:$0x1FD80]  }
0x2cd: {  	v31 =	vmul.f32 v63, v32;
	v2 =	vmul.f32 v39, v2;
	v48 =	vadd.f32 v56, v48;
	v56 =	vld.idx.msk @!p0 [tilespmem:v41+s4+$0x0], $0xffff  }
0x2ce: {  	v34 =	vmul.f32 $4.289000030e-01, v34;
	v39 =	vadd.f32 v63, v39;
	v55 =	vmul.f32 v46, v47  }
0x2cf: {  	v2 =	vadd.f32 v31, v2  }
0x2d0: {  	v32 =	vpop (erf);
	v34 =	vadd.f32 $4.440700050e+00, v34;
	(erf) = vrcp.f32 v39;
	v54 =	vsub.f32 $1.500000000e+00, v55  }
0x2d1: {  	v41 =	vpop (erf);
	(erf) = vrcp.f32 v2;
	v55 =	vmax.f32 v14, $9.999999740e-06;
	v31 =	vmax.f32 v48, $9.999999960e-13  }
0x2d2: {  	v14 =	vld [tilespmem:$0x1FD50];
	v2 =	vmul.f32 $3.571064710e+00, v31;
	v31 =	vmul.f32 v46, v54;
	v39 =	vadd.s32 @!p0 v52, v56  }
0x2d3: {  	v34 =	vmul.f32 v34, v34;
	v3 =	vpop (erf);
	(erf) = vrcp.f32 v55;
	[tilespmem:$0x2CB0] =	vst @!p0 v39  }
0x2d4: {  	v56 =	vmul.f32 v2, v2;
	v47 =	vmul.f32 v31, v45;
	v55 =	vld @!p0 [tilespmem:s23+$0xC40]  }
0x2d5: {  	v63 =	vmul.f32 v34, v34  }
0x2d6: {  	v46 =	vmul.f32 v56, v2;
	v47 =	vmul.f32 v47, v31  }
0x2d7: {  	v39 =	vmul.f32 v63, v34;
	v48 =	vmul.f32 v14, v37  }
0x2d8: {  	v37 =	vmul.f32 v42, v37;
	v14 =	vmul.f32 v46, v2;
	v42 =	vsub.f32 $1.500000000e+00, v47;
	v2 =	vld [tilespmem:$0x1FD70];
	_ =	sdelay $0x1  }
0x2d9: {  	v34 =	vmul.f32 v39, v34;
	v39 =	vadd.f32 v39, v46;
	v31 =	vmul.f32 v42, v31  }
0x2da: {  	s7 =	sor.u32 @!p0 $0x1, s30  }
0x2db: {  	v63 =	vmov @!p0 s7;
	v42 =	vpop (erf);
	(erf) = vrcp.f32 v39;
	v39 =	vmul.f32 v31, v45;
	v45 =	vld.idx.msk @!p0 [tilespmem:v55+s4+$0x0], $0xffff  }
0x2dc: {  	v55 =	vsub.f32 v33, v2;
	v2 =	vld [tilespmem:$0x1FD90];
	_ =	sdelay $0x1  }
0x2dd: {  	v54 =	vmul.f32 $5.000000000e-01, v48  }
0x2de: {  	v49 =	vshra.s32 v37, $0x1;
	v46 =	vshra.s32 v48, $0x1;
	v56 =	vmovc v62;
	v62 =	vmul.f32 $5.000000000e-01, v37  }
0x2df: {  	v49 =	vsub.s32 $0x5F3759DF, v49;
	v46 =	vsub.s32 $0x5F3759DF, v46;
	v52 =	vld.idx.msk @!p0 [tilespmem:v63+s4+$0x0], $0xffff  }
0x2e0: {  	[tilespmem:$0x1FC00] =	vst v3;
	v63 =	vmul.f32 v46, v54;
	v47 =	vmul.f32 v49, v62;
	v3 =	vsub.f32 v15, v2;
	v2 =	vld [tilespmem:$0x1FDA0];
	_ =	sdelay $0x1  }
0x2e1: {  	v63 =	vmul.f32 v46, v63;
	v47 =	vmul.f32 v49, v47  }
0x2e2: {  	v39 =	vmul.f32 v39, v31  }
0x2e3: {  	v63 =	vsub.f32 $1.500000000e+00, v63;
	v47 =	vsub.f32 $1.500000000e+00, v47;
	v55 =	vmul.f32 v55, v55  }
0x2e4: {  	v39 =	vsub.f32 $1.500000000e+00, v39;
	v3 =	vmul.f32 v3, v3;
	v2 =	vsub.f32 v30, v2  }
0x2e5: {  	v46 =	vmul.f32 v46, v63;
	v47 =	vmul.f32 v49, v47  }
0x2e6: {  	v31 =	vmul.f32 v39, v31;
	v3 =	vadd.f32 v3, v55;
	v2 =	vmul.f32 v2, v2  }
0x2e7: {  	v63 =	vmul.f32 v46, v54;
	v55 =	vmul.f32 v47, v62  }
0x2e8: {  	v2 =	vadd.f32 v2, v3;
	v3 =	vmul.f32 v31, v38  }
0x2e9: {  	v14 =	vadd.f32 v34, v14;
	v31 =	vmul.f32 v63, v46;
	v63 =	vmul.f32 v55, v47;
	_ =	sdelay $0x1  }
0x2ea: {  	v39 =	vpop (erf);
	(erf) = vrcp.f32 v14;
	v14 =	vsub.f32 $1.500000000e+00, v31;
	v31 =	vsub.f32 $1.500000000e+00, v63;
	v63 =	vld [tilespmem:$0x1FD10]  }
0x2eb: {  	v34 =	vmul.f32 v53, v61;
	v61 =	vld [tilespmem:$0x1FD00]  }
0x2ec: {  	v52 =	vmul.u32 @!p0 $0x5F, v52;
	_ =	sdelay $0x1  }
0x2ed: {  	v45 =	vadd.s32 @!p0 v45, v52;
	v14 =	vmul.f32 v14, v46  }
0x2ee: {  	v35 =	vadd.f32 v35, v60;
	[tilespmem:$0x2CC0] =	vst @!p0 v45;
	v45 =	vmax.f32 v63, $9.999999740e-06  }
0x2ef: {  	v60 =	vld [tilespmem:$0x1FD20];
	v55 =	vpop (erf);
	(erf) = vrcp.f32 v45;
	v45 =	vsub.f32 v33, v61;
	v61 =	vmul.f32 v14, v54  }
0x2f0: {  	v3 =	vmul.f32 $4.289000030e-01, v3  }
0x2f1: {  	v31 =	vmul.f32 v31, v47;
	v47 =	vmul.f32 v61, v14;
	v61 =	vld [tilespmem:$0x1FD30];
	_ =	sdelay $0x1  }
0x2f2: {  	v49 =	vld @!p0 [tilespmem:s23+$0xC50];
	v3 =	vadd.f32 $4.440700050e+00, v3  }
0x2f3: {  	v2 =	vmax.f32 v2, $9.999999960e-13;
	v54 =	vsub.f32 v15, v60  }
0x2f4: {  	v35 =	vadd.f32 v53, v35;
	v2 =	vmul.f32 $3.571064710e+00, v2;
	v3 =	vmul.f32 v3, v3  }
0x2f5: {  	v45 =	vmul.f32 v45, v45;
	v53 =	vmul.f32 v54, v54;
	v61 =	vsub.f32 v30, v61  }
0x2f6: {  	v46 =	vmul.f32 v2, v2  }
0x2f7: {  	v60 =	vmul.f32 v3, v3;
	v45 =	vadd.f32 v53, v45;
	v61 =	vmul.f32 v61, v61  }
0x2f8: {  	v54 =	vmul.f32 v31, v62  }
0x2f9: {  	v46 =	vmul.f32 v46, v2;
	v60 =	vmul.f32 v60, v3;
	v45 =	vadd.f32 v61, v45;
	v61 =	vld [tilespmem:$0x1FCC0]  }
0x2fa: {  	v49 =	vld.idx.msk @!p0 [tilespmem:v49+s4+$0x0], $0xffff;
	v53 =	vmul.f32 v54, v31  }
0x2fb: {  	v47 =	vsub.f32 $1.500000000e+00, v47;
	v62 =	vadd.f32 v60, v46;
	v3 =	vmul.f32 v60, v3;
	v60 =	vld [tilespmem:$0x1FCA0];
	_ =	sdelay $0x1  }
0x2fc: {  	v2 =	vmul.f32 v46, v2;
	v14 =	vmul.f32 v47, v14  }
0x2fd: {  	v46 =	vsub.f32 $1.500000000e+00, v53;
	v53 =	vpop (erf);
	(erf) = vrcp.f32 v62;
	v62 =	vsub.f32 v15, v61;
	v15 =	vld [tilespmem:$0x1FCD0]  }
0x2fe: {  	v49 =	vadd.s32 @!p0 v52, v49;
	v14 =	vmul.f32 v14, v48  }
0x2ff: {  	[tilespmem:$0x2CD0] =	vst @!p0 v49;
	v31 =	vmul.f32 v46, v31;
	v47 =	vsub.f32 v33, v60  }
0x300: {  	v43 =	vmul.f32 v36, v43;
	v54 =	vld @!p0 [tilespmem:s23+$0xC60];
	v14 =	vmul.f32 $4.289000030e-01, v14  }
0x301: {  	v31 =	vmul.f32 v31, v37;
	v47 =	vmul.f32 v47, v47;
	v61 =	vld [tilespmem:$0x1FCB0]  }
0x302: {  	v45 =	vmax.f32 v45, $9.999999960e-13;
	v49 =	vmul.f32 v62, v62;
	v33 =	vsub.f32 v30, v15;
	v15 =	vld [tilespmem:$0x1FBC0]  }
0x303: {  	v2 =	vadd.f32 v3, v2;
	v14 =	vadd.f32 $4.440700050e+00, v14;
	v31 =	vmul.f32 $4.289000030e-01, v31  }
0x304: {  	v3 =	vmul.f32 $3.571064710e+00, v45;
	v47 =	vadd.f32 v49, v47;
	v46 =	vmul.f32 v33, v33  }
0x305: {  	v14 =	vmul.f32 v14, v14;
	v45 =	vpop (erf);
	(erf) = vrcp.f32 v2  }
0x306: {  	v60 =	vmul.f32 v3, v3;
	v2 =	vmax.f32 v61, $9.999999740e-06;
	v46 =	vadd.f32 v46, v47  }
0x307: {  	v49 =	vpop (erf);
	(erf) = vrcp.f32 v2;
	v2 =	vadd.f32 $4.440700050e+00, v31;
	v30 =	vmul.f32 v44, v15;
	v15 =	vld [tilespmem:$0x1FBD0]  }
0x308: {  	v62 =	vadd.f32 v36, v35;
	v36 =	vmul.f32 v14, v14;
	v46 =	vmax.f32 v46, $9.999999960e-13  }
0x309: {  	v54 =	vld.idx.msk @!p0 [tilespmem:v54+s4+$0x0], $0xffff;
	v2 =	vmul.f32 v2, v2;
	v46 =	vmul.f32 $3.571064710e+00, v46  }
0x30a: {  	v35 =	vmul.f32 v36, v14;
	v31 =	vmul.f32 v60, v3;
	v60 =	vadd.f32 v58, v51  }
0x30b: {  	v33 =	vadd.f32 v44, v62;
	v36 =	vmul.f32 v2, v2;
	v62 =	vmul.f32 v46, v46  }
0x30c: {  	vm1 =	vge.f32 v15, $9.999999740e-06;
	v15 =	vld [tilespmem:$0x1FBE0]  }
0x30d: {  	v34 =	vadd.f32 v34, v60;
	v60 =	vmul.f32 v36, v2;
	v51 =	vmul.f32 v62, v46  }
0x30e: {  	v54 =	vadd.s32 @!p0 v52, v54  }
0x30f: {  	[tilespmem:$0x2CE0] =	vst @!p0 v54;
	v54 =	vld [tilespmem:$0x1FFD0];
	v2 =	vmul.f32 v60, v2;
	v62 =	vmul.f32 v51, v46  }
0x310: {  	v46 =	vadd.f32 v60, v51;
	v60 =	vld [tilespmem:$0x1FFC0]  }
0x311: {  	v2 =	vadd.f32 v2, v62;
	v62 =	vmul.f32 $7.875000230e-01, v15;
	v15 =	vld [tilespmem:$0x1FBF0];
	_ =	sdelay $0x3  }
0x312: {  	vm0 =	vne.s32 v54, v60;
	v54 =	vld [tilespmem:$0x1FF30]  }
0x313: {  	v33 =	vadd.f32 v32, v33;
	v32 =	vmul.f32 v32, v15;
	v15 =	vld [tilespmem:$0x1FC00]  }
0x314: {  	v3 =	vmul.f32 v31, v3;
	v31 =	vadd.f32 v35, v31  }
0x315: {  	v14 =	vmul.f32 v35, v14  }
0x316: {  	v35 =	vpop (erf);
	(erf) = vrcp.f32 v31;
	v31 =	vadd.f32 v43, v34;
	vm0 =	vmand vm0, vm1  }
0x317: {  	v58 =	vld @!p0 [tilespmem:s23+$0xC70];
	v51 =	vnsel vm0, $0x0, v54  }
0x318: {  	v30 =	vadd.f32 v30, v31;
	v31 =	vmul.f32 v51, v15;
	v15 =	vld [tilespmem:$0x1FF10];
	_ =	sdelay $0x4  }
0x319: {  	v3 =	vadd.f32 v14, v3;
	v33 =	vadd.f32 v41, v33;
	vm2 =	vne.s32 v15, v60;
	v15 =	vld [tilespmem:$0x1FEC0]  }
0x31a: {  	v47 =	vpop (erf)  }
0x31b: {  	v14 =	vpop (erf);
	v36 =	vmax.f32 v33, $9.999999740e-06;
	v51 =	vld.idx.msk @!p0 [tilespmem:v58+s4+$0x0], $0xffff  }
0x31c: {  	v34 =	vpop (erf);
	v58 =	vld [tilespmem:$0x1FF70]  }
0x31d: {  	(erf) = vrcp.f32 v3;
	v3 =	vpop (erf)  }
0x31e: {  	(erf) = vrcp.f32 v36;
	v36 =	vpop (erf);
	vm10 =	vne.s32 v15, v60;
	v15 =	vld [tilespmem:$0x1FED0]  }
0x31f: {  	v43 =	vpop (erf);
	(erf) = vrcp.f32 v46  }
0x320: {  	(erf) = vrcp.f32 v2;
	v39 =	vmul.f32 v39, v62;
	v2 =	vpop (erf)  }
0x321: {  	vm9 =	vge.f32 v56, $9.999999740e-06;
	v62 =	vmul.f32 $7.875000230e-01, v57;
	v44 =	vpop (erf);
	vm8 =	vne.s32 v58, v60  }
0x322: {  	v39 =	vadd.f32 v39, v42;
	v46 =	vpop (erf);
	vm0 =	vmand vm8, vm9  }
0x323: {  	v45 =	vmul.f32 v45, v62;
	v54 =	vpop (erf);
	v62 =	vnsel vm0, $0x0, v15;
	v15 =	vld [tilespmem:$0x1FC10]  }
0x324: {  	v42 =	vpop (erf);
	v58 =	vmul.f32 v62, v55;
	v62 =	vld [tilespmem:$0x1FF90]  }
0x325: {  	v56 =	vpop (erf)  }
0x326: {  	v31 =	vmul.f32 v31, v39;
	v39 =	vpop (erf)  }
0x327: {  	v45 =	vadd.f32 v45, v53;
	v51 =	vadd.s32 @!p0 v52, v51;
	v52 =	vpop (erf);
	v60 =	vmul.f32 $7.875000230e-01, v59  }
0x328: {  	s8 =	simm.s32 @!p0 $0x2D80;
	s7 =	simm.s32 @!p0 $0x2C80;
	v30 =	vadd.f32 v32, v30;
	s4 =	simm.s32 @!p0 $0x80;
	[tilespmem:$0x2CF0] =	vst @!p0 v51;
	v59 =	vld [tilespmem:$0x1FE70];
	v15 =	vmul.f32 v41, v15;
	v41 =	vpop (erf)  }
0x329: {  	[tilespmem:s8], [sflag:$0x1] =	stream.indirect.gather @!p0 [hbm4b:s5+s4], $0x80, s7, s4, $0xb8;
	v57 =	vmul.f32 v47, v60;
	v32 =	vmul.f32 v58, v45;
	v58 =	vld [tilespmem:$0x1FC20];
	v31 =	vadd.f32 v31, v62;
	v47 =	vpop (erf)  }
0x32a: {  	v55 =	vld [tilespmem:$0x1FE90];
	_ =	swait.ge [sflag:s29], $0x4000  }
0x32b: {  	v32 =	vadd.f32 v32, v31;
	v31 =	vld [tilespmem:$0x1FE00];
	_ =	sdelay $0x1  }
0x32c: {  	v50 =	vmul.f32 $7.875000230e-01, v50  }
0x32d: {  	vm12 =	vge.f32 v58, $9.999999740e-06  }
0x32e: {  	v3 =	vmul.f32 v3, v50;
	v50 =	vld [tilespmem:$0x1FE20];
	vm13 =	vmand vm10, vm12  }
0x32f: {  	v53 =	vld [tilespmem:$0x1FE50];
	v31 =	vnsel vm13, $0x0, v31  }
0x330: {  	v3 =	vadd.f32 v3, v34;
	vm11 =	vge.f32 v55, $9.999999740e-06;
	v55 =	vld [tilespmem:$0x1FD80];
	v14 =	vmul.f32 v31, v14;
	_ =	sdelay $0x1  }
0x331: {  	v3 =	vmul.f32 v14, v3;
	v14 =	vld [tilespmem:$0x1FD60];
	_ =	sdelay $0x2  }
0x332: {  	vm0 =	vmand vm2, vm11;
	vm15 =	vne.s32 v53, v50;
	vm4 =	vge.f32 v55, $9.999999740e-06  }
0x333: {  	v51 =	vnsel vm0, $0x0, v59;
	vm0 =	vmand vm15, vm4  }
0x334: {  	v14 =	vnsel vm0, $0x0, v14  }
0x335: {  	s4 =	simm.s32 $0x0;
	v36 =	vmul.f32 v14, v36;
	v14 =	vld [tilespmem:$0x1FDB0]  }
0x336: {  	v60 =	vadd.s32 s4, v0;
	v35 =	vadd.f32 v57, v35;
	v49 =	vmul.f32 v51, v49  }
0x337: {  	vm14 =	vgt.u32 v60, $0x18;
	v62 =	vadd.s32 s4, v4;
	[sflag:s29] =	ssyncset.done $0x0  }
0x338: {  	v34 =	vsel vm14, v62, v60;
	[sflag:s29] =	ssyncadd.s32 $0xFFFFC000;
	v35 =	vmul.f32 v49, v35;
	v49 =	vld [tilespmem:$0x1FFA0]  }
0x339: {  	v58 =	vadd.s32 v5, v34;
	v31 =	vld [tilespmem:s0+$0xC00]  }
0x33a: {  	v60 =	vadd.s32 v6, v34;
	vm5 =	vne.s32 v14, v50;
	v14 =	vld [tilespmem:$0x1FCF0]  }
0x33b: {  	v57 =	vmul.f32 $7.875000230e-01, v40  }
0x33c: {  	v59 =	vmul.f32 $7.875000230e-01, v38;
	v45 =	vld [tilespmem:$0x1FD40]  }
0x33d: {  	vm6 =	vge.f32 v63, $9.999999740e-06;
	v2 =	vmul.f32 v2, v57;
	v57 =	vld [tilespmem:$0x1FCE0]  }
0x33e: {  	v32 =	vadd.f32 v35, v32;
	v35 =	vmul.f32 v54, v59;
	v63 =	vld.idx.msk [tilespmem:v58+s26+$0x0], $0xffff;
	vm0 =	vmand vm5, vm6  }
0x33f: {  	vm8 =	vge.f32 v61, $9.999999740e-06;
	v30 =	vadd.f32 v15, v30;
	v38 =	vld.idx.msk [tilespmem:v60+s26+$0x0], $0xffff;
	v15 =	vnsel vm0, $0x0, v14  }
0x340: {  	s23 =	simm.s32 $0x1;
	v43 =	vadd.f32 v2, v43;
	v35 =	vadd.f32 v35, v46;
	v2 =	vld.idx.msk [tilespmem:v49+s20+$0x0], $0xffff;
	v15 =	vmul.f32 v15, v44  }
0x341: {  	v51 =	vadd.s32 s23, v4;
	vm12 =	vge.f32 v33, $9.999999740e-06;
	v46 =	vadd.s32 s23, v0;
	v14 =	vld.idx.msk [tilespmem:v31+s20+$0x0], $0xffff  }
0x342: {  	s30 =	simm.s32 $0x2;
	vm7 =	vne.s32 v45, v50;
	vm9 =	vgt.u32 v46, $0x18;
	v35 =	vmul.f32 v15, v35;
	v15 =	vld [tilespmem:$0x1FC90]  }
0x343: {  	v53 =	vmul.f32 $7.875000230e-01, v48;
	v55 =	vadd.s32 s30, v0;
	v40 =	vsel vm9, v51, v46  }
0x344: {  	v3 =	vadd.f32 v3, v32;
	v54 =	vadd.s32 v6, v40;
	v62 =	vmul.f32 v36, v43  }
0x345: {  	vm11 =	vne.s32 v57, v50;
	v43 =	vadd.s32 v5, v40;
	v36 =	vsub.f32 v2, v63  }
0x346: {  	vm10 =	vgt.u32 v55, $0x18;
	v3 =	vadd.f32 v62, v3;
	vm0 =	vmand vm7, vm8  }
0x347: {  	v36 =	vmul.f32 v36, v36;
	v38 =	vsub.f32 v14, v38;
	v15 =	vnsel vm0, $0x0, v15  }
0x348: {  	vm0 =	vmand vm11, vm12;
	v42 =	vmul.f32 v15, v42;
	v15 =	vmul.f32 v39, v53  }
0x349: {  	v60 =	vld.idx.msk [tilespmem:v54+s26+$0x0], $0xffff;
	v35 =	vadd.f32 v35, v3;
	v3 =	vnsel vm0, $0x0, v30;
	v30 =	vmul.f32 $7.875000230e-01, v37  }
0x34a: {  	v58 =	vld.idx.msk [tilespmem:v43+s26+$0x0], $0xffff;
	v38 =	vmul.f32 v38, v38;
	v56 =	vadd.f32 v15, v56;
	v15 =	vadd.s32 s30, v4  }
0x34b: {  	s8 =	simm.s32 $0x3;
	v50 =	vmul.f32 v3, v52;
	v3 =	vld.idx.msk [tilespmem:v49+s4+$0x0], $0xffff;
	v30 =	vmul.f32 v47, v30;
	v15 =	vsel vm10, v15, v55  }
0x34c: {  	v48 =	vadd.s32 s8, v0;
	v62 =	vadd.f32 v38, v36;
	v59 =	vadd.s32 v5, v15  }
0x34d: {  	v61 =	vadd.s32 v6, v15;
	v63 =	vmul.f32 v42, v56;
	v30 =	vadd.f32 v30, v41  }
0x34e: {  	vm13 =	vgt.u32 v48, $0x18;
	v33 =	vld.idx.msk [tilespmem:v49+s16+$0x0], $0xffff;
	v54 =	vadd.s32 v1, v34  }
0x34f: {  	v38 =	vmul.f32 $-4.000000000e+00, v62;
	v35 =	vadd.f32 v63, v35;
	v63 =	vmul.f32 v50, v30;
	v30 =	vld.idx.msk [tilespmem:v31+s4+$0x0], $0xffff  }
0x350: {  	v57 =	vld.idx.msk [tilespmem:v31+s18+$0x0], $0xffff;
	v43 =	vsub.f32 v14, v60;
	v52 =	vsub.f32 v2, v58;
	[tilespmem:$0x1FC30] =	vst v3;
	v3 =	vadd.s32 s8, v4  }
0x351: {  	v38 =	vmul.f32 $1.442695020e+00, v38;
	v3 =	vsel vm13, v3, v48;
	v51 =	vld.idx.msk [tilespmem:v59+s26+$0x0], $0xffff  }
0x352: {  	v60 =	vmul.f32 v52, v52;
	v62 =	vadd.s32 v6, v3;
	v53 =	vld.idx.msk [tilespmem:v61+s26+$0x0], $0xffff;
	v61 =	vmul.f32 v43, v43  }
0x353: {  	v34 =	vld.idx.msk [tilespmem:v49+s18+$0x0], $0xffff;
	(erf) = vpow2.f32 v38  }
0x354: {  	s23 =	simm.s32 $0x4;
	v55 =	vadd.s32 v5, v3;
	v59 =	vld.idx.msk [tilespmem:v49+s28+$0x0], $0xffff;
	[tilespmem:$0x1FC40] =	vst v30;
	v30 =	vadd.f32 v61, v60  }
0x355: {  	v32 =	vadd.s32 s23, v0;
	v49 =	vld.idx.msk [tilespmem:v54+s26+$0x0], $0xffff  }
0x356: {  	vm14 =	vgt.u32 v32, $0x18;
	v52 =	vadd.s32 v1, v40;
	v60 =	vld.idx.msk [tilespmem:v31+s16+$0x0], $0xffff;
	v50 =	vmul.f32 $-4.000000000e+00, v30  }
0x357: {  	v48 =	vadd.s32 s23, v4;
	v37 =	vsub.f32 v2, v51;
	v44 =	vsub.f32 v14, v53;
	v53 =	vld.idx.msk [tilespmem:v62+s26+$0x0], $0xffff  }
0x358: {  	v56 =	vadd.f32 v63, v35;
	v30 =	vsel vm14, v48, v32;
	v62 =	vld.idx.msk [tilespmem:v31+s28+$0x0], $0xffff;
	v58 =	vmul.f32 $1.442695020e+00, v50  }
0x359: {  	v51 =	vld.idx.msk [tilespmem:v55+s26+$0x0], $0xffff;
	v54 =	vadd.s32 v5, v30;
	v37 =	vmul.f32 v37, v37;
	v55 =	vmul.f32 v44, v44  }
0x35a: {  	[tilespmem:$0x1FC60] =	vst v57;
	v35 =	vadd.s32 v6, v30;
	(erf) = vpow2.f32 v58  }
0x35b: {  	v36 =	vimm.f32 $0.0e+00;
	s30 =	simm.s32 $0x5;
	[tilespmem:$0x1FC50] =	vst v56;
	v37 =	vadd.f32 v55, v37  }
0x35c: {  	v40 =	vimm.f32 $0.0e+00;
	v63 =	vadd.s32 s30, v4;
	v61 =	vadd.s32 s30, v0;
	v39 =	vpop (erf);
	[tilespmem:$0x1FC70] =	vst v60  }
0x35d: {  	v38 =	vld.idx.msk [tilespmem:v52+s26+$0x0], $0xffff;
	vm15 =	vgt.u32 v61, $0x18;
	v41 =	vmul.f32 v39, v49;
	[tilespmem:$0x1FC80] =	vst v62;
	v43 =	vmul.f32 $-4.000000000e+00, v37  }
0x35e: {  	s21 =	sadd.s32 $0x1, s21;
	s4 =	simm.s32 $0x6;
	v42 =	vld.idx.msk [tilespmem:v54+s26+$0x0], $0xffff;
	v44 =	vsub.f32 v2, v51;
	v45 =	vsub.f32 v14, v53;
	v37 =	vsel vm15, v63, v61  }
.LBB2_21:
0x35f: {  	p0 =	sne.s32 s4, $0x18;
	v46 =	vld.idx.msk [tilespmem:v35+s26+$0x0], $0xffff;
	v47 =	vadd.s32 v1, v15;
	v43 =	vmul.f32 $1.442695020e+00, v43;
	v36 =	vadd.f32 v41, v36;
	v15 =	vmovc v3  }
0x360: {  	v48 =	vadd.s32 v5, v37;
	v3 =	vmovc v30;
	v41 =	vmul.f32 v44, v44;
	v44 =	vmul.f32 v45, v45  }
.Ltmp9:
0x361: {  	v35 =	vadd.s32 v6, v37;
	v40 =	vadd.f32 v39, v40;
	v30 =	vmovc v37;
	(erf) = vpow2.f32 v43;
	(pc) =	sbr.rel @p0 .LBB2_21-.Ltmp9, $4  }
0x362: {  	v37 =	vadd.f32 v44, v41  }
0x363: {  	v45 =	vadd.s32 s4, v4;
	v44 =	vadd.s32 s4, v0;
	v39 =	vpop (erf)  }
0x364: {  	vm0 =	vgt.u32 v44, $0x18;
	v43 =	vmul.f32 $-4.000000000e+00, v37;
	v41 =	vmul.f32 v39, v38;
	v38 =	vld.idx.msk [tilespmem:v47+s26+$0x0], $0xffff  }
0x365: {  	s4 =	sadd.s32 $0x1, s4;
	v37 =	vsel vm0, v45, v44;
	v44 =	vsub.f32 v2, v42;
	v45 =	vsub.f32 v14, v46;
	v42 =	vld.idx.msk [tilespmem:v48+s26+$0x0], $0xffff  }
0x366: {  	v46 =	vadd.s32 v5, v37  }
0x367: {  	v47 =	vadd.s32 v6, v37;
	_ =	sdelay $0x2  }
0x368: {  	v48 =	vld.idx.msk [tilespmem:v35+s26+$0x0], $0xffff  }
0x369: {  	v53 =	vld.idx.msk [tilespmem:v46+s26+$0x0], $0xffff  }
0x36a: {  	v54 =	vld.idx.msk [tilespmem:v47+s26+$0x0], $0xffff  }
0x36b: {  	v50 =	vmul.f32 $1.442695020e+00, v43  }
0x36c: {  	s4 =	simm.s32 $0x0;
	v51 =	vmul.f32 v44, v44;
	v52 =	vmul.f32 v45, v45;
	v42 =	vsub.f32 v2, v42  }
0x36d: {  	v56 =	vadd.s32 s4, v0;
	v57 =	vadd.s32 s4, v4;
	v55 =	vsub.f32 v14, v48  }
0x36e: {  	v35 =	vld [tilespmem:s0+$0xC10];
	vm0 =	vgt.u32 v56, $0x18;
	v43 =	vadd.f32 v52, v51;
	v42 =	vmul.f32 v42, v42  }
0x36f: {  	v44 =	vmul.f32 v55, v55;
	v45 =	vsub.f32 v2, v53;
	v14 =	vsub.f32 v14, v54  }
0x370: {  	v43 =	vmul.f32 $-4.000000000e+00, v43;
	v47 =	vsel vm0, v57, v56  }
0x371: {  	v42 =	vadd.f32 v44, v42;
	v45 =	vmul.f32 v45, v45;
	v14 =	vmul.f32 v14, v14  }
0x372: {  	v15 =	vadd.s32 v1, v15;
	v60 =	vadd.s32 v9, v47;
	v43 =	vmul.f32 $1.442695020e+00, v43  }
0x373: {  	(erf) = vpow2.f32 v50;
	v61 =	vmul.f32 $-4.000000000e+00, v42;
	v14 =	vadd.f32 v14, v45  }
0x374: {  	v62 =	vpop (erf);
	v58 =	vadd.s32 v8, v47;
	(erf) = vpow2.f32 v43  }
0x375: {  	v63 =	vadd.s32 v1, v3;
	v52 =	vmul.f32 $1.442695020e+00, v61;
	v14 =	vmul.f32 $-4.000000000e+00, v14  }
0x376: {  	v3 =	vld.idx.msk [tilespmem:v35+s20+$0x0], $0xffff  }
0x377: {  	v30 =	vadd.s32 v1, v30;
	v44 =	vld.idx.msk [tilespmem:v60+s26+$0x0], $0xffff;
	(erf) = vpow2.f32 v52;
	v14 =	vmul.f32 $1.442695020e+00, v14  }
0x378: {  	v15 =	vld.idx.msk [tilespmem:v15+s26+$0x0], $0xffff  }
0x379: {  	s7 =	simm.s32 $0x1;
	v53 =	vld.idx.msk [tilespmem:v58+s26+$0x0], $0xffff;
	v60 =	vadd.s32 v1, v37;
	(erf) = vpow2.f32 v14  }
0x37a: {  	v36 =	vadd.f32 v41, v36;
	v57 =	vld.idx.msk [tilespmem:v63+s26+$0x0], $0xffff;
	v54 =	vadd.s32 s7, v0  }
0x37b: {  	v38 =	vmul.f32 v62, v38;
	v55 =	vadd.s32 s7, v4;
	vm11 =	vgt.u32 v54, $0x18  }
0x37c: {  	v39 =	vadd.f32 v39, v40;
	v30 =	vld.idx.msk [tilespmem:v30+s26+$0x0], $0xffff;
	v40 =	vsel vm11, v55, v54;
	v61 =	vpop (erf);
	v44 =	vsub.f32 v3, v44  }
0x37d: {  	v36 =	vadd.f32 v38, v36;
	v58 =	vadd.s32 v8, v40;
	v15 =	vmul.f32 v61, v15  }
0x37e: {  	v43 =	vadd.s32 v9, v40;
	v41 =	vsub.f32 v2, v53;
	v37 =	vld.idx.msk [tilespmem:v60+s26+$0x0], $0xffff;
	v63 =	vpop (erf);
	v44 =	vmul.f32 v44, v44  }
0x37f: {  	s30 =	simm.s32 $0x2;
	v15 =	vadd.f32 v15, v36;
	v51 =	vmul.f32 v63, v57  }
0x380: {  	v56 =	vadd.f32 v62, v39;
	v62 =	vadd.s32 s30, v4;
	v41 =	vmul.f32 v41, v41;
	v54 =	vpop (erf)  }
0x381: {  	s8 =	simm.s32 $0x3;
	v14 =	vadd.s32 s30, v0;
	v15 =	vadd.f32 v51, v15;
	v30 =	vmul.f32 v54, v30  }
0x382: {  	v55 =	vadd.s32 s8, v0;
	v52 =	vld.idx.msk [tilespmem:v58+s26+$0x0], $0xffff;
	v41 =	vadd.f32 v44, v41;
	vm12 =	vgt.u32 v14, $0x18;
	v44 =	vpop (erf)  }
0x383: {  	v43 =	vld.idx.msk [tilespmem:v43+s26+$0x0], $0xffff;
	v14 =	vsel vm12, v62, v14;
	v30 =	vadd.f32 v30, v15;
	v37 =	vmul.f32 v44, v37  }
0x384: {  	vm13 =	vgt.u32 v55, $0x18;
	v38 =	vadd.f32 v61, v56;
	v46 =	vadd.s32 v9, v14  }
0x385: {  	v56 =	vadd.s32 s8, v4;
	v53 =	vadd.s32 v8, v14;
	v30 =	vadd.f32 v37, v30  }
0x386: {  	v58 =	vadd.s32 v7, v47;
	v15 =	vsel vm13, v56, v55  }
0x387: {  	v41 =	vmul.f32 $-4.000000000e+00, v41;
	v60 =	vadd.s32 v8, v15;
	[tilespmem:$0x1FB60] =	vst v30;
	v30 =	vld.idx.msk [tilespmem:v35+s4+$0x0], $0xffff  }
0x388: {  	v39 =	vsub.f32 v2, v52;
	v43 =	vsub.f32 v3, v43;
	v62 =	vadd.s32 v9, v15  }
0x389: {  	v41 =	vmul.f32 $1.442695020e+00, v41;
	v57 =	vld.idx.msk [tilespmem:v46+s26+$0x0], $0xffff  }
0x38a: {  	v39 =	vmul.f32 v39, v39;
	v61 =	vmul.f32 v43, v43;
	v42 =	vld.idx.msk [tilespmem:v53+s26+$0x0], $0xffff  }
0x38b: {  	(erf) = vpow2.f32 v41;
	v41 =	vld.idx.msk [tilespmem:v58+s26+$0x0], $0xffff  }
0x38c: {  	s23 =	simm.s32 $0x4;
	v51 =	vld.idx.msk [tilespmem:v60+s26+$0x0], $0xffff;
	[tilespmem:$0x1FB70] =	vst v30;
	v30 =	vadd.f32 v61, v39  }
0x38d: {  	v32 =	vadd.s32 s23, v4;
	v38 =	vadd.f32 v63, v38;
	v53 =	vld.idx.msk [tilespmem:v62+s26+$0x0], $0xffff  }
0x38e: {  	v63 =	vadd.s32 s23, v0;
	v49 =	vsub.f32 v3, v57;
	v57 =	vld.idx.msk [tilespmem:v35+s18+$0x0], $0xffff;
	v50 =	vmul.f32 $-4.000000000e+00, v30  }
0x38f: {  	vm14 =	vgt.u32 v63, $0x18;
	v52 =	vadd.s32 v7, v40;
	v48 =	vsub.f32 v2, v42;
	v60 =	vld.idx.msk [tilespmem:v35+s16+$0x0], $0xffff  }
0x390: {  	v36 =	vadd.f32 v54, v38;
	v62 =	vld.idx.msk [tilespmem:v35+s28+$0x0], $0xffff;
	v30 =	vsel vm14, v32, v63;
	v58 =	vmul.f32 $1.442695020e+00, v50  }
0x391: {  	v55 =	vmul.f32 v48, v48;
	v56 =	vmul.f32 v49, v49;
	v54 =	vadd.s32 v8, v30  }
0x392: {  	s30 =	simm.s32 $0x5;
	v43 =	vadd.s32 v9, v30;
	(erf) = vpow2.f32 v58  }
0x393: {  	v40 =	vimm.f32 $0.0e+00;
	v38 =	vadd.f32 v56, v55;
	[tilespmem:$0x1FB90] =	vst v57;
	v61 =	vadd.s32 s30, v0  }
0x394: {  	[tilespmem:$0x1FBA0] =	vst v60;
	v45 =	vsub.f32 v2, v51;
	v39 =	vpop (erf);
	vm15 =	vgt.u32 v61, $0x18;
	v32 =	vadd.f32 v44, v36  }
0x395: {  	[tilespmem:$0x1FBB0] =	vst v62;
	v41 =	vmul.f32 v39, v41;
	v63 =	vadd.s32 s30, v4;
	v44 =	vmul.f32 $-4.000000000e+00, v38;
	v38 =	vld.idx.msk [tilespmem:v52+s26+$0x0], $0xffff  }
0x396: {  	s4 =	simm.s32 $0x6;
	v46 =	vsub.f32 v3, v53;
	v36 =	vimm.f32 $0.0e+00;
	v37 =	vsel vm15, v63, v61;
	[tilespmem:$0x1FB80] =	vst v32;
	v42 =	vld.idx.msk [tilespmem:v54+s26+$0x0], $0xffff  }
.LBB2_23:
0x397: {  	p0 =	sne.s32 s4, $0x18;
	v47 =	vld.idx.msk [tilespmem:v43+s26+$0x0], $0xffff;
	v48 =	vadd.s32 v7, v14;
	v44 =	vmul.f32 $1.442695020e+00, v44;
	v36 =	vadd.f32 v41, v36;
	v14 =	vmovc v15  }
0x398: {  	v49 =	vadd.s32 v8, v37;
	v15 =	vmovc v30;
	v41 =	vmul.f32 v45, v45;
	v45 =	vmul.f32 v46, v46  }
.Ltmp10:
0x399: {  	v43 =	vadd.s32 v9, v37;
	v40 =	vadd.f32 v39, v40;
	v30 =	vmovc v37;
	(erf) = vpow2.f32 v44;
	(pc) =	sbr.rel @p0 .LBB2_23-.Ltmp10, $4  }
0x39a: {  	v37 =	vadd.f32 v45, v41  }
0x39b: {  	v46 =	vadd.s32 s4, v4;
	v45 =	vadd.s32 s4, v0;
	v39 =	vpop (erf)  }
0x39c: {  	vm0 =	vgt.u32 v45, $0x18;
	v44 =	vmul.f32 $-4.000000000e+00, v37;
	v41 =	vmul.f32 v39, v38;
	v38 =	vld.idx.msk [tilespmem:v48+s26+$0x0], $0xffff  }
0x39d: {  	s4 =	sadd.s32 $0x1, s4;
	v37 =	vsel vm0, v46, v45;
	v45 =	vsub.f32 v2, v42;
	v46 =	vsub.f32 v3, v47;
	v42 =	vld.idx.msk [tilespmem:v49+s26+$0x0], $0xffff  }
0x39e: {  	v47 =	vadd.s32 v8, v37  }
0x39f: {  	v48 =	vadd.s32 v9, v37;
	_ =	sdelay $0x2  }
0x3a0: {  	v49 =	vld.idx.msk [tilespmem:v43+s26+$0x0], $0xffff  }
0x3a1: {  	v56 =	vld.idx.msk [tilespmem:v47+s26+$0x0], $0xffff  }
0x3a2: {  	v57 =	vld.idx.msk [tilespmem:v48+s26+$0x0], $0xffff  }
0x3a3: {  	v53 =	vmul.f32 $1.442695020e+00, v44;
	s4 =	simm.s32 $0x0;
	v54 =	vmul.f32 v45, v45  }
0x3a4: {  	v55 =	vmul.f32 v46, v46;
	v60 =	vadd.s32 s4, v0;
	v42 =	vsub.f32 v2, v42  }
0x3a5: {  	v61 =	vadd.s32 s4, v4;
	vm0 =	vgt.u32 v60, $0x18;
	v58 =	vsub.f32 v3, v49  }
0x3a6: {  	v44 =	vadd.f32 v55, v54;
	v48 =	vsel vm0, v61, v60;
	v42 =	vmul.f32 v42, v42  }
0x3a7: {  	v43 =	vld [tilespmem:s0+$0xC20];
	v45 =	vmul.f32 v58, v58;
	v46 =	vsub.f32 v2, v56;
	v3 =	vsub.f32 v3, v57  }
0x3a8: {  	v44 =	vmul.f32 $-4.000000000e+00, v44;
	v63 =	vadd.s32 v12, v48  }
0x3a9: {  	v42 =	vadd.f32 v45, v42;
	v46 =	vmul.f32 v46, v46;
	v3 =	vmul.f32 v3, v3  }
0x3aa: {  	v14 =	vadd.s32 v7, v14;
	v44 =	vmul.f32 $1.442695020e+00, v44  }
0x3ab: {  	(erf) = vpow2.f32 v53;
	v32 =	vmul.f32 $-4.000000000e+00, v42;
	v50 =	vadd.f32 v3, v46  }
0x3ac: {  	v49 =	vpop (erf);
	v62 =	vadd.s32 v11, v48;
	(erf) = vpow2.f32 v44  }
0x3ad: {  	v15 =	vadd.s32 v7, v15;
	v51 =	vmul.f32 $1.442695020e+00, v32;
	v44 =	vmul.f32 $-4.000000000e+00, v50  }
0x3ae: {  	v45 =	vld.idx.msk [tilespmem:v63+s26+$0x0], $0xffff  }
0x3af: {  	v30 =	vadd.s32 v7, v30;
	v3 =	vld.idx.msk [tilespmem:v43+s20+$0x0], $0xffff;
	(erf) = vpow2.f32 v51;
	v44 =	vmul.f32 $1.442695020e+00, v44  }
0x3b0: {  	v14 =	vld.idx.msk [tilespmem:v14+s26+$0x0], $0xffff  }
0x3b1: {  	v36 =	vadd.f32 v41, v36;
	s7 =	simm.s32 $0x1;
	v57 =	vadd.s32 v7, v37;
	v52 =	vld.idx.msk [tilespmem:v62+s26+$0x0], $0xffff;
	(erf) = vpow2.f32 v44  }
0x3b2: {  	v39 =	vadd.f32 v39, v40;
	s30 =	simm.s32 $0x2;
	v53 =	vadd.s32 s7, v0;
	v54 =	vadd.s32 s7, v4;
	v15 =	vld.idx.msk [tilespmem:v15+s26+$0x0], $0xffff  }
0x3b3: {  	vm11 =	vgt.u32 v53, $0x18;
	v61 =	vadd.s32 s30, v0;
	v38 =	vmul.f32 v49, v38  }
0x3b4: {  	v40 =	vsel vm11, v54, v53;
	v30 =	vld.idx.msk [tilespmem:v30+s26+$0x0], $0xffff;
	vm12 =	vgt.u32 v61, $0x18;
	v60 =	vpop (erf);
	v45 =	vsub.f32 v3, v45  }
0x3b5: {  	v58 =	vadd.s32 v12, v40;
	v36 =	vadd.f32 v38, v36;
	v62 =	vmul.f32 v60, v14  }
0x3b6: {  	v56 =	vadd.s32 v11, v40;
	v37 =	vld.idx.msk [tilespmem:v57+s26+$0x0], $0xffff;
	v41 =	vsub.f32 v2, v52;
	v63 =	vpop (erf);
	v45 =	vmul.f32 v45, v45  }
0x3b7: {  	v14 =	vadd.s32 s30, v4;
	v36 =	vadd.f32 v62, v36;
	v15 =	vmul.f32 v63, v15  }
0x3b8: {  	v14 =	vsel vm12, v14, v61;
	v41 =	vmul.f32 v41, v41;
	v53 =	vpop (erf)  }
0x3b9: {  	v52 =	vadd.s32 v12, v14;
	v15 =	vadd.f32 v15, v36;
	v30 =	vmul.f32 v53, v30  }
0x3ba: {  	v42 =	vld.idx.msk [tilespmem:v58+s26+$0x0], $0xffff;
	v41 =	vadd.f32 v45, v41;
	v45 =	vpop (erf)  }
0x3bb: {  	v55 =	vadd.f32 v49, v39;
	v39 =	vld.idx.msk [tilespmem:v56+s26+$0x0], $0xffff;
	v30 =	vadd.f32 v30, v15;
	v37 =	vmul.f32 v45, v37  }
0x3bc: {  	s8 =	simm.s32 $0x3  }
0x3bd: {  	v54 =	vadd.s32 s8, v0;
	v46 =	vadd.s32 v11, v14;
	v30 =	vadd.f32 v37, v30  }
0x3be: {  	vm13 =	vgt.u32 v54, $0x18;
	v38 =	vadd.f32 v60, v55;
	v55 =	vadd.s32 s8, v4;
	v57 =	vld.idx.msk [tilespmem:v52+s26+$0x0], $0xffff  }
0x3bf: {  	v58 =	vadd.s32 v10, v48;
	v41 =	vmul.f32 $-4.000000000e+00, v41;
	v15 =	vsel vm13, v55, v54;
	[tilespmem:$0x1FB00] =	vst v30;
	v30 =	vld.idx.msk [tilespmem:v43+s4+$0x0], $0xffff  }
0x3c0: {  	v42 =	vsub.f32 v3, v42;
	v39 =	vsub.f32 v2, v39;
	v60 =	vadd.s32 v11, v15  }
0x3c1: {  	v41 =	vmul.f32 $1.442695020e+00, v41;
	v62 =	vadd.s32 v12, v15  }
0x3c2: {  	v56 =	vld.idx.msk [tilespmem:v46+s26+$0x0], $0xffff;
	v61 =	vmul.f32 v42, v42;
	v39 =	vmul.f32 v39, v39  }
0x3c3: {  	v50 =	vsub.f32 v3, v57;
	v57 =	vld.idx.msk [tilespmem:v43+s18+$0x0], $0xffff;
	(erf) = vpow2.f32 v41  }
0x3c4: {  	v38 =	vadd.f32 v63, v38;
	v41 =	vld.idx.msk [tilespmem:v58+s26+$0x0], $0xffff;
	[tilespmem:$0x1FB10] =	vst v30;
	v30 =	vadd.f32 v61, v39  }
0x3c5: {  	s23 =	simm.s32 $0x4;
	v47 =	vld.idx.msk [tilespmem:v60+s26+$0x0], $0xffff  }
0x3c6: {  	v63 =	vadd.s32 s23, v0;
	v36 =	vadd.f32 v53, v38;
	v53 =	vld.idx.msk [tilespmem:v62+s26+$0x0], $0xffff;
	v51 =	vmul.f32 $-4.000000000e+00, v30  }
0x3c7: {  	v32 =	vadd.s32 s23, v4;
	vm14 =	vgt.u32 v63, $0x18;
	v49 =	vsub.f32 v2, v56;
	v60 =	vld.idx.msk [tilespmem:v43+s16+$0x0], $0xffff  }
0x3c8: {  	v52 =	vadd.s32 v10, v40;
	v62 =	vld.idx.msk [tilespmem:v43+s28+$0x0], $0xffff;
	v30 =	vsel vm14, v32, v63;
	v58 =	vmul.f32 $1.442695020e+00, v51  }
0x3c9: {  	v55 =	vmul.f32 v49, v49;
	v56 =	vmul.f32 v50, v50;
	v54 =	vadd.s32 v11, v30  }
0x3ca: {  	s30 =	simm.s32 $0x5;
	v44 =	vadd.s32 v12, v30;
	(erf) = vpow2.f32 v58  }
0x3cb: {  	v40 =	vimm.f32 $0.0e+00;
	v38 =	vadd.f32 v56, v55;
	[tilespmem:$0x1FB30] =	vst v57;
	v61 =	vadd.s32 s30, v0  }
0x3cc: {  	[tilespmem:$0x1FB40] =	vst v60;
	v46 =	vsub.f32 v2, v47;
	v39 =	vpop (erf);
	vm15 =	vgt.u32 v61, $0x18;
	v32 =	vadd.f32 v45, v36  }
0x3cd: {  	[tilespmem:$0x1FB50] =	vst v62;
	v41 =	vmul.f32 v39, v41;
	v63 =	vadd.s32 s30, v4;
	v45 =	vmul.f32 $-4.000000000e+00, v38;
	v38 =	vld.idx.msk [tilespmem:v52+s26+$0x0], $0xffff  }
0x3ce: {  	s4 =	simm.s32 $0x6;
	v47 =	vsub.f32 v3, v53;
	v36 =	vimm.f32 $0.0e+00;
	v37 =	vsel vm15, v63, v61;
	[tilespmem:$0x1FB20] =	vst v32;
	v42 =	vld.idx.msk [tilespmem:v54+s26+$0x0], $0xffff  }
.LBB2_25:
0x3cf: {  	p0 =	sne.s32 s4, $0x18;
	v48 =	vld.idx.msk [tilespmem:v44+s26+$0x0], $0xffff;
	v49 =	vadd.s32 v10, v14;
	v45 =	vmul.f32 $1.442695020e+00, v45;
	v36 =	vadd.f32 v41, v36;
	v14 =	vmovc v15  }
0x3d0: {  	v50 =	vadd.s32 v11, v37;
	v15 =	vmovc v30;
	v41 =	vmul.f32 v46, v46;
	v46 =	vmul.f32 v47, v47  }
.Ltmp11:
0x3d1: {  	v44 =	vadd.s32 v12, v37;
	v40 =	vadd.f32 v39, v40;
	v30 =	vmovc v37;
	(erf) = vpow2.f32 v45;
	(pc) =	sbr.rel @p0 .LBB2_25-.Ltmp11, $4  }
0x3d2: {  	v37 =	vadd.f32 v46, v41  }
0x3d3: {  	v47 =	vadd.s32 s4, v4;
	v46 =	vadd.s32 s4, v0;
	v39 =	vpop (erf)  }
0x3d4: {  	vm0 =	vgt.u32 v46, $0x18;
	v45 =	vmul.f32 $-4.000000000e+00, v37;
	v41 =	vmul.f32 v39, v38;
	v38 =	vld.idx.msk [tilespmem:v49+s26+$0x0], $0xffff  }
0x3d5: {  	s4 =	sadd.s32 $0x1, s4;
	v37 =	vsel vm0, v47, v46;
	v46 =	vsub.f32 v2, v42;
	v47 =	vsub.f32 v3, v48;
	v42 =	vld.idx.msk [tilespmem:v50+s26+$0x0], $0xffff  }
0x3d6: {  	v48 =	vadd.s32 v11, v37  }
0x3d7: {  	v49 =	vadd.s32 v12, v37;
	_ =	sdelay $0x2  }
0x3d8: {  	v44 =	vld.idx.msk [tilespmem:v44+s26+$0x0], $0xffff  }
0x3d9: {  	v48 =	vld.idx.msk [tilespmem:v48+s26+$0x0], $0xffff  }
0x3da: {  	v49 =	vld.idx.msk [tilespmem:v49+s26+$0x0], $0xffff;
	_ =	sdelay $0x1  }
0x3db: {  	v46 =	vmul.f32 v46, v46;
	v47 =	vmul.f32 v47, v47;
	v42 =	vsub.f32 v2, v42  }
0x3dc: {  	v45 =	vmul.f32 $1.442695020e+00, v45;
	v44 =	vsub.f32 v3, v44  }
0x3dd: {  	v14 =	vadd.s32 v10, v14;
	v57 =	vadd.f32 v47, v46;
	v42 =	vmul.f32 v42, v42  }
0x3de: {  	v44 =	vmul.f32 v44, v44;
	v61 =	vsub.f32 v2, v48;
	v3 =	vsub.f32 v3, v49  }
0x3df: {  	v15 =	vadd.s32 v10, v15;
	(erf) = vpow2.f32 v45;
	v45 =	vmul.f32 $-4.000000000e+00, v57  }
0x3e0: {  	s4 =	simm.s32 $0x0;
	v42 =	vadd.f32 v44, v42;
	v47 =	vmul.f32 v61, v61;
	v3 =	vmul.f32 v3, v3  }
0x3e1: {  	v58 =	vadd.s32 s4, v0;
	v60 =	vadd.s32 s4, v4;
	v45 =	vmul.f32 $1.442695020e+00, v45  }
0x3e2: {  	vm0 =	vgt.u32 v58, $0x18;
	v49 =	vmul.f32 $-4.000000000e+00, v42;
	v52 =	vadd.f32 v3, v47  }
0x3e3: {  	v50 =	vld [tilespmem:s0+$0xC30];
	v30 =	vadd.s32 v10, v30;
	v46 =	vsel vm0, v60, v58;
	v51 =	vpop (erf);
	(erf) = vpow2.f32 v45  }
0x3e4: {  	v62 =	vadd.s32 v17, v46;
	v53 =	vmul.f32 $1.442695020e+00, v49;
	v45 =	vmul.f32 $-4.000000000e+00, v52  }
0x3e5: {  	v63 =	vadd.s32 v19, v46  }
0x3e6: {  	v14 =	vld.idx.msk [tilespmem:v14+s26+$0x0], $0xffff;
	(erf) = vpow2.f32 v53;
	v45 =	vmul.f32 $1.442695020e+00, v45  }
0x3e7: {  	s7 =	simm.s32 $0x1;
	v15 =	vld.idx.msk [tilespmem:v15+s26+$0x0], $0xffff  }
0x3e8: {  	v55 =	vadd.s32 s7, v0;
	v60 =	vadd.s32 v10, v37;
	v30 =	vld.idx.msk [tilespmem:v30+s26+$0x0], $0xffff;
	(erf) = vpow2.f32 v45  }
0x3e9: {  	v36 =	vadd.f32 v41, v36;
	v56 =	vadd.s32 s7, v4;
	vm11 =	vgt.u32 v55, $0x18;
	v54 =	vld.idx.msk [tilespmem:v62+s26+$0x0], $0xffff  }
0x3ea: {  	v39 =	vadd.f32 v39, v40;
	v40 =	vsel vm11, v56, v55;
	v38 =	vmul.f32 v51, v38;
	v44 =	vld.idx.msk [tilespmem:v63+s26+$0x0], $0xffff  }
0x3eb: {  	s30 =	simm.s32 $0x2;
	v58 =	vadd.s32 v17, v40;
	v62 =	vpop (erf);
	v3 =	vld.idx.msk [tilespmem:v50+s20+$0x0], $0xffff  }
0x3ec: {  	v36 =	vadd.f32 v38, v36;
	v63 =	vadd.s32 s30, v0;
	v52 =	vmul.f32 v62, v14  }
0x3ed: {  	v37 =	vld.idx.msk [tilespmem:v60+s26+$0x0], $0xffff;
	vm12 =	vgt.u32 v63, $0x18;
	v61 =	vadd.s32 v19, v40;
	v14 =	vadd.s32 s30, v4;
	v53 =	vpop (erf)  }
0x3ee: {  	v14 =	vsel vm12, v14, v63;
	v36 =	vadd.f32 v52, v36;
	v15 =	vmul.f32 v53, v15  }
0x3ef: {  	v41 =	vsub.f32 v2, v54;
	v47 =	vadd.s32 v17, v14;
	v55 =	vpop (erf)  }
0x3f0: {  	v44 =	vsub.f32 v3, v44;
	v15 =	vadd.f32 v15, v36;
	v30 =	vmul.f32 v55, v30  }
0x3f1: {  	v57 =	vadd.f32 v51, v39;
	v39 =	vld.idx.msk [tilespmem:v58+s26+$0x0], $0xffff;
	v41 =	vmul.f32 v41, v41;
	v60 =	vpop (erf)  }
0x3f2: {  	s8 =	simm.s32 $0x3;
	v42 =	vld.idx.msk [tilespmem:v61+s26+$0x0], $0xffff;
	v44 =	vmul.f32 v44, v44;
	v15 =	vadd.f32 v30, v15;
	v37 =	vmul.f32 v60, v37  }
0x3f3: {  	v56 =	vadd.s32 s8, v0  }
0x3f4: {  	v54 =	vadd.s32 v19, v14;
	v41 =	vadd.f32 v44, v41;
	v15 =	vadd.f32 v37, v15  }
0x3f5: {  	vm13 =	vgt.u32 v56, $0x18;
	v46 =	vadd.s32 v13, v46;
	v58 =	vld.idx.msk [tilespmem:v47+s26+$0x0], $0xffff  }
0x3f6: {  	v38 =	vadd.f32 v62, v57;
	v57 =	vadd.s32 s8, v4;
	v41 =	vmul.f32 $-4.000000000e+00, v41;
	[tilespmem:$0x1FAA0] =	vst v15;
	v15 =	vld.idx.msk [tilespmem:v50+s4+$0x0], $0xffff  }
0x3f7: {  	v39 =	vsub.f32 v2, v39;
	v42 =	vsub.f32 v3, v42;
	v30 =	vsel vm13, v57, v56  }
0x3f8: {  	v41 =	vmul.f32 $1.442695020e+00, v41;
	v62 =	vadd.s32 v17, v30  }
0x3f9: {  	v39 =	vmul.f32 v39, v39;
	v61 =	vld.idx.msk [tilespmem:v54+s26+$0x0], $0xffff;
	v63 =	vmul.f32 v42, v42;
	v32 =	vadd.s32 v19, v30  }
0x3fa: {  	v38 =	vadd.f32 v53, v38;
	(erf) = vpow2.f32 v41  }
0x3fb: {  	s23 =	simm.s32 $0x4;
	v52 =	vsub.f32 v2, v58;
	v58 =	vld.idx.msk [tilespmem:v50+s18+$0x0], $0xffff;
	[tilespmem:$0x1FAB0] =	vst v15;
	v15 =	vadd.f32 v63, v39  }
0x3fc: {  	v51 =	vadd.s32 s23, v4;
	v49 =	vadd.s32 s23, v0;
	v41 =	vld.idx.msk [tilespmem:v46+s26+$0x0], $0xffff  }
0x3fd: {  	vm14 =	vgt.u32 v49, $0x18;
	v38 =	vadd.f32 v55, v38;
	v46 =	vld.idx.msk [tilespmem:v62+s26+$0x0], $0xffff;
	v15 =	vmul.f32 $-4.000000000e+00, v15  }
0x3fe: {  	v36 =	vsel vm14, v51, v49;
	v53 =	vsub.f32 v3, v61;
	v55 =	vld.idx.msk [tilespmem:v32+s26+$0x0], $0xffff  }
0x3ff: {  	v56 =	vadd.s32 v17, v36;
	v32 =	vadd.f32 v60, v38;
	v60 =	vld.idx.msk [tilespmem:v50+s16+$0x0], $0xffff;
	v15 =	vmul.f32 $1.442695020e+00, v15  }
0x400: {  	v54 =	vadd.s32 v13, v40;
	v57 =	vmul.f32 v53, v53;
	v39 =	vmul.f32 v52, v52;
	v63 =	vld.idx.msk [tilespmem:v50+s28+$0x0], $0xffff  }
0x401: {  	s30 =	simm.s32 $0x5;
	v45 =	vadd.s32 v19, v36;
	(erf) = vpow2.f32 v15  }
0x402: {  	[tilespmem:$0x1FAD0] =	vst v58;
	v62 =	vadd.s32 s30, v0;
	v61 =	vadd.f32 v57, v39  }
0x403: {  	v51 =	vadd.s32 s30, v4;
	v37 =	vimm.f32 $0.0e+00;
	vm15 =	vgt.u32 v62, $0x18;
	[tilespmem:$0x1FAC0] =	vst v32;
	v40 =	vpop (erf)  }
0x404: {  	v44 =	vld.idx.msk [tilespmem:v56+s26+$0x0], $0xffff;
	v38 =	vsel vm15, v51, v62;
	[tilespmem:$0x1FAE0] =	vst v60;
	v42 =	vmul.f32 v40, v41;
	v15 =	vmul.f32 $-4.000000000e+00, v61  }
0x405: {  	s4 =	simm.s32 $0x6;
	v46 =	vsub.f32 v2, v46;
	v47 =	vsub.f32 v3, v55;
	v41 =	vimm.f32 $0.0e+00;
	v39 =	vld.idx.msk [tilespmem:v54+s26+$0x0], $0xffff;
	[tilespmem:$0x1FAF0] =	vst v63  }
.LBB2_27:
0x406: {  	p0 =	sne.s32 s4, $0x18;
	v48 =	vld.idx.msk [tilespmem:v45+s26+$0x0], $0xffff;
	v49 =	vadd.s32 v13, v14;
	v15 =	vmul.f32 $1.442695020e+00, v15;
	v37 =	vadd.f32 v42, v37;
	v14 =	vmovc v30  }
0x407: {  	v51 =	vadd.s32 v17, v38;
	v30 =	vmovc v36;
	v42 =	vmul.f32 v46, v46;
	v46 =	vmul.f32 v47, v47  }
.Ltmp12:
0x408: {  	v45 =	vadd.s32 v19, v38;
	v41 =	vadd.f32 v40, v41;
	v36 =	vmovc v38;
	(erf) = vpow2.f32 v15;
	(pc) =	sbr.rel @p0 .LBB2_27-.Ltmp12, $4  }
0x409: {  	v15 =	vadd.f32 v46, v42  }
0x40a: {  	v38 =	vadd.s32 s4, v0;
	v46 =	vadd.s32 s4, v4;
	v40 =	vpop (erf)  }
0x40b: {  	vm0 =	vgt.u32 v38, $0x18;
	v15 =	vmul.f32 $-4.000000000e+00, v15;
	v42 =	vmul.f32 v40, v39;
	v39 =	vld.idx.msk [tilespmem:v49+s26+$0x0], $0xffff  }
0x40c: {  	s4 =	sadd.s32 $0x1, s4;
	v38 =	vsel vm0, v46, v38;
	v46 =	vsub.f32 v2, v44;
	v47 =	vsub.f32 v3, v48;
	v44 =	vld.idx.msk [tilespmem:v51+s26+$0x0], $0xffff  }
0x40d: {  	v17 =	vadd.s32 v17, v38  }
0x40e: {  	v19 =	vadd.s32 v19, v38;
	_ =	sdelay $0x2  }
0x40f: {  	v45 =	vld.idx.msk [tilespmem:v45+s26+$0x0], $0xffff  }
0x410: {  	v48 =	vld.idx.msk [tilespmem:v17+s26+$0x0], $0xffff  }
0x411: {  	v19 =	vld.idx.msk [tilespmem:v19+s26+$0x0], $0xffff  }
0x412: {  	v15 =	vmul.f32 $1.442695020e+00, v15  }
0x413: {  	v46 =	vmul.f32 v46, v46;
	v47 =	vmul.f32 v47, v47;
	v44 =	vsub.f32 v2, v44  }
0x414: {  	v45 =	vsub.f32 v3, v45  }
0x415: {  	(erf) = vpow2.f32 v15;
	v15 =	vadd.f32 v47, v46;
	v44 =	vmul.f32 v44, v44  }
0x416: {  	v45 =	vmul.f32 v45, v45;
	v2 =	vsub.f32 v2, v48;
	v3 =	vsub.f32 v3, v19  }
0x417: {  	v15 =	vmul.f32 $-4.000000000e+00, v15  }
0x418: {  	v44 =	vadd.f32 v45, v44;
	v2 =	vmul.f32 v2, v2;
	v3 =	vmul.f32 v3, v3  }
0x419: {  	v15 =	vmul.f32 $1.442695020e+00, v15  }
0x41a: {  	v61 =	vadd.s32 v13, v14;
	v62 =	vmul.f32 $-4.000000000e+00, v44;
	v2 =	vadd.f32 v3, v2  }
0x41b: {  	v63 =	vpop (erf);
	(erf) = vpow2.f32 v15  }
0x41c: {  	s4 =	simm.s32 $0x0;
	v30 =	vadd.s32 v13, v30;
	v51 =	vmul.f32 $1.442695020e+00, v62;
	v2 =	vmul.f32 $-4.000000000e+00, v2  }
0x41d: {  	v32 =	vld [tilespmem:$0x1FFB0];
	v36 =	vadd.s32 v13, v36;
	v57 =	vadd.s32 s4, v0;
	v58 =	vadd.s32 s4, v4  }
0x41e: {  	vm0 =	vgt.u32 v57, $0x18;
	v17 =	vld [tilespmem:s0+$0xC40];
	(erf) = vpow2.f32 v51;
	v2 =	vmul.f32 $1.442695020e+00, v2  }
0x41f: {  	v46 =	vsel vm0, v58, v57;
	v57 =	vadd.s32 v13, v38;
	v54 =	vld.idx.msk [tilespmem:v61+s26+$0x0], $0xffff  }
0x420: {  	v60 =	vadd.s32 v20, v46;
	(erf) = vpow2.f32 v2  }
0x421: {  	v56 =	vld.idx.msk [tilespmem:v30+s26+$0x0], $0xffff  }
0x422: {  	v37 =	vadd.f32 v42, v37;
	v15 =	vmul.f32 v63, v39  }
0x423: {  	v36 =	vld.idx.msk [tilespmem:v36+s26+$0x0], $0xffff;
	v19 =	vadd.s32 v18, v46;
	v58 =	vpop (erf)  }
0x424: {  	s7 =	simm.s32 $0x1;
	v38 =	vld.idx.msk [tilespmem:v57+s26+$0x0], $0xffff;
	v15 =	vadd.f32 v15, v37;
	v42 =	vmul.f32 v58, v54  }
0x425: {  	v52 =	vadd.s32 s7, v0;
	v55 =	vadd.s32 s7, v4;
	v53 =	vld.idx.msk [tilespmem:v60+s26+$0x0], $0xffff;
	v3 =	vadd.f32 v40, v41;
	v61 =	vpop (erf)  }
0x426: {  	vm11 =	vgt.u32 v52, $0x18;
	v44 =	vld.idx.msk [tilespmem:v32+s20+$0x0], $0xffff;
	v15 =	vadd.f32 v42, v15;
	v37 =	vmul.f32 v61, v56  }
0x427: {  	v39 =	vsel vm11, v55, v52;
	v14 =	vld.idx.msk [tilespmem:v17+s20+$0x0], $0xffff;
	v3 =	vadd.f32 v63, v3;
	v63 =	vpop (erf)  }
0x428: {  	v40 =	vadd.s32 v18, v39;
	v19 =	vld.idx.msk [tilespmem:v19+s26+$0x0], $0xffff;
	v15 =	vadd.f32 v37, v15;
	v36 =	vmul.f32 v63, v36  }
0x429: {  	v57 =	vpop (erf)  }
0x42a: {  	s30 =	simm.s32 $0x2;
	v2 =	vadd.s32 v20, v39;
	v15 =	vadd.f32 v36, v15;
	v38 =	vmul.f32 v57, v38  }
0x42b: {  	v30 =	vadd.s32 s30, v0  }
0x42c: {  	vm12 =	vgt.u32 v30, $0x18;
	v60 =	vadd.s32 s30, v4;
	v15 =	vadd.f32 v38, v15  }
0x42d: {  	v46 =	vadd.s32 v27, v46;
	v41 =	vsub.f32 v14, v53;
	v40 =	vld.idx.msk [tilespmem:v40+s26+$0x0], $0xffff;
	v19 =	vsub.f32 v44, v19  }
0x42e: {  	v30 =	vsel vm12, v60, v30;
	[tilespmem:$0x1FA30] =	vst v15;
	v15 =	vld.idx.msk [tilespmem:v17+s4+$0x0], $0xffff  }
0x42f: {  	s8 =	simm.s32 $0x3;
	v47 =	vadd.s32 v20, v30;
	v41 =	vmul.f32 v41, v41;
	v19 =	vmul.f32 v19, v19;
	v2 =	vld.idx.msk [tilespmem:v2+s26+$0x0], $0xffff  }
0x430: {  	v49 =	vadd.s32 s8, v4;
	v62 =	vadd.s32 v18, v30;
	v53 =	vadd.s32 s8, v0  }
0x431: {  	v3 =	vadd.f32 v58, v3;
	vm13 =	vgt.u32 v53, $0x18;
	v19 =	vadd.f32 v41, v19  }
0x432: {  	v46 =	vld.idx.msk [tilespmem:v46+s26+$0x0], $0xffff;
	v37 =	vsel vm13, v49, v53  }
0x433: {  	v48 =	vadd.f32 v61, v3;
	v51 =	vadd.s32 v18, v37;
	v54 =	vmul.f32 $-4.000000000e+00, v19;
	[tilespmem:$0x1FA40] =	vst v15;
	v15 =	vld.idx.msk [tilespmem:v32+s28+$0x0], $0xffff  }
0x434: {  	v47 =	vld.idx.msk [tilespmem:v47+s26+$0x0], $0xffff;
	v61 =	vadd.s32 v20, v37;
	v40 =	vsub.f32 v44, v40;
	v58 =	vsub.f32 v14, v2  }
0x435: {  	v55 =	vld.idx.msk [tilespmem:v62+s26+$0x0], $0xffff;
	v56 =	vmul.f32 $1.442695020e+00, v54  }
0x436: {  	v3 =	vld.idx.msk [tilespmem:v32+s18+$0x0], $0xffff;
	v40 =	vmul.f32 v40, v40;
	v60 =	vmul.f32 v58, v58  }
0x437: {  	s23 =	simm.s32 $0x4;
	v19 =	vld.idx.msk [tilespmem:v32+s4+$0x0], $0xffff;
	(erf) = vpow2.f32 v56  }
0x438: {  	v62 =	vadd.s32 s23, v0;
	v51 =	vld.idx.msk [tilespmem:v51+s26+$0x0], $0xffff;
	[tilespmem:$0x1FA50] =	vst v15;
	v15 =	vadd.f32 v60, v40  }
0x439: {  	vm14 =	vgt.u32 v62, $0x18;
	v41 =	vadd.f32 v63, v48;
	v52 =	vld.idx.msk [tilespmem:v61+s26+$0x0], $0xffff  }
0x43a: {  	v63 =	vadd.s32 s23, v4;
	v2 =	vld.idx.msk [tilespmem:v32+s16+$0x0], $0xffff;
	v32 =	vsub.f32 v14, v47;
	v15 =	vmul.f32 $-4.000000000e+00, v15  }
0x43b: {  	v36 =	vsub.f32 v44, v55;
	v56 =	vadd.f32 v57, v41;
	v57 =	vld.idx.msk [tilespmem:v17+s18+$0x0], $0xffff;
	v38 =	vsel vm14, v63, v62  }
0x43c: {  	v58 =	vld.idx.msk [tilespmem:v17+s16+$0x0], $0xffff;
	v54 =	vadd.s32 v18, v38;
	v42 =	vmul.f32 v32, v32;
	v15 =	vmul.f32 $1.442695020e+00, v15  }
0x43d: {  	v55 =	vmul.f32 v36, v36;
	v62 =	vld.idx.msk [tilespmem:v17+s28+$0x0], $0xffff;
	v40 =	vadd.s32 v27, v39  }
0x43e: {  	s30 =	simm.s32 $0x5;
	v48 =	vadd.s32 v20, v38;
	(erf) = vpow2.f32 v15  }
0x43f: {  	v61 =	vadd.s32 s30, v0;
	[tilespmem:$0x1FA60] =	vst v56;
	v60 =	vadd.f32 v42, v55  }
0x440: {  	v45 =	vimm.f32 $0.0e+00;
	vm15 =	vgt.u32 v61, $0x18;
	v63 =	vadd.s32 s30, v4;
	[tilespmem:$0x1FA70] =	vst v57;
	v42 =	vpop (erf)  }
0x441: {  	v49 =	vsub.f32 v44, v51;
	[tilespmem:$0x1FA80] =	vst v58;
	v47 =	vld.idx.msk [tilespmem:v54+s26+$0x0], $0xffff;
	v46 =	vmul.f32 v42, v46;
	v15 =	vmul.f32 $-4.000000000e+00, v60  }
0x442: {  	v51 =	vsub.f32 v14, v52;
	s4 =	simm.s32 $0x6;
	[tilespmem:$0x1FA90] =	vst v62;
	v39 =	vimm.f32 $0.0e+00;
	v41 =	vld.idx.msk [tilespmem:v40+s26+$0x0], $0xffff;
	v40 =	vsel vm15, v63, v61  }
.LBB2_29:
0x443: {  	p0 =	sne.s32 s4, $0x18;
	v52 =	vld.idx.msk [tilespmem:v48+s26+$0x0], $0xffff;
	v53 =	vadd.s32 v27, v30;
	v15 =	vmul.f32 $1.442695020e+00, v15;
	v39 =	vadd.f32 v46, v39;
	v30 =	vmovc v37  }
0x444: {  	v54 =	vadd.s32 v18, v40;
	v37 =	vmovc v38;
	v46 =	vmul.f32 v49, v49;
	v49 =	vmul.f32 v51, v51  }
.Ltmp13:
0x445: {  	v48 =	vadd.s32 v20, v40;
	v45 =	vadd.f32 v42, v45;
	v38 =	vmovc v40;
	(erf) = vpow2.f32 v15;
	(pc) =	sbr.rel @p0 .LBB2_29-.Ltmp13, $4  }
0x446: {  	v15 =	vadd.f32 v49, v46  }
0x447: {  	v40 =	vadd.s32 s4, v0;
	v49 =	vadd.s32 s4, v4;
	v42 =	vpop (erf)  }
0x448: {  	vm0 =	vgt.u32 v40, $0x18;
	v15 =	vmul.f32 $-4.000000000e+00, v15;
	v46 =	vmul.f32 v42, v41;
	v41 =	vld.idx.msk [tilespmem:v53+s26+$0x0], $0xffff  }
0x449: {  	s4 =	sadd.s32 $0x1, s4;
	v40 =	vsel vm0, v49, v40;
	v49 =	vsub.f32 v44, v47;
	v51 =	vsub.f32 v14, v52;
	v47 =	vld.idx.msk [tilespmem:v54+s26+$0x0], $0xffff  }
0x44a: {  	v18 =	vadd.s32 v18, v40  }
0x44b: {  	v20 =	vadd.s32 v20, v40;
	_ =	sdelay $0x2  }
0x44c: {  	v48 =	vld.idx.msk [tilespmem:v48+s26+$0x0], $0xffff  }
0x44d: {  	v15 =	vmul.f32 $1.442695020e+00, v15;
	v52 =	vld.idx.msk [tilespmem:v18+s26+$0x0], $0xffff  }
0x44e: {  	v49 =	vmul.f32 v49, v49;
	v51 =	vmul.f32 v51, v51;
	v20 =	vld.idx.msk [tilespmem:v20+s26+$0x0], $0xffff;
	_ =	sdelay $0x1  }
0x44f: {  	s4 =	simm.s32 $0x0;
	(erf) = vpow2.f32 v15;
	v15 =	vadd.f32 v51, v49;
	v47 =	vsub.f32 v44, v47  }
0x450: {  	v60 =	vadd.s32 s4, v0;
	v61 =	vadd.s32 s4, v4;
	v48 =	vsub.f32 v14, v48  }
0x451: {  	vm0 =	vgt.u32 v60, $0x18;
	v15 =	vmul.f32 $-4.000000000e+00, v15;
	v47 =	vmul.f32 v47, v47  }
0x452: {  	v48 =	vmul.f32 v48, v48;
	v62 =	vsub.f32 v44, v52;
	v14 =	vsub.f32 v14, v20  }
0x453: {  	v30 =	vadd.s32 v27, v30;
	v49 =	vsel vm0, v61, v60;
	v18 =	vld [tilespmem:s0+$0xC50];
	v15 =	vmul.f32 $1.442695020e+00, v15  }
0x454: {  	v47 =	vadd.f32 v48, v47;
	v51 =	vmul.f32 v62, v62;
	v14 =	vmul.f32 v14, v14  }
0x455: {  	v63 =	vadd.s32 v24, v49  }
0x456: {  	v52 =	vpop (erf);
	(erf) = vpow2.f32 v15;
	v32 =	vmul.f32 $-4.000000000e+00, v47;
	v15 =	vadd.f32 v14, v51  }
0x457: {  	v20 =	vadd.s32 v23, v49  }
0x458: {  	v37 =	vadd.s32 v27, v37;
	v53 =	vmul.f32 $1.442695020e+00, v32;
	v15 =	vmul.f32 $-4.000000000e+00, v15  }
0x459: {  	v30 =	vld.idx.msk [tilespmem:v30+s26+$0x0], $0xffff  }
0x45a: {  	s7 =	simm.s32 $0x1;
	v38 =	vadd.s32 v27, v38;
	v48 =	vld.idx.msk [tilespmem:v63+s26+$0x0], $0xffff;
	(erf) = vpow2.f32 v53;
	v15 =	vmul.f32 $1.442695020e+00, v15  }
0x45b: {  	v42 =	vadd.f32 v42, v45;
	v27 =	vadd.s32 v27, v40;
	v54 =	vadd.s32 s7, v0;
	v14 =	vld.idx.msk [tilespmem:v18+s20+$0x0], $0xffff  }
0x45c: {  	v55 =	vadd.s32 s7, v4;
	vm11 =	vgt.u32 v54, $0x18;
	v20 =	vld.idx.msk [tilespmem:v20+s26+$0x0], $0xffff;
	(erf) = vpow2.f32 v15  }
0x45d: {  	v39 =	vadd.f32 v46, v39;
	v45 =	vsel vm11, v55, v54;
	v37 =	vld.idx.msk [tilespmem:v37+s26+$0x0], $0xffff  }
0x45e: {  	s30 =	simm.s32 $0x2;
	v57 =	vadd.s32 v23, v45;
	v41 =	vmul.f32 v52, v41;
	v56 =	vadd.f32 v52, v42  }
0x45f: {  	v60 =	vadd.s32 s30, v0;
	v38 =	vld.idx.msk [tilespmem:v38+s26+$0x0], $0xffff;
	v58 =	vpop (erf);
	v15 =	vadd.s32 v24, v45  }
0x460: {  	v30 =	vmul.f32 v58, v30;
	v39 =	vadd.f32 v41, v39;
	v40 =	vadd.f32 v58, v56  }
0x461: {  	vm12 =	vgt.u32 v60, $0x18;
	v27 =	vld.idx.msk [tilespmem:v27+s26+$0x0], $0xffff;
	v48 =	vsub.f32 v14, v48;
	v62 =	vpop (erf);
	v61 =	vsub.f32 v44, v20  }
0x462: {  	v30 =	vadd.f32 v30, v39;
	v20 =	vadd.s32 s30, v4;
	v37 =	vmul.f32 v62, v37  }
0x463: {  	v53 =	vld.idx.msk [tilespmem:v57+s26+$0x0], $0xffff;
	v20 =	vsel vm12, v20, v60;
	v52 =	vmul.f32 v48, v48;
	v63 =	vmul.f32 v61, v61;
	v56 =	vpop (erf)  }
0x464: {  	v55 =	vadd.s32 v24, v20;
	v30 =	vadd.f32 v37, v30;
	v15 =	vld.idx.msk [tilespmem:v15+s26+$0x0], $0xffff;
	v38 =	vmul.f32 v56, v38  }
0x465: {  	v40 =	vadd.f32 v62, v40;
	v54 =	vadd.s32 v23, v20;
	v62 =	vpop (erf)  }
0x466: {  	s8 =	simm.s32 $0x3;
	v46 =	vadd.f32 v52, v63;
	v38 =	vadd.f32 v38, v30;
	v27 =	vmul.f32 v62, v27  }
0x467: {  	v58 =	vadd.s32 s8, v4;
	v57 =	vadd.s32 s8, v0  }
0x468: {  	vm13 =	vgt.u32 v57, $0x18;
	v46 =	vmul.f32 $-4.000000000e+00, v46;
	v27 =	vadd.f32 v27, v38  }
0x469: {  	v39 =	vsub.f32 v44, v53;
	v30 =	vsel vm13, v58, v57;
	v63 =	vld.idx.msk [tilespmem:v55+s26+$0x0], $0xffff;
	v15 =	vsub.f32 v14, v15  }
0x46a: {  	v61 =	vmul.f32 $1.442695020e+00, v46;
	v52 =	vadd.s32 v23, v30;
	[tilespmem:$0x1F9E0] =	vst v27;
	v27 =	vld.idx.msk [tilespmem:v18+s4+$0x0], $0xffff  }
0x46b: {  	v39 =	vmul.f32 v39, v39;
	v60 =	vld.idx.msk [tilespmem:v54+s26+$0x0], $0xffff;
	v53 =	vadd.s32 v24, v30;
	v15 =	vmul.f32 v15, v15  }
0x46c: {  	v32 =	vadd.s32 v28, v49;
	(erf) = vpow2.f32 v61  }
0x46d: {  	v61 =	vld.idx.msk [tilespmem:v18+s16+$0x0], $0xffff;
	v15 =	vadd.f32 v15, v39  }
0x46e: {  	s23 =	simm.s32 $0x4;
	v40 =	vadd.f32 v56, v40;
	v56 =	vsub.f32 v14, v63;
	v63 =	vld.idx.msk [tilespmem:v18+s28+$0x0], $0xffff  }
0x46f: {  	v47 =	vld.idx.msk [tilespmem:v52+s26+$0x0], $0xffff;
	v15 =	vmul.f32 $-4.000000000e+00, v15;
	[tilespmem:$0x1F9F0] =	vst v27;
	v27 =	vadd.s32 s23, v0  }
0x470: {  	v54 =	vadd.s32 s23, v4;
	v55 =	vsub.f32 v44, v60;
	v49 =	vld.idx.msk [tilespmem:v53+s26+$0x0], $0xffff;
	vm14 =	vgt.u32 v27, $0x18  }
0x471: {  	v48 =	vadd.s32 v28, v45;
	v39 =	vld.idx.msk [tilespmem:v32+s26+$0x0], $0xffff;
	v15 =	vmul.f32 $1.442695020e+00, v15;
	v37 =	vsel vm14, v54, v27  }
0x472: {  	v58 =	vmul.f32 v55, v55;
	v60 =	vmul.f32 v56, v56;
	v32 =	vld.idx.msk [tilespmem:v18+s18+$0x0], $0xffff;
	v57 =	vadd.s32 v23, v37  }
0x473: {  	s30 =	simm.s32 $0x5;
	(erf) = vpow2.f32 v15;
	v52 =	vadd.s32 v24, v37  }
0x474: {  	v53 =	vadd.s32 s30, v0;
	v27 =	vadd.f32 v62, v40;
	v62 =	vadd.f32 v60, v58  }
0x475: {  	v38 =	vimm.f32 $0.0e+00;
	vm15 =	vgt.u32 v53, $0x18;
	[tilespmem:$0x1FA10] =	vst v61;
	v49 =	vsub.f32 v14, v49;
	v46 =	vpop (erf)  }
0x476: {  	v42 =	vld.idx.msk [tilespmem:v48+s26+$0x0], $0xffff;
	[tilespmem:$0x1FA20] =	vst v63;
	v48 =	vmul.f32 v46, v39;
	v54 =	vadd.s32 s30, v4;
	v15 =	vmul.f32 $-4.000000000e+00, v62  }
0x477: {  	s4 =	simm.s32 $0x6;
	[tilespmem:$0x1FA00] =	vst v32;
	v40 =	vsub.f32 v44, v47;
	v47 =	vimm.f32 $0.0e+00;
	v39 =	vsel vm15, v54, v53;
	v51 =	vld.idx.msk [tilespmem:v57+s26+$0x0], $0xffff  }
.LBB2_31:
0x478: {  	p0 =	sne.s32 s4, $0x18;
	v53 =	vld.idx.msk [tilespmem:v52+s26+$0x0], $0xffff;
	v54 =	vadd.s32 v28, v20;
	v15 =	vmul.f32 $1.442695020e+00, v15;
	v38 =	vadd.f32 v48, v38;
	v20 =	vmovc v30  }
0x479: {  	v55 =	vadd.s32 v23, v39;
	v30 =	vmovc v37;
	v40 =	vmul.f32 v40, v40;
	v48 =	vmul.f32 v49, v49  }
.Ltmp14:
0x47a: {  	v52 =	vadd.s32 v24, v39;
	v47 =	vadd.f32 v46, v47;
	v37 =	vmovc v39;
	(erf) = vpow2.f32 v15;
	(pc) =	sbr.rel @p0 .LBB2_31-.Ltmp14, $4  }
0x47b: {  	v15 =	vadd.f32 v48, v40  }
0x47c: {  	v39 =	vadd.s32 s4, v0;
	v40 =	vadd.s32 s4, v4;
	v46 =	vpop (erf)  }
0x47d: {  	vm0 =	vgt.u32 v39, $0x18;
	v15 =	vmul.f32 $-4.000000000e+00, v15;
	v48 =	vmul.f32 v46, v42;
	v42 =	vld.idx.msk [tilespmem:v54+s26+$0x0], $0xffff  }
0x47e: {  	s4 =	sadd.s32 $0x1, s4;
	v39 =	vsel vm0, v40, v39;
	v40 =	vsub.f32 v44, v51;
	v49 =	vsub.f32 v14, v53;
	v51 =	vld.idx.msk [tilespmem:v55+s26+$0x0], $0xffff  }
0x47f: {  	_ = 	snop  }
0x480: {  	v23 =	vadd.s32 v23, v39  }
0x481: {  	v24 =	vadd.s32 v24, v39;
	_ =	sdelay $0x1  }
0x482: {  	v52 =	vld.idx.msk [tilespmem:v52+s26+$0x0], $0xffff  }
0x483: {  	v15 =	vmul.f32 $1.442695020e+00, v15  }
0x484: {  	v40 =	vmul.f32 v40, v40;
	v49 =	vmul.f32 v49, v49;
	v53 =	vld.idx.msk [tilespmem:v23+s26+$0x0], $0xffff  }
0x485: {  	v24 =	vld.idx.msk [tilespmem:v24+s26+$0x0], $0xffff  }
0x486: {  	s4 =	simm.s32 $0x0;
	(erf) = vpow2.f32 v15;
	v15 =	vadd.f32 v49, v40  }
0x487: {  	v60 =	vadd.s32 s4, v0;
	v57 =	vsub.f32 v44, v51;
	v58 =	vsub.f32 v14, v52  }
0x488: {  	v61 =	vadd.s32 s4, v4;
	vm0 =	vgt.u32 v60, $0x18;
	v23 =	vld [tilespmem:s0+$0xC60];
	v15 =	vmul.f32 $-4.000000000e+00, v15  }
0x489: {  	v51 =	vsel vm0, v61, v60;
	v40 =	vmul.f32 v57, v57;
	v49 =	vmul.f32 v58, v58  }
0x48a: {  	v63 =	vadd.s32 v26, v51;
	v62 =	vsub.f32 v44, v53;
	v14 =	vsub.f32 v14, v24  }
0x48b: {  	v15 =	vmul.f32 $1.442695020e+00, v15;
	v40 =	vadd.f32 v49, v40  }
0x48c: {  	v24 =	vadd.s32 v25, v51;
	v52 =	vmul.f32 v62, v62;
	v14 =	vmul.f32 v14, v14  }
0x48d: {  	v20 =	vadd.s32 v28, v20  }
0x48e: {  	v55 =	vpop (erf);
	(erf) = vpow2.f32 v15;
	v40 =	vmul.f32 $-4.000000000e+00, v40;
	v15 =	vadd.f32 v14, v52  }
0x48f: {  	v49 =	vld.idx.msk [tilespmem:v63+s26+$0x0], $0xffff  }
0x490: {  	v30 =	vadd.s32 v28, v30;
	v40 =	vmul.f32 $1.442695020e+00, v40;
	v14 =	vld.idx.msk [tilespmem:v23+s20+$0x0], $0xffff;
	v15 =	vmul.f32 $-4.000000000e+00, v15  }
0x491: {  	v24 =	vld.idx.msk [tilespmem:v24+s26+$0x0], $0xffff  }
0x492: {  	v37 =	vadd.s32 v28, v37;
	v20 =	vld.idx.msk [tilespmem:v20+s26+$0x0], $0xffff;
	(erf) = vpow2.f32 v40;
	v15 =	vmul.f32 $1.442695020e+00, v15  }
0x493: {  	v38 =	vadd.f32 v48, v38;
	s7 =	simm.s32 $0x1  }
0x494: {  	v28 =	vadd.s32 v28, v39;
	s30 =	simm.s32 $0x2;
	v56 =	vadd.s32 s7, v0;
	(erf) = vpow2.f32 v15  }
0x495: {  	vm11 =	vgt.u32 v56, $0x18;
	v60 =	vadd.s32 s30, v0;
	v42 =	vmul.f32 v55, v42;
	v30 =	vld.idx.msk [tilespmem:v30+s26+$0x0], $0xffff  }
0x496: {  	v57 =	vadd.s32 s7, v4;
	v39 =	vpop (erf);
	v61 =	vsub.f32 v14, v49;
	v24 =	vsub.f32 v44, v24  }
0x497: {  	v37 =	vld.idx.msk [tilespmem:v37+s26+$0x0], $0xffff;
	v38 =	vadd.f32 v42, v38;
	v62 =	vmul.f32 v39, v20;
	v40 =	vsel vm11, v57, v56  }
0x498: {  	v58 =	vadd.s32 v25, v40;
	v56 =	vmul.f32 v61, v61;
	v24 =	vmul.f32 v24, v24  }
0x499: {  	vm12 =	vgt.u32 v60, $0x18;
	v28 =	vld.idx.msk [tilespmem:v28+s26+$0x0], $0xffff;
	v20 =	vadd.s32 s30, v4;
	v63 =	vpop (erf);
	v15 =	vadd.s32 v26, v40  }
0x49a: {  	v38 =	vadd.f32 v62, v38;
	v30 =	vmul.f32 v63, v30;
	v24 =	vadd.f32 v56, v24  }
0x49b: {  	v46 =	vadd.f32 v46, v47;
	v20 =	vsel vm12, v20, v60;
	v60 =	vpop (erf)  }
0x49c: {  	v30 =	vadd.f32 v30, v38;
	v37 =	vmul.f32 v60, v37;
	v24 =	vmul.f32 $-4.000000000e+00, v24  }
0x49d: {  	v42 =	vadd.f32 v55, v46;
	v46 =	vld.idx.msk [tilespmem:v58+s26+$0x0], $0xffff;
	v47 =	vpop (erf)  }
0x49e: {  	v15 =	vld.idx.msk [tilespmem:v15+s26+$0x0], $0xffff;
	v37 =	vadd.f32 v37, v30;
	v24 =	vmul.f32 $1.442695020e+00, v24;
	v28 =	vmul.f32 v47, v28  }
0x49f: {  	v57 =	vadd.s32 v25, v20  }
0x4a0: {  	v58 =	vadd.s32 v26, v20;
	(erf) = vpow2.f32 v24;
	v24 =	vadd.f32 v28, v37  }
0x4a1: {  	s8 =	simm.s32 $0x3  }
0x4a2: {  	v39 =	vadd.f32 v39, v42;
	v62 =	vadd.s32 s8, v4;
	v61 =	vadd.s32 s8, v0;
	[tilespmem:$0x1F9A0] =	vst v24;
	v24 =	vld.idx.msk [tilespmem:v23+s4+$0x0], $0xffff  }
0x4a3: {  	vm13 =	vgt.u32 v61, $0x18;
	v46 =	vsub.f32 v44, v46;
	v15 =	vsub.f32 v14, v15  }
0x4a4: {  	v45 =	vadd.s32 v29, v51;
	v39 =	vadd.f32 v63, v39;
	v63 =	vld.idx.msk [tilespmem:v57+s26+$0x0], $0xffff;
	v30 =	vsel vm13, v62, v61  }
0x4a5: {  	v32 =	vld.idx.msk [tilespmem:v58+s26+$0x0], $0xffff;
	v56 =	vadd.s32 v25, v30;
	v57 =	vmul.f32 v46, v46;
	v15 =	vmul.f32 v15, v15  }
0x4a6: {  	v58 =	vadd.s32 v26, v30  }
0x4a7: {  	v15 =	vadd.f32 v15, v57;
	[tilespmem:$0x1F9B0] =	vst v24;
	v24 =	vld.idx.msk [tilespmem:v23+s18+$0x0], $0xffff  }
0x4a8: {  	s23 =	simm.s32 $0x4;
	v40 =	vadd.s32 v29, v40;
	v38 =	vadd.f32 v60, v39  }
0x4a9: {  	v42 =	vsub.f32 v44, v63;
	v61 =	vld.idx.msk [tilespmem:v45+s26+$0x0], $0xffff;
	v28 =	vadd.s32 s23, v0;
	v15 =	vmul.f32 $-4.000000000e+00, v15  }
0x4aa: {  	v60 =	vadd.s32 s23, v4;
	v48 =	vsub.f32 v14, v32;
	vm14 =	vgt.u32 v28, $0x18;
	v62 =	vld.idx.msk [tilespmem:v56+s26+$0x0], $0xffff  }
0x4ab: {  	v42 =	vmul.f32 v42, v42;
	v53 =	vld.idx.msk [tilespmem:v58+s26+$0x0], $0xffff;
	v37 =	vsel vm14, v60, v28;
	v15 =	vmul.f32 $1.442695020e+00, v15  }
0x4ac: {  	v63 =	vmul.f32 v48, v48;
	v55 =	vadd.s32 v25, v37;
	[tilespmem:$0x1F9C0] =	vst v24;
	v24 =	vld.idx.msk [tilespmem:v23+s16+$0x0], $0xffff  }
0x4ad: {  	s30 =	simm.s32 $0x5;
	v56 =	vadd.s32 v26, v37;
	(erf) = vpow2.f32 v15  }
0x4ae: {  	v58 =	vadd.s32 s30, v4;
	v57 =	vadd.s32 s30, v0;
	v42 =	vadd.f32 v63, v42  }
0x4af: {  	v51 =	vld.idx.msk [tilespmem:v23+s28+$0x0], $0xffff;
	v28 =	vadd.f32 v47, v38;
	v38 =	vimm.f32 $0.0e+00;
	vm15 =	vgt.u32 v57, $0x18;
	v52 =	vpop (erf)  }
0x4b0: {  	v39 =	vsel vm15, v58, v57;
	v15 =	vmul.f32 $-4.000000000e+00, v42;
	v42 =	vld.idx.msk [tilespmem:v40+s26+$0x0], $0xffff;
	v54 =	vmul.f32 v52, v61  }
0x4b1: {  	s4 =	simm.s32 $0x6;
	v49 =	vsub.f32 v14, v53;
	v53 =	vimm.f32 $0.0e+00;
	v55 =	vld.idx.msk [tilespmem:v55+s26+$0x0], $0xffff;
	v40 =	vsub.f32 v44, v62;
	[tilespmem:$0x1F9D0] =	vst v24  }
.LBB2_33:
0x4b2: {  	p0 =	sne.s32 s4, $0x18;
	v57 =	vld.idx.msk [tilespmem:v56+s26+$0x0], $0xffff;
	v58 =	vadd.s32 v29, v20;
	v15 =	vmul.f32 $1.442695020e+00, v15;
	v38 =	vadd.f32 v54, v38;
	v20 =	vmovc v30  }
0x4b3: {  	v60 =	vadd.s32 v25, v39;
	v30 =	vmovc v37;
	v40 =	vmul.f32 v40, v40;
	v49 =	vmul.f32 v49, v49  }
.Ltmp15:
0x4b4: {  	v56 =	vadd.s32 v26, v39;
	v53 =	vadd.f32 v52, v53;
	v37 =	vmovc v39;
	(erf) = vpow2.f32 v15;
	(pc) =	sbr.rel @p0 .LBB2_33-.Ltmp15, $4  }
0x4b5: {  	v15 =	vadd.f32 v49, v40  }
0x4b6: {  	v39 =	vadd.s32 s4, v0;
	v40 =	vadd.s32 s4, v4;
	v52 =	vpop (erf)  }
0x4b7: {  	vm0 =	vgt.u32 v39, $0x18;
	v15 =	vmul.f32 $-4.000000000e+00, v15;
	v54 =	vmul.f32 v52, v42;
	v42 =	vld.idx.msk [tilespmem:v58+s26+$0x0], $0xffff  }
0x4b8: {  	s4 =	sadd.s32 $0x1, s4;
	v39 =	vsel vm0, v40, v39;
	v40 =	vsub.f32 v44, v55;
	v49 =	vsub.f32 v14, v57;
	v55 =	vld.idx.msk [tilespmem:v60+s26+$0x0], $0xffff  }
0x4b9: {  	v25 =	vadd.s32 v25, v39  }
0x4ba: {  	v26 =	vadd.s32 v26, v39;
	_ =	sdelay $0x2  }
0x4bb: {  	v56 =	vld.idx.msk [tilespmem:v56+s26+$0x0], $0xffff  }
0x4bc: {  	v57 =	vld.idx.msk [tilespmem:v25+s26+$0x0], $0xffff  }
0x4bd: {  	v15 =	vmul.f32 $1.442695020e+00, v15;
	v26 =	vld.idx.msk [tilespmem:v26+s26+$0x0], $0xffff  }
0x4be: {  	s30 =	simm.s32 $0x0;
	v40 =	vmul.f32 v40, v40;
	v49 =	vmul.f32 v49, v49  }
0x4bf: {  	v36 =	vadd.s32 s30, v0;
	v45 =	vadd.s32 s30, v4;
	v63 =	vsub.f32 v44, v55  }
0x4c0: {  	(erf) = vpow2.f32 v15;
	vm0 =	vgt.u32 v36, $0x18;
	v32 =	vsub.f32 v14, v56  }
0x4c1: {  	v15 =	vadd.f32 v49, v40;
	v55 =	vsel vm0, v45, v36;
	v25 =	vld [tilespmem:s0+$0xC70];
	v40 =	vmul.f32 v63, v63  }
0x4c2: {  	v49 =	vmul.f32 v32, v32;
	v46 =	vsub.f32 v44, v57;
	v14 =	vsub.f32 v14, v26  }
0x4c3: {  	v15 =	vmul.f32 $-4.000000000e+00, v15;
	v47 =	vadd.s32 v22, v55  }
0x4c4: {  	v40 =	vadd.f32 v49, v40;
	v56 =	vmul.f32 v46, v46;
	v14 =	vmul.f32 v14, v14  }
0x4c5: {  	v15 =	vmul.f32 $1.442695020e+00, v15;
	v26 =	vadd.s32 v21, v55  }
0x4c6: {  	v20 =	vadd.s32 v29, v20;
	v40 =	vmul.f32 $-4.000000000e+00, v40;
	v14 =	vadd.f32 v14, v56  }
0x4c7: {  	v30 =	vadd.s32 v29, v30;
	s4 =	simm.s32 $0x1;
	v58 =	vpop (erf);
	(erf) = vpow2.f32 v15  }
0x4c8: {  	v36 =	vadd.s32 s4, v0;
	v49 =	vld.idx.msk [tilespmem:v47+s26+$0x0], $0xffff;
	v40 =	vmul.f32 $1.442695020e+00, v40;
	v14 =	vmul.f32 $-4.000000000e+00, v14  }
0x4c9: {  	v45 =	vadd.s32 s4, v4;
	vm11 =	vgt.u32 v36, $0x18;
	v63 =	vld.idx.msk [tilespmem:v25+s20+$0x0], $0xffff  }
0x4ca: {  	v26 =	vld.idx.msk [tilespmem:v26+s26+$0x0], $0xffff;
	(erf) = vpow2.f32 v40;
	v40 =	vsel vm11, v45, v36;
	v14 =	vmul.f32 $1.442695020e+00, v14  }
0x4cb: {  	v38 =	vadd.f32 v54, v38;
	v20 =	vld.idx.msk [tilespmem:v20+s26+$0x0], $0xffff;
	v46 =	vadd.s32 v21, v40  }
0x4cc: {  	v15 =	vadd.f32 v52, v53;
	(erf) = vpow2.f32 v14;
	v14 =	vadd.s32 v22, v40  }
0x4cd: {  	v37 =	vadd.s32 v29, v37;
	v29 =	vadd.s32 v29, v39;
	s7 =	simm.s32 $0x2;
	v42 =	vmul.f32 v58, v42;
	v30 =	vld.idx.msk [tilespmem:v30+s26+$0x0], $0xffff  }
0x4ce: {  	v57 =	vadd.s32 s7, v0;
	v15 =	vadd.f32 v58, v15;
	v58 =	vadd.s32 s7, v4  }
0x4cf: {  	v47 =	vpop (erf);
	vm12 =	vgt.u32 v57, $0x18;
	v49 =	vsub.f32 v63, v49;
	v26 =	vsub.f32 v44, v26  }
0x4d0: {  	v38 =	vadd.f32 v42, v38;
	v20 =	vmul.f32 v47, v20;
	v58 =	vsel vm12, v58, v57;
	v61 =	vld.idx.msk [tilespmem:v46+s26+$0x0], $0xffff  }
0x4d1: {  	s8 =	simm.s32 $0x3;
	v52 =	vadd.s32 v22, v58;
	v60 =	vpop (erf);
	v49 =	vmul.f32 v49, v49;
	v26 =	vmul.f32 v26, v26;
	v14 =	vld.idx.msk [tilespmem:v14+s26+$0x0], $0xffff  }
0x4d2: {  	v37 =	vld.idx.msk [tilespmem:v37+s26+$0x0], $0xffff;
	v32 =	vadd.s32 s8, v0;
	v30 =	vmul.f32 v60, v30  }
0x4d3: {  	v62 =	vadd.s32 v21, v58;
	v20 =	vadd.f32 v20, v38;
	v26 =	vadd.f32 v49, v26  }
0x4d4: {  	vm13 =	vgt.u32 v32, $0x18;
	v15 =	vadd.f32 v47, v15  }
0x4d5: {  	v29 =	vld.idx.msk [tilespmem:v29+s26+$0x0], $0xffff;
	v45 =	vadd.s32 s8, v4;
	v20 =	vadd.f32 v30, v20;
	v26 =	vmul.f32 $-4.000000000e+00, v26  }
0x4d6: {  	v57 =	vsel vm13, v45, v32;
	v47 =	vld.idx.msk [tilespmem:v52+s26+$0x0], $0xffff;
	v30 =	vpop (erf);
	v38 =	vsub.f32 v44, v61;
	v14 =	vsub.f32 v63, v14  }
0x4d7: {  	v15 =	vadd.f32 v60, v15;
	v37 =	vmul.f32 v30, v37;
	v26 =	vmul.f32 $1.442695020e+00, v26  }
0x4d8: {  	v46 =	vld.idx.msk [tilespmem:v62+s26+$0x0], $0xffff;
	v62 =	vadd.s32 v22, v57;
	v38 =	vmul.f32 v38, v38;
	v14 =	vmul.f32 v14, v14  }
0x4d9: {  	v60 =	vadd.s32 v16, v55;
	v61 =	vadd.s32 v21, v57;
	v39 =	vpop (erf);
	(erf) = vpow2.f32 v26  }
0x4da: {  	v20 =	vadd.f32 v37, v20;
	v29 =	vmul.f32 v39, v29;
	v14 =	vadd.f32 v14, v38  }
0x4db: {  	s23 =	simm.s32 $0x4;
	v40 =	vadd.s32 v16, v40;
	v32 =	vsub.f32 v63, v47  }
0x4dc: {  	v54 =	vld.idx.msk [tilespmem:v25+s18+$0x0], $0xffff;
	v26 =	vadd.f32 v29, v20;
	v20 =	vadd.s32 s23, v0;
	v14 =	vmul.f32 $-4.000000000e+00, v14  }
0x4dd: {  	v45 =	vld.idx.msk [tilespmem:v62+s26+$0x0], $0xffff;
	v37 =	vsub.f32 v44, v46;
	v29 =	vadd.s32 s23, v4;
	vm14 =	vgt.u32 v20, $0x18  }
0x4de: {  	v15 =	vadd.f32 v30, v15;
	v30 =	vld.idx.msk [tilespmem:v60+s26+$0x0], $0xffff;
	v55 =	vsel vm14, v29, v20;
	v14 =	vmul.f32 $1.442695020e+00, v14  }
0x4df: {  	v47 =	vmul.f32 v32, v32;
	v37 =	vmul.f32 v37, v37;
	v20 =	vld.idx.msk [tilespmem:v61+s26+$0x0], $0xffff;
	v46 =	vadd.s32 v21, v55  }
0x4e0: {  	v52 =	vld.idx.msk [tilespmem:v25+s30+$0x0], $0xffff;
	s30 =	simm.s32 $0x5;
	v38 =	vadd.s32 v22, v55;
	(erf) = vpow2.f32 v14  }
0x4e1: {  	v53 =	vld.idx.msk [tilespmem:v25+s16+$0x0], $0xffff;
	v48 =	vadd.s32 s30, v0;
	v29 =	vadd.f32 v39, v15;
	v15 =	vadd.f32 v47, v37  }
0x4e2: {  	vm15 =	vgt.u32 v48, $0x18;
	v60 =	vimm.f32 $0.0e+00;
	v61 =	vld.idx.msk [tilespmem:v40+s26+$0x0], $0xffff;
	v40 =	vsub.f32 v63, v45;
	v62 =	vpop (erf)  }
0x4e3: {  	v56 =	vld.idx.msk [tilespmem:v25+s28+$0x0], $0xffff;
	v15 =	vmul.f32 $-4.000000000e+00, v15;
	v14 =	vadd.s32 s30, v4;
	v30 =	vmul.f32 v62, v30  }
0x4e4: {  	s0 =	simm.s32 $0x6;
	v49 =	vsub.f32 v44, v20;
	v20 =	vimm.f32 $0.0e+00;
	v37 =	vld.idx.msk [tilespmem:v46+s26+$0x0], $0xffff;
	v14 =	vsel vm15, v14, v48  }
.LBB2_35:
0x4e5: {  	p0 =	sne.s32 s0, $0x18;
	v39 =	vld.idx.msk [tilespmem:v38+s26+$0x0], $0xffff;
	v42 =	vadd.s32 v16, v58;
	v15 =	vmul.f32 $1.442695020e+00, v15;
	v60 =	vadd.f32 v30, v60;
	v58 =	vmovc v57  }
0x4e6: {  	v41 =	vadd.s32 v21, v14;
	v57 =	vmovc v55;
	v30 =	vmul.f32 v49, v49;
	v40 =	vmul.f32 v40, v40  }
.Ltmp16:
0x4e7: {  	v38 =	vadd.s32 v22, v14;
	v20 =	vadd.f32 v62, v20;
	v55 =	vmovc v14;
	(erf) = vpow2.f32 v15;
	(pc) =	sbr.rel @p0 .LBB2_35-.Ltmp16, $4  }
0x4e8: {  	v14 =	vadd.f32 v40, v30  }
0x4e9: {  	v49 =	vadd.s32 s0, v4;
	v40 =	vadd.s32 s0, v0;
	v62 =	vpop (erf)  }
0x4ea: {  	vm0 =	vgt.u32 v40, $0x18;
	v15 =	vmul.f32 $-4.000000000e+00, v14;
	v30 =	vmul.f32 v62, v61;
	v61 =	vld.idx.msk [tilespmem:v42+s26+$0x0], $0xffff  }
0x4eb: {  	s0 =	sadd.s32 $0x1, s0;
	v14 =	vsel vm0, v49, v40;
	v49 =	vsub.f32 v44, v37;
	v40 =	vsub.f32 v63, v39;
	v37 =	vld.idx.msk [tilespmem:v41+s26+$0x0], $0xffff  }
0x4ec: {  	v24 =	vld [tilespmem:$0x1FC80];
	_ =	sdelay $0x2  }
0x4ed: {  	v41 =	vmul.f32 $3.000000000e+00, v59;
	_ =	sdelay $0x1  }
0x4ee: {  	v42 =	vmul.f32 v24, v41;
	_ =	sdelay $0x1  }
0x4ef: {  	v39 =	vshra.s32 v42, $0x1;
	v24 =	vmul.f32 $5.000000000e-01, v42  }
0x4f0: {  	v48 =	vsub.s32 $0x5F3759DF, v39  }
0x4f1: {  	v39 =	vmul.f32 v48, v24;
	_ =	sdelay $0x1  }
0x4f2: {  	v39 =	vmul.f32 v48, v39  }
0x4f3: {  	v32 =	vld [tilespmem:$0x1FBB0]  }
0x4f4: {  	v45 =	vsub.f32 $1.500000000e+00, v39;
	_ =	sdelay $0x1  }
0x4f5: {  	v45 =	vmul.f32 v48, v45;
	_ =	sdelay $0x1  }
0x4f6: {  	v39 =	vmul.f32 v32, v41;
	v47 =	vmul.f32 v45, v24  }
0x4f7: {  	v21 =	vadd.s32 v21, v14;
	v22 =	vadd.s32 v22, v14  }
0x4f8: {  	v36 =	vshra.s32 v39, $0x1;
	v46 =	vmul.f32 $5.000000000e-01, v39;
	v47 =	vmul.f32 v47, v45  }
0x4f9: {  	v15 =	vmul.f32 $1.442695020e+00, v15;
	v49 =	vmul.f32 v49, v49;
	v59 =	vsub.s32 $0x5F3759DF, v36  }
0x4fa: {  	v40 =	vmul.f32 v40, v40;
	v48 =	vmul.f32 v59, v46;
	v47 =	vsub.f32 $1.500000000e+00, v47  }
0x4fb: {  	v38 =	vld.idx.msk [tilespmem:v38+s26+$0x0], $0xffff;
	(erf) = vpow2.f32 v15  }
0x4fc: {  	v15 =	vadd.f32 v40, v49;
	v32 =	vmul.f32 v59, v48;
	v49 =	vmul.f32 v47, v45  }
0x4fd: {  	v21 =	vld.idx.msk [tilespmem:v21+s26+$0x0], $0xffff  }
0x4fe: {  	v22 =	vld.idx.msk [tilespmem:v22+s26+$0x0], $0xffff;
	v32 =	vsub.f32 $1.500000000e+00, v32;
	v24 =	vmul.f32 v49, v24  }
0x4ff: {  	v37 =	vsub.f32 v44, v37  }
0x500: {  	v38 =	vsub.f32 v63, v38;
	v32 =	vmul.f32 v59, v32;
	v24 =	vmul.f32 v24, v49  }
0x501: {  	v15 =	vmul.f32 $-4.000000000e+00, v15;
	v37 =	vmul.f32 v37, v37  }
0x502: {  	v38 =	vmul.f32 v38, v38;
	v36 =	vld [tilespmem:$0x1FC60];
	v59 =	vmul.f32 v32, v46;
	v24 =	vsub.f32 $1.500000000e+00, v24  }
0x503: {  	v15 =	vmul.f32 $1.442695020e+00, v15;
	v21 =	vsub.f32 v44, v21;
	v22 =	vsub.f32 v63, v22;
	v48 =	vld [tilespmem:$0x1FC30]  }
0x504: {  	v63 =	vmul.f32 v59, v32;
	v24 =	vmul.f32 v24, v49;
	v49 =	vld [tilespmem:$0x1FB50]  }
0x505: {  	v21 =	vmul.f32 v21, v21;
	v22 =	vmul.f32 v22, v22;
	v47 =	vld [tilespmem:$0x1FC40]  }
0x506: {  	v37 =	vadd.f32 v38, v37;
	v59 =	vld [tilespmem:$0x1FC70];
	v45 =	vsub.f32 $1.500000000e+00, v63  }
0x507: {  	(erf) = vpow2.f32 v15;
	v21 =	vadd.f32 v22, v21  }
0x508: {  	v15 =	vmul.f32 $-4.000000000e+00, v37;
	v38 =	vsub.f32 v34, v36;
	v32 =	vmul.f32 v45, v32  }
0x509: {  	v21 =	vmul.f32 $-4.000000000e+00, v21;
	v22 =	vmul.f32 v49, v41  }
0x50a: {  	v38 =	vmul.f32 v38, v38;
	v37 =	vsub.f32 v48, v47;
	v63 =	vmul.f32 v32, v46  }
0x50b: {  	v40 =	vsub.f32 v33, v59;
	v49 =	vshra.s32 v22, $0x1;
	v46 =	vmul.f32 $5.000000000e-01, v22  }
0x50c: {  	v37 =	vmul.f32 v37, v37;
	v44 =	vmul.f32 v63, v32;
	v45 =	vsub.s32 $0x5F3759DF, v49  }
0x50d: {  	v63 =	vmul.f32 v40, v40;
	v40 =	vld [tilespmem:$0x1FB70];
	v59 =	vmul.f32 v45, v46  }
0x50e: {  	v15 =	vmul.f32 $1.442695020e+00, v15;
	v47 =	vld [tilespmem:$0x1FB90];
	v37 =	vadd.f32 v38, v37  }
0x50f: {  	v21 =	vmul.f32 $1.442695020e+00, v21;
	v59 =	vmul.f32 v45, v59  }
0x510: {  	(erf) = vpow2.f32 v15;
	v24 =	vmul.f32 v24, v42;
	v15 =	vadd.f32 v63, v37  }
0x511: {  	(erf) = vpow2.f32 v21;
	v49 =	vsub.f32 $1.500000000e+00, v44;
	v63 =	vsub.f32 $1.500000000e+00, v59;
	v59 =	vld [tilespmem:$0x1FBA0]  }
0x512: {  	v24 =	vmul.f32 $4.289000030e-01, v24;
	v15 =	vmax.f32 v15, $9.999999960e-13;
	v44 =	vsub.f32 v48, v40  }
0x513: {  	v15 =	vmul.f32 $3.571064710e+00, v15;
	v21 =	vmul.f32 v49, v32;
	v49 =	vsub.f32 v34, v47  }
0x514: {  	v24 =	vadd.f32 $4.440700050e+00, v24;
	v37 =	vmul.f32 v44, v44  }
0x515: {  	v38 =	vmul.f32 v49, v49;
	v49 =	vmul.f32 v15, v15  }
0x516: {  	v24 =	vmul.f32 v24, v24;
	v32 =	vmul.f32 v45, v63;
	v63 =	vsub.f32 v33, v59  }
0x517: {  	v37 =	vadd.f32 v38, v37;
	v38 =	vmul.f32 v49, v15  }
0x518: {  	v49 =	vld [tilespmem:$0x1FB80];
	v59 =	vmul.f32 v24, v24;
	v40 =	vmul.f32 v63, v63  }
0x519: {  	v21 =	vmul.f32 v21, v39  }
0x51a: {  	v63 =	vmul.f32 v59, v24;
	v59 =	vmul.f32 v32, v46;
	v37 =	vadd.f32 v40, v37  }
0x51b: {  	v21 =	vmul.f32 $4.289000030e-01, v21;
	v15 =	vmul.f32 v38, v15  }
0x51c: {  	v24 =	vmul.f32 v63, v24;
	v40 =	vmul.f32 v59, v32;
	v59 =	vld [tilespmem:$0x1FAF0];
	v37 =	vmax.f32 v37, $9.999999960e-13  }
0x51d: {  	v36 =	vmax.f32 v49, $9.999999740e-06;
	v38 =	vadd.f32 v63, v38;
	v63 =	vmul.f32 $3.571064710e+00, v37  }
0x51e: {  	v21 =	vadd.f32 $4.440700050e+00, v21;
	(erf) = vrcp.f32 v36;
	v15 =	vadd.f32 v24, v15  }
0x51f: {  	(erf) = vrcp.f32 v38;
	v37 =	vmul.f32 v63, v63  }
0x520: {  	v21 =	vmul.f32 v21, v21;
	(erf) = vrcp.f32 v15  }
0x521: {  	v15 =	vmul.f32 v37, v63;
	v37 =	vmul.f32 v59, v41;
	v59 =	vld [tilespmem:$0x1FB20];
	_ =	sdelay $0x1  }
0x522: {  	v47 =	vmul.f32 v21, v21;
	v45 =	vsub.f32 $1.500000000e+00, v40;
	_ =	sdelay $0x1  }
0x523: {  	v24 =	vmul.f32 v45, v32;
	v32 =	vmul.f32 v47, v21  }
0x524: {  	v41 =	vmul.f32 v15, v63;
	v63 =	vmax.f32 v59, $9.999999740e-06  }
0x525: {  	v21 =	vmul.f32 v32, v21  }
0x526: {  	v38 =	vpop (erf);
	v15 =	vadd.f32 v32, v15  }
0x527: {  	v47 =	vld [tilespmem:$0x1FB30];
	v40 =	vmul.f32 v24, v46;
	v36 =	vadd.f32 v21, v41;
	(erf) = vrcp.f32 v63;
	v63 =	vpop (erf)  }
0x528: {  	v46 =	vld [tilespmem:$0x1FB10];
	v44 =	vpop (erf);
	(erf) = vrcp.f32 v15  }
0x529: {  	v32 =	vmul.f32 v40, v24;
	v21 =	vpop (erf);
	(erf) = vrcp.f32 v36;
	v36 =	vld [tilespmem:$0x1FFA0];
	_ =	sdelay $0x1  }
0x52a: {  	v32 =	vsub.f32 $1.500000000e+00, v32  }
0x52b: {  	v15 =	vpop (erf)  }
0x52c: {  	v24 =	vmul.f32 v32, v24;
	v32 =	vsub.f32 v48, v46;
	v46 =	vsub.f32 v34, v47;
	v47 =	vpop (erf)  }
0x52d: {  	vm0 =	vne.s32 v31, v36;
	v31 =	vmul.f32 $7.875000230e-01, v42;
	v42 =	vpop (erf)  }
0x52e: {  	vm1 =	vge.f32 v49, $9.999999740e-06;
	v45 =	vshra.s32 v37, $0x1;
	v41 =	vmul.f32 $5.000000000e-01, v37;
	v49 =	vpop (erf)  }
0x52f: {  	v45 =	vsub.s32 $0x5F3759DF, v45;
	v31 =	vmul.f32 v49, v31;
	v49 =	vld [tilespmem:$0x1FB40]  }
0x530: {  	v40 =	vmul.f32 v45, v41;
	_ =	sdelay $0x1  }
0x531: {  	v40 =	vmul.f32 v45, v40  }
0x532: {  	v32 =	vmul.f32 v32, v32  }
0x533: {  	v46 =	vmul.f32 v46, v46;
	v40 =	vsub.f32 $1.500000000e+00, v40;
	v49 =	vsub.f32 v33, v49;
	_ =	sdelay $0x1  }
0x534: {  	v32 =	vadd.f32 v46, v32;
	v40 =	vmul.f32 v45, v40;
	v45 =	vld [tilespmem:$0x1FB60];
	v49 =	vmul.f32 v49, v49;
	_ =	sdelay $0x1  }
0x535: {  	v32 =	vadd.f32 v49, v32;
	v49 =	vmul.f32 v40, v41;
	_ =	sdelay $0x1  }
0x536: {  	v24 =	vmul.f32 v24, v22;
	vm0 =	vmand vm0, vm1;
	v49 =	vmul.f32 v49, v40  }
0x537: {  	vm4 =	vne.s32 v35, v36;
	v45 =	vnsel vm0, $0x0, v45;
	v31 =	vadd.f32 v31, v42  }
0x538: {  	v35 =	vmul.f32 $7.875000230e-01, v39;
	v45 =	vmul.f32 v45, v47;
	v39 =	vsub.f32 $1.500000000e+00, v49;
	v49 =	vld [tilespmem:$0x1FB00]  }
0x539: {  	v24 =	vmul.f32 $4.289000030e-01, v24;
	_ =	sdelay $0x1  }
0x53a: {  	vm5 =	vge.f32 v59, $9.999999740e-06;
	v24 =	vadd.f32 $4.440700050e+00, v24;
	v42 =	vmul.f32 v45, v31;
	v31 =	vpop (erf)  }
0x53b: {  	vm0 =	vmand vm4, vm5;
	v45 =	vpop (erf)  }
0x53c: {  	v24 =	vmul.f32 v24, v24;
	v59 =	vpop (erf);
	v46 =	vnsel vm0, $0x0, v49;
	v49 =	vld [tilespmem:$0x1FAC0]  }
0x53d: {  	v35 =	vmul.f32 v59, v35;
	v32 =	vmax.f32 v32, $9.999999960e-13;
	v39 =	vmul.f32 v39, v40  }
0x53e: {  	v59 =	vmul.f32 v24, v24;
	v32 =	vmul.f32 $3.571064710e+00, v32  }
0x53f: {  	vm6 =	vne.s32 v43, v36;
	v41 =	vmul.f32 v39, v41  }
0x540: {  	v43 =	vld [tilespmem:$0x1FAB0];
	v35 =	vadd.f32 v35, v45;
	v47 =	vmul.f32 v32, v32;
	v40 =	vmul.f32 v59, v24  }
0x541: {  	v45 =	vld [tilespmem:$0x1FAD0];
	v59 =	vmax.f32 v49, $9.999999740e-06;
	vm7 =	vge.f32 v49, $9.999999740e-06;
	v49 =	vmul.f32 v41, v39  }
0x542: {  	(erf) = vrcp.f32 v59;
	v59 =	vld [tilespmem:$0x1FA50]  }
0x543: {  	v46 =	vmul.f32 v46, v31;
	v31 =	vmul.f32 v47, v32;
	v47 =	vsub.f32 $1.500000000e+00, v49;
	v49 =	vld [tilespmem:$0x1FAE0];
	_ =	sdelay $0x2  }
0x544: {  	v43 =	vsub.f32 v48, v43;
	v48 =	vld [tilespmem:$0x1FA90]  }
0x545: {  	v34 =	vsub.f32 v34, v45;
	v24 =	vmul.f32 v40, v24  }
0x546: {  	v32 =	vmul.f32 v31, v32;
	v41 =	vmul.f32 $3.000000000e+00, v59;
	v59 =	vsub.f32 v33, v49;
	v49 =	vld [tilespmem:$0x1FAA0]  }
0x547: {  	v45 =	vmul.f32 v43, v43;
	v34 =	vmul.f32 v34, v34;
	v31 =	vadd.f32 v40, v31  }
0x548: {  	v24 =	vadd.f32 v24, v32;
	v32 =	vmul.f32 v47, v39  }
0x549: {  	v40 =	vadd.f32 v34, v45;
	(erf) = vrcp.f32 v31;
	v31 =	vmul.f32 v48, v41  }
0x54a: {  	v34 =	vmul.f32 v46, v35;
	vm0 =	vmand vm6, vm7;
	v32 =	vmul.f32 v32, v37  }
0x54b: {  	v47 =	vshra.s32 v31, $0x1;
	v43 =	vmul.f32 $5.000000000e-01, v31;
	v35 =	vnsel vm0, $0x0, v49;
	v49 =	vld [tilespmem:$0x1FA20]  }
0x54c: {  	(erf) = vrcp.f32 v24;
	v32 =	vmul.f32 $4.289000030e-01, v32;
	v39 =	vsub.s32 $0x5F3759DF, v47  }
0x54d: {  	v33 =	vmul.f32 v59, v59;
	v48 =	vmul.f32 v39, v43  }
0x54e: {  	v14 =	vadd.s32 v16, v14;
	v32 =	vadd.f32 $4.440700050e+00, v32;
	v59 =	vpop (erf)  }
0x54f: {  	v33 =	vadd.f32 v33, v40;
	v24 =	vmul.f32 v35, v59;
	v46 =	vmul.f32 v39, v48  }
0x550: {  	v30 =	vadd.f32 v30, v60;
	v35 =	vmul.f32 $7.875000230e-01, v22;
	v22 =	vmul.f32 v49, v41  }
0x551: {  	v32 =	vmul.f32 v32, v32;
	v47 =	vmax.f32 v33, $9.999999960e-13;
	v48 =	vsub.f32 $1.500000000e+00, v46  }
0x552: {  	v60 =	vmul.f32 v38, v61;
	v40 =	vmul.f32 $3.571064710e+00, v47;
	v59 =	vshra.s32 v22, $0x1  }
0x553: {  	v14 =	vld.idx.msk [tilespmem:v14+s26+$0x0], $0xffff;
	vm8 =	vne.s32 v50, v36;
	v47 =	vmul.f32 v32, v32;
	v33 =	vmul.f32 v39, v48  }
0x554: {  	v50 =	vadd.s32 v16, v58;
	v39 =	vmul.f32 v40, v40;
	v46 =	vmul.f32 $5.000000000e-01, v22  }
0x555: {  	v47 =	vmul.f32 v47, v32;
	v45 =	vsub.s32 $0x5F3759DF, v59;
	v49 =	vmul.f32 v33, v43;
	v59 =	vpop (erf)  }
0x556: {  	v39 =	vmul.f32 v39, v40;
	v48 =	vmul.f32 v45, v46;
	v36 =	vpop (erf)  }
0x557: {  	v49 =	vmul.f32 v49, v33;
	v35 =	vmul.f32 v36, v35;
	v36 =	vld [tilespmem:$0x1FA60]  }
0x558: {  	v20 =	vadd.f32 v62, v20;
	v14 =	vmul.f32 v15, v14;
	v48 =	vmul.f32 v45, v48  }
0x559: {  	v61 =	vld.idx.msk [tilespmem:v50+s26+$0x0], $0xffff;
	v32 =	vmul.f32 v47, v32;
	v40 =	vmul.f32 v39, v40;
	v49 =	vsub.f32 $1.500000000e+00, v49  }
0x55a: {  	v50 =	vld [tilespmem:$0x1FA70];
	v37 =	vmul.f32 $7.875000230e-01, v37;
	v39 =	vadd.f32 v47, v39;
	v47 =	vsub.f32 $1.500000000e+00, v48  }
0x55b: {  	v35 =	vadd.f32 v35, v59;
	v33 =	vmul.f32 v49, v33;
	v59 =	vadd.f32 v32, v40;
	v49 =	vld [tilespmem:$0x1FA40]  }
0x55c: {  	v40 =	vmul.f32 v45, v47;
	v45 =	vadd.s32 v16, v57;
	v57 =	vld [tilespmem:$0x1FA80];
	v58 =	vmax.f32 v36, $9.999999740e-06  }
0x55d: {  	v38 =	vadd.f32 v38, v20;
	v43 =	vmul.f32 v33, v43;
	(erf) = vrcp.f32 v58  }
0x55e: {  	v30 =	vadd.f32 v60, v30;
	v48 =	vmul.f32 v40, v46;
	(erf) = vrcp.f32 v39  }
0x55f: {  	vm9 =	vge.f32 v36, $9.999999740e-06;
	v62 =	vmul.f32 v43, v33;
	(erf) = vrcp.f32 v59  }
0x560: {  	v43 =	vsub.f32 v3, v50;
	v36 =	vsub.f32 v19, v49;
	v39 =	vmul.f32 v48, v40  }
0x561: {  	v32 =	vmul.f32 v24, v35;
	v35 =	vsub.f32 $1.500000000e+00, v62;
	v47 =	vsub.f32 v2, v57  }
0x562: {  	v60 =	vld [tilespmem:$0x1FA30];
	v43 =	vmul.f32 v43, v43;
	v36 =	vmul.f32 v36, v36;
	v58 =	vsub.f32 $1.500000000e+00, v39  }
0x563: {  	v38 =	vadd.f32 v63, v38;
	v24 =	vmul.f32 v63, v61;
	v33 =	vmul.f32 v35, v33  }
0x564: {  	v59 =	vmul.f32 v47, v47;
	v36 =	vadd.f32 v43, v36;
	v40 =	vmul.f32 v58, v40  }
0x565: {  	v20 =	vmul.f32 v56, v41;
	vm0 =	vmand vm8, vm9;
	v62 =	vmul.f32 v33, v31  }
0x566: {  	v24 =	vadd.f32 v24, v30;
	v39 =	vadd.f32 v59, v36;
	v46 =	vmul.f32 v40, v46;
	v61 =	vpop (erf)  }
0x567: {  	v30 =	vmul.f32 v51, v41;
	v43 =	vnsel vm0, $0x0, v60;
	v57 =	vmul.f32 $4.289000030e-01, v62;
	v35 =	vpop (erf)  }
0x568: {  	v59 =	vmax.f32 v39, $9.999999960e-13;
	v33 =	vmul.f32 v43, v61;
	v61 =	vmul.f32 v46, v40;
	v50 =	vpop (erf)  }
0x569: {  	v58 =	vmax.f32 v27, $9.999999740e-06;
	v36 =	vmul.f32 v50, v37;
	v37 =	vmul.f32 $3.571064710e+00, v59  }
0x56a: {  	v48 =	vmul.f32 $5.000000000e-01, v30;
	(erf) = vrcp.f32 v58;
	v60 =	vadd.f32 $4.440700050e+00, v57  }
0x56b: {  	v57 =	vshra.s32 v30, $0x1;
	v43 =	vsub.f32 $1.500000000e+00, v61;
	v62 =	vmul.f32 v37, v37  }
0x56c: {  	v39 =	vmul.f32 v60, v60;
	v59 =	vshra.s32 v20, $0x1;
	v50 =	vmul.f32 $5.000000000e-01, v20;
	v61 =	vld [tilespmem:$0x1F9F0]  }
0x56d: {  	v40 =	vmul.f32 v43, v40;
	v43 =	vsub.s32 $0x5F3759DF, v57;
	v46 =	vmul.f32 v62, v37;
	v62 =	vld [tilespmem:$0x1FA00]  }
0x56e: {  	v63 =	vld [tilespmem:$0x1FA10];
	v49 =	vsub.s32 $0x5F3759DF, v59;
	v58 =	vmul.f32 v39, v39;
	v47 =	vmul.f32 v43, v48  }
0x56f: {  	v31 =	vmul.f32 $7.875000230e-01, v31;
	v60 =	vmul.f32 v49, v50  }
0x570: {  	v55 =	vadd.s32 v16, v55;
	v41 =	vmul.f32 v58, v39;
	v47 =	vmul.f32 v43, v47  }
0x571: {  	v51 =	vmul.f32 v49, v60;
	v40 =	vmul.f32 v40, v22;
	v56 =	vsub.f32 v19, v61  }
0x572: {  	v45 =	vld.idx.msk [tilespmem:v45+s26+$0x0], $0xffff;
	v37 =	vmul.f32 v46, v37;
	v47 =	vsub.f32 $1.500000000e+00, v47;
	v57 =	vsub.f32 v3, v62  }
0x573: {  	v58 =	vsub.f32 v2, v63;
	v39 =	vmul.f32 v41, v39;
	v56 =	vmul.f32 v56, v56  }
0x574: {  	v59 =	vsub.f32 $1.500000000e+00, v51;
	v43 =	vmul.f32 v43, v47;
	v57 =	vmul.f32 v57, v57  }
0x575: {  	v41 =	vadd.f32 v41, v46;
	v61 =	vmul.f32 v58, v58;
	v63 =	vmul.f32 $4.289000030e-01, v40  }
0x576: {  	v46 =	vmul.f32 v49, v59;
	v62 =	vmul.f32 v43, v48;
	v60 =	vadd.f32 v57, v56  }
0x577: {  	v58 =	vmul.f32 v44, v45;
	(erf) = vrcp.f32 v41;
	v16 =	vadd.f32 $4.440700050e+00, v63  }
0x578: {  	v56 =	vmul.f32 v62, v43;
	v57 =	vmul.f32 v46, v50;
	v51 =	vadd.f32 v61, v60  }
0x579: {  	v37 =	vadd.f32 v39, v37;
	v24 =	vadd.f32 v58, v24;
	v16 =	vmul.f32 v16, v16;
	v62 =	vld [tilespmem:$0x1FC50]  }
0x57a: {  	v41 =	vsub.f32 $1.500000000e+00, v56;
	v59 =	vmul.f32 v57, v46;
	v40 =	vmax.f32 v51, $9.999999960e-13  }
0x57b: {  	v58 =	vmax.f32 v28, $9.999999740e-06;
	(erf) = vrcp.f32 v37;
	v60 =	vmul.f32 $3.571064710e+00, v40  }
0x57c: {  	(erf) = vrcp.f32 v58;
	v37 =	vmul.f32 v41, v43;
	v61 =	vsub.f32 $1.500000000e+00, v59  }
0x57d: {  	v49 =	vmul.f32 v16, v16;
	v63 =	vmul.f32 v60, v60  }
0x57e: {  	v41 =	vadd.f32 v42, v62;
	v62 =	vld [tilespmem:$0x1F9B0];
	v40 =	vmul.f32 v61, v46;
	v51 =	vmul.f32 v37, v48  }
0x57f: {  	v57 =	vmul.f32 v49, v16;
	v56 =	vmul.f32 v63, v60;
	v63 =	vld [tilespmem:$0x1F9C0]  }
0x580: {  	v38 =	vadd.f32 v44, v38;
	v44 =	vmul.f32 v51, v37;
	v59 =	vmul.f32 v40, v50  }
0x581: {  	v16 =	vmul.f32 v57, v16;
	v34 =	vadd.f32 v34, v41;
	v50 =	vld [tilespmem:$0x1F9D0];
	v41 =	vadd.f32 v57, v56  }
0x582: {  	v61 =	vmul.f32 v59, v40;
	v39 =	vmul.f32 v56, v60;
	v60 =	vsub.f32 $1.500000000e+00, v44  }
0x583: {  	v51 =	vsub.f32 v19, v52;
	(erf) = vrcp.f32 v41;
	v41 =	vsub.f32 v19, v62  }
0x584: {  	v49 =	vsub.f32 $1.500000000e+00, v61;
	v37 =	vmul.f32 v60, v37;
	v44 =	vsub.f32 v3, v63  }
0x585: {  	v19 =	vmul.f32 v51, v51;
	v3 =	vsub.f32 v3, v54;
	v41 =	vmul.f32 v41, v41  }
0x586: {  	v48 =	vld.idx.msk [tilespmem:v55+s26+$0x0], $0xffff;
	v43 =	vsub.f32 v2, v50;
	v37 =	vmul.f32 v37, v30;
	v44 =	vmul.f32 v44, v44  }
0x587: {  	v2 =	vsub.f32 v2, v53;
	v40 =	vmul.f32 v49, v40;
	v3 =	vmul.f32 v3, v3  }
0x588: {  	v52 =	vmul.f32 v43, v43;
	v37 =	vmul.f32 $4.289000030e-01, v37;
	v41 =	vadd.f32 v44, v41  }
0x589: {  	v16 =	vadd.f32 v16, v39;
	v2 =	vmul.f32 v2, v2;
	v3 =	vadd.f32 v3, v19  }
0x58a: {  	v54 =	vpop (erf);
	v53 =	vmul.f32 v40, v20;
	v55 =	vadd.f32 $4.440700050e+00, v37;
	v41 =	vadd.f32 v52, v41  }
0x58b: {  	v39 =	vmul.f32 v21, v48;
	(erf) = vrcp.f32 v16;
	v56 =	vpop (erf);
	v2 =	vadd.f32 v2, v3  }
0x58c: {  	v57 =	vpop (erf);
	v3 =	vmul.f32 $4.289000030e-01, v53;
	v16 =	vmul.f32 v55, v55;
	v41 =	vmax.f32 v41, $9.999999960e-13  }
0x58d: {  	v19 =	vmul.f32 v57, v31;
	v41 =	vmul.f32 $3.571064710e+00, v41  }
0x58e: {  	v3 =	vadd.f32 $4.440700050e+00, v3;
	v2 =	vmax.f32 v2, $9.999999960e-13;
	v60 =	vmul.f32 v16, v16  }
0x58f: {  	v2 =	vmul.f32 $3.571064710e+00, v2;
	v59 =	vmul.f32 v41, v41  }
0x590: {  	v3 =	vmul.f32 v3, v3;
	v61 =	vmul.f32 v60, v16  }
0x591: {  	v62 =	vmul.f32 v2, v2;
	v31 =	vmul.f32 v59, v41  }
0x592: {  	v21 =	vadd.f32 v21, v38;
	v63 =	vmul.f32 v3, v3;
	v16 =	vmul.f32 v61, v16  }
0x593: {  	v45 =	vld [tilespmem:$0x1FFB0];
	v58 =	vmax.f32 v29, $9.999999740e-06;
	v46 =	vmul.f32 v62, v2;
	v41 =	vmul.f32 v31, v41  }
0x594: {  	v21 =	vadd.f32 v15, v21;
	v47 =	vmul.f32 v63, v3;
	v31 =	vadd.f32 v61, v31  }
0x595: {  	v50 =	vld [tilespmem:$0x1F9E0];
	(erf) = vrcp.f32 v58;
	v2 =	vmul.f32 v46, v2;
	v16 =	vadd.f32 v16, v41  }
0x596: {  	vm11 =	vge.f32 v27, $9.999999740e-06;
	v3 =	vmul.f32 v47, v3;
	(erf) = vrcp.f32 v31  }
0x597: {  	v49 =	vmax.f32 v21, $9.999999740e-06;
	v48 =	vadd.f32 v47, v46;
	(erf) = vrcp.f32 v16  }
0x598: {  	vm10 =	vne.s32 v17, v45;
	v2 =	vadd.f32 v3, v2;
	(erf) = vrcp.f32 v49  }
0x599: {  	v35 =	vadd.f32 v36, v35;
	vm0 =	vmand vm10, vm11;
	(erf) = vrcp.f32 v48  }
0x59a: {  	v32 =	vadd.f32 v32, v34;
	v16 =	vnsel vm0, $0x0, v50;
	(erf) = vrcp.f32 v2  }
0x59b: {  	v57 =	vld [tilespmem:$0x1F9A0];
	v51 =	vadd.f32 v19, v56;
	v52 =	vpop (erf);
	v3 =	vmul.f32 v33, v35;
	v16 =	vmul.f32 v16, v54  }
0x59c: {  	vm3 =	vge.f32 v28, $9.999999740e-06;
	vm14 =	vge.f32 v29, $9.999999740e-06;
	v53 =	vpop (erf);
	v2 =	vadd.f32 v39, v24  }
0x59d: {  	v55 =	vmul.f32 $7.875000230e-01, v22;
	v3 =	vadd.f32 v3, v32;
	v54 =	vpop (erf);
	v15 =	vmul.f32 v16, v51  }
0x59e: {  	vm12 =	vne.s32 v18, v45;
	vm13 =	vne.s32 v23, v45;
	v2 =	vadd.f32 v14, v2;
	v14 =	vpop (erf)  }
0x59f: {  	vm0 =	vmand vm12, vm3;
	v3 =	vadd.f32 v15, v3;
	v15 =	vmul.f32 v54, v55;
	v56 =	vpop (erf)  }
0x5a0: {  	vm2 =	vne.s32 v25, v45;
	v59 =	vmul.f32 $7.875000230e-01, v30;
	v18 =	vnsel vm0, $0x0, v57;
	v58 =	vpop (erf)  }
0x5a1: {  	v20 =	vmul.f32 $7.875000230e-01, v20;
	v18 =	vmul.f32 v18, v52;
	v15 =	vadd.f32 v15, v53;
	v60 =	vpop (erf)  }
0x5a2: {  	vm15 =	vge.f32 v21, $9.999999740e-06;
	vm0 =	vmand vm13, vm14;
	v22 =	vmul.f32 v58, v59;
	v62 =	vpop (erf)  }
0x5a3: {  	v61 =	vnsel vm0, $0x0, v26;
	vm0 =	vmand vm2, vm15;
	v15 =	vmul.f32 v18, v15;
	v63 =	vpop (erf)  }
0x5a4: {  	v14 =	vmul.f32 v61, v14;
	v17 =	vadd.f32 v22, v56;
	v18 =	vmul.f32 v63, v20  }
0x5a5: {  	p0 =	sne.s32 s21, $0x20;
	v2 =	vnsel vm0, $0x0, v2;
	v3 =	vadd.f32 v15, v3  }
.Ltmp17:
0x5a6: {  	v2 =	vmul.f32 v2, v60;
	v14 =	vmul.f32 v14, v17;
	v15 =	vadd.f32 v18, v62;
	(pc) =	sbr.rel @p0 .LBB2_4-.Ltmp17, $3  }
0x5a7: {  	_ = 	snop  }
0x5a8: {  	v3 =	vadd.f32 v14, v3;
	v2 =	vmul.f32 v2, v15;
	_ =	sdelay $0x1  }
0x5a9: {  	v2 =	vadd.f32 v2, v3  }
0x5aa: {  	s31 =	sadd.s32 $0x1, s31  }
0x5ab: {  	p0 =	sne.s32 s31, s14  }
.Ltmp18:
0x5ac: {  	s0 =	simm.s32 $0xAD80;
	[tilespmem:$0xAD80] =	vst v2;
	(pc) =	sbr.rel @p0 .LBB2_1-.Ltmp18, $4  }
0x5ad: {  	[hbm4b:s13+s2] =	stream.linear.scatter [tilespmem:s0], [sflag:$0x3], $0x10, $0x38;
	[tilespmem:$0xAE00] =	vst v63  }
0x5ae: {  	_ =	swait.ge [sflag:s17], $0x10  }
0x5af: {  	[sflag:s17] =	ssyncset.done $0x0  }
0x5b0: {  	[sflag:s17] =	ssyncadd.s32 $0xFFFFFFF0  }
0x5b1: {  	_ =	sfence.sel $0x180000  }
0x5b2: {  	[bflag:$0x0] =	sbarrier.arrive $0xFFFF  }
0x5b3: {  	_ =	strace $0x9000004A  }
0x5b4: {  	s0 =	stileid.u32;
	[bflag:$0x2] =	sbarrier.arrive $0xFFFF  }
0x5b5: {  	p0 =	sne.s32 s0, $0x0;
	s0 =	rddreg [dreg:$0x2]  }
0x5b6: {  	s0 =	sadd.s32 @!p0 $0x100000, s0  }
0x5b7: {  	[sflag:s0] =	ssyncadd.tile.s32 @!p0 $0x1;
	_ =	shalt  }
.Lfunc_end2:
_tile_overlayer_lowered:
.L_overlay_start_2:
0x5b8: {  	(tag) =	ssettag $0x2  }
0x5b9: {  	s0 =	rddreg [dreg:$0x0];
	s2 =	stileid.u32  }
0x5ba: {  	s1 =	rddreg [dreg:$0x1];
	p0 =	sne.s32 s2, $0x0  }
0x5bb: {  	s3 =	rddreg [dreg:$0x2];
	[bflag:$0x3] =	sbarrier.arrive $0xFFFF;
	s2 =	simm.s32 @!p0 $0x1C03  }
0x5bc: {  	[timem:s3], [sflag:s2] =	dma.local @!p0 [hbm:s0], s1  }
0x5bd: {  	s0 =	simm.s32 @!p0 $0x3  }
0x5be: {  	_ =	swait.ge @!p0 [sflag:s0], s1  }
0x5bf: {  	s1 =	ssub.s32 @!p0 $0x0, s1;
	[sflag:s0] =	ssyncset.done @!p0 $0x0  }
0x5c0: {  	[sflag:s0] =	ssyncadd.s32 @!p0 s1  }
0x5c1: {  	[bflag:$0x3] =	sbarrier.arrive $0xFFFF  }
0x5c2: {  	_ =	shalt  }

</sc_bundles>
